<compile_context>
chip_gen: v7x
topology: tpu7x:2x2x1
jax: 0.10.2.dev20260603
libtpu: 0.0.44.dev20260713+nightly
codegen_flags: <defaults>
</compile_context>

<pallas_src>
import functools

import jax
import jax.numpy as jnp
from jax import lax
from jax.experimental import pallas as pl
from jax.experimental.pallas import tpu as pltpu
from jax.experimental.pallas import tpu_sc as plsc


EPS = 1e-5



def _fps_kernel(xc_ref, out_ref, *, npoint, n):
    x0 = xc_ref[:, 0, :]
    x1 = xc_ref[:, 1, :]
    x2 = xc_ref[:, 2, :]
    b = x0.shape[0]
    iota = jax.lax.broadcasted_iota(jnp.int32, (b, n), 1)

    def body(i, carry):
        distance, far = carry
        onehot = jnp.where(iota == far, 1.0, 0.0)
        cx = jnp.sum(x0 * onehot, axis=1, keepdims=True)
        cy = jnp.sum(x1 * onehot, axis=1, keepdims=True)
        cz = jnp.sum(x2 * onehot, axis=1, keepdims=True)
        out_ref[pl.ds(i, 1)] = jnp.concatenate([cx, cy, cz], axis=1)[None]
        d0 = x0 - cx
        d1 = x1 - cy
        d2 = x2 - cz
        dist = (d0 * d0 + d1 * d1) + d2 * d2
        distance = jnp.minimum(distance, dist)
        dmax = jnp.max(distance, axis=1, keepdims=True)
        far = jnp.min(jnp.where(distance == dmax, iota, n), axis=1,
                      keepdims=True)
        return distance, far

    distance0 = jnp.full((b, n), 1e10, jnp.float32)
    far0 = jnp.zeros((b, 1), jnp.int32)
    jax.lax.fori_loop(0, npoint, body, (distance0, far0))


def _fps(xc, npoint):
    b, _, n = xc.shape
    out = pl.pallas_call(
        functools.partial(_fps_kernel, npoint=npoint, n=n),
        out_shape=jax.ShapeDtypeStruct((npoint, b, 3), jnp.float32),
    )(xc)
    return jnp.transpose(out, (1, 0, 2))



def _bq_kernel(q_ref, xct_ref, table_ref, out_ref, *, r2, k, n):
    q = q_ref[0]
    x3 = xct_ref[0]
    table = table_ref[0]
    st = q.shape[0]
    d_feat = table.shape[1]

    qx = jnp.dot(q.astype(jnp.bfloat16), x3.astype(jnp.bfloat16),
                 preferred_element_type=jnp.float32)
    sq_q = jnp.sum(q * q, axis=1, keepdims=True)
    sq_x = jnp.sum(x3 * x3, axis=0, keepdims=True)
    d = (-2.0 * qx + sq_q) + sq_x
    iota = jax.lax.broadcasted_iota(jnp.int32, (st, n), 1)
    midx = jnp.where(d <= jnp.float32(r2), iota, n)

    qpad = jnp.concatenate(
        [q, jnp.zeros((st, d_feat - 3), jnp.float32)], axis=1)

    rows = []
    h0 = None
    for i in range(k):
        cur = jnp.min(midx, axis=1, keepdims=True)
        hit = midx == cur
        hf = jnp.where(hit, 1.0, 0.0)
        if i == 0:
            first = jnp.minimum(cur, n - 1)
            h0 = jnp.where(iota == first, 1.0, 0.0)
            h = h0
        else:
            vf = jnp.where(cur < n, 1.0, 0.0)
            h = hf * vf + h0 * (1.0 - vf)
        row = jnp.dot(h, table, preferred_element_type=jnp.float32,
                  precision=jax.lax.Precision.HIGHEST)
        rows.append(row - qpad)
        midx = jnp.where(hit, n, midx)

    out_ref[...] = jnp.stack(rows, axis=1)[None]


def _bq(new_xyz, xct, table, r2, k, s_tile):
    b, s, _ = new_xyz.shape
    n = xct.shape[2]
    d_feat = table.shape[2]
    grid = (b, s // s_tile)
    return pl.pallas_call(
        functools.partial(_bq_kernel, r2=r2, k=k, n=n),
        grid=grid,
        in_specs=[
            pl.BlockSpec((1, s_tile, 3), lambda i, j: (i, j, 0)),
            pl.BlockSpec((1, 3, n), lambda i, j: (i, 0, 0)),
            pl.BlockSpec((1, n, d_feat), lambda i, j: (i, 0, 0)),
        ],
        out_specs=pl.BlockSpec((1, s_tile, k, d_feat),
                               lambda i, j: (i, j, 0, 0)),
        out_shape=jax.ShapeDtypeStruct((b, s, k, d_feat), jnp.float32),
    )(new_xyz, xct, table)



def _bq_idx_kernel(q_ref, xct_ref, out_ref, *, r2, k, n):
    q = q_ref[0]
    x3 = xct_ref[0]
    st = q.shape[0]
    qx = jnp.dot(q.astype(jnp.bfloat16), x3.astype(jnp.bfloat16),
                 preferred_element_type=jnp.float32)
    sq_q = jnp.sum(q * q, axis=1, keepdims=True)
    sq_x = jnp.sum(x3 * x3, axis=0, keepdims=True)
    d = (-2.0 * qx + sq_q) + sq_x
    iota = jax.lax.broadcasted_iota(jnp.int32, (st, n), 1)
    midx = jnp.where(d <= jnp.float32(r2), iota, n)

    cols = []
    first = None
    for i in range(k):
        cur = jnp.min(midx, axis=1, keepdims=True)
        if i == 0:
            first = jnp.minimum(cur, n - 1)
            cols.append(first)
        else:
            cols.append(jnp.where(cur < n, cur, first))
        midx = jnp.where(midx == cur, n, midx)
    out_ref[...] = jnp.concatenate(cols, axis=1)[None]


def _bq_idx(new_xyz, xct, r2, k, s_tile):
    b, s, _ = new_xyz.shape
    n = xct.shape[2]
    grid = (b, s // s_tile)
    return pl.pallas_call(
        functools.partial(_bq_idx_kernel, r2=r2, k=k, n=n),
        grid=grid,
        in_specs=[
            pl.BlockSpec((1, s_tile, 3), lambda i, j: (i, j, 0)),
            pl.BlockSpec((1, 3, n), lambda i, j: (i, 0, 0)),
        ],
        out_specs=pl.BlockSpec((1, s_tile, k), lambda i, j: (i, j, 0)),
        out_shape=jax.ShapeDtypeStruct((b, s, k), jnp.int32),
    )(new_xyz, xct)



_SC_CH = 128


def _sc_gather(table, idx2d):
    n_ch, ch = idx2d.shape
    d = table.shape[1]
    p = n_ch * ch
    info = plsc.get_sparse_core_info()
    nw = info.num_cores * info.num_subcores
    ch_per_w = n_ch // nw
    mesh = plsc.VectorSubcoreMesh(core_axis_name="c", subcore_axis_name="s")

    @functools.partial(
        pl.kernel, mesh=mesh,
        out_type=jax.ShapeDtypeStruct((p, d), jnp.float32),
        scratch_types=[
            pltpu.VMEM((ch_per_w, ch), jnp.int32),
            pltpu.VMEM((ch, d), jnp.float32),
            pltpu.SemaphoreType.DMA,
        ],
    )
    def k(table_hbm, idx_hbm, out_hbm, idxv, buf, sem):
        wid = lax.axis_index("s") * info.num_cores + lax.axis_index("c")
        base = wid * ch_per_w
        pltpu.sync_copy(idx_hbm.at[pl.ds(base, ch_per_w)], idxv)

        def body(j, carry):
            pltpu.async_copy(table_hbm.at[idxv.at[j]], buf, sem).wait()
            pltpu.sync_copy(buf, out_hbm.at[pl.ds((base + j) * ch, ch)])
            return carry

        lax.fori_loop(0, ch_per_w, body, 0)

    return k(table, idx2d)


def _pad16(x):
    c = x.shape[-1]
    pad = (-c) % 128
    if pad:
        x = jnp.concatenate(
            [x, jnp.zeros(x.shape[:-1] + (pad,), x.dtype)], axis=-1)
    return x



def _stage1g_kernel(x_ref, q_ref, w_ref, z_ref, s1_ref, s2_ref):
    x = x_ref[...] - q_ref[...][:, None, :]
    gt, kk, dd = x.shape
    x = x.reshape(gt * kk, dd)
    z = jnp.dot(x.astype(jnp.bfloat16), w_ref[...].astype(jnp.bfloat16),
                preferred_element_type=jnp.float32)
    z_ref[...] = z
    ps1 = jnp.sum(z, axis=0, keepdims=True)
    ps2 = jnp.sum(z * z, axis=0, keepdims=True)

    @pl.when(pl.program_id(0) == 0)
    def _init():
        s1_ref[...] = ps1
        s2_ref[...] = ps2

    @pl.when(pl.program_id(0) != 0)
    def _acc():
        s1_ref[...] += ps1
        s2_ref[...] += ps2


def _stage1g(rows3d, qpad, wt):
    g, k, d16 = rows3d.shape
    cout = wt.shape[1]
    p = g * k
    pt = min(p, 2048)
    gt = pt // k
    grid = (g // gt,)
    z, s1, s2 = pl.pallas_call(
        _stage1g_kernel,
        grid=grid,
        in_specs=[
            pl.BlockSpec((gt, k, d16), lambda i: (i, 0, 0)),
            pl.BlockSpec((gt, d16), lambda i: (i, 0)),
            pl.BlockSpec((d16, cout), lambda i: (0, 0)),
        ],
        out_specs=[
            pl.BlockSpec((pt, cout), lambda i: (i, 0)),
            pl.BlockSpec((1, cout), lambda i: (0, 0)),
            pl.BlockSpec((1, cout), lambda i: (0, 0)),
        ],
        out_shape=[
            jax.ShapeDtypeStruct((p, cout), jnp.float32),
            jax.ShapeDtypeStruct((1, cout), jnp.float32),
            jax.ShapeDtypeStruct((1, cout), jnp.float32),
        ],
    )(rows3d, qpad, wt)
    return z, s1, s2



def _stage_kernel(x_ref, w_ref, a_ref, c_ref, z_ref, s1_ref, s2_ref, *,
                  prologue):
    x = x_ref[...]
    if prologue:
        x = jnp.maximum(x * a_ref[...] + c_ref[...], 0.0)
    z = jnp.dot(x.astype(jnp.bfloat16), w_ref[...].astype(jnp.bfloat16),
                preferred_element_type=jnp.float32)
    z_ref[...] = z
    ps1 = jnp.sum(z, axis=0, keepdims=True)
    ps2 = jnp.sum(z * z, axis=0, keepdims=True)

    @pl.when(pl.program_id(0) == 0)
    def _init():
        s1_ref[...] = ps1
        s2_ref[...] = ps2

    @pl.when(pl.program_id(0) != 0)
    def _acc():
        s1_ref[...] += ps1
        s2_ref[...] += ps2


def _stage(x, wt, a, c, prologue):
    p, cin = x.shape
    cout = wt.shape[1]
    pt = min(p, 2048)
    grid = (p // pt,)
    z, s1, s2 = pl.pallas_call(
        functools.partial(_stage_kernel, prologue=prologue),
        grid=grid,
        in_specs=[
            pl.BlockSpec((pt, cin), lambda i: (i, 0)),
            pl.BlockSpec((cin, cout), lambda i: (0, 0)),
            pl.BlockSpec((1, cin), lambda i: (0, 0)),
            pl.BlockSpec((1, cin), lambda i: (0, 0)),
        ],
        out_specs=[
            pl.BlockSpec((pt, cout), lambda i: (i, 0)),
            pl.BlockSpec((1, cout), lambda i: (0, 0)),
            pl.BlockSpec((1, cout), lambda i: (0, 0)),
        ],
        out_shape=[
            jax.ShapeDtypeStruct((p, cout), jnp.float32),
            jax.ShapeDtypeStruct((1, cout), jnp.float32),
            jax.ShapeDtypeStruct((1, cout), jnp.float32),
        ],
    )(x, wt, a, c)
    return z, s1, s2



def _maxk_kernel(z_ref, a_ref, c_ref, out_ref):
    z = z_ref[...]
    y = jnp.maximum(z * a_ref[...] + c_ref[...], 0.0)
    out_ref[...] = jnp.max(y, axis=1)


def _maxk(z, a, c):
    g, k, cc = z.shape
    gt = max(1, min(g, (1 << 22) // (k * cc * 4)))
    while g % gt:
        gt -= 1
    grid = (g // gt,)
    return pl.pallas_call(
        _maxk_kernel,
        grid=grid,
        in_specs=[
            pl.BlockSpec((gt, k, cc), lambda i: (i, 0, 0)),
            pl.BlockSpec((1, 1, cc), lambda i: (0, 0, 0)),
            pl.BlockSpec((1, 1, cc), lambda i: (0, 0, 0)),
        ],
        out_specs=pl.BlockSpec((gt, cc), lambda i: (i, 0)),
        out_shape=jax.ShapeDtypeStruct((g, cc), jnp.float32),
    )(z, a, c)


def _bn_affine(s1, s2, p, g, beta):
    mu = s1 / p
    var = s2 / p - mu * mu
    a = g[None, :] / jnp.sqrt(var + EPS)
    c = beta[None, :] - mu * a
    return a, c


def _run_mlp(x2d, layer_params, p):
    a = jnp.ones((1, x2d.shape[1]), jnp.float32)
    c = jnp.zeros((1, x2d.shape[1]), jnp.float32)
    for i, (w, _b, g, beta) in enumerate(layer_params):
        z, s1, s2 = _stage(x2d, jnp.transpose(w), a, c, prologue=(i > 0))
        a, c = _bn_affine(s1, s2, p, g, beta)
        x2d = z
    return x2d, a, c


def _sa_layer(xc, feats_t, npoint, r2, k, layer_params, s_tile):
    b, _, n = xc.shape
    new_xyz = _fps(xc, npoint)
    table = _pad16(
        jnp.concatenate([jnp.transpose(xc, (0, 2, 1)), feats_t], axis=2))
    d16 = table.shape[2]
    idx = _bq_idx(new_xyz, xc, r2, k, s_tile)
    flat_idx = idx + (jnp.arange(b, dtype=jnp.int32) * n)[:, None, None]
    p = b * npoint * k
    rows = _sc_gather(table.reshape(b * n, d16),
                      flat_idx.reshape(p // _SC_CH, _SC_CH))

    g_rows = b * npoint
    qpad = jnp.concatenate(
        [new_xyz.reshape(g_rows, 3),
         jnp.zeros((g_rows, d16 - 3), jnp.float32)], axis=1)
    w0, _b0, g0, beta0 = layer_params[0]
    wt0 = jnp.transpose(w0)
    wt0 = jnp.concatenate(
        [wt0, jnp.zeros((d16 - wt0.shape[0], wt0.shape[1]), jnp.float32)],
        axis=0)
    z, s1, s2 = _stage1g(rows.reshape(g_rows, k, d16), qpad, wt0)
    a, c = _bn_affine(s1, s2, p, g0, beta0)
    for (w, _bb, g, beta) in layer_params[1:]:
        z, s1, s2 = _stage(z, jnp.transpose(w), a, c, prologue=True)
        a, c = _bn_affine(s1, s2, p, g, beta)
    cout = z.shape[1]
    pooled = _maxk(z.reshape(g_rows, k, cout), a[None], c[None])
    return new_xyz, pooled.reshape(b, npoint, cout)


def kernel(xyz, params):
    xyz = xyz.astype(jnp.float32)
    b = xyz.shape[0]
    coords = xyz[:, :3, :]
    norm_t = jnp.transpose(xyz[:, 3:, :], (0, 2, 1))

    l1_xyz, l1_p = _sa_layer(coords, norm_t, 1024, 0.1 ** 2, 16,
                             params[0], 128)
    l2_xyz, l2_p = _sa_layer(jnp.transpose(l1_xyz, (0, 2, 1)), l1_p,
                             512, 0.2 ** 2, 32, params[1], 128)
    l3_xyz, l3_p = _sa_layer(jnp.transpose(l2_xyz, (0, 2, 1)), l2_p,
                             128, 0.4 ** 2, 64, params[2], 128)

    x4 = jnp.concatenate([l3_xyz, l3_p], axis=2)
    n4 = x4.shape[1]
    p4 = b * n4
    z, a, c = _run_mlp(x4.reshape(p4, x4.shape[2]), params[3], p4)
    out = _maxk(z.reshape(b, n4, z.shape[1]), a[None], c[None])
    return out.reshape(b, z.shape[1])

# --- scband reference (transcript-rebuilt; emitter-appended) ---
"""Pipeline reference for scband-get-model-8169027797829 (READ-ONLY COPY).

The authoritative reference and input builder live on the scoring server;
editing this copy changes nothing except your own understanding.
"""

import jax, jax.numpy as jnp
import numpy as np

EPS = 1e-5

def square_distance(src, dst):
    dist = -2.0 * jnp.matmul(src, jnp.transpose(dst, (0, 2, 1)))
    dist = dist + jnp.sum(src ** 2, -1)[:, :, None]
    dist = dist + jnp.sum(dst ** 2, -1)[:, None, :]
    return dist

def index_points(points, idx):
    B = points.shape[0]
    batch = jnp.arange(B).reshape((B,) + (1,) * (idx.ndim - 1))
    return points[batch, idx]

def farthest_point_sample(xyz, npoint):
    xyz = jax.lax.stop_gradient(xyz)
    B, N, _ = xyz.shape
    def body(i, state):
        centroids, distance, farthest = state
        centroids = centroids.at[:, i].set(farthest)
        centroid = xyz[jnp.arange(B), farthest][:, None, :]
        dist = jnp.sum((xyz - centroid) ** 2, -1)
        distance = jnp.minimum(distance, dist)
        farthest = jnp.argmax(distance, -1).astype(jnp.int32)
        return centroids, distance, farthest
    centroids = jnp.zeros((B, npoint), dtype=jnp.int32)
    distance = jnp.full((B, N), 1e10, dtype=xyz.dtype)
    farthest = jnp.zeros((B,), dtype=jnp.int32)
    centroids, _, _ = jax.lax.fori_loop(0, npoint, body, (centroids, distance, farthest))
    return centroids

def query_ball_point(radius, nsample, xyz, new_xyz):
    xyz = jax.lax.stop_gradient(xyz)
    new_xyz = jax.lax.stop_gradient(new_xyz)
    B, N, _ = xyz.shape
    S = new_xyz.shape[1]
    sqrdists = square_distance(new_xyz, xyz)
    group_idx = jnp.broadcast_to(jnp.arange(N, dtype=jnp.int32)[None, None, :], (B, S, N))
    group_idx = jnp.where(sqrdists > radius ** 2, N, group_idx)
    group_idx = jnp.sort(group_idx, axis=-1)[:, :, :nsample]
    group_first = jnp.broadcast_to(group_idx[:, :, :1], (B, S, nsample))
    group_idx = jnp.where(group_idx == N, group_first, group_idx)
    return group_idx

def sample_and_group(npoint, radius, nsample, xyz, points):
    fps_idx = farthest_point_sample(xyz, npoint)
    new_xyz = index_points(xyz, fps_idx)
    idx = query_ball_point(radius, nsample, xyz, new_xyz)
    grouped_xyz = index_points(xyz, idx)
    grouped_xyz_norm = grouped_xyz - new_xyz[:, :, None, :]
    if points is not None:
        grouped_points = index_points(points, idx)
        new_points = jnp.concatenate([grouped_xyz_norm, grouped_points], axis=-1)
    else:
        new_points = grouped_xyz_norm
    return new_xyz, new_points

def sample_and_group_all(xyz, points):
    B, N, C = xyz.shape
    new_xyz = jnp.zeros((B, 1, C), dtype=xyz.dtype)
    grouped_xyz = xyz[:, None, :, :]
    if points is not None:
        new_points = jnp.concatenate([grouped_xyz, points[:, None, :, :]], axis=-1)
    else:
        new_points = grouped_xyz
    return new_xyz, new_points

def sa_layer(layer_params, xyz, points, npoint, radius, nsample, group_all):
    xyz = jnp.transpose(xyz, (0, 2, 1))
    if points is not None:
        points = jnp.transpose(points, (0, 2, 1))
    if group_all:
        new_xyz, new_points = sample_and_group_all(xyz, points)
    else:
        new_xyz, new_points = sample_and_group(npoint, radius, nsample, xyz, points)
    x = new_points
    for (W, b, g, beta) in layer_params:
        x = jnp.einsum('bskc,oc->bsko', x, W) + b
        mean = jnp.mean(x, axis=(0, 1, 2), keepdims=True)
        var = jnp.var(x, axis=(0, 1, 2), keepdims=True)
        x = (x - mean) / jnp.sqrt(var + EPS) * g + beta
        x = jax.nn.relu(x)
    new_points_out = jnp.max(x, axis=2)
    return jnp.transpose(new_xyz, (0, 2, 1)), jnp.transpose(new_points_out, (0, 2, 1))

def _forward(xyz, params):
    B = xyz.shape[0]
    norm = xyz[:, 3:, :]
    coords = xyz[:, :3, :]
    l1_xyz, l1_points = sa_layer(params[0], coords, norm, 1024, 0.1, 16, False)
    l2_xyz, l2_points = sa_layer(params[1], l1_xyz, l1_points, 512, 0.2, 32, False)
    l3_xyz, l3_points = sa_layer(params[2], l2_xyz, l2_points, 128, 0.4, 64, False)
    _, l4_points = sa_layer(params[3], l3_xyz, l3_points, None, None, None, True)
    return l4_points.reshape(B, 1024)

def setup_inputs(seed: int = 0):
    key = jax.random.key(seed)
    k_x, key = jax.random.split(key)
    xyz = jax.random.uniform(k_x, (8, 8, 4096), dtype=jnp.float32)
    def make_params(key, in_ch, mlp):
        layer = []
        last = in_ch
        for out in mlp:
            key, kw = jax.random.split(key)
            W = (jax.random.normal(kw, (out, last), dtype=jnp.float32) / np.sqrt(last)).astype(jnp.float32)
            layer.append((W, jnp.zeros((out,), jnp.float32), jnp.ones((out,), jnp.float32), jnp.zeros((out,), jnp.float32)))
            last = out
        return layer, key
    p1, key = make_params(key, 8, [32, 32, 64])
    p2, key = make_params(key, 67, [64, 64, 128])
    p3, key = make_params(key, 131, [128, 128, 256])
    p4, key = make_params(key, 259, [256, 512, 1024])
    return {"xyz": xyz, "params": [p1, p2, p3, p4]}

def reference(xyz, params):
    return _forward(xyz, params)

if __name__ == "__main__":
    import jax
    _d = setup_inputs()
    print(jax.jit(kernel)(*tuple(_d.values())))

</pallas_src>

<mosaic_0001>
#map = affine_map<(d0, d1) -> (0, 0)>
module attributes {stable_mosaic.version = 14 : i64} {
  func.func @k(%arg0: i32, %arg1: i32, %arg2: memref<4096x256xf32, #tpu.memory_space<hbm>>, %arg3: memref<512x128xi32, #tpu.memory_space<hbm>>, %arg4: memref<65536x256xf32, #tpu.memory_space<hbm>>, %arg5: memref<16x128xi32, #tpu.memory_space<vmem>>, %arg6: memref<128x256xf32, #tpu.memory_space<vmem>>, %arg7: memref<!tpu.dma_semaphore, #tpu.memory_space<semaphore_mem>>) attributes {dimension_semantics = [#tpu.dimension_semantics<core_parallel>, #tpu.dimension_semantics<subcore_parallel>], iteration_bounds = array<i64: 2, 16>, scalar_prefetch = 0 : i64, scratch_operands = 3 : i64, tpu.core_type = #tpu.core_type<sc_vector_subcore>, window_params = [{transform_indices = #map}, {transform_indices = #map}, {transform_indices = #map}]} {
    %mul3A = arith.constant 2 : i32
    %mul3A_0 = arith.muli %arg1, %mul3A : i32
    %add3A = arith.addi %mul3A_0, %arg0 : i32
    %mul3A_1 = arith.constant 16 : i32
    %mul3A_2 = arith.muli %add3A, %mul3A_1 : i32
    "tpu.region"() ({
      %run_scoped3A = tpu.sem_alloc : memref<!tpu.dma_semaphore, #tpu.memory_space<semaphore_mem>>
      %dma_start3A = arith.constant 0 : i32
      %dma_start3A_8 = tpu.memref_slice %arg3[%mul3A_2, %dma_start3A] : memref<512x128xi32, #tpu.memory_space<hbm>> -> memref<16x128xi32, #tpu.memory_space<hbm>>
      %dma_start3A_9 = arith.constant 0 : i32
      %dma_start3A_10 = tpu.memref_slice %arg3[%mul3A_2, %dma_start3A_9] : memref<512x128xi32, #tpu.memory_space<hbm>> -> memref<16x128xi32, #tpu.memory_space<hbm>>
      tpu.enqueue_dma source(%dma_start3A_10 : memref<16x128xi32, #tpu.memory_space<hbm>>) target(%arg5 : memref<16x128xi32, #tpu.memory_space<vmem>>) target_semaphore(%run_scoped3A : memref<!tpu.dma_semaphore, #tpu.memory_space<semaphore_mem>>)
      %dma_wait3A = arith.constant 0 : i32
      %dma_wait3A_11 = tpu.memref_slice %arg3[%mul3A_2, %dma_wait3A] : memref<512x128xi32, #tpu.memory_space<hbm>> -> memref<16x128xi32, #tpu.memory_space<hbm>>
      %dma_wait3A_12 = arith.constant 0 : i32
      %dma_wait3A_13 = tpu.memref_slice %arg3[%mul3A_2, %dma_wait3A_12] : memref<512x128xi32, #tpu.memory_space<hbm>> -> memref<16x128xi32, #tpu.memory_space<hbm>>
      tpu.wait_dma2 semaphore(%run_scoped3A : memref<!tpu.dma_semaphore, #tpu.memory_space<semaphore_mem>>) src(%dma_wait3A_13 : memref<16x128xi32, #tpu.memory_space<hbm>>) dst(%arg5 : memref<16x128xi32, #tpu.memory_space<vmem>>)
      tpu.yield
    }) : () -> ()
    %scan3A = arith.constant 0 : i32
    %scan3A_3 = arith.constant 0 : i32
    %scan3A_4 = arith.constant 16 : i32
    %scan3A_5 = arith.addi %scan3A_3, %scan3A_4 : i32
    %scan3A_6 = arith.constant 1 : i32
    scf.for %scan3A_8 = %scan3A_3 to %scan3A_5 step %scan3A_6  : i32 {
      %dma_start3A = arith.constant 0 : i32
      %dma_start3A_9 = tpu.memref_slice %arg5[%scan3A_8, %dma_start3A] : memref<16x128xi32, #tpu.memory_space<vmem>> -> memref<1x128xi32, #tpu.memory_space<vmem>>
      %dma_start3A_10 = tpu.memref_squeeze %dma_start3A_9 : memref<1x128xi32, #tpu.memory_space<vmem>> -> memref<128xi32, #tpu.memory_space<vmem>>
      %dma_start3A_11 = arith.constant 0 : i32
      %dma_start3A_12 = arith.constant 0 : i32
      %dma_start3A_13 = tpu.memref_slice %arg2[%dma_start3A_11, %dma_start3A_12] : memref<4096x256xf32, #tpu.memory_space<hbm>> -> memref<4096x256xf32, #tpu.memory_space<hbm>>
      tpu.enqueue_indirect_dma source(%dma_start3A_13 : memref<4096x256xf32, #tpu.memory_space<hbm>>) target(%arg6 : memref<128x256xf32, #tpu.memory_space<vmem>>) offsets(%dma_start3A_10 : memref<128xi32, #tpu.memory_space<vmem>>) semaphore(%arg7 : memref<!tpu.dma_semaphore, #tpu.memory_space<semaphore_mem>>)
      %dma_wait3A = arith.constant 0 : i32
      %dma_wait3A_14 = tpu.memref_slice %arg5[%scan3A_8, %dma_wait3A] : memref<16x128xi32, #tpu.memory_space<vmem>> -> memref<1x128xi32, #tpu.memory_space<vmem>>
      %dma_wait3A_15 = tpu.memref_squeeze %dma_wait3A_14 : memref<1x128xi32, #tpu.memory_space<vmem>> -> memref<128xi32, #tpu.memory_space<vmem>>
      %dma_wait3A_16 = arith.constant 0 : i32
      %dma_wait3A_17 = arith.constant 0 : i32
      %dma_wait3A_18 = tpu.memref_slice %arg2[%dma_wait3A_16, %dma_wait3A_17] : memref<4096x256xf32, #tpu.memory_space<hbm>> -> memref<4096x256xf32, #tpu.memory_space<hbm>>
      tpu.wait_indirect_dma semaphore(%arg7 : memref<!tpu.dma_semaphore, #tpu.memory_space<semaphore_mem>>) src(%dma_wait3A_18 : memref<4096x256xf32, #tpu.memory_space<hbm>>) dst(%arg6 : memref<128x256xf32, #tpu.memory_space<vmem>>)
      %add3A_19 = arith.addi %mul3A_2, %scan3A_8 : i32
      %mul3A_20 = arith.constant 128 : i32
      %mul3A_21 = arith.muli %add3A_19, %mul3A_20 : i32
      "tpu.region"() ({
        %run_scoped3A = tpu.sem_alloc : memref<!tpu.dma_semaphore, #tpu.memory_space<semaphore_mem>>
        %dma_start3A_22 = arith.constant 0 : i32
        %dma_start3A_23 = tpu.memref_slice %arg4[%mul3A_21, %dma_start3A_22] : memref<65536x256xf32, #tpu.memory_space<hbm>> -> memref<128x256xf32, #tpu.memory_space<hbm>>
        %dma_start3A_24 = arith.constant 0 : i32
        %dma_start3A_25 = tpu.memref_slice %arg4[%mul3A_21, %dma_start3A_24] : memref<65536x256xf32, #tpu.memory_space<hbm>> -> memref<128x256xf32, #tpu.memory_space<hbm>>
        tpu.enqueue_dma source(%arg6 : memref<128x256xf32, #tpu.memory_space<vmem>>) target(%dma_start3A_25 : memref<128x256xf32, #tpu.memory_space<hbm>>) target_semaphore(%run_scoped3A : memref<!tpu.dma_semaphore, #tpu.memory_space<semaphore_mem>>)
        %dma_wait3A_26 = arith.constant 0 : i32
        %dma_wait3A_27 = tpu.memref_slice %arg4[%mul3A_21, %dma_wait3A_26] : memref<65536x256xf32, #tpu.memory_space<hbm>> -> memref<128x256xf32, #tpu.memory_space<hbm>>
        %dma_wait3A_28 = arith.constant 0 : i32
        %dma_wait3A_29 = tpu.memref_slice %arg4[%mul3A_21, %dma_wait3A_28] : memref<65536x256xf32, #tpu.memory_space<hbm>> -> memref<128x256xf32, #tpu.memory_space<hbm>>
        tpu.wait_dma2 semaphore(%run_scoped3A : memref<!tpu.dma_semaphore, #tpu.memory_space<semaphore_mem>>) src(%arg6 : memref<128x256xf32, #tpu.memory_space<vmem>>) dst(%dma_wait3A_29 : memref<128x256xf32, #tpu.memory_space<hbm>>)
        tpu.yield
      }) : () -> ()
    }
    %scan3A_7 = arith.constant 16 : i32
    return
  }
}

#map = affine_map<(d0, d1) -> (0, 0)>
module attributes {stable_mosaic.version = 14 : i64} {
  func.func @k(%arg0: i32, %arg1: i32, %arg2: memref<32768x128xf32, #tpu.memory_space<hbm>>, %arg3: memref<1024x128xi32, #tpu.memory_space<hbm>>, %arg4: memref<131072x128xf32, #tpu.memory_space<hbm>>, %arg5: memref<32x128xi32, #tpu.memory_space<vmem>>, %arg6: memref<128x128xf32, #tpu.memory_space<vmem>>, %arg7: memref<!tpu.dma_semaphore, #tpu.memory_space<semaphore_mem>>) attributes {dimension_semantics = [#tpu.dimension_semantics<core_parallel>, #tpu.dimension_semantics<subcore_parallel>], iteration_bounds = array<i64: 2, 16>, scalar_prefetch = 0 : i64, scratch_operands = 3 : i64, tpu.core_type = #tpu.core_type<sc_vector_subcore>, window_params = [{transform_indices = #map}, {transform_indices = #map}, {transform_indices = #map}]} {
    %mul3A = arith.constant 2 : i32
    %mul3A_0 = arith.muli %arg1, %mul3A : i32
    %add3A = arith.addi %mul3A_0, %arg0 : i32
    %mul3A_1 = arith.constant 32 : i32
    %mul3A_2 = arith.muli %add3A, %mul3A_1 : i32
    "tpu.region"() ({
      %run_scoped3A = tpu.sem_alloc : memref<!tpu.dma_semaphore, #tpu.memory_space<semaphore_mem>>
      %dma_start3A = arith.constant 0 : i32
      %dma_start3A_8 = tpu.memref_slice %arg3[%mul3A_2, %dma_start3A] : memref<1024x128xi32, #tpu.memory_space<hbm>> -> memref<32x128xi32, #tpu.memory_space<hbm>>
      %dma_start3A_9 = arith.constant 0 : i32
      %dma_start3A_10 = tpu.memref_slice %arg3[%mul3A_2, %dma_start3A_9] : memref<1024x128xi32, #tpu.memory_space<hbm>> -> memref<32x128xi32, #tpu.memory_space<hbm>>
      tpu.enqueue_dma source(%dma_start3A_10 : memref<32x128xi32, #tpu.memory_space<hbm>>) target(%arg5 : memref<32x128xi32, #tpu.memory_space<vmem>>) target_semaphore(%run_scoped3A : memref<!tpu.dma_semaphore, #tpu.memory_space<semaphore_mem>>)
      %dma_wait3A = arith.constant 0 : i32
      %dma_wait3A_11 = tpu.memref_slice %arg3[%mul3A_2, %dma_wait3A] : memref<1024x128xi32, #tpu.memory_space<hbm>> -> memref<32x128xi32, #tpu.memory_space<hbm>>
      %dma_wait3A_12 = arith.constant 0 : i32
      %dma_wait3A_13 = tpu.memref_slice %arg3[%mul3A_2, %dma_wait3A_12] : memref<1024x128xi32, #tpu.memory_space<hbm>> -> memref<32x128xi32, #tpu.memory_space<hbm>>
      tpu.wait_dma2 semaphore(%run_scoped3A : memref<!tpu.dma_semaphore, #tpu.memory_space<semaphore_mem>>) src(%dma_wait3A_13 : memref<32x128xi32, #tpu.memory_space<hbm>>) dst(%arg5 : memref<32x128xi32, #tpu.memory_space<vmem>>)
      tpu.yield
    }) : () -> ()
    %scan3A = arith.constant 0 : i32
    %scan3A_3 = arith.constant 0 : i32
    %scan3A_4 = arith.constant 32 : i32
    %scan3A_5 = arith.addi %scan3A_3, %scan3A_4 : i32
    %scan3A_6 = arith.constant 1 : i32
    scf.for %scan3A_8 = %scan3A_3 to %scan3A_5 step %scan3A_6  : i32 {
      %dma_start3A = arith.constant 0 : i32
      %dma_start3A_9 = tpu.memref_slice %arg5[%scan3A_8, %dma_start3A] : memref<32x128xi32, #tpu.memory_space<vmem>> -> memref<1x128xi32, #tpu.memory_space<vmem>>
      %dma_start3A_10 = tpu.memref_squeeze %dma_start3A_9 : memref<1x128xi32, #tpu.memory_space<vmem>> -> memref<128xi32, #tpu.memory_space<vmem>>
      %dma_start3A_11 = arith.constant 0 : i32
      %dma_start3A_12 = arith.constant 0 : i32
      %dma_start3A_13 = tpu.memref_slice %arg2[%dma_start3A_11, %dma_start3A_12] : memref<32768x128xf32, #tpu.memory_space<hbm>> -> memref<32768x128xf32, #tpu.memory_space<hbm>>
      tpu.enqueue_indirect_dma source(%dma_start3A_13 : memref<32768x128xf32, #tpu.memory_space<hbm>>) target(%arg6 : memref<128x128xf32, #tpu.memory_space<vmem>>) offsets(%dma_start3A_10 : memref<128xi32, #tpu.memory_space<vmem>>) semaphore(%arg7 : memref<!tpu.dma_semaphore, #tpu.memory_space<semaphore_mem>>)
      %dma_wait3A = arith.constant 0 : i32
      %dma_wait3A_14 = tpu.memref_slice %arg5[%scan3A_8, %dma_wait3A] : memref<32x128xi32, #tpu.memory_space<vmem>> -> memref<1x128xi32, #tpu.memory_space<vmem>>
      %dma_wait3A_15 = tpu.memref_squeeze %dma_wait3A_14 : memref<1x128xi32, #tpu.memory_space<vmem>> -> memref<128xi32, #tpu.memory_space<vmem>>
      %dma_wait3A_16 = arith.constant 0 : i32
      %dma_wait3A_17 = arith.constant 0 : i32
      %dma_wait3A_18 = tpu.memref_slice %arg2[%dma_wait3A_16, %dma_wait3A_17] : memref<32768x128xf32, #tpu.memory_space<hbm>> -> memref<32768x128xf32, #tpu.memory_space<hbm>>
      tpu.wait_indirect_dma semaphore(%arg7 : memref<!tpu.dma_semaphore, #tpu.memory_space<semaphore_mem>>) src(%dma_wait3A_18 : memref<32768x128xf32, #tpu.memory_space<hbm>>) dst(%arg6 : memref<128x128xf32, #tpu.memory_space<vmem>>)
      %add3A_19 = arith.addi %mul3A_2, %scan3A_8 : i32
      %mul3A_20 = arith.constant 128 : i32
      %mul3A_21 = arith.muli %add3A_19, %mul3A_20 : i32
      "tpu.region"() ({
        %run_scoped3A = tpu.sem_alloc : memref<!tpu.dma_semaphore, #tpu.memory_space<semaphore_mem>>
        %dma_start3A_22 = arith.constant 0 : i32
        %dma_start3A_23 = tpu.memref_slice %arg4[%mul3A_21, %dma_start3A_22] : memref<131072x128xf32, #tpu.memory_space<hbm>> -> memref<128x128xf32, #tpu.memory_space<hbm>>
        %dma_start3A_24 = arith.constant 0 : i32
        %dma_start3A_25 = tpu.memref_slice %arg4[%mul3A_21, %dma_start3A_24] : memref<131072x128xf32, #tpu.memory_space<hbm>> -> memref<128x128xf32, #tpu.memory_space<hbm>>
        tpu.enqueue_dma source(%arg6 : memref<128x128xf32, #tpu.memory_space<vmem>>) target(%dma_start3A_25 : memref<128x128xf32, #tpu.memory_space<hbm>>) target_semaphore(%run_scoped3A : memref<!tpu.dma_semaphore, #tpu.memory_space<semaphore_mem>>)
        %dma_wait3A_26 = arith.constant 0 : i32
        %dma_wait3A_27 = tpu.memref_slice %arg4[%mul3A_21, %dma_wait3A_26] : memref<131072x128xf32, #tpu.memory_space<hbm>> -> memref<128x128xf32, #tpu.memory_space<hbm>>
        %dma_wait3A_28 = arith.constant 0 : i32
        %dma_wait3A_29 = tpu.memref_slice %arg4[%mul3A_21, %dma_wait3A_28] : memref<131072x128xf32, #tpu.memory_space<hbm>> -> memref<128x128xf32, #tpu.memory_space<hbm>>
        tpu.wait_dma2 semaphore(%run_scoped3A : memref<!tpu.dma_semaphore, #tpu.memory_space<semaphore_mem>>) src(%arg6 : memref<128x128xf32, #tpu.memory_space<vmem>>) dst(%dma_wait3A_29 : memref<128x128xf32, #tpu.memory_space<hbm>>)
        tpu.yield
      }) : () -> ()
    }
    %scan3A_7 = arith.constant 32 : i32
    return
  }
}

#map = affine_map<(d0, d1) -> (0, 0)>
module attributes {stable_mosaic.version = 14 : i64} {
  func.func @k(%arg0: i32, %arg1: i32, %arg2: memref<8192x128xf32, #tpu.memory_space<hbm>>, %arg3: memref<1024x128xi32, #tpu.memory_space<hbm>>, %arg4: memref<131072x128xf32, #tpu.memory_space<hbm>>, %arg5: memref<32x128xi32, #tpu.memory_space<vmem>>, %arg6: memref<128x128xf32, #tpu.memory_space<vmem>>, %arg7: memref<!tpu.dma_semaphore, #tpu.memory_space<semaphore_mem>>) attributes {dimension_semantics = [#tpu.dimension_semantics<core_parallel>, #tpu.dimension_semantics<subcore_parallel>], iteration_bounds = array<i64: 2, 16>, scalar_prefetch = 0 : i64, scratch_operands = 3 : i64, tpu.core_type = #tpu.core_type<sc_vector_subcore>, window_params = [{transform_indices = #map}, {transform_indices = #map}, {transform_indices = #map}]} {
    %mul3A = arith.constant 2 : i32
    %mul3A_0 = arith.muli %arg1, %mul3A : i32
    %add3A = arith.addi %mul3A_0, %arg0 : i32
    %mul3A_1 = arith.constant 32 : i32
    %mul3A_2 = arith.muli %add3A, %mul3A_1 : i32
    "tpu.region"() ({
      %run_scoped3A = tpu.sem_alloc : memref<!tpu.dma_semaphore, #tpu.memory_space<semaphore_mem>>
      %dma_start3A = arith.constant 0 : i32
      %dma_start3A_8 = tpu.memref_slice %arg3[%mul3A_2, %dma_start3A] : memref<1024x128xi32, #tpu.memory_space<hbm>> -> memref<32x128xi32, #tpu.memory_space<hbm>>
      %dma_start3A_9 = arith.constant 0 : i32
      %dma_start3A_10 = tpu.memref_slice %arg3[%mul3A_2, %dma_start3A_9] : memref<1024x128xi32, #tpu.memory_space<hbm>> -> memref<32x128xi32, #tpu.memory_space<hbm>>
      tpu.enqueue_dma source(%dma_start3A_10 : memref<32x128xi32, #tpu.memory_space<hbm>>) target(%arg5 : memref<32x128xi32, #tpu.memory_space<vmem>>) target_semaphore(%run_scoped3A : memref<!tpu.dma_semaphore, #tpu.memory_space<semaphore_mem>>)
      %dma_wait3A = arith.constant 0 : i32
      %dma_wait3A_11 = tpu.memref_slice %arg3[%mul3A_2, %dma_wait3A] : memref<1024x128xi32, #tpu.memory_space<hbm>> -> memref<32x128xi32, #tpu.memory_space<hbm>>
      %dma_wait3A_12 = arith.constant 0 : i32
      %dma_wait3A_13 = tpu.memref_slice %arg3[%mul3A_2, %dma_wait3A_12] : memref<1024x128xi32, #tpu.memory_space<hbm>> -> memref<32x128xi32, #tpu.memory_space<hbm>>
      tpu.wait_dma2 semaphore(%run_scoped3A : memref<!tpu.dma_semaphore, #tpu.memory_space<semaphore_mem>>) src(%dma_wait3A_13 : memref<32x128xi32, #tpu.memory_space<hbm>>) dst(%arg5 : memref<32x128xi32, #tpu.memory_space<vmem>>)
      tpu.yield
    }) : () -> ()
    %scan3A = arith.constant 0 : i32
    %scan3A_3 = arith.constant 0 : i32
    %scan3A_4 = arith.constant 32 : i32
    %scan3A_5 = arith.addi %scan3A_3, %scan3A_4 : i32
    %scan3A_6 = arith.constant 1 : i32
    scf.for %scan3A_8 = %scan3A_3 to %scan3A_5 step %scan3A_6  : i32 {
      %dma_start3A = arith.constant 0 : i32
      %dma_start3A_9 = tpu.memref_slice %arg5[%scan3A_8, %dma_start3A] : memref<32x128xi32, #tpu.memory_space<vmem>> -> memref<1x128xi32, #tpu.memory_space<vmem>>
      %dma_start3A_10 = tpu.memref_squeeze %dma_start3A_9 : memref<1x128xi32, #tpu.memory_space<vmem>> -> memref<128xi32, #tpu.memory_space<vmem>>
      %dma_start3A_11 = arith.constant 0 : i32
      %dma_start3A_12 = arith.constant 0 : i32
      %dma_start3A_13 = tpu.memref_slice %arg2[%dma_start3A_11, %dma_start3A_12] : memref<8192x128xf32, #tpu.memory_space<hbm>> -> memref<8192x128xf32, #tpu.memory_space<hbm>>
      tpu.enqueue_indirect_dma source(%dma_start3A_13 : memref<8192x128xf32, #tpu.memory_space<hbm>>) target(%arg6 : memref<128x128xf32, #tpu.memory_space<vmem>>) offsets(%dma_start3A_10 : memref<128xi32, #tpu.memory_space<vmem>>) semaphore(%arg7 : memref<!tpu.dma_semaphore, #tpu.memory_space<semaphore_mem>>)
      %dma_wait3A = arith.constant 0 : i32
      %dma_wait3A_14 = tpu.memref_slice %arg5[%scan3A_8, %dma_wait3A] : memref<32x128xi32, #tpu.memory_space<vmem>> -> memref<1x128xi32, #tpu.memory_space<vmem>>
      %dma_wait3A_15 = tpu.memref_squeeze %dma_wait3A_14 : memref<1x128xi32, #tpu.memory_space<vmem>> -> memref<128xi32, #tpu.memory_space<vmem>>
      %dma_wait3A_16 = arith.constant 0 : i32
      %dma_wait3A_17 = arith.constant 0 : i32
      %dma_wait3A_18 = tpu.memref_slice %arg2[%dma_wait3A_16, %dma_wait3A_17] : memref<8192x128xf32, #tpu.memory_space<hbm>> -> memref<8192x128xf32, #tpu.memory_space<hbm>>
      tpu.wait_indirect_dma semaphore(%arg7 : memref<!tpu.dma_semaphore, #tpu.memory_space<semaphore_mem>>) src(%dma_wait3A_18 : memref<8192x128xf32, #tpu.memory_space<hbm>>) dst(%arg6 : memref<128x128xf32, #tpu.memory_space<vmem>>)
      %add3A_19 = arith.addi %mul3A_2, %scan3A_8 : i32
      %mul3A_20 = arith.constant 128 : i32
      %mul3A_21 = arith.muli %add3A_19, %mul3A_20 : i32
      "tpu.region"() ({
        %run_scoped3A = tpu.sem_alloc : memref<!tpu.dma_semaphore, #tpu.memory_space<semaphore_mem>>
        %dma_start3A_22 = arith.constant 0 : i32
        %dma_start3A_23 = tpu.memref_slice %arg4[%mul3A_21, %dma_start3A_22] : memref<131072x128xf32, #tpu.memory_space<hbm>> -> memref<128x128xf32, #tpu.memory_space<hbm>>
        %dma_start3A_24 = arith.constant 0 : i32
        %dma_start3A_25 = tpu.memref_slice %arg4[%mul3A_21, %dma_start3A_24] : memref<131072x128xf32, #tpu.memory_space<hbm>> -> memref<128x128xf32, #tpu.memory_space<hbm>>
        tpu.enqueue_dma source(%arg6 : memref<128x128xf32, #tpu.memory_space<vmem>>) target(%dma_start3A_25 : memref<128x128xf32, #tpu.memory_space<hbm>>) target_semaphore(%run_scoped3A : memref<!tpu.dma_semaphore, #tpu.memory_space<semaphore_mem>>)
        %dma_wait3A_26 = arith.constant 0 : i32
        %dma_wait3A_27 = tpu.memref_slice %arg4[%mul3A_21, %dma_wait3A_26] : memref<131072x128xf32, #tpu.memory_space<hbm>> -> memref<128x128xf32, #tpu.memory_space<hbm>>
        %dma_wait3A_28 = arith.constant 0 : i32
        %dma_wait3A_29 = tpu.memref_slice %arg4[%mul3A_21, %dma_wait3A_28] : memref<131072x128xf32, #tpu.memory_space<hbm>> -> memref<128x128xf32, #tpu.memory_space<hbm>>
        tpu.wait_dma2 semaphore(%run_scoped3A : memref<!tpu.dma_semaphore, #tpu.memory_space<semaphore_mem>>) src(%arg6 : memref<128x128xf32, #tpu.memory_space<vmem>>) dst(%dma_wait3A_29 : memref<128x128xf32, #tpu.memory_space<hbm>>)
        tpu.yield
      }) : () -> ()
    }
    %scan3A_7 = arith.constant 32 : i32
    return
  }
}

module attributes {stable_mosaic.version = 14 : i64} {
  func.func @_fps_kernel(%arg0: memref<8x3x4096xf32, #tpu.memory_space<vmem>>, %arg1: memref<1024x8x3xf32, #tpu.memory_space<vmem>>) attributes {dimension_semantics = [], scalar_prefetch = 0 : i64, scratch_operands = 0 : i64, tpu.core_type = #tpu.core_type<tc>} {
    %get3A = arith.constant 0 : index
    %get3A_0 = arith.constant 0 : index
    %get3A_1 = arith.constant 0 : index
    %get3A_2 = vector.load %arg0[%get3A, %get3A_0, %get3A_1] : memref<8x3x4096xf32, #tpu.memory_space<vmem>>, vector<8x1x4096xf32>
    %get3A_3 = vector.shape_cast %get3A_2 : vector<8x1x4096xf32> to vector<8x4096xf32>
    %get3A_4 = arith.constant 0 : index
    %get3A_5 = arith.constant 1 : index
    %get3A_6 = arith.constant 0 : index
    %get3A_7 = vector.load %arg0[%get3A_4, %get3A_5, %get3A_6] : memref<8x3x4096xf32, #tpu.memory_space<vmem>>, vector<8x1x4096xf32>
    %get3A_8 = vector.shape_cast %get3A_7 : vector<8x1x4096xf32> to vector<8x4096xf32>
    %get3A_9 = arith.constant 0 : index
    %get3A_10 = arith.constant 2 : index
    %get3A_11 = arith.constant 0 : index
    %get3A_12 = vector.load %arg0[%get3A_9, %get3A_10, %get3A_11] : memref<8x3x4096xf32, #tpu.memory_space<vmem>>, vector<8x1x4096xf32>
    %get3A_13 = vector.shape_cast %get3A_12 : vector<8x1x4096xf32> to vector<8x4096xf32>
    %iota3A = tpu.iota {dimensions = array<i32: 1>} : vector<8x4096xi32>
    %broadcast_in_dim3A = arith.constant 1.000000e+10 : f32
    %broadcast_in_dim3A_14 = vector.broadcast %broadcast_in_dim3A : f32 to vector<8x4096xf32>
    %broadcast_in_dim3A_15 = arith.constant 0 : i32
    %broadcast_in_dim3A_16 = vector.broadcast %broadcast_in_dim3A_15 : i32 to vector<8x1xi32>
    %scan3A = arith.constant 0 : i32
    %scan3A_17 = arith.constant 1024 : i32
    %scan3A_18 = arith.addi %scan3A, %scan3A_17 : i32
    %scan3A_19 = arith.constant 1 : i32
    %scan3A_20:2 = scf.for %scan3A_22 = %scan3A to %scan3A_18 step %scan3A_19 iter_args(%scan3A_23 = %broadcast_in_dim3A_14, %scan3A_24 = %broadcast_in_dim3A_16) -> (vector<8x4096xf32>, vector<8x1xi32>)  : i32 {
      %eq3A = vector.broadcast %scan3A_24 : vector<8x1xi32> to vector<8x4096xi32>
      %eq3A_25 = arith.cmpi eq, %iota3A, %eq3A : vector<8x4096xi32>
      %jit3A = arith.constant 1.000000e+00 : f32
      %jit3A_26 = arith.constant 0.000000e+00 : f32
      %broadcast_in_dim3A_27 = vector.broadcast %jit3A : f32 to vector<8x4096xf32>
      %broadcast_in_dim3A_28 = vector.broadcast %jit3A_26 : f32 to vector<8x4096xf32>
      %select_n3A = arith.select %eq3A_25, %broadcast_in_dim3A_27, %broadcast_in_dim3A_28 : vector<8x4096xi1>, vector<8x4096xf32>
      %mul3A = arith.mulf %get3A_3, %select_n3A : vector<8x4096xf32>
      %reduce_sum3A = arith.constant dense<0.000000e+00> : vector<8xf32>
      %reduce_sum3A_29 = vector.multi_reduction <add>, %mul3A, %reduce_sum3A [1] : vector<8x4096xf32> to vector<8xf32>
      %broadcast_in_dim3A_30 = vector.shape_cast %reduce_sum3A_29 : vector<8xf32> to vector<8x1xf32>
      %mul3A_31 = arith.mulf %get3A_8, %select_n3A : vector<8x4096xf32>
      %reduce_sum3A_32 = arith.constant dense<0.000000e+00> : vector<8xf32>
      %reduce_sum3A_33 = vector.multi_reduction <add>, %mul3A_31, %reduce_sum3A_32 [1] : vector<8x4096xf32> to vector<8xf32>
      %broadcast_in_dim3A_34 = vector.shape_cast %reduce_sum3A_33 : vector<8xf32> to vector<8x1xf32>
      %mul3A_35 = arith.mulf %get3A_13, %select_n3A : vector<8x4096xf32>
      %reduce_sum3A_36 = arith.constant dense<0.000000e+00> : vector<8xf32>
      %reduce_sum3A_37 = vector.multi_reduction <add>, %mul3A_35, %reduce_sum3A_36 [1] : vector<8x4096xf32> to vector<8xf32>
      %broadcast_in_dim3A_38 = vector.shape_cast %reduce_sum3A_37 : vector<8xf32> to vector<8x1xf32>
      %concatenate3A = tpu.concatenate %broadcast_in_dim3A_30, %broadcast_in_dim3A_34, %broadcast_in_dim3A_38 in 1 : vector<8x1xf32>, vector<8x1xf32>, vector<8x1xf32> -> vector<8x3xf32>
      %broadcast_in_dim3A_39 = vector.shape_cast %concatenate3A : vector<8x3xf32> to vector<1x8x3xf32>
      %swap3A = arith.index_cast %scan3A_22 : i32 to index
      %swap3A_40 = arith.constant 0 : index
      %swap3A_41 = arith.constant 0 : index
      %swap3A_42 = vector.load %arg1[%swap3A, %swap3A_40, %swap3A_41] : memref<1024x8x3xf32, #tpu.memory_space<vmem>>, vector<1x8x3xf32>
      tpu.vector_store %arg1[%swap3A, %swap3A_40, %swap3A_41], %broadcast_in_dim3A_39 {strides = array<i32>} : memref<1024x8x3xf32, #tpu.memory_space<vmem>>, vector<1x8x3xf32>,
      %sub3A = vector.broadcast %broadcast_in_dim3A_30 : vector<8x1xf32> to vector<8x4096xf32>
      %sub3A_43 = arith.subf %get3A_3, %sub3A : vector<8x4096xf32>
      %sub3A_44 = vector.broadcast %broadcast_in_dim3A_34 : vector<8x1xf32> to vector<8x4096xf32>
      %sub3A_45 = arith.subf %get3A_8, %sub3A_44 : vector<8x4096xf32>
      %sub3A_46 = vector.broadcast %broadcast_in_dim3A_38 : vector<8x1xf32> to vector<8x4096xf32>
      %sub3A_47 = arith.subf %get3A_13, %sub3A_46 : vector<8x4096xf32>
      %mul3A_48 = arith.mulf %sub3A_43, %sub3A_43 : vector<8x4096xf32>
      %mul3A_49 = arith.mulf %sub3A_45, %sub3A_45 : vector<8x4096xf32>
      %add3A = arith.addf %mul3A_48, %mul3A_49 : vector<8x4096xf32>
      %mul3A_50 = arith.mulf %sub3A_47, %sub3A_47 : vector<8x4096xf32>
      %add3A_51 = arith.addf %add3A, %mul3A_50 : vector<8x4096xf32>
      %min3A = arith.minimumf %scan3A_23, %add3A_51 : vector<8x4096xf32>
      %reduce_max3A = arith.constant dense<0xFF800000> : vector<8xf32>
      %reduce_max3A_52 = vector.multi_reduction <maximumf>, %min3A, %reduce_max3A [1] : vector<8x4096xf32> to vector<8xf32>
      %broadcast_in_dim3A_53 = vector.shape_cast %reduce_max3A_52 : vector<8xf32> to vector<8x1xf32>
      %eq3A_54 = vector.broadcast %broadcast_in_dim3A_53 : vector<8x1xf32> to vector<8x4096xf32>
      %eq3A_55 = arith.cmpf oeq, %min3A, %eq3A_54 : vector<8x4096xf32>
      %jit3A_56 = arith.constant 4096 : i32
      %broadcast_in_dim3A_57 = vector.broadcast %jit3A_56 : i32 to vector<8x4096xi32>
      %select_n3A_58 = arith.select %eq3A_55, %iota3A, %broadcast_in_dim3A_57 : vector<8x4096xi1>, vector<8x4096xi32>
      %reduce_min3A = arith.constant dense<2147483647> : vector<8xi32>
      %reduce_min3A_59 = vector.multi_reduction <minsi>, %select_n3A_58, %reduce_min3A [1] : vector<8x4096xi32> to vector<8xi32>
      %broadcast_in_dim3A_60 = vector.shape_cast %reduce_min3A_59 : vector<8xi32> to vector<8x1xi32>
      scf.yield %min3A, %broadcast_in_dim3A_60 : vector<8x4096xf32>, vector<8x1xi32>
    }
    %scan3A_21 = arith.constant 1024 : i32
    return
  }
}

module attributes {stable_mosaic.version = 14 : i64} {
  func.func @_bq_idx_kernel(%arg0: i32, %arg1: i32, %arg2: memref<1x128x3xf32, #tpu.memory_space<vmem>>, %arg3: memref<1x3x4096xf32, #tpu.memory_space<vmem>>, %arg4: memref<1x128x16xi32, #tpu.memory_space<vmem>>) attributes {dimension_semantics = [#tpu.dimension_semantics<arbitrary>, #tpu.dimension_semantics<arbitrary>], iteration_bounds = array<i64: 8, 8>, scalar_prefetch = 0 : i64, scratch_operands = 0 : i64, tpu.core_type = #tpu.core_type<tc>, window_params = [{transform_indices = @transform_0, window_bounds = array<i64: 1, 128, 3>}, {transform_indices = @transform_1, window_bounds = array<i64: 1, 3, 4096>}, {transform_indices = @transform_2, window_bounds = array<i64: 1, 128, 16>}]} {
    %get3A = arith.constant 0 : index
    %get3A_0 = arith.constant 0 : index
    %get3A_1 = arith.constant 0 : index
    %get3A_2 = vector.load %arg2[%get3A, %get3A_0, %get3A_1] : memref<1x128x3xf32, #tpu.memory_space<vmem>>, vector<1x128x3xf32>
    %get3A_3 = vector.shape_cast %get3A_2 : vector<1x128x3xf32> to vector<128x3xf32>
    %get3A_4 = arith.constant 0 : index
    %get3A_5 = arith.constant 0 : index
    %get3A_6 = arith.constant 0 : index
    %get3A_7 = vector.load %arg3[%get3A_4, %get3A_5, %get3A_6] : memref<1x3x4096xf32, #tpu.memory_space<vmem>>, vector<1x3x4096xf32>
    %get3A_8 = vector.shape_cast %get3A_7 : vector<1x3x4096xf32> to vector<3x4096xf32>
    %convert_element_type3A = arith.truncf %get3A_3 : vector<128x3xf32> to vector<128x3xbf16>
    %convert_element_type3A_9 = arith.truncf %get3A_8 : vector<3x4096xf32> to vector<3x4096xbf16>
    %dot_general3A = arith.constant dense<0.000000e+00> : vector<128x4096xf32>
    %dot_general3A_10 = tpu.matmul %convert_element_type3A, %convert_element_type3A_9, %dot_general3A {dimension_numbers = #tpu.dot_dimension_numbers<[1], [0], [0], [1], [0, 0, 1, 1], [], []>, transpose_lhs_hint = false} : vector<128x3xbf16>, vector<3x4096xbf16>, vector<128x4096xf32> -> vector<128x4096xf32>
    %mul3A = arith.mulf %get3A_3, %get3A_3 : vector<128x3xf32>
    %reduce_sum3A = arith.constant dense<0.000000e+00> : vector<128xf32>
    %reduce_sum3A_11 = vector.multi_reduction <add>, %mul3A, %reduce_sum3A [1] : vector<128x3xf32> to vector<128xf32>
    %broadcast_in_dim3A = vector.shape_cast %reduce_sum3A_11 : vector<128xf32> to vector<128x1xf32>
    %mul3A_12 = arith.mulf %get3A_8, %get3A_8 : vector<3x4096xf32>
    %reduce_sum3A_13 = arith.constant dense<0.000000e+00> : vector<4096xf32>
    %reduce_sum3A_14 = vector.multi_reduction <add>, %mul3A_12, %reduce_sum3A_13 [0] : vector<3x4096xf32> to vector<4096xf32>
    %broadcast_in_dim3A_15 = vector.shape_cast %reduce_sum3A_14 : vector<4096xf32> to vector<1x4096xf32>
    %mul3A_16 = arith.constant -2.000000e+00 : f32
    %mul3A_17 = vector.broadcast %mul3A_16 : f32 to vector<128x4096xf32>
    %mul3A_18 = arith.mulf %mul3A_17, %dot_general3A_10 : vector<128x4096xf32>
    %add3A = vector.broadcast %broadcast_in_dim3A : vector<128x1xf32> to vector<128x4096xf32>
    %add3A_19 = arith.addf %mul3A_18, %add3A : vector<128x4096xf32>
    %add3A_20 = vector.broadcast %broadcast_in_dim3A_15 : vector<1x4096xf32> to vector<128x4096xf32>
    %add3A_21 = arith.addf %add3A_19, %add3A_20 : vector<128x4096xf32>
    %iota3A = tpu.iota {dimensions = array<i32: 1>} : vector<128x4096xi32>
    %le3A = arith.constant 0.00999999977 : f32
    %le3A_22 = vector.broadcast %le3A : f32 to vector<128x4096xf32>
    %le3A_23 = arith.cmpf ole, %add3A_21, %le3A_22 : vector<128x4096xf32>
    %jit3A = arith.constant 4096 : i32
    %broadcast_in_dim3A_24 = vector.broadcast %jit3A : i32 to vector<128x4096xi32>
    %select_n3A = arith.select %le3A_23, %iota3A, %broadcast_in_dim3A_24 : vector<128x4096xi1>, vector<128x4096xi32>
    %reduce_min3A = arith.constant dense<2147483647> : vector<128xi32>
    %reduce_min3A_25 = vector.multi_reduction <minsi>, %select_n3A, %reduce_min3A [1] : vector<128x4096xi32> to vector<128xi32>
    %broadcast_in_dim3A_26 = vector.shape_cast %reduce_min3A_25 : vector<128xi32> to vector<128x1xi32>
    %min3A = arith.constant 4095 : i32
    %min3A_27 = vector.broadcast %min3A : i32 to vector<128x1xi32>
    %min3A_28 = arith.minsi %broadcast_in_dim3A_26, %min3A_27 : vector<128x1xi32>
    %eq3A = vector.broadcast %broadcast_in_dim3A_26 : vector<128x1xi32> to vector<128x4096xi32>
    %eq3A_29 = arith.cmpi eq, %select_n3A, %eq3A : vector<128x4096xi32>
    %jit3A_30 = arith.constant 4096 : i32
    %broadcast_in_dim3A_31 = vector.broadcast %jit3A_30 : i32 to vector<128x4096xi32>
    %select_n3A_32 = arith.select %eq3A_29, %broadcast_in_dim3A_31, %select_n3A : vector<128x4096xi1>, vector<128x4096xi32>
    %reduce_min3A_33 = arith.constant dense<2147483647> : vector<128xi32>
    %reduce_min3A_34 = vector.multi_reduction <minsi>, %select_n3A_32, %reduce_min3A_33 [1] : vector<128x4096xi32> to vector<128xi32>
    %broadcast_in_dim3A_35 = vector.shape_cast %reduce_min3A_34 : vector<128xi32> to vector<128x1xi32>
    %lt3A = arith.constant 4096 : i32
    %lt3A_36 = vector.broadcast %lt3A : i32 to vector<128x1xi32>
    %lt3A_37 = arith.cmpi slt, %broadcast_in_dim3A_35, %lt3A_36 : vector<128x1xi32>
    %select_n3A_38 = arith.select %lt3A_37, %broadcast_in_dim3A_35, %min3A_28 : vector<128x1xi1>, vector<128x1xi32>
    %eq3A_39 = vector.broadcast %broadcast_in_dim3A_35 : vector<128x1xi32> to vector<128x4096xi32>
    %eq3A_40 = arith.cmpi eq, %select_n3A_32, %eq3A_39 : vector<128x4096xi32>
    %jit3A_41 = arith.constant 4096 : i32
    %broadcast_in_dim3A_42 = vector.broadcast %jit3A_41 : i32 to vector<128x4096xi32>
    %select_n3A_43 = arith.select %eq3A_40, %broadcast_in_dim3A_42, %select_n3A_32 : vector<128x4096xi1>, vector<128x4096xi32>
    %reduce_min3A_44 = arith.constant dense<2147483647> : vector<128xi32>
    %reduce_min3A_45 = vector.multi_reduction <minsi>, %select_n3A_43, %reduce_min3A_44 [1] : vector<128x4096xi32> to vector<128xi32>
    %broadcast_in_dim3A_46 = vector.shape_cast %reduce_min3A_45 : vector<128xi32> to vector<128x1xi32>
    %lt3A_47 = arith.constant 4096 : i32
    %lt3A_48 = vector.broadcast %lt3A_47 : i32 to vector<128x1xi32>
    %lt3A_49 = arith.cmpi slt, %broadcast_in_dim3A_46, %lt3A_48 : vector<128x1xi32>
    %select_n3A_50 = arith.select %lt3A_49, %broadcast_in_dim3A_46, %min3A_28 : vector<128x1xi1>, vector<128x1xi32>
    %eq3A_51 = vector.broadcast %broadcast_in_dim3A_46 : vector<128x1xi32> to vector<128x4096xi32>
    %eq3A_52 = arith.cmpi eq, %select_n3A_43, %eq3A_51 : vector<128x4096xi32>
    %jit3A_53 = arith.constant 4096 : i32
    %broadcast_in_dim3A_54 = vector.broadcast %jit3A_53 : i32 to vector<128x4096xi32>
    %select_n3A_55 = arith.select %eq3A_52, %broadcast_in_dim3A_54, %select_n3A_43 : vector<128x4096xi1>, vector<128x4096xi32>
    %reduce_min3A_56 = arith.constant dense<2147483647> : vector<128xi32>
    %reduce_min3A_57 = vector.multi_reduction <minsi>, %select_n3A_55, %reduce_min3A_56 [1] : vector<128x4096xi32> to vector<128xi32>
    %broadcast_in_dim3A_58 = vector.shape_cast %reduce_min3A_57 : vector<128xi32> to vector<128x1xi32>
    %lt3A_59 = arith.constant 4096 : i32
    %lt3A_60 = vector.broadcast %lt3A_59 : i32 to vector<128x1xi32>
    %lt3A_61 = arith.cmpi slt, %broadcast_in_dim3A_58, %lt3A_60 : vector<128x1xi32>
    %select_n3A_62 = arith.select %lt3A_61, %broadcast_in_dim3A_58, %min3A_28 : vector<128x1xi1>, vector<128x1xi32>
    %eq3A_63 = vector.broadcast %broadcast_in_dim3A_58 : vector<128x1xi32> to vector<128x4096xi32>
    %eq3A_64 = arith.cmpi eq, %select_n3A_55, %eq3A_63 : vector<128x4096xi32>
    %jit3A_65 = arith.constant 4096 : i32
    %broadcast_in_dim3A_66 = vector.broadcast %jit3A_65 : i32 to vector<128x4096xi32>
    %select_n3A_67 = arith.select %eq3A_64, %broadcast_in_dim3A_66, %select_n3A_55 : vector<128x4096xi1>, vector<128x4096xi32>
    %reduce_min3A_68 = arith.constant dense<2147483647> : vector<128xi32>
    %reduce_min3A_69 = vector.multi_reduction <minsi>, %select_n3A_67, %reduce_min3A_68 [1] : vector<128x4096xi32> to vector<128xi32>
    %broadcast_in_dim3A_70 = vector.shape_cast %reduce_min3A_69 : vector<128xi32> to vector<128x1xi32>
    %lt3A_71 = arith.constant 4096 : i32
    %lt3A_72 = vector.broadcast %lt3A_71 : i32 to vector<128x1xi32>
    %lt3A_73 = arith.cmpi slt, %broadcast_in_dim3A_70, %lt3A_72 : vector<128x1xi32>
    %select_n3A_74 = arith.select %lt3A_73, %broadcast_in_dim3A_70, %min3A_28 : vector<128x1xi1>, vector<128x1xi32>
    %eq3A_75 = vector.broadcast %broadcast_in_dim3A_70 : vector<128x1xi32> to vector<128x4096xi32>
    %eq3A_76 = arith.cmpi eq, %select_n3A_67, %eq3A_75 : vector<128x4096xi32>
    %jit3A_77 = arith.constant 4096 : i32
    %broadcast_in_dim3A_78 = vector.broadcast %jit3A_77 : i32 to vector<128x4096xi32>
    %select_n3A_79 = arith.select %eq3A_76, %broadcast_in_dim3A_78, %select_n3A_67 : vector<128x4096xi1>, vector<128x4096xi32>
    %reduce_min3A_80 = arith.constant dense<2147483647> : vector<128xi32>
    %reduce_min3A_81 = vector.multi_reduction <minsi>, %select_n3A_79, %reduce_min3A_80 [1] : vector<128x4096xi32> to vector<128xi32>
    %broadcast_in_dim3A_82 = vector.shape_cast %reduce_min3A_81 : vector<128xi32> to vector<128x1xi32>
    %lt3A_83 = arith.constant 4096 : i32
    %lt3A_84 = vector.broadcast %lt3A_83 : i32 to vector<128x1xi32>
    %lt3A_85 = arith.cmpi slt, %broadcast_in_dim3A_82, %lt3A_84 : vector<128x1xi32>
    %select_n3A_86 = arith.select %lt3A_85, %broadcast_in_dim3A_82, %min3A_28 : vector<128x1xi1>, vector<128x1xi32>
    %eq3A_87 = vector.broadcast %broadcast_in_dim3A_82 : vector<128x1xi32> to vector<128x4096xi32>
    %eq3A_88 = arith.cmpi eq, %select_n3A_79, %eq3A_87 : vector<128x4096xi32>
    %jit3A_89 = arith.constant 4096 : i32
    %broadcast_in_dim3A_90 = vector.broadcast %jit3A_89 : i32 to vector<128x4096xi32>
    %select_n3A_91 = arith.select %eq3A_88, %broadcast_in_dim3A_90, %select_n3A_79 : vector<128x4096xi1>, vector<128x4096xi32>
    %reduce_min3A_92 = arith.constant dense<2147483647> : vector<128xi32>
    %reduce_min3A_93 = vector.multi_reduction <minsi>, %select_n3A_91, %reduce_min3A_92 [1] : vector<128x4096xi32> to vector<128xi32>
    %broadcast_in_dim3A_94 = vector.shape_cast %reduce_min3A_93 : vector<128xi32> to vector<128x1xi32>
    %lt3A_95 = arith.constant 4096 : i32
    %lt3A_96 = vector.broadcast %lt3A_95 : i32 to vector<128x1xi32>
    %lt3A_97 = arith.cmpi slt, %broadcast_in_dim3A_94, %lt3A_96 : vector<128x1xi32>
    %select_n3A_98 = arith.select %lt3A_97, %broadcast_in_dim3A_94, %min3A_28 : vector<128x1xi1>, vector<128x1xi32>
    %eq3A_99 = vector.broadcast %broadcast_in_dim3A_94 : vector<128x1xi32> to vector<128x4096xi32>
    %eq3A_100 = arith.cmpi eq, %select_n3A_91, %eq3A_99 : vector<128x4096xi32>
    %jit3A_101 = arith.constant 4096 : i32
    %broadcast_in_dim3A_102 = vector.broadcast %jit3A_101 : i32 to vector<128x4096xi32>
    %select_n3A_103 = arith.select %eq3A_100, %broadcast_in_dim3A_102, %select_n3A_91 : vector<128x4096xi1>, vector<128x4096xi32>
    %reduce_min3A_104 = arith.constant dense<2147483647> : vector<128xi32>
    %reduce_min3A_105 = vector.multi_reduction <minsi>, %select_n3A_103, %reduce_min3A_104 [1] : vector<128x4096xi32> to vector<128xi32>
    %broadcast_in_dim3A_106 = vector.shape_cast %reduce_min3A_105 : vector<128xi32> to vector<128x1xi32>
    %lt3A_107 = arith.constant 4096 : i32
    %lt3A_108 = vector.broadcast %lt3A_107 : i32 to vector<128x1xi32>
    %lt3A_109 = arith.cmpi slt, %broadcast_in_dim3A_106, %lt3A_108 : vector<128x1xi32>
    %select_n3A_110 = arith.select %lt3A_109, %broadcast_in_dim3A_106, %min3A_28 : vector<128x1xi1>, vector<128x1xi32>
    %eq3A_111 = vector.broadcast %broadcast_in_dim3A_106 : vector<128x1xi32> to vector<128x4096xi32>
    %eq3A_112 = arith.cmpi eq, %select_n3A_103, %eq3A_111 : vector<128x4096xi32>
    %jit3A_113 = arith.constant 4096 : i32
    %broadcast_in_dim3A_114 = vector.broadcast %jit3A_113 : i32 to vector<128x4096xi32>
    %select_n3A_115 = arith.select %eq3A_112, %broadcast_in_dim3A_114, %select_n3A_103 : vector<128x4096xi1>, vector<128x4096xi32>
    %reduce_min3A_116 = arith.constant dense<2147483647> : vector<128xi32>
    %reduce_min3A_117 = vector.multi_reduction <minsi>, %select_n3A_115, %reduce_min3A_116 [1] : vector<128x4096xi32> to vector<128xi32>
    %broadcast_in_dim3A_118 = vector.shape_cast %reduce_min3A_117 : vector<128xi32> to vector<128x1xi32>
    %lt3A_119 = arith.constant 4096 : i32
    %lt3A_120 = vector.broadcast %lt3A_119 : i32 to vector<128x1xi32>
    %lt3A_121 = arith.cmpi slt, %broadcast_in_dim3A_118, %lt3A_120 : vector<128x1xi32>
    %select_n3A_122 = arith.select %lt3A_121, %broadcast_in_dim3A_118, %min3A_28 : vector<128x1xi1>, vector<128x1xi32>
    %eq3A_123 = vector.broadcast %broadcast_in_dim3A_118 : vector<128x1xi32> to vector<128x4096xi32>
    %eq3A_124 = arith.cmpi eq, %select_n3A_115, %eq3A_123 : vector<128x4096xi32>
    %jit3A_125 = arith.constant 4096 : i32
    %broadcast_in_dim3A_126 = vector.broadcast %jit3A_125 : i32 to vector<128x4096xi32>
    %select_n3A_127 = arith.select %eq3A_124, %broadcast_in_dim3A_126, %select_n3A_115 : vector<128x4096xi1>, vector<128x4096xi32>
    %reduce_min3A_128 = arith.constant dense<2147483647> : vector<128xi32>
    %reduce_min3A_129 = vector.multi_reduction <minsi>, %select_n3A_127, %reduce_min3A_128 [1] : vector<128x4096xi32> to vector<128xi32>
    %broadcast_in_dim3A_130 = vector.shape_cast %reduce_min3A_129 : vector<128xi32> to vector<128x1xi32>
    %lt3A_131 = arith.constant 4096 : i32
    %lt3A_132 = vector.broadcast %lt3A_131 : i32 to vector<128x1xi32>
    %lt3A_133 = arith.cmpi slt, %broadcast_in_dim3A_130, %lt3A_132 : vector<128x1xi32>
    %select_n3A_134 = arith.select %lt3A_133, %broadcast_in_dim3A_130, %min3A_28 : vector<128x1xi1>, vector<128x1xi32>
    %eq3A_135 = vector.broadcast %broadcast_in_dim3A_130 : vector<128x1xi32> to vector<128x4096xi32>
    %eq3A_136 = arith.cmpi eq, %select_n3A_127, %eq3A_135 : vector<128x4096xi32>
    %jit3A_137 = arith.constant 4096 : i32
    %broadcast_in_dim3A_138 = vector.broadcast %jit3A_137 : i32 to vector<128x4096xi32>
    %select_n3A_139 = arith.select %eq3A_136, %broadcast_in_dim3A_138, %select_n3A_127 : vector<128x4096xi1>, vector<128x4096xi32>
    %reduce_min3A_140 = arith.constant dense<2147483647> : vector<128xi32>
    %reduce_min3A_141 = vector.multi_reduction <minsi>, %select_n3A_139, %reduce_min3A_140 [1] : vector<128x4096xi32> to vector<128xi32>
    %broadcast_in_dim3A_142 = vector.shape_cast %reduce_min3A_141 : vector<128xi32> to vector<128x1xi32>
    %lt3A_143 = arith.constant 4096 : i32
    %lt3A_144 = vector.broadcast %lt3A_143 : i32 to vector<128x1xi32>
    %lt3A_145 = arith.cmpi slt, %broadcast_in_dim3A_142, %lt3A_144 : vector<128x1xi32>
    %select_n3A_146 = arith.select %lt3A_145, %broadcast_in_dim3A_142, %min3A_28 : vector<128x1xi1>, vector<128x1xi32>
    %eq3A_147 = vector.broadcast %broadcast_in_dim3A_142 : vector<128x1xi32> to vector<128x4096xi32>
    %eq3A_148 = arith.cmpi eq, %select_n3A_139, %eq3A_147 : vector<128x4096xi32>
    %jit3A_149 = arith.constant 4096 : i32
    %broadcast_in_dim3A_150 = vector.broadcast %jit3A_149 : i32 to vector<128x4096xi32>
    %select_n3A_151 = arith.select %eq3A_148, %broadcast_in_dim3A_150, %select_n3A_139 : vector<128x4096xi1>, vector<128x4096xi32>
    %reduce_min3A_152 = arith.constant dense<2147483647> : vector<128xi32>
    %reduce_min3A_153 = vector.multi_reduction <minsi>, %select_n3A_151, %reduce_min3A_152 [1] : vector<128x4096xi32> to vector<128xi32>
    %broadcast_in_dim3A_154 = vector.shape_cast %reduce_min3A_153 : vector<128xi32> to vector<128x1xi32>
    %lt3A_155 = arith.constant 4096 : i32
    %lt3A_156 = vector.broadcast %lt3A_155 : i32 to vector<128x1xi32>
    %lt3A_157 = arith.cmpi slt, %broadcast_in_dim3A_154, %lt3A_156 : vector<128x1xi32>
    %select_n3A_158 = arith.select %lt3A_157, %broadcast_in_dim3A_154, %min3A_28 : vector<128x1xi1>, vector<128x1xi32>
    %eq3A_159 = vector.broadcast %broadcast_in_dim3A_154 : vector<128x1xi32> to vector<128x4096xi32>
    %eq3A_160 = arith.cmpi eq, %select_n3A_151, %eq3A_159 : vector<128x4096xi32>
    %jit3A_161 = arith.constant 4096 : i32
    %broadcast_in_dim3A_162 = vector.broadcast %jit3A_161 : i32 to vector<128x4096xi32>
    %select_n3A_163 = arith.select %eq3A_160, %broadcast_in_dim3A_162, %select_n3A_151 : vector<128x4096xi1>, vector<128x4096xi32>
    %reduce_min3A_164 = arith.constant dense<2147483647> : vector<128xi32>
    %reduce_min3A_165 = vector.multi_reduction <minsi>, %select_n3A_163, %reduce_min3A_164 [1] : vector<128x4096xi32> to vector<128xi32>
    %broadcast_in_dim3A_166 = vector.shape_cast %reduce_min3A_165 : vector<128xi32> to vector<128x1xi32>
    %lt3A_167 = arith.constant 4096 : i32
    %lt3A_168 = vector.broadcast %lt3A_167 : i32 to vector<128x1xi32>
    %lt3A_169 = arith.cmpi slt, %broadcast_in_dim3A_166, %lt3A_168 : vector<128x1xi32>
    %select_n3A_170 = arith.select %lt3A_169, %broadcast_in_dim3A_166, %min3A_28 : vector<128x1xi1>, vector<128x1xi32>
    %eq3A_171 = vector.broadcast %broadcast_in_dim3A_166 : vector<128x1xi32> to vector<128x4096xi32>
    %eq3A_172 = arith.cmpi eq, %select_n3A_163, %eq3A_171 : vector<128x4096xi32>
    %jit3A_173 = arith.constant 4096 : i32
    %broadcast_in_dim3A_174 = vector.broadcast %jit3A_173 : i32 to vector<128x4096xi32>
    %select_n3A_175 = arith.select %eq3A_172, %broadcast_in_dim3A_174, %select_n3A_163 : vector<128x4096xi1>, vector<128x4096xi32>
    %reduce_min3A_176 = arith.constant dense<2147483647> : vector<128xi32>
    %reduce_min3A_177 = vector.multi_reduction <minsi>, %select_n3A_175, %reduce_min3A_176 [1] : vector<128x4096xi32> to vector<128xi32>
    %broadcast_in_dim3A_178 = vector.shape_cast %reduce_min3A_177 : vector<128xi32> to vector<128x1xi32>
    %lt3A_179 = arith.constant 4096 : i32
    %lt3A_180 = vector.broadcast %lt3A_179 : i32 to vector<128x1xi32>
    %lt3A_181 = arith.cmpi slt, %broadcast_in_dim3A_178, %lt3A_180 : vector<128x1xi32>
    %select_n3A_182 = arith.select %lt3A_181, %broadcast_in_dim3A_178, %min3A_28 : vector<128x1xi1>, vector<128x1xi32>
    %eq3A_183 = vector.broadcast %broadcast_in_dim3A_178 : vector<128x1xi32> to vector<128x4096xi32>
    %eq3A_184 = arith.cmpi eq, %select_n3A_175, %eq3A_183 : vector<128x4096xi32>
    %jit3A_185 = arith.constant 4096 : i32
    %broadcast_in_dim3A_186 = vector.broadcast %jit3A_185 : i32 to vector<128x4096xi32>
    %select_n3A_187 = arith.select %eq3A_184, %broadcast_in_dim3A_186, %select_n3A_175 : vector<128x4096xi1>, vector<128x4096xi32>
    %reduce_min3A_188 = arith.constant dense<2147483647> : vector<128xi32>
    %reduce_min3A_189 = vector.multi_reduction <minsi>, %select_n3A_187, %reduce_min3A_188 [1] : vector<128x4096xi32> to vector<128xi32>
    %broadcast_in_dim3A_190 = vector.shape_cast %reduce_min3A_189 : vector<128xi32> to vector<128x1xi32>
    %lt3A_191 = arith.constant 4096 : i32
    %lt3A_192 = vector.broadcast %lt3A_191 : i32 to vector<128x1xi32>
    %lt3A_193 = arith.cmpi slt, %broadcast_in_dim3A_190, %lt3A_192 : vector<128x1xi32>
    %select_n3A_194 = arith.select %lt3A_193, %broadcast_in_dim3A_190, %min3A_28 : vector<128x1xi1>, vector<128x1xi32>
    %eq3A_195 = vector.broadcast %broadcast_in_dim3A_190 : vector<128x1xi32> to vector<128x4096xi32>
    %eq3A_196 = arith.cmpi eq, %select_n3A_187, %eq3A_195 : vector<128x4096xi32>
    %jit3A_197 = arith.constant 4096 : i32
    %broadcast_in_dim3A_198 = vector.broadcast %jit3A_197 : i32 to vector<128x4096xi32>
    %select_n3A_199 = arith.select %eq3A_196, %broadcast_in_dim3A_198, %select_n3A_187 : vector<128x4096xi1>, vector<128x4096xi32>
    %reduce_min3A_200 = arith.constant dense<2147483647> : vector<128xi32>
    %reduce_min3A_201 = vector.multi_reduction <minsi>, %select_n3A_199, %reduce_min3A_200 [1] : vector<128x4096xi32> to vector<128xi32>
    %broadcast_in_dim3A_202 = vector.shape_cast %reduce_min3A_201 : vector<128xi32> to vector<128x1xi32>
    %lt3A_203 = arith.constant 4096 : i32
    %lt3A_204 = vector.broadcast %lt3A_203 : i32 to vector<128x1xi32>
    %lt3A_205 = arith.cmpi slt, %broadcast_in_dim3A_202, %lt3A_204 : vector<128x1xi32>
    %select_n3A_206 = arith.select %lt3A_205, %broadcast_in_dim3A_202, %min3A_28 : vector<128x1xi1>, vector<128x1xi32>
    %concatenate3A = tpu.concatenate %min3A_28, %select_n3A_38, %select_n3A_50, %select_n3A_62, %select_n3A_74, %select_n3A_86, %select_n3A_98, %select_n3A_110, %select_n3A_122, %select_n3A_134, %select_n3A_146, %select_n3A_158, %select_n3A_170, %select_n3A_182, %select_n3A_194, %select_n3A_206 in 1 : vector<128x1xi32>, vector<128x1xi32>, vector<128x1xi32>, vector<128x1xi32>, vector<128x1xi32>, vector<128x1xi32>, vector<128x1xi32>, vector<128x1xi32>, vector<128x1xi32>, vector<128x1xi32>, vector<128x1xi32>, vector<128x1xi32>, vector<128x1xi32>, vector<128x1xi32>, vector<128x1xi32>, vector<128x1xi32> -> vector<128x16xi32>
    %broadcast_in_dim3A_207 = vector.shape_cast %concatenate3A : vector<128x16xi32> to vector<1x128x16xi32>
    %swap3A = arith.constant 0 : index
    %swap3A_208 = arith.constant 0 : index
    %swap3A_209 = arith.constant 0 : index
    %swap3A_210 = vector.load %arg4[%swap3A, %swap3A_208, %swap3A_209] : memref<1x128x16xi32, #tpu.memory_space<vmem>>, vector<1x128x16xi32>
    tpu.vector_store %arg4[%swap3A, %swap3A_208, %swap3A_209], %broadcast_in_dim3A_207 {strides = array<i32>} : memref<1x128x16xi32, #tpu.memory_space<vmem>>, vector<1x128x16xi32>,
    return
  }
  func.func @transform_0(%arg0: i32, %arg1: i32) -> (i32, i32, i32) {
    %c0_i32 = arith.constant 0 : i32
    %c0_i32_0 = arith.constant 0 : i32
    return %arg0, %arg1, %c0_i32 : i32, i32, i32
  }
  func.func @transform_1(%arg0: i32, %arg1: i32) -> (i32, i32, i32) {
    %c0_i32 = arith.constant 0 : i32
    %c0_i32_0 = arith.constant 0 : i32
    %c0_i32_1 = arith.constant 0 : i32
    return %arg0, %c0_i32, %c0_i32_0 : i32, i32, i32
  }
  func.func @transform_2(%arg0: i32, %arg1: i32) -> (i32, i32, i32) {
    %c0_i32 = arith.constant 0 : i32
    %c0_i32_0 = arith.constant 0 : i32
    return %arg0, %arg1, %c0_i32 : i32, i32, i32
  }
}

module attributes {stable_mosaic.version = 14 : i64} {
  func.func @_fps_kernel(%arg0: memref<8x3x1024xf32, #tpu.memory_space<vmem>>, %arg1: memref<512x8x3xf32, #tpu.memory_space<vmem>>) attributes {dimension_semantics = [], scalar_prefetch = 0 : i64, scratch_operands = 0 : i64, tpu.core_type = #tpu.core_type<tc>} {
    %get3A = arith.constant 0 : index
    %get3A_0 = arith.constant 0 : index
    %get3A_1 = arith.constant 0 : index
    %get3A_2 = vector.load %arg0[%get3A, %get3A_0, %get3A_1] : memref<8x3x1024xf32, #tpu.memory_space<vmem>>, vector<8x1x1024xf32>
    %get3A_3 = vector.shape_cast %get3A_2 : vector<8x1x1024xf32> to vector<8x1024xf32>
    %get3A_4 = arith.constant 0 : index
    %get3A_5 = arith.constant 1 : index
    %get3A_6 = arith.constant 0 : index
    %get3A_7 = vector.load %arg0[%get3A_4, %get3A_5, %get3A_6] : memref<8x3x1024xf32, #tpu.memory_space<vmem>>, vector<8x1x1024xf32>
    %get3A_8 = vector.shape_cast %get3A_7 : vector<8x1x1024xf32> to vector<8x1024xf32>
    %get3A_9 = arith.constant 0 : index
    %get3A_10 = arith.constant 2 : index
    %get3A_11 = arith.constant 0 : index
    %get3A_12 = vector.load %arg0[%get3A_9, %get3A_10, %get3A_11] : memref<8x3x1024xf32, #tpu.memory_space<vmem>>, vector<8x1x1024xf32>
    %get3A_13 = vector.shape_cast %get3A_12 : vector<8x1x1024xf32> to vector<8x1024xf32>
    %iota3A = tpu.iota {dimensions = array<i32: 1>} : vector<8x1024xi32>
    %broadcast_in_dim3A = arith.constant 1.000000e+10 : f32
    %broadcast_in_dim3A_14 = vector.broadcast %broadcast_in_dim3A : f32 to vector<8x1024xf32>
    %broadcast_in_dim3A_15 = arith.constant 0 : i32
    %broadcast_in_dim3A_16 = vector.broadcast %broadcast_in_dim3A_15 : i32 to vector<8x1xi32>
    %scan3A = arith.constant 0 : i32
    %scan3A_17 = arith.constant 512 : i32
    %scan3A_18 = arith.addi %scan3A, %scan3A_17 : i32
    %scan3A_19 = arith.constant 1 : i32
    %scan3A_20:2 = scf.for %scan3A_22 = %scan3A to %scan3A_18 step %scan3A_19 iter_args(%scan3A_23 = %broadcast_in_dim3A_14, %scan3A_24 = %broadcast_in_dim3A_16) -> (vector<8x1024xf32>, vector<8x1xi32>)  : i32 {
      %eq3A = vector.broadcast %scan3A_24 : vector<8x1xi32> to vector<8x1024xi32>
      %eq3A_25 = arith.cmpi eq, %iota3A, %eq3A : vector<8x1024xi32>
      %jit3A = arith.constant 1.000000e+00 : f32
      %jit3A_26 = arith.constant 0.000000e+00 : f32
      %broadcast_in_dim3A_27 = vector.broadcast %jit3A : f32 to vector<8x1024xf32>
      %broadcast_in_dim3A_28 = vector.broadcast %jit3A_26 : f32 to vector<8x1024xf32>
      %select_n3A = arith.select %eq3A_25, %broadcast_in_dim3A_27, %broadcast_in_dim3A_28 : vector<8x1024xi1>, vector<8x1024xf32>
      %mul3A = arith.mulf %get3A_3, %select_n3A : vector<8x1024xf32>
      %reduce_sum3A = arith.constant dense<0.000000e+00> : vector<8xf32>
      %reduce_sum3A_29 = vector.multi_reduction <add>, %mul3A, %reduce_sum3A [1] : vector<8x1024xf32> to vector<8xf32>
      %broadcast_in_dim3A_30 = vector.shape_cast %reduce_sum3A_29 : vector<8xf32> to vector<8x1xf32>
      %mul3A_31 = arith.mulf %get3A_8, %select_n3A : vector<8x1024xf32>
      %reduce_sum3A_32 = arith.constant dense<0.000000e+00> : vector<8xf32>
      %reduce_sum3A_33 = vector.multi_reduction <add>, %mul3A_31, %reduce_sum3A_32 [1] : vector<8x1024xf32> to vector<8xf32>
      %broadcast_in_dim3A_34 = vector.shape_cast %reduce_sum3A_33 : vector<8xf32> to vector<8x1xf32>
      %mul3A_35 = arith.mulf %get3A_13, %select_n3A : vector<8x1024xf32>
      %reduce_sum3A_36 = arith.constant dense<0.000000e+00> : vector<8xf32>
      %reduce_sum3A_37 = vector.multi_reduction <add>, %mul3A_35, %reduce_sum3A_36 [1] : vector<8x1024xf32> to vector<8xf32>
      %broadcast_in_dim3A_38 = vector.shape_cast %reduce_sum3A_37 : vector<8xf32> to vector<8x1xf32>
      %concatenate3A = tpu.concatenate %broadcast_in_dim3A_30, %broadcast_in_dim3A_34, %broadcast_in_dim3A_38 in 1 : vector<8x1xf32>, vector<8x1xf32>, vector<8x1xf32> -> vector<8x3xf32>
      %broadcast_in_dim3A_39 = vector.shape_cast %concatenate3A : vector<8x3xf32> to vector<1x8x3xf32>
      %swap3A = arith.index_cast %scan3A_22 : i32 to index
      %swap3A_40 = arith.constant 0 : index
      %swap3A_41 = arith.constant 0 : index
      %swap3A_42 = vector.load %arg1[%swap3A, %swap3A_40, %swap3A_41] : memref<512x8x3xf32, #tpu.memory_space<vmem>>, vector<1x8x3xf32>
      tpu.vector_store %arg1[%swap3A, %swap3A_40, %swap3A_41], %broadcast_in_dim3A_39 {strides = array<i32>} : memref<512x8x3xf32, #tpu.memory_space<vmem>>, vector<1x8x3xf32>,
      %sub3A = vector.broadcast %broadcast_in_dim3A_30 : vector<8x1xf32> to vector<8x1024xf32>
      %sub3A_43 = arith.subf %get3A_3, %sub3A : vector<8x1024xf32>
      %sub3A_44 = vector.broadcast %broadcast_in_dim3A_34 : vector<8x1xf32> to vector<8x1024xf32>
      %sub3A_45 = arith.subf %get3A_8, %sub3A_44 : vector<8x1024xf32>
      %sub3A_46 = vector.broadcast %broadcast_in_dim3A_38 : vector<8x1xf32> to vector<8x1024xf32>
      %sub3A_47 = arith.subf %get3A_13, %sub3A_46 : vector<8x1024xf32>
      %mul3A_48 = arith.mulf %sub3A_43, %sub3A_43 : vector<8x1024xf32>
      %mul3A_49 = arith.mulf %sub3A_45, %sub3A_45 : vector<8x1024xf32>
      %add3A = arith.addf %mul3A_48, %mul3A_49 : vector<8x1024xf32>
      %mul3A_50 = arith.mulf %sub3A_47, %sub3A_47 : vector<8x1024xf32>
      %add3A_51 = arith.addf %add3A, %mul3A_50 : vector<8x1024xf32>
      %min3A = arith.minimumf %scan3A_23, %add3A_51 : vector<8x1024xf32>
      %reduce_max3A = arith.constant dense<0xFF800000> : vector<8xf32>
      %reduce_max3A_52 = vector.multi_reduction <maximumf>, %min3A, %reduce_max3A [1] : vector<8x1024xf32> to vector<8xf32>
      %broadcast_in_dim3A_53 = vector.shape_cast %reduce_max3A_52 : vector<8xf32> to vector<8x1xf32>
      %eq3A_54 = vector.broadcast %broadcast_in_dim3A_53 : vector<8x1xf32> to vector<8x1024xf32>
      %eq3A_55 = arith.cmpf oeq, %min3A, %eq3A_54 : vector<8x1024xf32>
      %jit3A_56 = arith.constant 1024 : i32
      %broadcast_in_dim3A_57 = vector.broadcast %jit3A_56 : i32 to vector<8x1024xi32>
      %select_n3A_58 = arith.select %eq3A_55, %iota3A, %broadcast_in_dim3A_57 : vector<8x1024xi1>, vector<8x1024xi32>
      %reduce_min3A = arith.constant dense<2147483647> : vector<8xi32>
      %reduce_min3A_59 = vector.multi_reduction <minsi>, %select_n3A_58, %reduce_min3A [1] : vector<8x1024xi32> to vector<8xi32>
      %broadcast_in_dim3A_60 = vector.shape_cast %reduce_min3A_59 : vector<8xi32> to vector<8x1xi32>
      scf.yield %min3A, %broadcast_in_dim3A_60 : vector<8x1024xf32>, vector<8x1xi32>
    }
    %scan3A_21 = arith.constant 512 : i32
    return
  }
}

module attributes {stable_mosaic.version = 14 : i64} {
  func.func @_bq_idx_kernel(%arg0: i32, %arg1: i32, %arg2: memref<1x128x3xf32, #tpu.memory_space<vmem>>, %arg3: memref<1x3x1024xf32, #tpu.memory_space<vmem>>, %arg4: memref<1x128x32xi32, #tpu.memory_space<vmem>>) attributes {dimension_semantics = [#tpu.dimension_semantics<arbitrary>, #tpu.dimension_semantics<arbitrary>], iteration_bounds = array<i64: 8, 4>, scalar_prefetch = 0 : i64, scratch_operands = 0 : i64, tpu.core_type = #tpu.core_type<tc>, window_params = [{transform_indices = @transform_0, window_bounds = array<i64: 1, 128, 3>}, {transform_indices = @transform_1, window_bounds = array<i64: 1, 3, 1024>}, {transform_indices = @transform_2, window_bounds = array<i64: 1, 128, 32>}]} {
    %get3A = arith.constant 0 : index
    %get3A_0 = arith.constant 0 : index
    %get3A_1 = arith.constant 0 : index
    %get3A_2 = vector.load %arg2[%get3A, %get3A_0, %get3A_1] : memref<1x128x3xf32, #tpu.memory_space<vmem>>, vector<1x128x3xf32>
    %get3A_3 = vector.shape_cast %get3A_2 : vector<1x128x3xf32> to vector<128x3xf32>
    %get3A_4 = arith.constant 0 : index
    %get3A_5 = arith.constant 0 : index
    %get3A_6 = arith.constant 0 : index
    %get3A_7 = vector.load %arg3[%get3A_4, %get3A_5, %get3A_6] : memref<1x3x1024xf32, #tpu.memory_space<vmem>>, vector<1x3x1024xf32>
    %get3A_8 = vector.shape_cast %get3A_7 : vector<1x3x1024xf32> to vector<3x1024xf32>
    %convert_element_type3A = arith.truncf %get3A_3 : vector<128x3xf32> to vector<128x3xbf16>
    %convert_element_type3A_9 = arith.truncf %get3A_8 : vector<3x1024xf32> to vector<3x1024xbf16>
    %dot_general3A = arith.constant dense<0.000000e+00> : vector<128x1024xf32>
    %dot_general3A_10 = tpu.matmul %convert_element_type3A, %convert_element_type3A_9, %dot_general3A {dimension_numbers = #tpu.dot_dimension_numbers<[1], [0], [0], [1], [0, 0, 1, 1], [], []>, transpose_lhs_hint = false} : vector<128x3xbf16>, vector<3x1024xbf16>, vector<128x1024xf32> -> vector<128x1024xf32>
    %mul3A = arith.mulf %get3A_3, %get3A_3 : vector<128x3xf32>
    %reduce_sum3A = arith.constant dense<0.000000e+00> : vector<128xf32>
    %reduce_sum3A_11 = vector.multi_reduction <add>, %mul3A, %reduce_sum3A [1] : vector<128x3xf32> to vector<128xf32>
    %broadcast_in_dim3A = vector.shape_cast %reduce_sum3A_11 : vector<128xf32> to vector<128x1xf32>
    %mul3A_12 = arith.mulf %get3A_8, %get3A_8 : vector<3x1024xf32>
    %reduce_sum3A_13 = arith.constant dense<0.000000e+00> : vector<1024xf32>
    %reduce_sum3A_14 = vector.multi_reduction <add>, %mul3A_12, %reduce_sum3A_13 [0] : vector<3x1024xf32> to vector<1024xf32>
    %broadcast_in_dim3A_15 = vector.shape_cast %reduce_sum3A_14 : vector<1024xf32> to vector<1x1024xf32>
    %mul3A_16 = arith.constant -2.000000e+00 : f32
    %mul3A_17 = vector.broadcast %mul3A_16 : f32 to vector<128x1024xf32>
    %mul3A_18 = arith.mulf %mul3A_17, %dot_general3A_10 : vector<128x1024xf32>
    %add3A = vector.broadcast %broadcast_in_dim3A : vector<128x1xf32> to vector<128x1024xf32>
    %add3A_19 = arith.addf %mul3A_18, %add3A : vector<128x1024xf32>
    %add3A_20 = vector.broadcast %broadcast_in_dim3A_15 : vector<1x1024xf32> to vector<128x1024xf32>
    %add3A_21 = arith.addf %add3A_19, %add3A_20 : vector<128x1024xf32>
    %iota3A = tpu.iota {dimensions = array<i32: 1>} : vector<128x1024xi32>
    %le3A = arith.constant 4.000000e-02 : f32
    %le3A_22 = vector.broadcast %le3A : f32 to vector<128x1024xf32>
    %le3A_23 = arith.cmpf ole, %add3A_21, %le3A_22 : vector<128x1024xf32>
    %jit3A = arith.constant 1024 : i32
    %broadcast_in_dim3A_24 = vector.broadcast %jit3A : i32 to vector<128x1024xi32>
    %select_n3A = arith.select %le3A_23, %iota3A, %broadcast_in_dim3A_24 : vector<128x1024xi1>, vector<128x1024xi32>
    %reduce_min3A = arith.constant dense<2147483647> : vector<128xi32>
    %reduce_min3A_25 = vector.multi_reduction <minsi>, %select_n3A, %reduce_min3A [1] : vector<128x1024xi32> to vector<128xi32>
    %broadcast_in_dim3A_26 = vector.shape_cast %reduce_min3A_25 : vector<128xi32> to vector<128x1xi32>
    %min3A = arith.constant 1023 : i32
    %min3A_27 = vector.broadcast %min3A : i32 to vector<128x1xi32>
    %min3A_28 = arith.minsi %broadcast_in_dim3A_26, %min3A_27 : vector<128x1xi32>
    %eq3A = vector.broadcast %broadcast_in_dim3A_26 : vector<128x1xi32> to vector<128x1024xi32>
    %eq3A_29 = arith.cmpi eq, %select_n3A, %eq3A : vector<128x1024xi32>
    %jit3A_30 = arith.constant 1024 : i32
    %broadcast_in_dim3A_31 = vector.broadcast %jit3A_30 : i32 to vector<128x1024xi32>
    %select_n3A_32 = arith.select %eq3A_29, %broadcast_in_dim3A_31, %select_n3A : vector<128x1024xi1>, vector<128x1024xi32>
    %reduce_min3A_33 = arith.constant dense<2147483647> : vector<128xi32>
    %reduce_min3A_34 = vector.multi_reduction <minsi>, %select_n3A_32, %reduce_min3A_33 [1] : vector<128x1024xi32> to vector<128xi32>
    %broadcast_in_dim3A_35 = vector.shape_cast %reduce_min3A_34 : vector<128xi32> to vector<128x1xi32>
    %lt3A = arith.constant 1024 : i32
    %lt3A_36 = vector.broadcast %lt3A : i32 to vector<128x1xi32>
    %lt3A_37 = arith.cmpi slt, %broadcast_in_dim3A_35, %lt3A_36 : vector<128x1xi32>
    %select_n3A_38 = arith.select %lt3A_37, %broadcast_in_dim3A_35, %min3A_28 : vector<128x1xi1>, vector<128x1xi32>
    %eq3A_39 = vector.broadcast %broadcast_in_dim3A_35 : vector<128x1xi32> to vector<128x1024xi32>
    %eq3A_40 = arith.cmpi eq, %select_n3A_32, %eq3A_39 : vector<128x1024xi32>
    %jit3A_41 = arith.constant 1024 : i32
    %broadcast_in_dim3A_42 = vector.broadcast %jit3A_41 : i32 to vector<128x1024xi32>
    %select_n3A_43 = arith.select %eq3A_40, %broadcast_in_dim3A_42, %select_n3A_32 : vector<128x1024xi1>, vector<128x1024xi32>
    %reduce_min3A_44 = arith.constant dense<2147483647> : vector<128xi32>
    %reduce_min3A_45 = vector.multi_reduction <minsi>, %select_n3A_43, %reduce_min3A_44 [1] : vector<128x1024xi32> to vector<128xi32>
    %broadcast_in_dim3A_46 = vector.shape_cast %reduce_min3A_45 : vector<128xi32> to vector<128x1xi32>
    %lt3A_47 = arith.constant 1024 : i32
    %lt3A_48 = vector.broadcast %lt3A_47 : i32 to vector<128x1xi32>
    %lt3A_49 = arith.cmpi slt, %broadcast_in_dim3A_46, %lt3A_48 : vector<128x1xi32>
    %select_n3A_50 = arith.select %lt3A_49, %broadcast_in_dim3A_46, %min3A_28 : vector<128x1xi1>, vector<128x1xi32>
    %eq3A_51 = vector.broadcast %broadcast_in_dim3A_46 : vector<128x1xi32> to vector<128x1024xi32>
    %eq3A_52 = arith.cmpi eq, %select_n3A_43, %eq3A_51 : vector<128x1024xi32>
    %jit3A_53 = arith.constant 1024 : i32
    %broadcast_in_dim3A_54 = vector.broadcast %jit3A_53 : i32 to vector<128x1024xi32>
    %select_n3A_55 = arith.select %eq3A_52, %broadcast_in_dim3A_54, %select_n3A_43 : vector<128x1024xi1>, vector<128x1024xi32>
    %reduce_min3A_56 = arith.constant dense<2147483647> : vector<128xi32>
    %reduce_min3A_57 = vector.multi_reduction <minsi>, %select_n3A_55, %reduce_min3A_56 [1] : vector<128x1024xi32> to vector<128xi32>
    %broadcast_in_dim3A_58 = vector.shape_cast %reduce_min3A_57 : vector<128xi32> to vector<128x1xi32>
    %lt3A_59 = arith.constant 1024 : i32
    %lt3A_60 = vector.broadcast %lt3A_59 : i32 to vector<128x1xi32>
    %lt3A_61 = arith.cmpi slt, %broadcast_in_dim3A_58, %lt3A_60 : vector<128x1xi32>
    %select_n3A_62 = arith.select %lt3A_61, %broadcast_in_dim3A_58, %min3A_28 : vector<128x1xi1>, vector<128x1xi32>
    %eq3A_63 = vector.broadcast %broadcast_in_dim3A_58 : vector<128x1xi32> to vector<128x1024xi32>
    %eq3A_64 = arith.cmpi eq, %select_n3A_55, %eq3A_63 : vector<128x1024xi32>
    %jit3A_65 = arith.constant 1024 : i32
    %broadcast_in_dim3A_66 = vector.broadcast %jit3A_65 : i32 to vector<128x1024xi32>
    %select_n3A_67 = arith.select %eq3A_64, %broadcast_in_dim3A_66, %select_n3A_55 : vector<128x1024xi1>, vector<128x1024xi32>
    %reduce_min3A_68 = arith.constant dense<2147483647> : vector<128xi32>
    %reduce_min3A_69 = vector.multi_reduction <minsi>, %select_n3A_67, %reduce_min3A_68 [1] : vector<128x1024xi32> to vector<128xi32>
    %broadcast_in_dim3A_70 = vector.shape_cast %reduce_min3A_69 : vector<128xi32> to vector<128x1xi32>
    %lt3A_71 = arith.constant 1024 : i32
    %lt3A_72 = vector.broadcast %lt3A_71 : i32 to vector<128x1xi32>
    %lt3A_73 = arith.cmpi slt, %broadcast_in_dim3A_70, %lt3A_72 : vector<128x1xi32>
    %select_n3A_74 = arith.select %lt3A_73, %broadcast_in_dim3A_70, %min3A_28 : vector<128x1xi1>, vector<128x1xi32>
    %eq3A_75 = vector.broadcast %broadcast_in_dim3A_70 : vector<128x1xi32> to vector<128x1024xi32>
    %eq3A_76 = arith.cmpi eq, %select_n3A_67, %eq3A_75 : vector<128x1024xi32>
    %jit3A_77 = arith.constant 1024 : i32
    %broadcast_in_dim3A_78 = vector.broadcast %jit3A_77 : i32 to vector<128x1024xi32>
    %select_n3A_79 = arith.select %eq3A_76, %broadcast_in_dim3A_78, %select_n3A_67 : vector<128x1024xi1>, vector<128x1024xi32>
    %reduce_min3A_80 = arith.constant dense<2147483647> : vector<128xi32>
    %reduce_min3A_81 = vector.multi_reduction <minsi>, %select_n3A_79, %reduce_min3A_80 [1] : vector<128x1024xi32> to vector<128xi32>
    %broadcast_in_dim3A_82 = vector.shape_cast %reduce_min3A_81 : vector<128xi32> to vector<128x1xi32>
    %lt3A_83 = arith.constant 1024 : i32
    %lt3A_84 = vector.broadcast %lt3A_83 : i32 to vector<128x1xi32>
    %lt3A_85 = arith.cmpi slt, %broadcast_in_dim3A_82, %lt3A_84 : vector<128x1xi32>
    %select_n3A_86 = arith.select %lt3A_85, %broadcast_in_dim3A_82, %min3A_28 : vector<128x1xi1>, vector<128x1xi32>
    %eq3A_87 = vector.broadcast %broadcast_in_dim3A_82 : vector<128x1xi32> to vector<128x1024xi32>
    %eq3A_88 = arith.cmpi eq, %select_n3A_79, %eq3A_87 : vector<128x1024xi32>
    %jit3A_89 = arith.constant 1024 : i32
    %broadcast_in_dim3A_90 = vector.broadcast %jit3A_89 : i32 to vector<128x1024xi32>
    %select_n3A_91 = arith.select %eq3A_88, %broadcast_in_dim3A_90, %select_n3A_79 : vector<128x1024xi1>, vector<128x1024xi32>
    %reduce_min3A_92 = arith.constant dense<2147483647> : vector<128xi32>
    %reduce_min3A_93 = vector.multi_reduction <minsi>, %select_n3A_91, %reduce_min3A_92 [1] : vector<128x1024xi32> to vector<128xi32>
    %broadcast_in_dim3A_94 = vector.shape_cast %reduce_min3A_93 : vector<128xi32> to vector<128x1xi32>
    %lt3A_95 = arith.constant 1024 : i32
    %lt3A_96 = vector.broadcast %lt3A_95 : i32 to vector<128x1xi32>
    %lt3A_97 = arith.cmpi slt, %broadcast_in_dim3A_94, %lt3A_96 : vector<128x1xi32>
    %select_n3A_98 = arith.select %lt3A_97, %broadcast_in_dim3A_94, %min3A_28 : vector<128x1xi1>, vector<128x1xi32>
    %eq3A_99 = vector.broadcast %broadcast_in_dim3A_94 : vector<128x1xi32> to vector<128x1024xi32>
    %eq3A_100 = arith.cmpi eq, %select_n3A_91, %eq3A_99 : vector<128x1024xi32>
    %jit3A_101 = arith.constant 1024 : i32
    %broadcast_in_dim3A_102 = vector.broadcast %jit3A_101 : i32 to vector<128x1024xi32>
    %select_n3A_103 = arith.select %eq3A_100, %broadcast_in_dim3A_102, %select_n3A_91 : vector<128x1024xi1>, vector<128x1024xi32>
    %reduce_min3A_104 = arith.constant dense<2147483647> : vector<128xi32>
    %reduce_min3A_105 = vector.multi_reduction <minsi>, %select_n3A_103, %reduce_min3A_104 [1] : vector<128x1024xi32> to vector<128xi32>
    %broadcast_in_dim3A_106 = vector.shape_cast %reduce_min3A_105 : vector<128xi32> to vector<128x1xi32>
    %lt3A_107 = arith.constant 1024 : i32
    %lt3A_108 = vector.broadcast %lt3A_107 : i32 to vector<128x1xi32>
    %lt3A_109 = arith.cmpi slt, %broadcast_in_dim3A_106, %lt3A_108 : vector<128x1xi32>
    %select_n3A_110 = arith.select %lt3A_109, %broadcast_in_dim3A_106, %min3A_28 : vector<128x1xi1>, vector<128x1xi32>
    %eq3A_111 = vector.broadcast %broadcast_in_dim3A_106 : vector<128x1xi32> to vector<128x1024xi32>
    %eq3A_112 = arith.cmpi eq, %select_n3A_103, %eq3A_111 : vector<128x1024xi32>
    %jit3A_113 = arith.constant 1024 : i32
    %broadcast_in_dim3A_114 = vector.broadcast %jit3A_113 : i32 to vector<128x1024xi32>
    %select_n3A_115 = arith.select %eq3A_112, %broadcast_in_dim3A_114, %select_n3A_103 : vector<128x1024xi1>, vector<128x1024xi32>
    %reduce_min3A_116 = arith.constant dense<2147483647> : vector<128xi32>
    %reduce_min3A_117 = vector.multi_reduction <minsi>, %select_n3A_115, %reduce_min3A_116 [1] : vector<128x1024xi32> to vector<128xi32>
    %broadcast_in_dim3A_118 = vector.shape_cast %reduce_min3A_117 : vector<128xi32> to vector<128x1xi32>
    %lt3A_119 = arith.constant 1024 : i32
    %lt3A_120 = vector.broadcast %lt3A_119 : i32 to vector<128x1xi32>
    %lt3A_121 = arith.cmpi slt, %broadcast_in_dim3A_118, %lt3A_120 : vector<128x1xi32>
    %select_n3A_122 = arith.select %lt3A_121, %broadcast_in_dim3A_118, %min3A_28 : vector<128x1xi1>, vector<128x1xi32>
    %eq3A_123 = vector.broadcast %broadcast_in_dim3A_118 : vector<128x1xi32> to vector<128x1024xi32>
    %eq3A_124 = arith.cmpi eq, %select_n3A_115, %eq3A_123 : vector<128x1024xi32>
    %jit3A_125 = arith.constant 1024 : i32
    %broadcast_in_dim3A_126 = vector.broadcast %jit3A_125 : i32 to vector<128x1024xi32>
    %select_n3A_127 = arith.select %eq3A_124, %broadcast_in_dim3A_126, %select_n3A_115 : vector<128x1024xi1>, vector<128x1024xi32>
    %reduce_min3A_128 = arith.constant dense<2147483647> : vector<128xi32>
    %reduce_min3A_129 = vector.multi_reduction <minsi>, %select_n3A_127, %reduce_min3A_128 [1] : vector<128x1024xi32> to vector<128xi32>
    %broadcast_in_dim3A_130 = vector.shape_cast %reduce_min3A_129 : vector<128xi32> to vector<128x1xi32>
    %lt3A_131 = arith.constant 1024 : i32
    %lt3A_132 = vector.broadcast %lt3A_131 : i32 to vector<128x1xi32>
    %lt3A_133 = arith.cmpi slt, %broadcast_in_dim3A_130, %lt3A_132 : vector<128x1xi32>
    %select_n3A_134 = arith.select %lt3A_133, %broadcast_in_dim3A_130, %min3A_28 : vector<128x1xi1>, vector<128x1xi32>
    %eq3A_135 = vector.broadcast %broadcast_in_dim3A_130 : vector<128x1xi32> to vector<128x1024xi32>
    %eq3A_136 = arith.cmpi eq, %select_n3A_127, %eq3A_135 : vector<128x1024xi32>
    %jit3A_137 = arith.constant 1024 : i32
    %broadcast_in_dim3A_138 = vector.broadcast %jit3A_137 : i32 to vector<128x1024xi32>
    %select_n3A_139 = arith.select %eq3A_136, %broadcast_in_dim3A_138, %select_n3A_127 : vector<128x1024xi1>, vector<128x1024xi32>
    %reduce_min3A_140 = arith.constant dense<2147483647> : vector<128xi32>
    %reduce_min3A_141 = vector.multi_reduction <minsi>, %select_n3A_139, %reduce_min3A_140 [1] : vector<128x1024xi32> to vector<128xi32>
    %broadcast_in_dim3A_142 = vector.shape_cast %reduce_min3A_141 : vector<128xi32> to vector<128x1xi32>
    %lt3A_143 = arith.constant 1024 : i32
    %lt3A_144 = vector.broadcast %lt3A_143 : i32 to vector<128x1xi32>
    %lt3A_145 = arith.cmpi slt, %broadcast_in_dim3A_142, %lt3A_144 : vector<128x1xi32>
    %select_n3A_146 = arith.select %lt3A_145, %broadcast_in_dim3A_142, %min3A_28 : vector<128x1xi1>, vector<128x1xi32>
    %eq3A_147 = vector.broadcast %broadcast_in_dim3A_142 : vector<128x1xi32> to vector<128x1024xi32>
    %eq3A_148 = arith.cmpi eq, %select_n3A_139, %eq3A_147 : vector<128x1024xi32>
    %jit3A_149 = arith.constant 1024 : i32
    %broadcast_in_dim3A_150 = vector.broadcast %jit3A_149 : i32 to vector<128x1024xi32>
    %select_n3A_151 = arith.select %eq3A_148, %broadcast_in_dim3A_150, %select_n3A_139 : vector<128x1024xi1>, vector<128x1024xi32>
    %reduce_min3A_152 = arith.constant dense<2147483647> : vector<128xi32>
    %reduce_min3A_153 = vector.multi_reduction <minsi>, %select_n3A_151, %reduce_min3A_152 [1] : vector<128x1024xi32> to vector<128xi32>
    %broadcast_in_dim3A_154 = vector.shape_cast %reduce_min3A_153 : vector<128xi32> to vector<128x1xi32>
    %lt3A_155 = arith.constant 1024 : i32
    %lt3A_156 = vector.broadcast %lt3A_155 : i32 to vector<128x1xi32>
    %lt3A_157 = arith.cmpi slt, %broadcast_in_dim3A_154, %lt3A_156 : vector<128x1xi32>
    %select_n3A_158 = arith.select %lt3A_157, %broadcast_in_dim3A_154, %min3A_28 : vector<128x1xi1>, vector<128x1xi32>
    %eq3A_159 = vector.broadcast %broadcast_in_dim3A_154 : vector<128x1xi32> to vector<128x1024xi32>
    %eq3A_160 = arith.cmpi eq, %select_n3A_151, %eq3A_159 : vector<128x1024xi32>
    %jit3A_161 = arith.constant 1024 : i32
    %broadcast_in_dim3A_162 = vector.broadcast %jit3A_161 : i32 to vector<128x1024xi32>
    %select_n3A_163 = arith.select %eq3A_160, %broadcast_in_dim3A_162, %select_n3A_151 : vector<128x1024xi1>, vector<128x1024xi32>
    %reduce_min3A_164 = arith.constant dense<2147483647> : vector<128xi32>
    %reduce_min3A_165 = vector.multi_reduction <minsi>, %select_n3A_163, %reduce_min3A_164 [1] : vector<128x1024xi32> to vector<128xi32>
    %broadcast_in_dim3A_166 = vector.shape_cast %reduce_min3A_165 : vector<128xi32> to vector<128x1xi32>
    %lt3A_167 = arith.constant 1024 : i32
    %lt3A_168 = vector.broadcast %lt3A_167 : i32 to vector<128x1xi32>
    %lt3A_169 = arith.cmpi slt, %broadcast_in_dim3A_166, %lt3A_168 : vector<128x1xi32>
    %select_n3A_170 = arith.select %lt3A_169, %broadcast_in_dim3A_166, %min3A_28 : vector<128x1xi1>, vector<128x1xi32>
    %eq3A_171 = vector.broadcast %broadcast_in_dim3A_166 : vector<128x1xi32> to vector<128x1024xi32>
    %eq3A_172 = arith.cmpi eq, %select_n3A_163, %eq3A_171 : vector<128x1024xi32>
    %jit3A_173 = arith.constant 1024 : i32
    %broadcast_in_dim3A_174 = vector.broadcast %jit3A_173 : i32 to vector<128x1024xi32>
    %select_n3A_175 = arith.select %eq3A_172, %broadcast_in_dim3A_174, %select_n3A_163 : vector<128x1024xi1>, vector<128x1024xi32>
    %reduce_min3A_176 = arith.constant dense<2147483647> : vector<128xi32>
    %reduce_min3A_177 = vector.multi_reduction <minsi>, %select_n3A_175, %reduce_min3A_176 [1] : vector<128x1024xi32> to vector<128xi32>
    %broadcast_in_dim3A_178 = vector.shape_cast %reduce_min3A_177 : vector<128xi32> to vector<128x1xi32>
    %lt3A_179 = arith.constant 1024 : i32
    %lt3A_180 = vector.broadcast %lt3A_179 : i32 to vector<128x1xi32>
    %lt3A_181 = arith.cmpi slt, %broadcast_in_dim3A_178, %lt3A_180 : vector<128x1xi32>
    %select_n3A_182 = arith.select %lt3A_181, %broadcast_in_dim3A_178, %min3A_28 : vector<128x1xi1>, vector<128x1xi32>
    %eq3A_183 = vector.broadcast %broadcast_in_dim3A_178 : vector<128x1xi32> to vector<128x1024xi32>
    %eq3A_184 = arith.cmpi eq, %select_n3A_175, %eq3A_183 : vector<128x1024xi32>
    %jit3A_185 = arith.constant 1024 : i32
    %broadcast_in_dim3A_186 = vector.broadcast %jit3A_185 : i32 to vector<128x1024xi32>
    %select_n3A_187 = arith.select %eq3A_184, %broadcast_in_dim3A_186, %select_n3A_175 : vector<128x1024xi1>, vector<128x1024xi32>
    %reduce_min3A_188 = arith.constant dense<2147483647> : vector<128xi32>
    %reduce_min3A_189 = vector.multi_reduction <minsi>, %select_n3A_187, %reduce_min3A_188 [1] : vector<128x1024xi32> to vector<128xi32>
    %broadcast_in_dim3A_190 = vector.shape_cast %reduce_min3A_189 : vector<128xi32> to vector<128x1xi32>
    %lt3A_191 = arith.constant 1024 : i32
    %lt3A_192 = vector.broadcast %lt3A_191 : i32 to vector<128x1xi32>
    %lt3A_193 = arith.cmpi slt, %broadcast_in_dim3A_190, %lt3A_192 : vector<128x1xi32>
    %select_n3A_194 = arith.select %lt3A_193, %broadcast_in_dim3A_190, %min3A_28 : vector<128x1xi1>, vector<128x1xi32>
    %eq3A_195 = vector.broadcast %broadcast_in_dim3A_190 : vector<128x1xi32> to vector<128x1024xi32>
    %eq3A_196 = arith.cmpi eq, %select_n3A_187, %eq3A_195 : vector<128x1024xi32>
    %jit3A_197 = arith.constant 1024 : i32
    %broadcast_in_dim3A_198 = vector.broadcast %jit3A_197 : i32 to vector<128x1024xi32>
    %select_n3A_199 = arith.select %eq3A_196, %broadcast_in_dim3A_198, %select_n3A_187 : vector<128x1024xi1>, vector<128x1024xi32>
    %reduce_min3A_200 = arith.constant dense<2147483647> : vector<128xi32>
    %reduce_min3A_201 = vector.multi_reduction <minsi>, %select_n3A_199, %reduce_min3A_200 [1] : vector<128x1024xi32> to vector<128xi32>
    %broadcast_in_dim3A_202 = vector.shape_cast %reduce_min3A_201 : vector<128xi32> to vector<128x1xi32>
    %lt3A_203 = arith.constant 1024 : i32
    %lt3A_204 = vector.broadcast %lt3A_203 : i32 to vector<128x1xi32>
    %lt3A_205 = arith.cmpi slt, %broadcast_in_dim3A_202, %lt3A_204 : vector<128x1xi32>
    %select_n3A_206 = arith.select %lt3A_205, %broadcast_in_dim3A_202, %min3A_28 : vector<128x1xi1>, vector<128x1xi32>
    %eq3A_207 = vector.broadcast %broadcast_in_dim3A_202 : vector<128x1xi32> to vector<128x1024xi32>
    %eq3A_208 = arith.cmpi eq, %select_n3A_199, %eq3A_207 : vector<128x1024xi32>
    %jit3A_209 = arith.constant 1024 : i32
    %broadcast_in_dim3A_210 = vector.broadcast %jit3A_209 : i32 to vector<128x1024xi32>
    %select_n3A_211 = arith.select %eq3A_208, %broadcast_in_dim3A_210, %select_n3A_199 : vector<128x1024xi1>, vector<128x1024xi32>
    %reduce_min3A_212 = arith.constant dense<2147483647> : vector<128xi32>
    %reduce_min3A_213 = vector.multi_reduction <minsi>, %select_n3A_211, %reduce_min3A_212 [1] : vector<128x1024xi32> to vector<128xi32>
    %broadcast_in_dim3A_214 = vector.shape_cast %reduce_min3A_213 : vector<128xi32> to vector<128x1xi32>
    %lt3A_215 = arith.constant 1024 : i32
    %lt3A_216 = vector.broadcast %lt3A_215 : i32 to vector<128x1xi32>
    %lt3A_217 = arith.cmpi slt, %broadcast_in_dim3A_214, %lt3A_216 : vector<128x1xi32>
    %select_n3A_218 = arith.select %lt3A_217, %broadcast_in_dim3A_214, %min3A_28 : vector<128x1xi1>, vector<128x1xi32>
    %eq3A_219 = vector.broadcast %broadcast_in_dim3A_214 : vector<128x1xi32> to vector<128x1024xi32>
    %eq3A_220 = arith.cmpi eq, %select_n3A_211, %eq3A_219 : vector<128x1024xi32>
    %jit3A_221 = arith.constant 1024 : i32
    %broadcast_in_dim3A_222 = vector.broadcast %jit3A_221 : i32 to vector<128x1024xi32>
    %select_n3A_223 = arith.select %eq3A_220, %broadcast_in_dim3A_222, %select_n3A_211 : vector<128x1024xi1>, vector<128x1024xi32>
    %reduce_min3A_224 = arith.constant dense<2147483647> : vector<128xi32>
    %reduce_min3A_225 = vector.multi_reduction <minsi>, %select_n3A_223, %reduce_min3A_224 [1] : vector<128x1024xi32> to vector<128xi32>
    %broadcast_in_dim3A_226 = vector.shape_cast %reduce_min3A_225 : vector<128xi32> to vector<128x1xi32>
    %lt3A_227 = arith.constant 1024 : i32
    %lt3A_228 = vector.broadcast %lt3A_227 : i32 to vector<128x1xi32>
    %lt3A_229 = arith.cmpi slt, %broadcast_in_dim3A_226, %lt3A_228 : vector<128x1xi32>
    %select_n3A_230 = arith.select %lt3A_229, %broadcast_in_dim3A_226, %min3A_28 : vector<128x1xi1>, vector<128x1xi32>
    %eq3A_231 = vector.broadcast %broadcast_in_dim3A_226 : vector<128x1xi32> to vector<128x1024xi32>
    %eq3A_232 = arith.cmpi eq, %select_n3A_223, %eq3A_231 : vector<128x1024xi32>
    %jit3A_233 = arith.constant 1024 : i32
    %broadcast_in_dim3A_234 = vector.broadcast %jit3A_233 : i32 to vector<128x1024xi32>
    %select_n3A_235 = arith.select %eq3A_232, %broadcast_in_dim3A_234, %select_n3A_223 : vector<128x1024xi1>, vector<128x1024xi32>
    %reduce_min3A_236 = arith.constant dense<2147483647> : vector<128xi32>
    %reduce_min3A_237 = vector.multi_reduction <minsi>, %select_n3A_235, %reduce_min3A_236 [1] : vector<128x1024xi32> to vector<128xi32>
    %broadcast_in_dim3A_238 = vector.shape_cast %reduce_min3A_237 : vector<128xi32> to vector<128x1xi32>
    %lt3A_239 = arith.constant 1024 : i32
    %lt3A_240 = vector.broadcast %lt3A_239 : i32 to vector<128x1xi32>
    %lt3A_241 = arith.cmpi slt, %broadcast_in_dim3A_238, %lt3A_240 : vector<128x1xi32>
    %select_n3A_242 = arith.select %lt3A_241, %broadcast_in_dim3A_238, %min3A_28 : vector<128x1xi1>, vector<128x1xi32>
    %eq3A_243 = vector.broadcast %broadcast_in_dim3A_238 : vector<128x1xi32> to vector<128x1024xi32>
    %eq3A_244 = arith.cmpi eq, %select_n3A_235, %eq3A_243 : vector<128x1024xi32>
    %jit3A_245 = arith.constant 1024 : i32
    %broadcast_in_dim3A_246 = vector.broadcast %jit3A_245 : i32 to vector<128x1024xi32>
    %select_n3A_247 = arith.select %eq3A_244, %broadcast_in_dim3A_246, %select_n3A_235 : vector<128x1024xi1>, vector<128x1024xi32>
    %reduce_min3A_248 = arith.constant dense<2147483647> : vector<128xi32>
    %reduce_min3A_249 = vector.multi_reduction <minsi>, %select_n3A_247, %reduce_min3A_248 [1] : vector<128x1024xi32> to vector<128xi32>
    %broadcast_in_dim3A_250 = vector.shape_cast %reduce_min3A_249 : vector<128xi32> to vector<128x1xi32>
    %lt3A_251 = arith.constant 1024 : i32
    %lt3A_252 = vector.broadcast %lt3A_251 : i32 to vector<128x1xi32>
    %lt3A_253 = arith.cmpi slt, %broadcast_in_dim3A_250, %lt3A_252 : vector<128x1xi32>
    %select_n3A_254 = arith.select %lt3A_253, %broadcast_in_dim3A_250, %min3A_28 : vector<128x1xi1>, vector<128x1xi32>
    %eq3A_255 = vector.broadcast %broadcast_in_dim3A_250 : vector<128x1xi32> to vector<128x1024xi32>
    %eq3A_256 = arith.cmpi eq, %select_n3A_247, %eq3A_255 : vector<128x1024xi32>
    %jit3A_257 = arith.constant 1024 : i32
    %broadcast_in_dim3A_258 = vector.broadcast %jit3A_257 : i32 to vector<128x1024xi32>
    %select_n3A_259 = arith.select %eq3A_256, %broadcast_in_dim3A_258, %select_n3A_247 : vector<128x1024xi1>, vector<128x1024xi32>
    %reduce_min3A_260 = arith.constant dense<2147483647> : vector<128xi32>
    %reduce_min3A_261 = vector.multi_reduction <minsi>, %select_n3A_259, %reduce_min3A_260 [1] : vector<128x1024xi32> to vector<128xi32>
    %broadcast_in_dim3A_262 = vector.shape_cast %reduce_min3A_261 : vector<128xi32> to vector<128x1xi32>
    %lt3A_263 = arith.constant 1024 : i32
    %lt3A_264 = vector.broadcast %lt3A_263 : i32 to vector<128x1xi32>
    %lt3A_265 = arith.cmpi slt, %broadcast_in_dim3A_262, %lt3A_264 : vector<128x1xi32>
    %select_n3A_266 = arith.select %lt3A_265, %broadcast_in_dim3A_262, %min3A_28 : vector<128x1xi1>, vector<128x1xi32>
    %eq3A_267 = vector.broadcast %broadcast_in_dim3A_262 : vector<128x1xi32> to vector<128x1024xi32>
    %eq3A_268 = arith.cmpi eq, %select_n3A_259, %eq3A_267 : vector<128x1024xi32>
    %jit3A_269 = arith.constant 1024 : i32
    %broadcast_in_dim3A_270 = vector.broadcast %jit3A_269 : i32 to vector<128x1024xi32>
    %select_n3A_271 = arith.select %eq3A_268, %broadcast_in_dim3A_270, %select_n3A_259 : vector<128x1024xi1>, vector<128x1024xi32>
    %reduce_min3A_272 = arith.constant dense<2147483647> : vector<128xi32>
    %reduce_min3A_273 = vector.multi_reduction <minsi>, %select_n3A_271, %reduce_min3A_272 [1] : vector<128x1024xi32> to vector<128xi32>
    %broadcast_in_dim3A_274 = vector.shape_cast %reduce_min3A_273 : vector<128xi32> to vector<128x1xi32>
    %lt3A_275 = arith.constant 1024 : i32
    %lt3A_276 = vector.broadcast %lt3A_275 : i32 to vector<128x1xi32>
    %lt3A_277 = arith.cmpi slt, %broadcast_in_dim3A_274, %lt3A_276 : vector<128x1xi32>
    %select_n3A_278 = arith.select %lt3A_277, %broadcast_in_dim3A_274, %min3A_28 : vector<128x1xi1>, vector<128x1xi32>
    %eq3A_279 = vector.broadcast %broadcast_in_dim3A_274 : vector<128x1xi32> to vector<128x1024xi32>
    %eq3A_280 = arith.cmpi eq, %select_n3A_271, %eq3A_279 : vector<128x1024xi32>
    %jit3A_281 = arith.constant 1024 : i32
    %broadcast_in_dim3A_282 = vector.broadcast %jit3A_281 : i32 to vector<128x1024xi32>
    %select_n3A_283 = arith.select %eq3A_280, %broadcast_in_dim3A_282, %select_n3A_271 : vector<128x1024xi1>, vector<128x1024xi32>
    %reduce_min3A_284 = arith.constant dense<2147483647> : vector<128xi32>
    %reduce_min3A_285 = vector.multi_reduction <minsi>, %select_n3A_283, %reduce_min3A_284 [1] : vector<128x1024xi32> to vector<128xi32>
    %broadcast_in_dim3A_286 = vector.shape_cast %reduce_min3A_285 : vector<128xi32> to vector<128x1xi32>
    %lt3A_287 = arith.constant 1024 : i32
    %lt3A_288 = vector.broadcast %lt3A_287 : i32 to vector<128x1xi32>
    %lt3A_289 = arith.cmpi slt, %broadcast_in_dim3A_286, %lt3A_288 : vector<128x1xi32>
    %select_n3A_290 = arith.select %lt3A_289, %broadcast_in_dim3A_286, %min3A_28 : vector<128x1xi1>, vector<128x1xi32>
    %eq3A_291 = vector.broadcast %broadcast_in_dim3A_286 : vector<128x1xi32> to vector<128x1024xi32>
    %eq3A_292 = arith.cmpi eq, %select_n3A_283, %eq3A_291 : vector<128x1024xi32>
    %jit3A_293 = arith.constant 1024 : i32
    %broadcast_in_dim3A_294 = vector.broadcast %jit3A_293 : i32 to vector<128x1024xi32>
    %select_n3A_295 = arith.select %eq3A_292, %broadcast_in_dim3A_294, %select_n3A_283 : vector<128x1024xi1>, vector<128x1024xi32>
    %reduce_min3A_296 = arith.constant dense<2147483647> : vector<128xi32>
    %reduce_min3A_297 = vector.multi_reduction <minsi>, %select_n3A_295, %reduce_min3A_296 [1] : vector<128x1024xi32> to vector<128xi32>
    %broadcast_in_dim3A_298 = vector.shape_cast %reduce_min3A_297 : vector<128xi32> to vector<128x1xi32>
    %lt3A_299 = arith.constant 1024 : i32
    %lt3A_300 = vector.broadcast %lt3A_299 : i32 to vector<128x1xi32>
    %lt3A_301 = arith.cmpi slt, %broadcast_in_dim3A_298, %lt3A_300 : vector<128x1xi32>
    %select_n3A_302 = arith.select %lt3A_301, %broadcast_in_dim3A_298, %min3A_28 : vector<128x1xi1>, vector<128x1xi32>
    %eq3A_303 = vector.broadcast %broadcast_in_dim3A_298 : vector<128x1xi32> to vector<128x1024xi32>
    %eq3A_304 = arith.cmpi eq, %select_n3A_295, %eq3A_303 : vector<128x1024xi32>
    %jit3A_305 = arith.constant 1024 : i32
    %broadcast_in_dim3A_306 = vector.broadcast %jit3A_305 : i32 to vector<128x1024xi32>
    %select_n3A_307 = arith.select %eq3A_304, %broadcast_in_dim3A_306, %select_n3A_295 : vector<128x1024xi1>, vector<128x1024xi32>
    %reduce_min3A_308 = arith.constant dense<2147483647> : vector<128xi32>
    %reduce_min3A_309 = vector.multi_reduction <minsi>, %select_n3A_307, %reduce_min3A_308 [1] : vector<128x1024xi32> to vector<128xi32>
    %broadcast_in_dim3A_310 = vector.shape_cast %reduce_min3A_309 : vector<128xi32> to vector<128x1xi32>
    %lt3A_311 = arith.constant 1024 : i32
    %lt3A_312 = vector.broadcast %lt3A_311 : i32 to vector<128x1xi32>
    %lt3A_313 = arith.cmpi slt, %broadcast_in_dim3A_310, %lt3A_312 : vector<128x1xi32>
    %select_n3A_314 = arith.select %lt3A_313, %broadcast_in_dim3A_310, %min3A_28 : vector<128x1xi1>, vector<128x1xi32>
    %eq3A_315 = vector.broadcast %broadcast_in_dim3A_310 : vector<128x1xi32> to vector<128x1024xi32>
    %eq3A_316 = arith.cmpi eq, %select_n3A_307, %eq3A_315 : vector<128x1024xi32>
    %jit3A_317 = arith.constant 1024 : i32
    %broadcast_in_dim3A_318 = vector.broadcast %jit3A_317 : i32 to vector<128x1024xi32>
    %select_n3A_319 = arith.select %eq3A_316, %broadcast_in_dim3A_318, %select_n3A_307 : vector<128x1024xi1>, vector<128x1024xi32>
    %reduce_min3A_320 = arith.constant dense<2147483647> : vector<128xi32>
    %reduce_min3A_321 = vector.multi_reduction <minsi>, %select_n3A_319, %reduce_min3A_320 [1] : vector<128x1024xi32> to vector<128xi32>
    %broadcast_in_dim3A_322 = vector.shape_cast %reduce_min3A_321 : vector<128xi32> to vector<128x1xi32>
    %lt3A_323 = arith.constant 1024 : i32
    %lt3A_324 = vector.broadcast %lt3A_323 : i32 to vector<128x1xi32>
    %lt3A_325 = arith.cmpi slt, %broadcast_in_dim3A_322, %lt3A_324 : vector<128x1xi32>
    %select_n3A_326 = arith.select %lt3A_325, %broadcast_in_dim3A_322, %min3A_28 : vector<128x1xi1>, vector<128x1xi32>
    %eq3A_327 = vector.broadcast %broadcast_in_dim3A_322 : vector<128x1xi32> to vector<128x1024xi32>
    %eq3A_328 = arith.cmpi eq, %select_n3A_319, %eq3A_327 : vector<128x1024xi32>
    %jit3A_329 = arith.constant 1024 : i32
    %broadcast_in_dim3A_330 = vector.broadcast %jit3A_329 : i32 to vector<128x1024xi32>
    %select_n3A_331 = arith.select %eq3A_328, %broadcast_in_dim3A_330, %select_n3A_319 : vector<128x1024xi1>, vector<128x1024xi32>
    %reduce_min3A_332 = arith.constant dense<2147483647> : vector<128xi32>
    %reduce_min3A_333 = vector.multi_reduction <minsi>, %select_n3A_331, %reduce_min3A_332 [1] : vector<128x1024xi32> to vector<128xi32>
    %broadcast_in_dim3A_334 = vector.shape_cast %reduce_min3A_333 : vector<128xi32> to vector<128x1xi32>
    %lt3A_335 = arith.constant 1024 : i32
    %lt3A_336 = vector.broadcast %lt3A_335 : i32 to vector<128x1xi32>
    %lt3A_337 = arith.cmpi slt, %broadcast_in_dim3A_334, %lt3A_336 : vector<128x1xi32>
    %select_n3A_338 = arith.select %lt3A_337, %broadcast_in_dim3A_334, %min3A_28 : vector<128x1xi1>, vector<128x1xi32>
    %eq3A_339 = vector.broadcast %broadcast_in_dim3A_334 : vector<128x1xi32> to vector<128x1024xi32>
    %eq3A_340 = arith.cmpi eq, %select_n3A_331, %eq3A_339 : vector<128x1024xi32>
    %jit3A_341 = arith.constant 1024 : i32
    %broadcast_in_dim3A_342 = vector.broadcast %jit3A_341 : i32 to vector<128x1024xi32>
    %select_n3A_343 = arith.select %eq3A_340, %broadcast_in_dim3A_342, %select_n3A_331 : vector<128x1024xi1>, vector<128x1024xi32>
    %reduce_min3A_344 = arith.constant dense<2147483647> : vector<128xi32>
    %reduce_min3A_345 = vector.multi_reduction <minsi>, %select_n3A_343, %reduce_min3A_344 [1] : vector<128x1024xi32> to vector<128xi32>
    %broadcast_in_dim3A_346 = vector.shape_cast %reduce_min3A_345 : vector<128xi32> to vector<128x1xi32>
    %lt3A_347 = arith.constant 1024 : i32
    %lt3A_348 = vector.broadcast %lt3A_347 : i32 to vector<128x1xi32>
    %lt3A_349 = arith.cmpi slt, %broadcast_in_dim3A_346, %lt3A_348 : vector<128x1xi32>
    %select_n3A_350 = arith.select %lt3A_349, %broadcast_in_dim3A_346, %min3A_28 : vector<128x1xi1>, vector<128x1xi32>
    %eq3A_351 = vector.broadcast %broadcast_in_dim3A_346 : vector<128x1xi32> to vector<128x1024xi32>
    %eq3A_352 = arith.cmpi eq, %select_n3A_343, %eq3A_351 : vector<128x1024xi32>
    %jit3A_353 = arith.constant 1024 : i32
    %broadcast_in_dim3A_354 = vector.broadcast %jit3A_353 : i32 to vector<128x1024xi32>
    %select_n3A_355 = arith.select %eq3A_352, %broadcast_in_dim3A_354, %select_n3A_343 : vector<128x1024xi1>, vector<128x1024xi32>
    %reduce_min3A_356 = arith.constant dense<2147483647> : vector<128xi32>
    %reduce_min3A_357 = vector.multi_reduction <minsi>, %select_n3A_355, %reduce_min3A_356 [1] : vector<128x1024xi32> to vector<128xi32>
    %broadcast_in_dim3A_358 = vector.shape_cast %reduce_min3A_357 : vector<128xi32> to vector<128x1xi32>
    %lt3A_359 = arith.constant 1024 : i32
    %lt3A_360 = vector.broadcast %lt3A_359 : i32 to vector<128x1xi32>
    %lt3A_361 = arith.cmpi slt, %broadcast_in_dim3A_358, %lt3A_360 : vector<128x1xi32>
    %select_n3A_362 = arith.select %lt3A_361, %broadcast_in_dim3A_358, %min3A_28 : vector<128x1xi1>, vector<128x1xi32>
    %eq3A_363 = vector.broadcast %broadcast_in_dim3A_358 : vector<128x1xi32> to vector<128x1024xi32>
    %eq3A_364 = arith.cmpi eq, %select_n3A_355, %eq3A_363 : vector<128x1024xi32>
    %jit3A_365 = arith.constant 1024 : i32
    %broadcast_in_dim3A_366 = vector.broadcast %jit3A_365 : i32 to vector<128x1024xi32>
    %select_n3A_367 = arith.select %eq3A_364, %broadcast_in_dim3A_366, %select_n3A_355 : vector<128x1024xi1>, vector<128x1024xi32>
    %reduce_min3A_368 = arith.constant dense<2147483647> : vector<128xi32>
    %reduce_min3A_369 = vector.multi_reduction <minsi>, %select_n3A_367, %reduce_min3A_368 [1] : vector<128x1024xi32> to vector<128xi32>
    %broadcast_in_dim3A_370 = vector.shape_cast %reduce_min3A_369 : vector<128xi32> to vector<128x1xi32>
    %lt3A_371 = arith.constant 1024 : i32
    %lt3A_372 = vector.broadcast %lt3A_371 : i32 to vector<128x1xi32>
    %lt3A_373 = arith.cmpi slt, %broadcast_in_dim3A_370, %lt3A_372 : vector<128x1xi32>
    %select_n3A_374 = arith.select %lt3A_373, %broadcast_in_dim3A_370, %min3A_28 : vector<128x1xi1>, vector<128x1xi32>
    %eq3A_375 = vector.broadcast %broadcast_in_dim3A_370 : vector<128x1xi32> to vector<128x1024xi32>
    %eq3A_376 = arith.cmpi eq, %select_n3A_367, %eq3A_375 : vector<128x1024xi32>
    %jit3A_377 = arith.constant 1024 : i32
    %broadcast_in_dim3A_378 = vector.broadcast %jit3A_377 : i32 to vector<128x1024xi32>
    %select_n3A_379 = arith.select %eq3A_376, %broadcast_in_dim3A_378, %select_n3A_367 : vector<128x1024xi1>, vector<128x1024xi32>
    %reduce_min3A_380 = arith.constant dense<2147483647> : vector<128xi32>
    %reduce_min3A_381 = vector.multi_reduction <minsi>, %select_n3A_379, %reduce_min3A_380 [1] : vector<128x1024xi32> to vector<128xi32>
    %broadcast_in_dim3A_382 = vector.shape_cast %reduce_min3A_381 : vector<128xi32> to vector<128x1xi32>
    %lt3A_383 = arith.constant 1024 : i32
    %lt3A_384 = vector.broadcast %lt3A_383 : i32 to vector<128x1xi32>
    %lt3A_385 = arith.cmpi slt, %broadcast_in_dim3A_382, %lt3A_384 : vector<128x1xi32>
    %select_n3A_386 = arith.select %lt3A_385, %broadcast_in_dim3A_382, %min3A_28 : vector<128x1xi1>, vector<128x1xi32>
    %eq3A_387 = vector.broadcast %broadcast_in_dim3A_382 : vector<128x1xi32> to vector<128x1024xi32>
    %eq3A_388 = arith.cmpi eq, %select_n3A_379, %eq3A_387 : vector<128x1024xi32>
    %jit3A_389 = arith.constant 1024 : i32
    %broadcast_in_dim3A_390 = vector.broadcast %jit3A_389 : i32 to vector<128x1024xi32>
    %select_n3A_391 = arith.select %eq3A_388, %broadcast_in_dim3A_390, %select_n3A_379 : vector<128x1024xi1>, vector<128x1024xi32>
    %reduce_min3A_392 = arith.constant dense<2147483647> : vector<128xi32>
    %reduce_min3A_393 = vector.multi_reduction <minsi>, %select_n3A_391, %reduce_min3A_392 [1] : vector<128x1024xi32> to vector<128xi32>
    %broadcast_in_dim3A_394 = vector.shape_cast %reduce_min3A_393 : vector<128xi32> to vector<128x1xi32>
    %lt3A_395 = arith.constant 1024 : i32
    %lt3A_396 = vector.broadcast %lt3A_395 : i32 to vector<128x1xi32>
    %lt3A_397 = arith.cmpi slt, %broadcast_in_dim3A_394, %lt3A_396 : vector<128x1xi32>
    %select_n3A_398 = arith.select %lt3A_397, %broadcast_in_dim3A_394, %min3A_28 : vector<128x1xi1>, vector<128x1xi32>
    %concatenate3A = tpu.concatenate %min3A_28, %select_n3A_38, %select_n3A_50, %select_n3A_62, %select_n3A_74, %select_n3A_86, %select_n3A_98, %select_n3A_110, %select_n3A_122, %select_n3A_134, %select_n3A_146, %select_n3A_158, %select_n3A_170, %select_n3A_182, %select_n3A_194, %select_n3A_206, %select_n3A_218, %select_n3A_230, %select_n3A_242, %select_n3A_254, %select_n3A_266, %select_n3A_278, %select_n3A_290, %select_n3A_302, %select_n3A_314, %select_n3A_326, %select_n3A_338, %select_n3A_350, %select_n3A_362, %select_n3A_374, %select_n3A_386, %select_n3A_398 in 1 : vector<128x1xi32>, vector<128x1xi32>, vector<128x1xi32>, vector<128x1xi32>, vector<128x1xi32>, vector<128x1xi32>, vector<128x1xi32>, vector<128x1xi32>, vector<128x1xi32>, vector<128x1xi32>, vector<128x1xi32>, vector<128x1xi32>, vector<128x1xi32>, vector<128x1xi32>, vector<128x1xi32>, vector<128x1xi32>, vector<128x1xi32>, vector<128x1xi32>, vector<128x1xi32>, vector<128x1xi32>, vector<128x1xi32>, vector<128x1xi32>, vector<128x1xi32>, vector<128x1xi32>, vector<128x1xi32>, vector<128x1xi32>, vector<128x1xi32>, vector<128x1xi32>, vector<128x1xi32>, vector<128x1xi32>, vector<128x1xi32>, vector<128x1xi32> -> vector<128x32xi32>
    %broadcast_in_dim3A_399 = vector.shape_cast %concatenate3A : vector<128x32xi32> to vector<1x128x32xi32>
    %swap3A = arith.constant 0 : index
    %swap3A_400 = arith.constant 0 : index
    %swap3A_401 = arith.constant 0 : index
    %swap3A_402 = vector.load %arg4[%swap3A, %swap3A_400, %swap3A_401] : memref<1x128x32xi32, #tpu.memory_space<vmem>>, vector<1x128x32xi32>
    tpu.vector_store %arg4[%swap3A, %swap3A_400, %swap3A_401], %broadcast_in_dim3A_399 {strides = array<i32>} : memref<1x128x32xi32, #tpu.memory_space<vmem>>, vector<1x128x32xi32>,
    return
  }
  func.func @transform_0(%arg0: i32, %arg1: i32) -> (i32, i32, i32) {
    %c0_i32 = arith.constant 0 : i32
    %c0_i32_0 = arith.constant 0 : i32
    return %arg0, %arg1, %c0_i32 : i32, i32, i32
  }
  func.func @transform_1(%arg0: i32, %arg1: i32) -> (i32, i32, i32) {
    %c0_i32 = arith.constant 0 : i32
    %c0_i32_0 = arith.constant 0 : i32
    %c0_i32_1 = arith.constant 0 : i32
    return %arg0, %c0_i32, %c0_i32_0 : i32, i32, i32
  }
  func.func @transform_2(%arg0: i32, %arg1: i32) -> (i32, i32, i32) {
    %c0_i32 = arith.constant 0 : i32
    %c0_i32_0 = arith.constant 0 : i32
    return %arg0, %arg1, %c0_i32 : i32, i32, i32
  }
}

module attributes {stable_mosaic.version = 14 : i64} {
  func.func @_stage1g_kernel(%arg0: i32, %arg1: memref<128x16x128xf32, #tpu.memory_space<vmem>>, %arg2: memref<128x128xf32, #tpu.memory_space<vmem>>, %arg3: memref<128x32xf32, #tpu.memory_space<vmem>>, %arg4: memref<2048x32xf32, #tpu.memory_space<vmem>>, %arg5: memref<1x32xf32, #tpu.memory_space<vmem>>, %arg6: memref<1x32xf32, #tpu.memory_space<vmem>>) attributes {dimension_semantics = [#tpu.dimension_semantics<arbitrary>], iteration_bounds = array<i64: 64>, scalar_prefetch = 0 : i64, scratch_operands = 0 : i64, tpu.core_type = #tpu.core_type<tc>, window_params = [{transform_indices = @transform_0, window_bounds = array<i64: 128, 16, 128>}, {transform_indices = @transform_1, window_bounds = array<i64: 128, 128>}, {pipeline_mode = #tpu.pipeline_mode<synchronous>, transform_indices = @transform_2, window_bounds = array<i64: 128, 32>}, {transform_indices = @transform_3, window_bounds = array<i64: 2048, 32>}, {pipeline_mode = #tpu.pipeline_mode<synchronous>, transform_indices = @transform_4, window_bounds = array<i64: 1, 32>}, {pipeline_mode = #tpu.pipeline_mode<synchronous>, transform_indices = @transform_5, window_bounds = array<i64: 1, 32>}]} {
    %get3A = arith.constant 0 : index
    %get3A_0 = arith.constant 0 : index
    %get3A_1 = arith.constant 0 : index
    %get3A_2 = vector.load %arg1[%get3A, %get3A_0, %get3A_1] : memref<128x16x128xf32, #tpu.memory_space<vmem>>, vector<128x16x128xf32>
    %get3A_3 = arith.constant 0 : index
    %get3A_4 = arith.constant 0 : index
    %get3A_5 = vector.load %arg2[%get3A_3, %get3A_4] : memref<128x128xf32, #tpu.memory_space<vmem>>, vector<128x128xf32>
    %broadcast_in_dim3A = vector.shape_cast %get3A_5 : vector<128x128xf32> to vector<128x1x128xf32>
    %sub3A = vector.broadcast %broadcast_in_dim3A : vector<128x1x128xf32> to vector<128x16x128xf32>
    %sub3A_6 = arith.subf %get3A_2, %sub3A : vector<128x16x128xf32>
    %reshape3A = vector.shape_cast %sub3A_6 : vector<128x16x128xf32> to vector<2048x128xf32>
    %convert_element_type3A = arith.truncf %reshape3A : vector<2048x128xf32> to vector<2048x128xbf16>
    %get3A_7 = arith.constant 0 : index
    %get3A_8 = arith.constant 0 : index
    %get3A_9 = vector.load %arg3[%get3A_7, %get3A_8] : memref<128x32xf32, #tpu.memory_space<vmem>>, vector<128x32xf32>
    %convert_element_type3A_10 = arith.truncf %get3A_9 : vector<128x32xf32> to vector<128x32xbf16>
    %dot_general3A = arith.constant dense<0.000000e+00> : vector<2048x32xf32>
    %dot_general3A_11 = tpu.matmul %convert_element_type3A, %convert_element_type3A_10, %dot_general3A {dimension_numbers = #tpu.dot_dimension_numbers<[1], [0], [0], [1], [0, 0, 1, 1], [], []>, transpose_lhs_hint = false} : vector<2048x128xbf16>, vector<128x32xbf16>, vector<2048x32xf32> -> vector<2048x32xf32>
    %swap3A = arith.constant 0 : index
    %swap3A_12 = arith.constant 0 : index
    %swap3A_13 = vector.load %arg4[%swap3A, %swap3A_12] : memref<2048x32xf32, #tpu.memory_space<vmem>>, vector<2048x32xf32>
    tpu.vector_store %arg4[%swap3A, %swap3A_12], %dot_general3A_11 {strides = array<i32>} : memref<2048x32xf32, #tpu.memory_space<vmem>>, vector<2048x32xf32>,
    %reduce_sum3A = arith.constant dense<0.000000e+00> : vector<32xf32>
    %reduce_sum3A_14 = vector.multi_reduction <add>, %dot_general3A_11, %reduce_sum3A [0] : vector<2048x32xf32> to vector<32xf32>
    %broadcast_in_dim3A_15 = vector.shape_cast %reduce_sum3A_14 : vector<32xf32> to vector<1x32xf32>
    %mul3A = arith.mulf %dot_general3A_11, %dot_general3A_11 : vector<2048x32xf32>
    %reduce_sum3A_16 = arith.constant dense<0.000000e+00> : vector<32xf32>
    %reduce_sum3A_17 = vector.multi_reduction <add>, %mul3A, %reduce_sum3A_16 [0] : vector<2048x32xf32> to vector<32xf32>
    %broadcast_in_dim3A_18 = vector.shape_cast %reduce_sum3A_17 : vector<32xf32> to vector<1x32xf32>
    %eq3A = arith.constant 0 : i32
    %eq3A_19 = arith.cmpi eq, %arg0, %eq3A : i32
    %convert_element_type3A_20 = arith.extui %eq3A_19 : i1 to i32
    %cond3A = arith.constant 0 : i32
    %cond3A_21 = arith.cmpi ne, %convert_element_type3A_20, %cond3A : i32
    scf.if %cond3A_21 {
      %swap3A_26 = arith.constant 0 : index
      %swap3A_27 = arith.constant 0 : index
      %swap3A_28 = vector.load %arg5[%swap3A_26, %swap3A_27] : memref<1x32xf32, #tpu.memory_space<vmem>>, vector<1x32xf32>
      tpu.vector_store %arg5[%swap3A_26, %swap3A_27], %broadcast_in_dim3A_15 {strides = array<i32>} : memref<1x32xf32, #tpu.memory_space<vmem>>, vector<1x32xf32>,
      %swap3A_29 = arith.constant 0 : index
      %swap3A_30 = arith.constant 0 : index
      %swap3A_31 = vector.load %arg6[%swap3A_29, %swap3A_30] : memref<1x32xf32, #tpu.memory_space<vmem>>, vector<1x32xf32>
      tpu.vector_store %arg6[%swap3A_29, %swap3A_30], %broadcast_in_dim3A_18 {strides = array<i32>} : memref<1x32xf32, #tpu.memory_space<vmem>>, vector<1x32xf32>,
    } else {
    }
    %ne3A = arith.constant 0 : i32
    %ne3A_22 = arith.cmpi ne, %arg0, %ne3A : i32
    %convert_element_type3A_23 = arith.extui %ne3A_22 : i1 to i32
    %cond3A_24 = arith.constant 0 : i32
    %cond3A_25 = arith.cmpi ne, %convert_element_type3A_23, %cond3A_24 : i32
    scf.if %cond3A_25 {
      %get3A_26 = arith.constant 0 : index
      %get3A_27 = arith.constant 0 : index
      %get3A_28 = vector.load %arg5[%get3A_26, %get3A_27] : memref<1x32xf32, #tpu.memory_space<vmem>>, vector<1x32xf32>
      %add3A = arith.addf %get3A_28, %broadcast_in_dim3A_15 : vector<1x32xf32>
      %swap3A_29 = arith.constant 0 : index
      %swap3A_30 = arith.constant 0 : index
      %swap3A_31 = vector.load %arg5[%swap3A_29, %swap3A_30] : memref<1x32xf32, #tpu.memory_space<vmem>>, vector<1x32xf32>
      tpu.vector_store %arg5[%swap3A_29, %swap3A_30], %add3A {strides = array<i32>} : memref<1x32xf32, #tpu.memory_space<vmem>>, vector<1x32xf32>,
      %get3A_32 = arith.constant 0 : index
      %get3A_33 = arith.constant 0 : index
      %get3A_34 = vector.load %arg6[%get3A_32, %get3A_33] : memref<1x32xf32, #tpu.memory_space<vmem>>, vector<1x32xf32>
      %add3A_35 = arith.addf %get3A_34, %broadcast_in_dim3A_18 : vector<1x32xf32>
      %swap3A_36 = arith.constant 0 : index
      %swap3A_37 = arith.constant 0 : index
      %swap3A_38 = vector.load %arg6[%swap3A_36, %swap3A_37] : memref<1x32xf32, #tpu.memory_space<vmem>>, vector<1x32xf32>
      tpu.vector_store %arg6[%swap3A_36, %swap3A_37], %add3A_35 {strides = array<i32>} : memref<1x32xf32, #tpu.memory_space<vmem>>, vector<1x32xf32>,
    } else {
    }
    return
  }
  func.func @transform_0(%arg0: i32) -> (i32, i32, i32) {
    %c0_i32 = arith.constant 0 : i32
    %c0_i32_0 = arith.constant 0 : i32
    %c0_i32_1 = arith.constant 0 : i32
    return %arg0, %c0_i32, %c0_i32_0 : i32, i32, i32
  }
  func.func @transform_1(%arg0: i32) -> (i32, i32) {
    %c0_i32 = arith.constant 0 : i32
    %c0_i32_0 = arith.constant 0 : i32
    return %arg0, %c0_i32 : i32, i32
  }
  func.func @transform_2(%arg0: i32) -> (i32, i32) {
    %c0_i32 = arith.constant 0 : i32
    %c0_i32_0 = arith.constant 0 : i32
    %c0_i32_1 = arith.constant 0 : i32
    return %c0_i32, %c0_i32_0 : i32, i32
  }
  func.func @transform_3(%arg0: i32) -> (i32, i32) {
    %c0_i32 = arith.constant 0 : i32
    %c0_i32_0 = arith.constant 0 : i32
    return %arg0, %c0_i32 : i32, i32
  }
  func.func @transform_4(%arg0: i32) -> (i32, i32) {
    %c0_i32 = arith.constant 0 : i32
    %c0_i32_0 = arith.constant 0 : i32
    %c0_i32_1 = arith.constant 0 : i32
    return %c0_i32, %c0_i32_0 : i32, i32
  }
  func.func @transform_5(%arg0: i32) -> (i32, i32) {
    %c0_i32 = arith.constant 0 : i32
    %c0_i32_0 = arith.constant 0 : i32
    %c0_i32_1 = arith.constant 0 : i32
    return %c0_i32, %c0_i32_0 : i32, i32
  }
}

module attributes {stable_mosaic.version = 14 : i64} {
  func.func @_stage_kernel(%arg0: i32, %arg1: memref<2048x32xf32, #tpu.memory_space<vmem>>, %arg2: memref<32x32xf32, #tpu.memory_space<vmem>>, %arg3: memref<1x32xf32, #tpu.memory_space<vmem>>, %arg4: memref<1x32xf32, #tpu.memory_space<vmem>>, %arg5: memref<2048x32xf32, #tpu.memory_space<vmem>>, %arg6: memref<1x32xf32, #tpu.memory_space<vmem>>, %arg7: memref<1x32xf32, #tpu.memory_space<vmem>>) attributes {dimension_semantics = [#tpu.dimension_semantics<arbitrary>], iteration_bounds = array<i64: 64>, scalar_prefetch = 0 : i64, scratch_operands = 0 : i64, tpu.core_type = #tpu.core_type<tc>, window_params = [{transform_indices = @transform_0, window_bounds = array<i64: 2048, 32>}, {pipeline_mode = #tpu.pipeline_mode<synchronous>, transform_indices = @transform_1, window_bounds = array<i64: 32, 32>}, {pipeline_mode = #tpu.pipeline_mode<synchronous>, transform_indices = @transform_2, window_bounds = array<i64: 1, 32>}, {pipeline_mode = #tpu.pipeline_mode<synchronous>, transform_indices = @transform_3, window_bounds = array<i64: 1, 32>}, {transform_indices = @transform_4, window_bounds = array<i64: 2048, 32>}, {pipeline_mode = #tpu.pipeline_mode<synchronous>, transform_indices = @transform_5, window_bounds = array<i64: 1, 32>}, {pipeline_mode = #tpu.pipeline_mode<synchronous>, transform_indices = @transform_6, window_bounds = array<i64: 1, 32>}]} {
    %get3A = arith.constant 0 : index
    %get3A_0 = arith.constant 0 : index
    %get3A_1 = vector.load %arg1[%get3A, %get3A_0] : memref<2048x32xf32, #tpu.memory_space<vmem>>, vector<2048x32xf32>
    %get3A_2 = arith.constant 0 : index
    %get3A_3 = arith.constant 0 : index
    %get3A_4 = vector.load %arg3[%get3A_2, %get3A_3] : memref<1x32xf32, #tpu.memory_space<vmem>>, vector<1x32xf32>
    %mul3A = vector.broadcast %get3A_4 : vector<1x32xf32> to vector<2048x32xf32>
    %mul3A_5 = arith.mulf %get3A_1, %mul3A : vector<2048x32xf32>
    %get3A_6 = arith.constant 0 : index
    %get3A_7 = arith.constant 0 : index
    %get3A_8 = vector.load %arg4[%get3A_6, %get3A_7] : memref<1x32xf32, #tpu.memory_space<vmem>>, vector<1x32xf32>
    %add3A = vector.broadcast %get3A_8 : vector<1x32xf32> to vector<2048x32xf32>
    %add3A_9 = arith.addf %mul3A_5, %add3A : vector<2048x32xf32>
    %max3A = arith.constant 0.000000e+00 : f32
    %max3A_10 = vector.broadcast %max3A : f32 to vector<2048x32xf32>
    %max3A_11 = arith.maximumf %add3A_9, %max3A_10 : vector<2048x32xf32>
    %convert_element_type3A = arith.truncf %max3A_11 : vector<2048x32xf32> to vector<2048x32xbf16>
    %get3A_12 = arith.constant 0 : index
    %get3A_13 = arith.constant 0 : index
    %get3A_14 = vector.load %arg2[%get3A_12, %get3A_13] : memref<32x32xf32, #tpu.memory_space<vmem>>, vector<32x32xf32>
    %convert_element_type3A_15 = arith.truncf %get3A_14 : vector<32x32xf32> to vector<32x32xbf16>
    %dot_general3A = arith.constant dense<0.000000e+00> : vector<2048x32xf32>
    %dot_general3A_16 = tpu.matmul %convert_element_type3A, %convert_element_type3A_15, %dot_general3A {dimension_numbers = #tpu.dot_dimension_numbers<[1], [0], [0], [1], [0, 0, 1, 1], [], []>, transpose_lhs_hint = false} : vector<2048x32xbf16>, vector<32x32xbf16>, vector<2048x32xf32> -> vector<2048x32xf32>
    %swap3A = arith.constant 0 : index
    %swap3A_17 = arith.constant 0 : index
    %swap3A_18 = vector.load %arg5[%swap3A, %swap3A_17] : memref<2048x32xf32, #tpu.memory_space<vmem>>, vector<2048x32xf32>
    tpu.vector_store %arg5[%swap3A, %swap3A_17], %dot_general3A_16 {strides = array<i32>} : memref<2048x32xf32, #tpu.memory_space<vmem>>, vector<2048x32xf32>,
    %reduce_sum3A = arith.constant dense<0.000000e+00> : vector<32xf32>
    %reduce_sum3A_19 = vector.multi_reduction <add>, %dot_general3A_16, %reduce_sum3A [0] : vector<2048x32xf32> to vector<32xf32>
    %broadcast_in_dim3A = vector.shape_cast %reduce_sum3A_19 : vector<32xf32> to vector<1x32xf32>
    %mul3A_20 = arith.mulf %dot_general3A_16, %dot_general3A_16 : vector<2048x32xf32>
    %reduce_sum3A_21 = arith.constant dense<0.000000e+00> : vector<32xf32>
    %reduce_sum3A_22 = vector.multi_reduction <add>, %mul3A_20, %reduce_sum3A_21 [0] : vector<2048x32xf32> to vector<32xf32>
    %broadcast_in_dim3A_23 = vector.shape_cast %reduce_sum3A_22 : vector<32xf32> to vector<1x32xf32>
    %eq3A = arith.constant 0 : i32
    %eq3A_24 = arith.cmpi eq, %arg0, %eq3A : i32
    %convert_element_type3A_25 = arith.extui %eq3A_24 : i1 to i32
    %cond3A = arith.constant 0 : i32
    %cond3A_26 = arith.cmpi ne, %convert_element_type3A_25, %cond3A : i32
    scf.if %cond3A_26 {
      %swap3A_31 = arith.constant 0 : index
      %swap3A_32 = arith.constant 0 : index
      %swap3A_33 = vector.load %arg6[%swap3A_31, %swap3A_32] : memref<1x32xf32, #tpu.memory_space<vmem>>, vector<1x32xf32>
      tpu.vector_store %arg6[%swap3A_31, %swap3A_32], %broadcast_in_dim3A {strides = array<i32>} : memref<1x32xf32, #tpu.memory_space<vmem>>, vector<1x32xf32>,
      %swap3A_34 = arith.constant 0 : index
      %swap3A_35 = arith.constant 0 : index
      %swap3A_36 = vector.load %arg7[%swap3A_34, %swap3A_35] : memref<1x32xf32, #tpu.memory_space<vmem>>, vector<1x32xf32>
      tpu.vector_store %arg7[%swap3A_34, %swap3A_35], %broadcast_in_dim3A_23 {strides = array<i32>} : memref<1x32xf32, #tpu.memory_space<vmem>>, vector<1x32xf32>,
    } else {
    }
    %ne3A = arith.constant 0 : i32
    %ne3A_27 = arith.cmpi ne, %arg0, %ne3A : i32
    %convert_element_type3A_28 = arith.extui %ne3A_27 : i1 to i32
    %cond3A_29 = arith.constant 0 : i32
    %cond3A_30 = arith.cmpi ne, %convert_element_type3A_28, %cond3A_29 : i32
    scf.if %cond3A_30 {
      %get3A_31 = arith.constant 0 : index
      %get3A_32 = arith.constant 0 : index
      %get3A_33 = vector.load %arg6[%get3A_31, %get3A_32] : memref<1x32xf32, #tpu.memory_space<vmem>>, vector<1x32xf32>
      %add3A_34 = arith.addf %get3A_33, %broadcast_in_dim3A : vector<1x32xf32>
      %swap3A_35 = arith.constant 0 : index
      %swap3A_36 = arith.constant 0 : index
      %swap3A_37 = vector.load %arg6[%swap3A_35, %swap3A_36] : memref<1x32xf32, #tpu.memory_space<vmem>>, vector<1x32xf32>
      tpu.vector_store %arg6[%swap3A_35, %swap3A_36], %add3A_34 {strides = array<i32>} : memref<1x32xf32, #tpu.memory_space<vmem>>, vector<1x32xf32>,
      %get3A_38 = arith.constant 0 : index
      %get3A_39 = arith.constant 0 : index
      %get3A_40 = vector.load %arg7[%get3A_38, %get3A_39] : memref<1x32xf32, #tpu.memory_space<vmem>>, vector<1x32xf32>
      %add3A_41 = arith.addf %get3A_40, %broadcast_in_dim3A_23 : vector<1x32xf32>
      %swap3A_42 = arith.constant 0 : index
      %swap3A_43 = arith.constant 0 : index
      %swap3A_44 = vector.load %arg7[%swap3A_42, %swap3A_43] : memref<1x32xf32, #tpu.memory_space<vmem>>, vector<1x32xf32>
      tpu.vector_store %arg7[%swap3A_42, %swap3A_43], %add3A_41 {strides = array<i32>} : memref<1x32xf32, #tpu.memory_space<vmem>>, vector<1x32xf32>,
    } else {
    }
    return
  }
  func.func @transform_0(%arg0: i32) -> (i32, i32) {
    %c0_i32 = arith.constant 0 : i32
    %c0_i32_0 = arith.constant 0 : i32
    return %arg0, %c0_i32 : i32, i32
  }
  func.func @transform_1(%arg0: i32) -> (i32, i32) {
    %c0_i32 = arith.constant 0 : i32
    %c0_i32_0 = arith.constant 0 : i32
    %c0_i32_1 = arith.constant 0 : i32
    return %c0_i32, %c0_i32_0 : i32, i32
  }
  func.func @transform_2(%arg0: i32) -> (i32, i32) {
    %c0_i32 = arith.constant 0 : i32
    %c0_i32_0 = arith.constant 0 : i32
    %c0_i32_1 = arith.constant 0 : i32
    return %c0_i32, %c0_i32_0 : i32, i32
  }
  func.func @transform_3(%arg0: i32) -> (i32, i32) {
    %c0_i32 = arith.constant 0 : i32
    %c0_i32_0 = arith.constant 0 : i32
    %c0_i32_1 = arith.constant 0 : i32
    return %c0_i32, %c0_i32_0 : i32, i32
  }
  func.func @transform_4(%arg0: i32) -> (i32, i32) {
    %c0_i32 = arith.constant 0 : i32
    %c0_i32_0 = arith.constant 0 : i32
    return %arg0, %c0_i32 : i32, i32
  }
  func.func @transform_5(%arg0: i32) -> (i32, i32) {
    %c0_i32 = arith.constant 0 : i32
    %c0_i32_0 = arith.constant 0 : i32
    %c0_i32_1 = arith.constant 0 : i32
    return %c0_i32, %c0_i32_0 : i32, i32
  }
  func.func @transform_6(%arg0: i32) -> (i32, i32) {
    %c0_i32 = arith.constant 0 : i32
    %c0_i32_0 = arith.constant 0 : i32
    %c0_i32_1 = arith.constant 0 : i32
    return %c0_i32, %c0_i32_0 : i32, i32
  }
}

module attributes {stable_mosaic.version = 14 : i64} {
  func.func @_stage_kernel(%arg0: i32, %arg1: memref<2048x32xf32, #tpu.memory_space<vmem>>, %arg2: memref<32x64xf32, #tpu.memory_space<vmem>>, %arg3: memref<1x32xf32, #tpu.memory_space<vmem>>, %arg4: memref<1x32xf32, #tpu.memory_space<vmem>>, %arg5: memref<2048x64xf32, #tpu.memory_space<vmem>>, %arg6: memref<1x64xf32, #tpu.memory_space<vmem>>, %arg7: memref<1x64xf32, #tpu.memory_space<vmem>>) attributes {dimension_semantics = [#tpu.dimension_semantics<arbitrary>], iteration_bounds = array<i64: 64>, scalar_prefetch = 0 : i64, scratch_operands = 0 : i64, tpu.core_type = #tpu.core_type<tc>, window_params = [{transform_indices = @transform_0, window_bounds = array<i64: 2048, 32>}, {pipeline_mode = #tpu.pipeline_mode<synchronous>, transform_indices = @transform_1, window_bounds = array<i64: 32, 64>}, {pipeline_mode = #tpu.pipeline_mode<synchronous>, transform_indices = @transform_2, window_bounds = array<i64: 1, 32>}, {pipeline_mode = #tpu.pipeline_mode<synchronous>, transform_indices = @transform_3, window_bounds = array<i64: 1, 32>}, {transform_indices = @transform_4, window_bounds = array<i64: 2048, 64>}, {pipeline_mode = #tpu.pipeline_mode<synchronous>, transform_indices = @transform_5, window_bounds = array<i64: 1, 64>}, {pipeline_mode = #tpu.pipeline_mode<synchronous>, transform_indices = @transform_6, window_bounds = array<i64: 1, 64>}]} {
    %get3A = arith.constant 0 : index
    %get3A_0 = arith.constant 0 : index
    %get3A_1 = vector.load %arg1[%get3A, %get3A_0] : memref<2048x32xf32, #tpu.memory_space<vmem>>, vector<2048x32xf32>
    %get3A_2 = arith.constant 0 : index
    %get3A_3 = arith.constant 0 : index
    %get3A_4 = vector.load %arg3[%get3A_2, %get3A_3] : memref<1x32xf32, #tpu.memory_space<vmem>>, vector<1x32xf32>
    %mul3A = vector.broadcast %get3A_4 : vector<1x32xf32> to vector<2048x32xf32>
    %mul3A_5 = arith.mulf %get3A_1, %mul3A : vector<2048x32xf32>
    %get3A_6 = arith.constant 0 : index
    %get3A_7 = arith.constant 0 : index
    %get3A_8 = vector.load %arg4[%get3A_6, %get3A_7] : memref<1x32xf32, #tpu.memory_space<vmem>>, vector<1x32xf32>
    %add3A = vector.broadcast %get3A_8 : vector<1x32xf32> to vector<2048x32xf32>
    %add3A_9 = arith.addf %mul3A_5, %add3A : vector<2048x32xf32>
    %max3A = arith.constant 0.000000e+00 : f32
    %max3A_10 = vector.broadcast %max3A : f32 to vector<2048x32xf32>
    %max3A_11 = arith.maximumf %add3A_9, %max3A_10 : vector<2048x32xf32>
    %convert_element_type3A = arith.truncf %max3A_11 : vector<2048x32xf32> to vector<2048x32xbf16>
    %get3A_12 = arith.constant 0 : index
    %get3A_13 = arith.constant 0 : index
    %get3A_14 = vector.load %arg2[%get3A_12, %get3A_13] : memref<32x64xf32, #tpu.memory_space<vmem>>, vector<32x64xf32>
    %convert_element_type3A_15 = arith.truncf %get3A_14 : vector<32x64xf32> to vector<32x64xbf16>
    %dot_general3A = arith.constant dense<0.000000e+00> : vector<2048x64xf32>
    %dot_general3A_16 = tpu.matmul %convert_element_type3A, %convert_element_type3A_15, %dot_general3A {dimension_numbers = #tpu.dot_dimension_numbers<[1], [0], [0], [1], [0, 0, 1, 1], [], []>, transpose_lhs_hint = false} : vector<2048x32xbf16>, vector<32x64xbf16>, vector<2048x64xf32> -> vector<2048x64xf32>
    %swap3A = arith.constant 0 : index
    %swap3A_17 = arith.constant 0 : index
    %swap3A_18 = vector.load %arg5[%swap3A, %swap3A_17] : memref<2048x64xf32, #tpu.memory_space<vmem>>, vector<2048x64xf32>
    tpu.vector_store %arg5[%swap3A, %swap3A_17], %dot_general3A_16 {strides = array<i32>} : memref<2048x64xf32, #tpu.memory_space<vmem>>, vector<2048x64xf32>,
    %reduce_sum3A = arith.constant dense<0.000000e+00> : vector<64xf32>
    %reduce_sum3A_19 = vector.multi_reduction <add>, %dot_general3A_16, %reduce_sum3A [0] : vector<2048x64xf32> to vector<64xf32>
    %broadcast_in_dim3A = vector.shape_cast %reduce_sum3A_19 : vector<64xf32> to vector<1x64xf32>
    %mul3A_20 = arith.mulf %dot_general3A_16, %dot_general3A_16 : vector<2048x64xf32>
    %reduce_sum3A_21 = arith.constant dense<0.000000e+00> : vector<64xf32>
    %reduce_sum3A_22 = vector.multi_reduction <add>, %mul3A_20, %reduce_sum3A_21 [0] : vector<2048x64xf32> to vector<64xf32>
    %broadcast_in_dim3A_23 = vector.shape_cast %reduce_sum3A_22 : vector<64xf32> to vector<1x64xf32>
    %eq3A = arith.constant 0 : i32
    %eq3A_24 = arith.cmpi eq, %arg0, %eq3A : i32
    %convert_element_type3A_25 = arith.extui %eq3A_24 : i1 to i32
    %cond3A = arith.constant 0 : i32
    %cond3A_26 = arith.cmpi ne, %convert_element_type3A_25, %cond3A : i32
    scf.if %cond3A_26 {
      %swap3A_31 = arith.constant 0 : index
      %swap3A_32 = arith.constant 0 : index
      %swap3A_33 = vector.load %arg6[%swap3A_31, %swap3A_32] : memref<1x64xf32, #tpu.memory_space<vmem>>, vector<1x64xf32>
      tpu.vector_store %arg6[%swap3A_31, %swap3A_32], %broadcast_in_dim3A {strides = array<i32>} : memref<1x64xf32, #tpu.memory_space<vmem>>, vector<1x64xf32>,
      %swap3A_34 = arith.constant 0 : index
      %swap3A_35 = arith.constant 0 : index
      %swap3A_36 = vector.load %arg7[%swap3A_34, %swap3A_35] : memref<1x64xf32, #tpu.memory_space<vmem>>, vector<1x64xf32>
      tpu.vector_store %arg7[%swap3A_34, %swap3A_35], %broadcast_in_dim3A_23 {strides = array<i32>} : memref<1x64xf32, #tpu.memory_space<vmem>>, vector<1x64xf32>,
    } else {
    }
    %ne3A = arith.constant 0 : i32
    %ne3A_27 = arith.cmpi ne, %arg0, %ne3A : i32
    %convert_element_type3A_28 = arith.extui %ne3A_27 : i1 to i32
    %cond3A_29 = arith.constant 0 : i32
    %cond3A_30 = arith.cmpi ne, %convert_element_type3A_28, %cond3A_29 : i32
    scf.if %cond3A_30 {
      %get3A_31 = arith.constant 0 : index
      %get3A_32 = arith.constant 0 : index
      %get3A_33 = vector.load %arg6[%get3A_31, %get3A_32] : memref<1x64xf32, #tpu.memory_space<vmem>>, vector<1x64xf32>
      %add3A_34 = arith.addf %get3A_33, %broadcast_in_dim3A : vector<1x64xf32>
      %swap3A_35 = arith.constant 0 : index
      %swap3A_36 = arith.constant 0 : index
      %swap3A_37 = vector.load %arg6[%swap3A_35, %swap3A_36] : memref<1x64xf32, #tpu.memory_space<vmem>>, vector<1x64xf32>
      tpu.vector_store %arg6[%swap3A_35, %swap3A_36], %add3A_34 {strides = array<i32>} : memref<1x64xf32, #tpu.memory_space<vmem>>, vector<1x64xf32>,
      %get3A_38 = arith.constant 0 : index
      %get3A_39 = arith.constant 0 : index
      %get3A_40 = vector.load %arg7[%get3A_38, %get3A_39] : memref<1x64xf32, #tpu.memory_space<vmem>>, vector<1x64xf32>
      %add3A_41 = arith.addf %get3A_40, %broadcast_in_dim3A_23 : vector<1x64xf32>
      %swap3A_42 = arith.constant 0 : index
      %swap3A_43 = arith.constant 0 : index
      %swap3A_44 = vector.load %arg7[%swap3A_42, %swap3A_43] : memref<1x64xf32, #tpu.memory_space<vmem>>, vector<1x64xf32>
      tpu.vector_store %arg7[%swap3A_42, %swap3A_43], %add3A_41 {strides = array<i32>} : memref<1x64xf32, #tpu.memory_space<vmem>>, vector<1x64xf32>,
    } else {
    }
    return
  }
  func.func @transform_0(%arg0: i32) -> (i32, i32) {
    %c0_i32 = arith.constant 0 : i32
    %c0_i32_0 = arith.constant 0 : i32
    return %arg0, %c0_i32 : i32, i32
  }
  func.func @transform_1(%arg0: i32) -> (i32, i32) {
    %c0_i32 = arith.constant 0 : i32
    %c0_i32_0 = arith.constant 0 : i32
    %c0_i32_1 = arith.constant 0 : i32
    return %c0_i32, %c0_i32_0 : i32, i32
  }
  func.func @transform_2(%arg0: i32) -> (i32, i32) {
    %c0_i32 = arith.constant 0 : i32
    %c0_i32_0 = arith.constant 0 : i32
    %c0_i32_1 = arith.constant 0 : i32
    return %c0_i32, %c0_i32_0 : i32, i32
  }
  func.func @transform_3(%arg0: i32) -> (i32, i32) {
    %c0_i32 = arith.constant 0 : i32
    %c0_i32_0 = arith.constant 0 : i32
    %c0_i32_1 = arith.constant 0 : i32
    return %c0_i32, %c0_i32_0 : i32, i32
  }
  func.func @transform_4(%arg0: i32) -> (i32, i32) {
    %c0_i32 = arith.constant 0 : i32
    %c0_i32_0 = arith.constant 0 : i32
    return %arg0, %c0_i32 : i32, i32
  }
  func.func @transform_5(%arg0: i32) -> (i32, i32) {
    %c0_i32 = arith.constant 0 : i32
    %c0_i32_0 = arith.constant 0 : i32
    %c0_i32_1 = arith.constant 0 : i32
    return %c0_i32, %c0_i32_0 : i32, i32
  }
  func.func @transform_6(%arg0: i32) -> (i32, i32) {
    %c0_i32 = arith.constant 0 : i32
    %c0_i32_0 = arith.constant 0 : i32
    %c0_i32_1 = arith.constant 0 : i32
    return %c0_i32, %c0_i32_0 : i32, i32
  }
}

module attributes {stable_mosaic.version = 14 : i64} {
  func.func @_maxk_kernel(%arg0: i32, %arg1: memref<1024x16x64xf32, #tpu.memory_space<vmem>>, %arg2: memref<1x1x64xf32, #tpu.memory_space<vmem>>, %arg3: memref<1x1x64xf32, #tpu.memory_space<vmem>>, %arg4: memref<1024x64xf32, #tpu.memory_space<vmem>>) attributes {dimension_semantics = [#tpu.dimension_semantics<arbitrary>], iteration_bounds = array<i64: 8>, scalar_prefetch = 0 : i64, scratch_operands = 0 : i64, tpu.core_type = #tpu.core_type<tc>, window_params = [{transform_indices = @transform_0, window_bounds = array<i64: 1024, 16, 64>}, {pipeline_mode = #tpu.pipeline_mode<synchronous>, transform_indices = @transform_1, window_bounds = array<i64: 1, 1, 64>}, {pipeline_mode = #tpu.pipeline_mode<synchronous>, transform_indices = @transform_2, window_bounds = array<i64: 1, 1, 64>}, {transform_indices = @transform_3, window_bounds = array<i64: 1024, 64>}]} {
    %get3A = arith.constant 0 : index
    %get3A_0 = arith.constant 0 : index
    %get3A_1 = arith.constant 0 : index
    %get3A_2 = vector.load %arg1[%get3A, %get3A_0, %get3A_1] : memref<1024x16x64xf32, #tpu.memory_space<vmem>>, vector<1024x16x64xf32>
    %get3A_3 = arith.constant 0 : index
    %get3A_4 = arith.constant 0 : index
    %get3A_5 = arith.constant 0 : index
    %get3A_6 = vector.load %arg2[%get3A_3, %get3A_4, %get3A_5] : memref<1x1x64xf32, #tpu.memory_space<vmem>>, vector<1x1x64xf32>
    %mul3A = vector.broadcast %get3A_6 : vector<1x1x64xf32> to vector<1024x16x64xf32>
    %mul3A_7 = arith.mulf %get3A_2, %mul3A : vector<1024x16x64xf32>
    %get3A_8 = arith.constant 0 : index
    %get3A_9 = arith.constant 0 : index
    %get3A_10 = arith.constant 0 : index
    %get3A_11 = vector.load %arg3[%get3A_8, %get3A_9, %get3A_10] : memref<1x1x64xf32, #tpu.memory_space<vmem>>, vector<1x1x64xf32>
    %add3A = vector.broadcast %get3A_11 : vector<1x1x64xf32> to vector<1024x16x64xf32>
    %add3A_12 = arith.addf %mul3A_7, %add3A : vector<1024x16x64xf32>
    %max3A = arith.constant 0.000000e+00 : f32
    %max3A_13 = vector.broadcast %max3A : f32 to vector<1024x16x64xf32>
    %max3A_14 = arith.maximumf %add3A_12, %max3A_13 : vector<1024x16x64xf32>
    %reduce_max3A = arith.constant dense<0xFF800000> : vector<1024x64xf32>
    %reduce_max3A_15 = vector.multi_reduction <maximumf>, %max3A_14, %reduce_max3A [1] : vector<1024x16x64xf32> to vector<1024x64xf32>
    %swap3A = arith.constant 0 : index
    %swap3A_16 = arith.constant 0 : index
    %swap3A_17 = vector.load %arg4[%swap3A, %swap3A_16] : memref<1024x64xf32, #tpu.memory_space<vmem>>, vector<1024x64xf32>
    tpu.vector_store %arg4[%swap3A, %swap3A_16], %reduce_max3A_15 {strides = array<i32>} : memref<1024x64xf32, #tpu.memory_space<vmem>>, vector<1024x64xf32>,
    return
  }
  func.func @transform_0(%arg0: i32) -> (i32, i32, i32) {
    %c0_i32 = arith.constant 0 : i32
    %c0_i32_0 = arith.constant 0 : i32
    %c0_i32_1 = arith.constant 0 : i32
    return %arg0, %c0_i32, %c0_i32_0 : i32, i32, i32
  }
  func.func @transform_1(%arg0: i32) -> (i32, i32, i32) {
    %c0_i32 = arith.constant 0 : i32
    %c0_i32_0 = arith.constant 0 : i32
    %c0_i32_1 = arith.constant 0 : i32
    %c0_i32_2 = arith.constant 0 : i32
    return %c0_i32, %c0_i32_0, %c0_i32_1 : i32, i32, i32
  }
  func.func @transform_2(%arg0: i32) -> (i32, i32, i32) {
    %c0_i32 = arith.constant 0 : i32
    %c0_i32_0 = arith.constant 0 : i32
    %c0_i32_1 = arith.constant 0 : i32
    %c0_i32_2 = arith.constant 0 : i32
    return %c0_i32, %c0_i32_0, %c0_i32_1 : i32, i32, i32
  }
  func.func @transform_3(%arg0: i32) -> (i32, i32) {
    %c0_i32 = arith.constant 0 : i32
    %c0_i32_0 = arith.constant 0 : i32
    return %arg0, %c0_i32 : i32, i32
  }
}

module attributes {stable_mosaic.version = 14 : i64} {
  func.func @_fps_kernel(%arg0: memref<8x3x512xf32, #tpu.memory_space<vmem>>, %arg1: memref<128x8x3xf32, #tpu.memory_space<vmem>>) attributes {dimension_semantics = [], scalar_prefetch = 0 : i64, scratch_operands = 0 : i64, tpu.core_type = #tpu.core_type<tc>} {
    %get3A = arith.constant 0 : index
    %get3A_0 = arith.constant 0 : index
    %get3A_1 = arith.constant 0 : index
    %get3A_2 = vector.load %arg0[%get3A, %get3A_0, %get3A_1] : memref<8x3x512xf32, #tpu.memory_space<vmem>>, vector<8x1x512xf32>
    %get3A_3 = vector.shape_cast %get3A_2 : vector<8x1x512xf32> to vector<8x512xf32>
    %get3A_4 = arith.constant 0 : index
    %get3A_5 = arith.constant 1 : index
    %get3A_6 = arith.constant 0 : index
    %get3A_7 = vector.load %arg0[%get3A_4, %get3A_5, %get3A_6] : memref<8x3x512xf32, #tpu.memory_space<vmem>>, vector<8x1x512xf32>
    %get3A_8 = vector.shape_cast %get3A_7 : vector<8x1x512xf32> to vector<8x512xf32>
    %get3A_9 = arith.constant 0 : index
    %get3A_10 = arith.constant 2 : index
    %get3A_11 = arith.constant 0 : index
    %get3A_12 = vector.load %arg0[%get3A_9, %get3A_10, %get3A_11] : memref<8x3x512xf32, #tpu.memory_space<vmem>>, vector<8x1x512xf32>
    %get3A_13 = vector.shape_cast %get3A_12 : vector<8x1x512xf32> to vector<8x512xf32>
    %iota3A = tpu.iota {dimensions = array<i32: 1>} : vector<8x512xi32>
    %broadcast_in_dim3A = arith.constant 1.000000e+10 : f32
    %broadcast_in_dim3A_14 = vector.broadcast %broadcast_in_dim3A : f32 to vector<8x512xf32>
    %broadcast_in_dim3A_15 = arith.constant 0 : i32
    %broadcast_in_dim3A_16 = vector.broadcast %broadcast_in_dim3A_15 : i32 to vector<8x1xi32>
    %scan3A = arith.constant 0 : i32
    %scan3A_17 = arith.constant 128 : i32
    %scan3A_18 = arith.addi %scan3A, %scan3A_17 : i32
    %scan3A_19 = arith.constant 1 : i32
    %scan3A_20:2 = scf.for %scan3A_22 = %scan3A to %scan3A_18 step %scan3A_19 iter_args(%scan3A_23 = %broadcast_in_dim3A_14, %scan3A_24 = %broadcast_in_dim3A_16) -> (vector<8x512xf32>, vector<8x1xi32>)  : i32 {
      %eq3A = vector.broadcast %scan3A_24 : vector<8x1xi32> to vector<8x512xi32>
      %eq3A_25 = arith.cmpi eq, %iota3A, %eq3A : vector<8x512xi32>
      %jit3A = arith.constant 1.000000e+00 : f32
      %jit3A_26 = arith.constant 0.000000e+00 : f32
      %broadcast_in_dim3A_27 = vector.broadcast %jit3A : f32 to vector<8x512xf32>
      %broadcast_in_dim3A_28 = vector.broadcast %jit3A_26 : f32 to vector<8x512xf32>
      %select_n3A = arith.select %eq3A_25, %broadcast_in_dim3A_27, %broadcast_in_dim3A_28 : vector<8x512xi1>, vector<8x512xf32>
      %mul3A = arith.mulf %get3A_3, %select_n3A : vector<8x512xf32>
      %reduce_sum3A = arith.constant dense<0.000000e+00> : vector<8xf32>
      %reduce_sum3A_29 = vector.multi_reduction <add>, %mul3A, %reduce_sum3A [1] : vector<8x512xf32> to vector<8xf32>
      %broadcast_in_dim3A_30 = vector.shape_cast %reduce_sum3A_29 : vector<8xf32> to vector<8x1xf32>
      %mul3A_31 = arith.mulf %get3A_8, %select_n3A : vector<8x512xf32>
      %reduce_sum3A_32 = arith.constant dense<0.000000e+00> : vector<8xf32>
      %reduce_sum3A_33 = vector.multi_reduction <add>, %mul3A_31, %reduce_sum3A_32 [1] : vector<8x512xf32> to vector<8xf32>
      %broadcast_in_dim3A_34 = vector.shape_cast %reduce_sum3A_33 : vector<8xf32> to vector<8x1xf32>
      %mul3A_35 = arith.mulf %get3A_13, %select_n3A : vector<8x512xf32>
      %reduce_sum3A_36 = arith.constant dense<0.000000e+00> : vector<8xf32>
      %reduce_sum3A_37 = vector.multi_reduction <add>, %mul3A_35, %reduce_sum3A_36 [1] : vector<8x512xf32> to vector<8xf32>
      %broadcast_in_dim3A_38 = vector.shape_cast %reduce_sum3A_37 : vector<8xf32> to vector<8x1xf32>
      %concatenate3A = tpu.concatenate %broadcast_in_dim3A_30, %broadcast_in_dim3A_34, %broadcast_in_dim3A_38 in 1 : vector<8x1xf32>, vector<8x1xf32>, vector<8x1xf32> -> vector<8x3xf32>
      %broadcast_in_dim3A_39 = vector.shape_cast %concatenate3A : vector<8x3xf32> to vector<1x8x3xf32>
      %swap3A = arith.index_cast %scan3A_22 : i32 to index
      %swap3A_40 = arith.constant 0 : index
      %swap3A_41 = arith.constant 0 : index
      %swap3A_42 = vector.load %arg1[%swap3A, %swap3A_40, %swap3A_41] : memref<128x8x3xf32, #tpu.memory_space<vmem>>, vector<1x8x3xf32>
      tpu.vector_store %arg1[%swap3A, %swap3A_40, %swap3A_41], %broadcast_in_dim3A_39 {strides = array<i32>} : memref<128x8x3xf32, #tpu.memory_space<vmem>>, vector<1x8x3xf32>,
      %sub3A = vector.broadcast %broadcast_in_dim3A_30 : vector<8x1xf32> to vector<8x512xf32>
      %sub3A_43 = arith.subf %get3A_3, %sub3A : vector<8x512xf32>
      %sub3A_44 = vector.broadcast %broadcast_in_dim3A_34 : vector<8x1xf32> to vector<8x512xf32>
      %sub3A_45 = arith.subf %get3A_8, %sub3A_44 : vector<8x512xf32>
      %sub3A_46 = vector.broadcast %broadcast_in_dim3A_38 : vector<8x1xf32> to vector<8x512xf32>
      %sub3A_47 = arith.subf %get3A_13, %sub3A_46 : vector<8x512xf32>
      %mul3A_48 = arith.mulf %sub3A_43, %sub3A_43 : vector<8x512xf32>
      %mul3A_49 = arith.mulf %sub3A_45, %sub3A_45 : vector<8x512xf32>
      %add3A = arith.addf %mul3A_48, %mul3A_49 : vector<8x512xf32>
      %mul3A_50 = arith.mulf %sub3A_47, %sub3A_47 : vector<8x512xf32>
      %add3A_51 = arith.addf %add3A, %mul3A_50 : vector<8x512xf32>
      %min3A = arith.minimumf %scan3A_23, %add3A_51 : vector<8x512xf32>
      %reduce_max3A = arith.constant dense<0xFF800000> : vector<8xf32>
      %reduce_max3A_52 = vector.multi_reduction <maximumf>, %min3A, %reduce_max3A [1] : vector<8x512xf32> to vector<8xf32>
      %broadcast_in_dim3A_53 = vector.shape_cast %reduce_max3A_52 : vector<8xf32> to vector<8x1xf32>
      %eq3A_54 = vector.broadcast %broadcast_in_dim3A_53 : vector<8x1xf32> to vector<8x512xf32>
      %eq3A_55 = arith.cmpf oeq, %min3A, %eq3A_54 : vector<8x512xf32>
      %jit3A_56 = arith.constant 512 : i32
      %broadcast_in_dim3A_57 = vector.broadcast %jit3A_56 : i32 to vector<8x512xi32>
      %select_n3A_58 = arith.select %eq3A_55, %iota3A, %broadcast_in_dim3A_57 : vector<8x512xi1>, vector<8x512xi32>
      %reduce_min3A = arith.constant dense<2147483647> : vector<8xi32>
      %reduce_min3A_59 = vector.multi_reduction <minsi>, %select_n3A_58, %reduce_min3A [1] : vector<8x512xi32> to vector<8xi32>
      %broadcast_in_dim3A_60 = vector.shape_cast %reduce_min3A_59 : vector<8xi32> to vector<8x1xi32>
      scf.yield %min3A, %broadcast_in_dim3A_60 : vector<8x512xf32>, vector<8x1xi32>
    }
    %scan3A_21 = arith.constant 128 : i32
    return
  }
}

module attributes {stable_mosaic.version = 14 : i64} {
  func.func @_bq_idx_kernel(%arg0: i32, %arg1: i32, %arg2: memref<1x128x3xf32, #tpu.memory_space<vmem>>, %arg3: memref<1x3x512xf32, #tpu.memory_space<vmem>>, %arg4: memref<1x128x64xi32, #tpu.memory_space<vmem>>) attributes {dimension_semantics = [#tpu.dimension_semantics<arbitrary>, #tpu.dimension_semantics<arbitrary>], iteration_bounds = array<i64: 8, 1>, scalar_prefetch = 0 : i64, scratch_operands = 0 : i64, tpu.core_type = #tpu.core_type<tc>, window_params = [{transform_indices = @transform_0, window_bounds = array<i64: 1, 128, 3>}, {transform_indices = @transform_1, window_bounds = array<i64: 1, 3, 512>}, {transform_indices = @transform_2, window_bounds = array<i64: 1, 128, 64>}]} {
    %get3A = arith.constant 0 : index
    %get3A_0 = arith.constant 0 : index
    %get3A_1 = arith.constant 0 : index
    %get3A_2 = vector.load %arg2[%get3A, %get3A_0, %get3A_1] : memref<1x128x3xf32, #tpu.memory_space<vmem>>, vector<1x128x3xf32>
    %get3A_3 = vector.shape_cast %get3A_2 : vector<1x128x3xf32> to vector<128x3xf32>
    %get3A_4 = arith.constant 0 : index
    %get3A_5 = arith.constant 0 : index
    %get3A_6 = arith.constant 0 : index
    %get3A_7 = vector.load %arg3[%get3A_4, %get3A_5, %get3A_6] : memref<1x3x512xf32, #tpu.memory_space<vmem>>, vector<1x3x512xf32>
    %get3A_8 = vector.shape_cast %get3A_7 : vector<1x3x512xf32> to vector<3x512xf32>
    %convert_element_type3A = arith.truncf %get3A_3 : vector<128x3xf32> to vector<128x3xbf16>
    %convert_element_type3A_9 = arith.truncf %get3A_8 : vector<3x512xf32> to vector<3x512xbf16>
    %dot_general3A = arith.constant dense<0.000000e+00> : vector<128x512xf32>
    %dot_general3A_10 = tpu.matmul %convert_element_type3A, %convert_element_type3A_9, %dot_general3A {dimension_numbers = #tpu.dot_dimension_numbers<[1], [0], [0], [1], [0, 0, 1, 1], [], []>, transpose_lhs_hint = false} : vector<128x3xbf16>, vector<3x512xbf16>, vector<128x512xf32> -> vector<128x512xf32>
    %mul3A = arith.mulf %get3A_3, %get3A_3 : vector<128x3xf32>
    %reduce_sum3A = arith.constant dense<0.000000e+00> : vector<128xf32>
    %reduce_sum3A_11 = vector.multi_reduction <add>, %mul3A, %reduce_sum3A [1] : vector<128x3xf32> to vector<128xf32>
    %broadcast_in_dim3A = vector.shape_cast %reduce_sum3A_11 : vector<128xf32> to vector<128x1xf32>
    %mul3A_12 = arith.mulf %get3A_8, %get3A_8 : vector<3x512xf32>
    %reduce_sum3A_13 = arith.constant dense<0.000000e+00> : vector<512xf32>
    %reduce_sum3A_14 = vector.multi_reduction <add>, %mul3A_12, %reduce_sum3A_13 [0] : vector<3x512xf32> to vector<512xf32>
    %broadcast_in_dim3A_15 = vector.shape_cast %reduce_sum3A_14 : vector<512xf32> to vector<1x512xf32>
    %mul3A_16 = arith.constant -2.000000e+00 : f32
    %mul3A_17 = vector.broadcast %mul3A_16 : f32 to vector<128x512xf32>
    %mul3A_18 = arith.mulf %mul3A_17, %dot_general3A_10 : vector<128x512xf32>
    %add3A = vector.broadcast %broadcast_in_dim3A : vector<128x1xf32> to vector<128x512xf32>
    %add3A_19 = arith.addf %mul3A_18, %add3A : vector<128x512xf32>
    %add3A_20 = vector.broadcast %broadcast_in_dim3A_15 : vector<1x512xf32> to vector<128x512xf32>
    %add3A_21 = arith.addf %add3A_19, %add3A_20 : vector<128x512xf32>
    %iota3A = tpu.iota {dimensions = array<i32: 1>} : vector<128x512xi32>
    %le3A = arith.constant 1.600000e-01 : f32
    %le3A_22 = vector.broadcast %le3A : f32 to vector<128x512xf32>
    %le3A_23 = arith.cmpf ole, %add3A_21, %le3A_22 : vector<128x512xf32>
    %jit3A = arith.constant 512 : i32
    %broadcast_in_dim3A_24 = vector.broadcast %jit3A : i32 to vector<128x512xi32>
    %select_n3A = arith.select %le3A_23, %iota3A, %broadcast_in_dim3A_24 : vector<128x512xi1>, vector<128x512xi32>
    %reduce_min3A = arith.constant dense<2147483647> : vector<128xi32>
    %reduce_min3A_25 = vector.multi_reduction <minsi>, %select_n3A, %reduce_min3A [1] : vector<128x512xi32> to vector<128xi32>
    %broadcast_in_dim3A_26 = vector.shape_cast %reduce_min3A_25 : vector<128xi32> to vector<128x1xi32>
    %min3A = arith.constant 511 : i32
    %min3A_27 = vector.broadcast %min3A : i32 to vector<128x1xi32>
    %min3A_28 = arith.minsi %broadcast_in_dim3A_26, %min3A_27 : vector<128x1xi32>
    %eq3A = vector.broadcast %broadcast_in_dim3A_26 : vector<128x1xi32> to vector<128x512xi32>
    %eq3A_29 = arith.cmpi eq, %select_n3A, %eq3A : vector<128x512xi32>
    %jit3A_30 = arith.constant 512 : i32
    %broadcast_in_dim3A_31 = vector.broadcast %jit3A_30 : i32 to vector<128x512xi32>
    %select_n3A_32 = arith.select %eq3A_29, %broadcast_in_dim3A_31, %select_n3A : vector<128x512xi1>, vector<128x512xi32>
    %reduce_min3A_33 = arith.constant dense<2147483647> : vector<128xi32>
    %reduce_min3A_34 = vector.multi_reduction <minsi>, %select_n3A_32, %reduce_min3A_33 [1] : vector<128x512xi32> to vector<128xi32>
    %broadcast_in_dim3A_35 = vector.shape_cast %reduce_min3A_34 : vector<128xi32> to vector<128x1xi32>
    %lt3A = arith.constant 512 : i32
    %lt3A_36 = vector.broadcast %lt3A : i32 to vector<128x1xi32>
    %lt3A_37 = arith.cmpi slt, %broadcast_in_dim3A_35, %lt3A_36 : vector<128x1xi32>
    %select_n3A_38 = arith.select %lt3A_37, %broadcast_in_dim3A_35, %min3A_28 : vector<128x1xi1>, vector<128x1xi32>
    %eq3A_39 = vector.broadcast %broadcast_in_dim3A_35 : vector<128x1xi32> to vector<128x512xi32>
    %eq3A_40 = arith.cmpi eq, %select_n3A_32, %eq3A_39 : vector<128x512xi32>
    %jit3A_41 = arith.constant 512 : i32
    %broadcast_in_dim3A_42 = vector.broadcast %jit3A_41 : i32 to vector<128x512xi32>
    %select_n3A_43 = arith.select %eq3A_40, %broadcast_in_dim3A_42, %select_n3A_32 : vector<128x512xi1>, vector<128x512xi32>
    %reduce_min3A_44 = arith.constant dense<2147483647> : vector<128xi32>
    %reduce_min3A_45 = vector.multi_reduction <minsi>, %select_n3A_43, %reduce_min3A_44 [1] : vector<128x512xi32> to vector<128xi32>
    %broadcast_in_dim3A_46 = vector.shape_cast %reduce_min3A_45 : vector<128xi32> to vector<128x1xi32>
    %lt3A_47 = arith.constant 512 : i32
    %lt3A_48 = vector.broadcast %lt3A_47 : i32 to vector<128x1xi32>
    %lt3A_49 = arith.cmpi slt, %broadcast_in_dim3A_46, %lt3A_48 : vector<128x1xi32>
    %select_n3A_50 = arith.select %lt3A_49, %broadcast_in_dim3A_46, %min3A_28 : vector<128x1xi1>, vector<128x1xi32>
    %eq3A_51 = vector.broadcast %broadcast_in_dim3A_46 : vector<128x1xi32> to vector<128x512xi32>
    %eq3A_52 = arith.cmpi eq, %select_n3A_43, %eq3A_51 : vector<128x512xi32>
    %jit3A_53 = arith.constant 512 : i32
    %broadcast_in_dim3A_54 = vector.broadcast %jit3A_53 : i32 to vector<128x512xi32>
    %select_n3A_55 = arith.select %eq3A_52, %broadcast_in_dim3A_54, %select_n3A_43 : vector<128x512xi1>, vector<128x512xi32>
    %reduce_min3A_56 = arith.constant dense<2147483647> : vector<128xi32>
    %reduce_min3A_57 = vector.multi_reduction <minsi>, %select_n3A_55, %reduce_min3A_56 [1] : vector<128x512xi32> to vector<128xi32>
    %broadcast_in_dim3A_58 = vector.shape_cast %reduce_min3A_57 : vector<128xi32> to vector<128x1xi32>
    %lt3A_59 = arith.constant 512 : i32
    %lt3A_60 = vector.broadcast %lt3A_59 : i32 to vector<128x1xi32>
    %lt3A_61 = arith.cmpi slt, %broadcast_in_dim3A_58, %lt3A_60 : vector<128x1xi32>
    %select_n3A_62 = arith.select %lt3A_61, %broadcast_in_dim3A_58, %min3A_28 : vector<128x1xi1>, vector<128x1xi32>
    %eq3A_63 = vector.broadcast %broadcast_in_dim3A_58 : vector<128x1xi32> to vector<128x512xi32>
    %eq3A_64 = arith.cmpi eq, %select_n3A_55, %eq3A_63 : vector<128x512xi32>
    %jit3A_65 = arith.constant 512 : i32
    %broadcast_in_dim3A_66 = vector.broadcast %jit3A_65 : i32 to vector<128x512xi32>
    %select_n3A_67 = arith.select %eq3A_64, %broadcast_in_dim3A_66, %select_n3A_55 : vector<128x512xi1>, vector<128x512xi32>
    %reduce_min3A_68 = arith.constant dense<2147483647> : vector<128xi32>
    %reduce_min3A_69 = vector.multi_reduction <minsi>, %select_n3A_67, %reduce_min3A_68 [1] : vector<128x512xi32> to vector<128xi32>
    %broadcast_in_dim3A_70 = vector.shape_cast %reduce_min3A_69 : vector<128xi32> to vector<128x1xi32>
    %lt3A_71 = arith.constant 512 : i32
    %lt3A_72 = vector.broadcast %lt3A_71 : i32 to vector<128x1xi32>
    %lt3A_73 = arith.cmpi slt, %broadcast_in_dim3A_70, %lt3A_72 : vector<128x1xi32>
    %select_n3A_74 = arith.select %lt3A_73, %broadcast_in_dim3A_70, %min3A_28 : vector<128x1xi1>, vector<128x1xi32>
    %eq3A_75 = vector.broadcast %broadcast_in_dim3A_70 : vector<128x1xi32> to vector<128x512xi32>
    %eq3A_76 = arith.cmpi eq, %select_n3A_67, %eq3A_75 : vector<128x512xi32>
    %jit3A_77 = arith.constant 512 : i32
    %broadcast_in_dim3A_78 = vector.broadcast %jit3A_77 : i32 to vector<128x512xi32>
    %select_n3A_79 = arith.select %eq3A_76, %broadcast_in_dim3A_78, %select_n3A_67 : vector<128x512xi1>, vector<128x512xi32>
    %reduce_min3A_80 = arith.constant dense<2147483647> : vector<128xi32>
    %reduce_min3A_81 = vector.multi_reduction <minsi>, %select_n3A_79, %reduce_min3A_80 [1] : vector<128x512xi32> to vector<128xi32>
    %broadcast_in_dim3A_82 = vector.shape_cast %reduce_min3A_81 : vector<128xi32> to vector<128x1xi32>
    %lt3A_83 = arith.constant 512 : i32
    %lt3A_84 = vector.broadcast %lt3A_83 : i32 to vector<128x1xi32>
    %lt3A_85 = arith.cmpi slt, %broadcast_in_dim3A_82, %lt3A_84 : vector<128x1xi32>
    %select_n3A_86 = arith.select %lt3A_85, %broadcast_in_dim3A_82, %min3A_28 : vector<128x1xi1>, vector<128x1xi32>
    %eq3A_87 = vector.broadcast %broadcast_in_dim3A_82 : vector<128x1xi32> to vector<128x512xi32>
    %eq3A_88 = arith.cmpi eq, %select_n3A_79, %eq3A_87 : vector<128x512xi32>
    %jit3A_89 = arith.constant 512 : i32
    %broadcast_in_dim3A_90 = vector.broadcast %jit3A_89 : i32 to vector<128x512xi32>
    %select_n3A_91 = arith.select %eq3A_88, %broadcast_in_dim3A_90, %select_n3A_79 : vector<128x512xi1>, vector<128x512xi32>
    %reduce_min3A_92 = arith.constant dense<2147483647> : vector<128xi32>
    %reduce_min3A_93 = vector.multi_reduction <minsi>, %select_n3A_91, %reduce_min3A_92 [1] : vector<128x512xi32> to vector<128xi32>
    %broadcast_in_dim3A_94 = vector.shape_cast %reduce_min3A_93 : vector<128xi32> to vector<128x1xi32>
    %lt3A_95 = arith.constant 512 : i32
    %lt3A_96 = vector.broadcast %lt3A_95 : i32 to vector<128x1xi32>
    %lt3A_97 = arith.cmpi slt, %broadcast_in_dim3A_94, %lt3A_96 : vector<128x1xi32>
    %select_n3A_98 = arith.select %lt3A_97, %broadcast_in_dim3A_94, %min3A_28 : vector<128x1xi1>, vector<128x1xi32>
    %eq3A_99 = vector.broadcast %broadcast_in_dim3A_94 : vector<128x1xi32> to vector<128x512xi32>
    %eq3A_100 = arith.cmpi eq, %select_n3A_91, %eq3A_99 : vector<128x512xi32>
    %jit3A_101 = arith.constant 512 : i32
    %broadcast_in_dim3A_102 = vector.broadcast %jit3A_101 : i32 to vector<128x512xi32>
    %select_n3A_103 = arith.select %eq3A_100, %broadcast_in_dim3A_102, %select_n3A_91 : vector<128x512xi1>, vector<128x512xi32>
    %reduce_min3A_104 = arith.constant dense<2147483647> : vector<128xi32>
    %reduce_min3A_105 = vector.multi_reduction <minsi>, %select_n3A_103, %reduce_min3A_104 [1] : vector<128x512xi32> to vector<128xi32>
    %broadcast_in_dim3A_106 = vector.shape_cast %reduce_min3A_105 : vector<128xi32> to vector<128x1xi32>
    %lt3A_107 = arith.constant 512 : i32
    %lt3A_108 = vector.broadcast %lt3A_107 : i32 to vector<128x1xi32>
    %lt3A_109 = arith.cmpi slt, %broadcast_in_dim3A_106, %lt3A_108 : vector<128x1xi32>
    %select_n3A_110 = arith.select %lt3A_109, %broadcast_in_dim3A_106, %min3A_28 : vector<128x1xi1>, vector<128x1xi32>
    %eq3A_111 = vector.broadcast %broadcast_in_dim3A_106 : vector<128x1xi32> to vector<128x512xi32>
    %eq3A_112 = arith.cmpi eq, %select_n3A_103, %eq3A_111 : vector<128x512xi32>
    %jit3A_113 = arith.constant 512 : i32
    %broadcast_in_dim3A_114 = vector.broadcast %jit3A_113 : i32 to vector<128x512xi32>
    %select_n3A_115 = arith.select %eq3A_112, %broadcast_in_dim3A_114, %select_n3A_103 : vector<128x512xi1>, vector<128x512xi32>
    %reduce_min3A_116 = arith.constant dense<2147483647> : vector<128xi32>
    %reduce_min3A_117 = vector.multi_reduction <minsi>, %select_n3A_115, %reduce_min3A_116 [1] : vector<128x512xi32> to vector<128xi32>
    %broadcast_in_dim3A_118 = vector.shape_cast %reduce_min3A_117 : vector<128xi32> to vector<128x1xi32>
    %lt3A_119 = arith.constant 512 : i32
    %lt3A_120 = vector.broadcast %lt3A_119 : i32 to vector<128x1xi32>
    %lt3A_121 = arith.cmpi slt, %broadcast_in_dim3A_118, %lt3A_120 : vector<128x1xi32>
    %select_n3A_122 = arith.select %lt3A_121, %broadcast_in_dim3A_118, %min3A_28 : vector<128x1xi1>, vector<128x1xi32>
    %eq3A_123 = vector.broadcast %broadcast_in_dim3A_118 : vector<128x1xi32> to vector<128x512xi32>
    %eq3A_124 = arith.cmpi eq, %select_n3A_115, %eq3A_123 : vector<128x512xi32>
    %jit3A_125 = arith.constant 512 : i32
    %broadcast_in_dim3A_126 = vector.broadcast %jit3A_125 : i32 to vector<128x512xi32>
    %select_n3A_127 = arith.select %eq3A_124, %broadcast_in_dim3A_126, %select_n3A_115 : vector<128x512xi1>, vector<128x512xi32>
    %reduce_min3A_128 = arith.constant dense<2147483647> : vector<128xi32>
    %reduce_min3A_129 = vector.multi_reduction <minsi>, %select_n3A_127, %reduce_min3A_128 [1] : vector<128x512xi32> to vector<128xi32>
    %broadcast_in_dim3A_130 = vector.shape_cast %reduce_min3A_129 : vector<128xi32> to vector<128x1xi32>
    %lt3A_131 = arith.constant 512 : i32
    %lt3A_132 = vector.broadcast %lt3A_131 : i32 to vector<128x1xi32>
    %lt3A_133 = arith.cmpi slt, %broadcast_in_dim3A_130, %lt3A_132 : vector<128x1xi32>
    %select_n3A_134 = arith.select %lt3A_133, %broadcast_in_dim3A_130, %min3A_28 : vector<128x1xi1>, vector<128x1xi32>
    %eq3A_135 = vector.broadcast %broadcast_in_dim3A_130 : vector<128x1xi32> to vector<128x512xi32>
    %eq3A_136 = arith.cmpi eq, %select_n3A_127, %eq3A_135 : vector<128x512xi32>
    %jit3A_137 = arith.constant 512 : i32
    %broadcast_in_dim3A_138 = vector.broadcast %jit3A_137 : i32 to vector<128x512xi32>
    %select_n3A_139 = arith.select %eq3A_136, %broadcast_in_dim3A_138, %select_n3A_127 : vector<128x512xi1>, vector<128x512xi32>
    %reduce_min3A_140 = arith.constant dense<2147483647> : vector<128xi32>
    %reduce_min3A_141 = vector.multi_reduction <minsi>, %select_n3A_139, %reduce_min3A_140 [1] : vector<128x512xi32> to vector<128xi32>
    %broadcast_in_dim3A_142 = vector.shape_cast %reduce_min3A_141 : vector<128xi32> to vector<128x1xi32>
    %lt3A_143 = arith.constant 512 : i32
    %lt3A_144 = vector.broadcast %lt3A_143 : i32 to vector<128x1xi32>
    %lt3A_145 = arith.cmpi slt, %broadcast_in_dim3A_142, %lt3A_144 : vector<128x1xi32>
    %select_n3A_146 = arith.select %lt3A_145, %broadcast_in_dim3A_142, %min3A_28 : vector<128x1xi1>, vector<128x1xi32>
    %eq3A_147 = vector.broadcast %broadcast_in_dim3A_142 : vector<128x1xi32> to vector<128x512xi32>
    %eq3A_148 = arith.cmpi eq, %select_n3A_139, %eq3A_147 : vector<128x512xi32>
    %jit3A_149 = arith.constant 512 : i32
    %broadcast_in_dim3A_150 = vector.broadcast %jit3A_149 : i32 to vector<128x512xi32>
    %select_n3A_151 = arith.select %eq3A_148, %broadcast_in_dim3A_150, %select_n3A_139 : vector<128x512xi1>, vector<128x512xi32>
    %reduce_min3A_152 = arith.constant dense<2147483647> : vector<128xi32>
    %reduce_min3A_153 = vector.multi_reduction <minsi>, %select_n3A_151, %reduce_min3A_152 [1] : vector<128x512xi32> to vector<128xi32>
    %broadcast_in_dim3A_154 = vector.shape_cast %reduce_min3A_153 : vector<128xi32> to vector<128x1xi32>
    %lt3A_155 = arith.constant 512 : i32
    %lt3A_156 = vector.broadcast %lt3A_155 : i32 to vector<128x1xi32>
    %lt3A_157 = arith.cmpi slt, %broadcast_in_dim3A_154, %lt3A_156 : vector<128x1xi32>
    %select_n3A_158 = arith.select %lt3A_157, %broadcast_in_dim3A_154, %min3A_28 : vector<128x1xi1>, vector<128x1xi32>
    %eq3A_159 = vector.broadcast %broadcast_in_dim3A_154 : vector<128x1xi32> to vector<128x512xi32>
    %eq3A_160 = arith.cmpi eq, %select_n3A_151, %eq3A_159 : vector<128x512xi32>
    %jit3A_161 = arith.constant 512 : i32
    %broadcast_in_dim3A_162 = vector.broadcast %jit3A_161 : i32 to vector<128x512xi32>
    %select_n3A_163 = arith.select %eq3A_160, %broadcast_in_dim3A_162, %select_n3A_151 : vector<128x512xi1>, vector<128x512xi32>
    %reduce_min3A_164 = arith.constant dense<2147483647> : vector<128xi32>
    %reduce_min3A_165 = vector.multi_reduction <minsi>, %select_n3A_163, %reduce_min3A_164 [1] : vector<128x512xi32> to vector<128xi32>
    %broadcast_in_dim3A_166 = vector.shape_cast %reduce_min3A_165 : vector<128xi32> to vector<128x1xi32>
    %lt3A_167 = arith.constant 512 : i32
    %lt3A_168 = vector.broadcast %lt3A_167 : i32 to vector<128x1xi32>
    %lt3A_169 = arith.cmpi slt, %broadcast_in_dim3A_166, %lt3A_168 : vector<128x1xi32>
    %select_n3A_170 = arith.select %lt3A_169, %broadcast_in_dim3A_166, %min3A_28 : vector<128x1xi1>, vector<128x1xi32>
    %eq3A_171 = vector.broadcast %broadcast_in_dim3A_166 : vector<128x1xi32> to vector<128x512xi32>
    %eq3A_172 = arith.cmpi eq, %select_n3A_163, %eq3A_171 : vector<128x512xi32>
    %jit3A_173 = arith.constant 512 : i32
    %broadcast_in_dim3A_174 = vector.broadcast %jit3A_173 : i32 to vector<128x512xi32>
    %select_n3A_175 = arith.select %eq3A_172, %broadcast_in_dim3A_174, %select_n3A_163 : vector<128x512xi1>, vector<128x512xi32>
    %reduce_min3A_176 = arith.constant dense<2147483647> : vector<128xi32>
    %reduce_min3A_177 = vector.multi_reduction <minsi>, %select_n3A_175, %reduce_min3A_176 [1] : vector<128x512xi32> to vector<128xi32>
    %broadcast_in_dim3A_178 = vector.shape_cast %reduce_min3A_177 : vector<128xi32> to vector<128x1xi32>
    %lt3A_179 = arith.constant 512 : i32
    %lt3A_180 = vector.broadcast %lt3A_179 : i32 to vector<128x1xi32>
    %lt3A_181 = arith.cmpi slt, %broadcast_in_dim3A_178, %lt3A_180 : vector<128x1xi32>
    %select_n3A_182 = arith.select %lt3A_181, %broadcast_in_dim3A_178, %min3A_28 : vector<128x1xi1>, vector<128x1xi32>
    %eq3A_183 = vector.broadcast %broadcast_in_dim3A_178 : vector<128x1xi32> to vector<128x512xi32>
    %eq3A_184 = arith.cmpi eq, %select_n3A_175, %eq3A_183 : vector<128x512xi32>
    %jit3A_185 = arith.constant 512 : i32
    %broadcast_in_dim3A_186 = vector.broadcast %jit3A_185 : i32 to vector<128x512xi32>
    %select_n3A_187 = arith.select %eq3A_184, %broadcast_in_dim3A_186, %select_n3A_175 : vector<128x512xi1>, vector<128x512xi32>
    %reduce_min3A_188 = arith.constant dense<2147483647> : vector<128xi32>
    %reduce_min3A_189 = vector.multi_reduction <minsi>, %select_n3A_187, %reduce_min3A_188 [1] : vector<128x512xi32> to vector<128xi32>
    %broadcast_in_dim3A_190 = vector.shape_cast %reduce_min3A_189 : vector<128xi32> to vector<128x1xi32>
    %lt3A_191 = arith.constant 512 : i32
    %lt3A_192 = vector.broadcast %lt3A_191 : i32 to vector<128x1xi32>
    %lt3A_193 = arith.cmpi slt, %broadcast_in_dim3A_190, %lt3A_192 : vector<128x1xi32>
    %select_n3A_194 = arith.select %lt3A_193, %broadcast_in_dim3A_190, %min3A_28 : vector<128x1xi1>, vector<128x1xi32>
    %eq3A_195 = vector.broadcast %broadcast_in_dim3A_190 : vector<128x1xi32> to vector<128x512xi32>
    %eq3A_196 = arith.cmpi eq, %select_n3A_187, %eq3A_195 : vector<128x512xi32>
    %jit3A_197 = arith.constant 512 : i32
    %broadcast_in_dim3A_198 = vector.broadcast %jit3A_197 : i32 to vector<128x512xi32>
    %select_n3A_199 = arith.select %eq3A_196, %broadcast_in_dim3A_198, %select_n3A_187 : vector<128x512xi1>, vector<128x512xi32>
    %reduce_min3A_200 = arith.constant dense<2147483647> : vector<128xi32>
    %reduce_min3A_201 = vector.multi_reduction <minsi>, %select_n3A_199, %reduce_min3A_200 [1] : vector<128x512xi32> to vector<128xi32>
    %broadcast_in_dim3A_202 = vector.shape_cast %reduce_min3A_201 : vector<128xi32> to vector<128x1xi32>
    %lt3A_203 = arith.constant 512 : i32
    %lt3A_204 = vector.broadcast %lt3A_203 : i32 to vector<128x1xi32>
    %lt3A_205 = arith.cmpi slt, %broadcast_in_dim3A_202, %lt3A_204 : vector<128x1xi32>
    %select_n3A_206 = arith.select %lt3A_205, %broadcast_in_dim3A_202, %min3A_28 : vector<128x1xi1>, vector<128x1xi32>
    %eq3A_207 = vector.broadcast %broadcast_in_dim3A_202 : vector<128x1xi32> to vector<128x512xi32>
    %eq3A_208 = arith.cmpi eq, %select_n3A_199, %eq3A_207 : vector<128x512xi32>
    %jit3A_209 = arith.constant 512 : i32
    %broadcast_in_dim3A_210 = vector.broadcast %jit3A_209 : i32 to vector<128x512xi32>
    %select_n3A_211 = arith.select %eq3A_208, %broadcast_in_dim3A_210, %select_n3A_199 : vector<128x512xi1>, vector<128x512xi32>
    %reduce_min3A_212 = arith.constant dense<2147483647> : vector<128xi32>
    %reduce_min3A_213 = vector.multi_reduction <minsi>, %select_n3A_211, %reduce_min3A_212 [1] : vector<128x512xi32> to vector<128xi32>
    %broadcast_in_dim3A_214 = vector.shape_cast %reduce_min3A_213 : vector<128xi32> to vector<128x1xi32>
    %lt3A_215 = arith.constant 512 : i32
    %lt3A_216 = vector.broadcast %lt3A_215 : i32 to vector<128x1xi32>
    %lt3A_217 = arith.cmpi slt, %broadcast_in_dim3A_214, %lt3A_216 : vector<128x1xi32>
    %select_n3A_218 = arith.select %lt3A_217, %broadcast_in_dim3A_214, %min3A_28 : vector<128x1xi1>, vector<128x1xi32>
    %eq3A_219 = vector.broadcast %broadcast_in_dim3A_214 : vector<128x1xi32> to vector<128x512xi32>
    %eq3A_220 = arith.cmpi eq, %select_n3A_211, %eq3A_219 : vector<128x512xi32>
    %jit3A_221 = arith.constant 512 : i32
    %broadcast_in_dim3A_222 = vector.broadcast %jit3A_221 : i32 to vector<128x512xi32>
    %select_n3A_223 = arith.select %eq3A_220, %broadcast_in_dim3A_222, %select_n3A_211 : vector<128x512xi1>, vector<128x512xi32>
    %reduce_min3A_224 = arith.constant dense<2147483647> : vector<128xi32>
    %reduce_min3A_225 = vector.multi_reduction <minsi>, %select_n3A_223, %reduce_min3A_224 [1] : vector<128x512xi32> to vector<128xi32>
    %broadcast_in_dim3A_226 = vector.shape_cast %reduce_min3A_225 : vector<128xi32> to vector<128x1xi32>
    %lt3A_227 = arith.constant 512 : i32
    %lt3A_228 = vector.broadcast %lt3A_227 : i32 to vector<128x1xi32>
    %lt3A_229 = arith.cmpi slt, %broadcast_in_dim3A_226, %lt3A_228 : vector<128x1xi32>
    %select_n3A_230 = arith.select %lt3A_229, %broadcast_in_dim3A_226, %min3A_28 : vector<128x1xi1>, vector<128x1xi32>
    %eq3A_231 = vector.broadcast %broadcast_in_dim3A_226 : vector<128x1xi32> to vector<128x512xi32>
    %eq3A_232 = arith.cmpi eq, %select_n3A_223, %eq3A_231 : vector<128x512xi32>
    %jit3A_233 = arith.constant 512 : i32
    %broadcast_in_dim3A_234 = vector.broadcast %jit3A_233 : i32 to vector<128x512xi32>
    %select_n3A_235 = arith.select %eq3A_232, %broadcast_in_dim3A_234, %select_n3A_223 : vector<128x512xi1>, vector<128x512xi32>
    %reduce_min3A_236 = arith.constant dense<2147483647> : vector<128xi32>
    %reduce_min3A_237 = vector.multi_reduction <minsi>, %select_n3A_235, %reduce_min3A_236 [1] : vector<128x512xi32> to vector<128xi32>
    %broadcast_in_dim3A_238 = vector.shape_cast %reduce_min3A_237 : vector<128xi32> to vector<128x1xi32>
    %lt3A_239 = arith.constant 512 : i32
    %lt3A_240 = vector.broadcast %lt3A_239 : i32 to vector<128x1xi32>
    %lt3A_241 = arith.cmpi slt, %broadcast_in_dim3A_238, %lt3A_240 : vector<128x1xi32>
    %select_n3A_242 = arith.select %lt3A_241, %broadcast_in_dim3A_238, %min3A_28 : vector<128x1xi1>, vector<128x1xi32>
    %eq3A_243 = vector.broadcast %broadcast_in_dim3A_238 : vector<128x1xi32> to vector<128x512xi32>
    %eq3A_244 = arith.cmpi eq, %select_n3A_235, %eq3A_243 : vector<128x512xi32>
    %jit3A_245 = arith.constant 512 : i32
    %broadcast_in_dim3A_246 = vector.broadcast %jit3A_245 : i32 to vector<128x512xi32>
    %select_n3A_247 = arith.select %eq3A_244, %broadcast_in_dim3A_246, %select_n3A_235 : vector<128x512xi1>, vector<128x512xi32>
    %reduce_min3A_248 = arith.constant dense<2147483647> : vector<128xi32>
    %reduce_min3A_249 = vector.multi_reduction <minsi>, %select_n3A_247, %reduce_min3A_248 [1] : vector<128x512xi32> to vector<128xi32>
    %broadcast_in_dim3A_250 = vector.shape_cast %reduce_min3A_249 : vector<128xi32> to vector<128x1xi32>
    %lt3A_251 = arith.constant 512 : i32
    %lt3A_252 = vector.broadcast %lt3A_251 : i32 to vector<128x1xi32>
    %lt3A_253 = arith.cmpi slt, %broadcast_in_dim3A_250, %lt3A_252 : vector<128x1xi32>
    %select_n3A_254 = arith.select %lt3A_253, %broadcast_in_dim3A_250, %min3A_28 : vector<128x1xi1>, vector<128x1xi32>
    %eq3A_255 = vector.broadcast %broadcast_in_dim3A_250 : vector<128x1xi32> to vector<128x512xi32>
    %eq3A_256 = arith.cmpi eq, %select_n3A_247, %eq3A_255 : vector<128x512xi32>
    %jit3A_257 = arith.constant 512 : i32
    %broadcast_in_dim3A_258 = vector.broadcast %jit3A_257 : i32 to vector<128x512xi32>
    %select_n3A_259 = arith.select %eq3A_256, %broadcast_in_dim3A_258, %select_n3A_247 : vector<128x512xi1>, vector<128x512xi32>
    %reduce_min3A_260 = arith.constant dense<2147483647> : vector<128xi32>
    %reduce_min3A_261 = vector.multi_reduction <minsi>, %select_n3A_259, %reduce_min3A_260 [1] : vector<128x512xi32> to vector<128xi32>
    %broadcast_in_dim3A_262 = vector.shape_cast %reduce_min3A_261 : vector<128xi32> to vector<128x1xi32>
    %lt3A_263 = arith.constant 512 : i32
    %lt3A_264 = vector.broadcast %lt3A_263 : i32 to vector<128x1xi32>
    %lt3A_265 = arith.cmpi slt, %broadcast_in_dim3A_262, %lt3A_264 : vector<128x1xi32>
    %select_n3A_266 = arith.select %lt3A_265, %broadcast_in_dim3A_262, %min3A_28 : vector<128x1xi1>, vector<128x1xi32>
    %eq3A_267 = vector.broadcast %broadcast_in_dim3A_262 : vector<128x1xi32> to vector<128x512xi32>
    %eq3A_268 = arith.cmpi eq, %select_n3A_259, %eq3A_267 : vector<128x512xi32>
    %jit3A_269 = arith.constant 512 : i32
    %broadcast_in_dim3A_270 = vector.broadcast %jit3A_269 : i32 to vector<128x512xi32>
    %select_n3A_271 = arith.select %eq3A_268, %broadcast_in_dim3A_270, %select_n3A_259 : vector<128x512xi1>, vector<128x512xi32>
    %reduce_min3A_272 = arith.constant dense<2147483647> : vector<128xi32>
    %reduce_min3A_273 = vector.multi_reduction <minsi>, %select_n3A_271, %reduce_min3A_272 [1] : vector<128x512xi32> to vector<128xi32>
    %broadcast_in_dim3A_274 = vector.shape_cast %reduce_min3A_273 : vector<128xi32> to vector<128x1xi32>
    %lt3A_275 = arith.constant 512 : i32
    %lt3A_276 = vector.broadcast %lt3A_275 : i32 to vector<128x1xi32>
    %lt3A_277 = arith.cmpi slt, %broadcast_in_dim3A_274, %lt3A_276 : vector<128x1xi32>
    %select_n3A_278 = arith.select %lt3A_277, %broadcast_in_dim3A_274, %min3A_28 : vector<128x1xi1>, vector<128x1xi32>
    %eq3A_279 = vector.broadcast %broadcast_in_dim3A_274 : vector<128x1xi32> to vector<128x512xi32>
    %eq3A_280 = arith.cmpi eq, %select_n3A_271, %eq3A_279 : vector<128x512xi32>
    %jit3A_281 = arith.constant 512 : i32
    %broadcast_in_dim3A_282 = vector.broadcast %jit3A_281 : i32 to vector<128x512xi32>
    %select_n3A_283 = arith.select %eq3A_280, %broadcast_in_dim3A_282, %select_n3A_271 : vector<128x512xi1>, vector<128x512xi32>
    %reduce_min3A_284 = arith.constant dense<2147483647> : vector<128xi32>
    %reduce_min3A_285 = vector.multi_reduction <minsi>, %select_n3A_283, %reduce_min3A_284 [1] : vector<128x512xi32> to vector<128xi32>
    %broadcast_in_dim3A_286 = vector.shape_cast %reduce_min3A_285 : vector<128xi32> to vector<128x1xi32>
    %lt3A_287 = arith.constant 512 : i32
    %lt3A_288 = vector.broadcast %lt3A_287 : i32 to vector<128x1xi32>
    %lt3A_289 = arith.cmpi slt, %broadcast_in_dim3A_286, %lt3A_288 : vector<128x1xi32>
    %select_n3A_290 = arith.select %lt3A_289, %broadcast_in_dim3A_286, %min3A_28 : vector<128x1xi1>, vector<128x1xi32>
    %eq3A_291 = vector.broadcast %broadcast_in_dim3A_286 : vector<128x1xi32> to vector<128x512xi32>
    %eq3A_292 = arith.cmpi eq, %select_n3A_283, %eq3A_291 : vector<128x512xi32>
    %jit3A_293 = arith.constant 512 : i32
    %broadcast_in_dim3A_294 = vector.broadcast %jit3A_293 : i32 to vector<128x512xi32>
    %select_n3A_295 = arith.select %eq3A_292, %broadcast_in_dim3A_294, %select_n3A_283 : vector<128x512xi1>, vector<128x512xi32>
    %reduce_min3A_296 = arith.constant dense<2147483647> : vector<128xi32>
    %reduce_min3A_297 = vector.multi_reduction <minsi>, %select_n3A_295, %reduce_min3A_296 [1] : vector<128x512xi32> to vector<128xi32>
    %broadcast_in_dim3A_298 = vector.shape_cast %reduce_min3A_297 : vector<128xi32> to vector<128x1xi32>
    %lt3A_299 = arith.constant 512 : i32
    %lt3A_300 = vector.broadcast %lt3A_299 : i32 to vector<128x1xi32>
    %lt3A_301 = arith.cmpi slt, %broadcast_in_dim3A_298, %lt3A_300 : vector<128x1xi32>
    %select_n3A_302 = arith.select %lt3A_301, %broadcast_in_dim3A_298, %min3A_28 : vector<128x1xi1>, vector<128x1xi32>
    %eq3A_303 = vector.broadcast %broadcast_in_dim3A_298 : vector<128x1xi32> to vector<128x512xi32>
    %eq3A_304 = arith.cmpi eq, %select_n3A_295, %eq3A_303 : vector<128x512xi32>
    %jit3A_305 = arith.constant 512 : i32
    %broadcast_in_dim3A_306 = vector.broadcast %jit3A_305 : i32 to vector<128x512xi32>
    %select_n3A_307 = arith.select %eq3A_304, %broadcast_in_dim3A_306, %select_n3A_295 : vector<128x512xi1>, vector<128x512xi32>
    %reduce_min3A_308 = arith.constant dense<2147483647> : vector<128xi32>
    %reduce_min3A_309 = vector.multi_reduction <minsi>, %select_n3A_307, %reduce_min3A_308 [1] : vector<128x512xi32> to vector<128xi32>
    %broadcast_in_dim3A_310 = vector.shape_cast %reduce_min3A_309 : vector<128xi32> to vector<128x1xi32>
    %lt3A_311 = arith.constant 512 : i32
    %lt3A_312 = vector.broadcast %lt3A_311 : i32 to vector<128x1xi32>
    %lt3A_313 = arith.cmpi slt, %broadcast_in_dim3A_310, %lt3A_312 : vector<128x1xi32>
    %select_n3A_314 = arith.select %lt3A_313, %broadcast_in_dim3A_310, %min3A_28 : vector<128x1xi1>, vector<128x1xi32>
    %eq3A_315 = vector.broadcast %broadcast_in_dim3A_310 : vector<128x1xi32> to vector<128x512xi32>
    %eq3A_316 = arith.cmpi eq, %select_n3A_307, %eq3A_315 : vector<128x512xi32>
    %jit3A_317 = arith.constant 512 : i32
    %broadcast_in_dim3A_318 = vector.broadcast %jit3A_317 : i32 to vector<128x512xi32>
    %select_n3A_319 = arith.select %eq3A_316, %broadcast_in_dim3A_318, %select_n3A_307 : vector<128x512xi1>, vector<128x512xi32>
    %reduce_min3A_320 = arith.constant dense<2147483647> : vector<128xi32>
    %reduce_min3A_321 = vector.multi_reduction <minsi>, %select_n3A_319, %reduce_min3A_320 [1] : vector<128x512xi32> to vector<128xi32>
    %broadcast_in_dim3A_322 = vector.shape_cast %reduce_min3A_321 : vector<128xi32> to vector<128x1xi32>
    %lt3A_323 = arith.constant 512 : i32
    %lt3A_324 = vector.broadcast %lt3A_323 : i32 to vector<128x1xi32>
    %lt3A_325 = arith.cmpi slt, %broadcast_in_dim3A_322, %lt3A_324 : vector<128x1xi32>
    %select_n3A_326 = arith.select %lt3A_325, %broadcast_in_dim3A_322, %min3A_28 : vector<128x1xi1>, vector<128x1xi32>
    %eq3A_327 = vector.broadcast %broadcast_in_dim3A_322 : vector<128x1xi32> to vector<128x512xi32>
    %eq3A_328 = arith.cmpi eq, %select_n3A_319, %eq3A_327 : vector<128x512xi32>
    %jit3A_329 = arith.constant 512 : i32
    %broadcast_in_dim3A_330 = vector.broadcast %jit3A_329 : i32 to vector<128x512xi32>
    %select_n3A_331 = arith.select %eq3A_328, %broadcast_in_dim3A_330, %select_n3A_319 : vector<128x512xi1>, vector<128x512xi32>
    %reduce_min3A_332 = arith.constant dense<2147483647> : vector<128xi32>
    %reduce_min3A_333 = vector.multi_reduction <minsi>, %select_n3A_331, %reduce_min3A_332 [1] : vector<128x512xi32> to vector<128xi32>
    %broadcast_in_dim3A_334 = vector.shape_cast %reduce_min3A_333 : vector<128xi32> to vector<128x1xi32>
    %lt3A_335 = arith.constant 512 : i32
    %lt3A_336 = vector.broadcast %lt3A_335 : i32 to vector<128x1xi32>
    %lt3A_337 = arith.cmpi slt, %broadcast_in_dim3A_334, %lt3A_336 : vector<128x1xi32>
    %select_n3A_338 = arith.select %lt3A_337, %broadcast_in_dim3A_334, %min3A_28 : vector<128x1xi1>, vector<128x1xi32>
    %eq3A_339 = vector.broadcast %broadcast_in_dim3A_334 : vector<128x1xi32> to vector<128x512xi32>
    %eq3A_340 = arith.cmpi eq, %select_n3A_331, %eq3A_339 : vector<128x512xi32>
    %jit3A_341 = arith.constant 512 : i32
    %broadcast_in_dim3A_342 = vector.broadcast %jit3A_341 : i32 to vector<128x512xi32>
    %select_n3A_343 = arith.select %eq3A_340, %broadcast_in_dim3A_342, %select_n3A_331 : vector<128x512xi1>, vector<128x512xi32>
    %reduce_min3A_344 = arith.constant dense<2147483647> : vector<128xi32>
    %reduce_min3A_345 = vector.multi_reduction <minsi>, %select_n3A_343, %reduce_min3A_344 [1] : vector<128x512xi32> to vector<128xi32>
    %broadcast_in_dim3A_346 = vector.shape_cast %reduce_min3A_345 : vector<128xi32> to vector<128x1xi32>
    %lt3A_347 = arith.constant 512 : i32
    %lt3A_348 = vector.broadcast %lt3A_347 : i32 to vector<128x1xi32>
    %lt3A_349 = arith.cmpi slt, %broadcast_in_dim3A_346, %lt3A_348 : vector<128x1xi32>
    %select_n3A_350 = arith.select %lt3A_349, %broadcast_in_dim3A_346, %min3A_28 : vector<128x1xi1>, vector<128x1xi32>
    %eq3A_351 = vector.broadcast %broadcast_in_dim3A_346 : vector<128x1xi32> to vector<128x512xi32>
    %eq3A_352 = arith.cmpi eq, %select_n3A_343, %eq3A_351 : vector<128x512xi32>
    %jit3A_353 = arith.constant 512 : i32
    %broadcast_in_dim3A_354 = vector.broadcast %jit3A_353 : i32 to vector<128x512xi32>
    %select_n3A_355 = arith.select %eq3A_352, %broadcast_in_dim3A_354, %select_n3A_343 : vector<128x512xi1>, vector<128x512xi32>
    %reduce_min3A_356 = arith.constant dense<2147483647> : vector<128xi32>
    %reduce_min3A_357 = vector.multi_reduction <minsi>, %select_n3A_355, %reduce_min3A_356 [1] : vector<128x512xi32> to vector<128xi32>
    %broadcast_in_dim3A_358 = vector.shape_cast %reduce_min3A_357 : vector<128xi32> to vector<128x1xi32>
    %lt3A_359 = arith.constant 512 : i32
    %lt3A_360 = vector.broadcast %lt3A_359 : i32 to vector<128x1xi32>
    %lt3A_361 = arith.cmpi slt, %broadcast_in_dim3A_358, %lt3A_360 : vector<128x1xi32>
    %select_n3A_362 = arith.select %lt3A_361, %broadcast_in_dim3A_358, %min3A_28 : vector<128x1xi1>, vector<128x1xi32>
    %eq3A_363 = vector.broadcast %broadcast_in_dim3A_358 : vector<128x1xi32> to vector<128x512xi32>
    %eq3A_364 = arith.cmpi eq, %select_n3A_355, %eq3A_363 : vector<128x512xi32>
    %jit3A_365 = arith.constant 512 : i32
    %broadcast_in_dim3A_366 = vector.broadcast %jit3A_365 : i32 to vector<128x512xi32>
    %select_n3A_367 = arith.select %eq3A_364, %broadcast_in_dim3A_366, %select_n3A_355 : vector<128x512xi1>, vector<128x512xi32>
    %reduce_min3A_368 = arith.constant dense<2147483647> : vector<128xi32>
    %reduce_min3A_369 = vector.multi_reduction <minsi>, %select_n3A_367, %reduce_min3A_368 [1] : vector<128x512xi32> to vector<128xi32>
    %broadcast_in_dim3A_370 = vector.shape_cast %reduce_min3A_369 : vector<128xi32> to vector<128x1xi32>
    %lt3A_371 = arith.constant 512 : i32
    %lt3A_372 = vector.broadcast %lt3A_371 : i32 to vector<128x1xi32>
    %lt3A_373 = arith.cmpi slt, %broadcast_in_dim3A_370, %lt3A_372 : vector<128x1xi32>
    %select_n3A_374 = arith.select %lt3A_373, %broadcast_in_dim3A_370, %min3A_28 : vector<128x1xi1>, vector<128x1xi32>
    %eq3A_375 = vector.broadcast %broadcast_in_dim3A_370 : vector<128x1xi32> to vector<128x512xi32>
    %eq3A_376 = arith.cmpi eq, %select_n3A_367, %eq3A_375 : vector<128x512xi32>
    %jit3A_377 = arith.constant 512 : i32
    %broadcast_in_dim3A_378 = vector.broadcast %jit3A_377 : i32 to vector<128x512xi32>
    %select_n3A_379 = arith.select %eq3A_376, %broadcast_in_dim3A_378, %select_n3A_367 : vector<128x512xi1>, vector<128x512xi32>
    %reduce_min3A_380 = arith.constant dense<2147483647> : vector<128xi32>
    %reduce_min3A_381 = vector.multi_reduction <minsi>, %select_n3A_379, %reduce_min3A_380 [1] : vector<128x512xi32> to vector<128xi32>
    %broadcast_in_dim3A_382 = vector.shape_cast %reduce_min3A_381 : vector<128xi32> to vector<128x1xi32>
    %lt3A_383 = arith.constant 512 : i32
    %lt3A_384 = vector.broadcast %lt3A_383 : i32 to vector<128x1xi32>
    %lt3A_385 = arith.cmpi slt, %broadcast_in_dim3A_382, %lt3A_384 : vector<128x1xi32>
    %select_n3A_386 = arith.select %lt3A_385, %broadcast_in_dim3A_382, %min3A_28 : vector<128x1xi1>, vector<128x1xi32>
    %eq3A_387 = vector.broadcast %broadcast_in_dim3A_382 : vector<128x1xi32> to vector<128x512xi32>
    %eq3A_388 = arith.cmpi eq, %select_n3A_379, %eq3A_387 : vector<128x512xi32>
    %jit3A_389 = arith.constant 512 : i32
    %broadcast_in_dim3A_390 = vector.broadcast %jit3A_389 : i32 to vector<128x512xi32>
    %select_n3A_391 = arith.select %eq3A_388, %broadcast_in_dim3A_390, %select_n3A_379 : vector<128x512xi1>, vector<128x512xi32>
    %reduce_min3A_392 = arith.constant dense<2147483647> : vector<128xi32>
    %reduce_min3A_393 = vector.multi_reduction <minsi>, %select_n3A_391, %reduce_min3A_392 [1] : vector<128x512xi32> to vector<128xi32>
    %broadcast_in_dim3A_394 = vector.shape_cast %reduce_min3A_393 : vector<128xi32> to vector<128x1xi32>
    %lt3A_395 = arith.constant 512 : i32
    %lt3A_396 = vector.broadcast %lt3A_395 : i32 to vector<128x1xi32>
    %lt3A_397 = arith.cmpi slt, %broadcast_in_dim3A_394, %lt3A_396 : vector<128x1xi32>
    %select_n3A_398 = arith.select %lt3A_397, %broadcast_in_dim3A_394, %min3A_28 : vector<128x1xi1>, vector<128x1xi32>
    %eq3A_399 = vector.broadcast %broadcast_in_dim3A_394 : vector<128x1xi32> to vector<128x512xi32>
    %eq3A_400 = arith.cmpi eq, %select_n3A_391, %eq3A_399 : vector<128x512xi32>
    %jit3A_401 = arith.constant 512 : i32
    %broadcast_in_dim3A_402 = vector.broadcast %jit3A_401 : i32 to vector<128x512xi32>
    %select_n3A_403 = arith.select %eq3A_400, %broadcast_in_dim3A_402, %select_n3A_391 : vector<128x512xi1>, vector<128x512xi32>
    %reduce_min3A_404 = arith.constant dense<2147483647> : vector<128xi32>
    %reduce_min3A_405 = vector.multi_reduction <minsi>, %select_n3A_403, %reduce_min3A_404 [1] : vector<128x512xi32> to vector<128xi32>
    %broadcast_in_dim3A_406 = vector.shape_cast %reduce_min3A_405 : vector<128xi32> to vector<128x1xi32>
    %lt3A_407 = arith.constant 512 : i32
    %lt3A_408 = vector.broadcast %lt3A_407 : i32 to vector<128x1xi32>
    %lt3A_409 = arith.cmpi slt, %broadcast_in_dim3A_406, %lt3A_408 : vector<128x1xi32>
    %select_n3A_410 = arith.select %lt3A_409, %broadcast_in_dim3A_406, %min3A_28 : vector<128x1xi1>, vector<128x1xi32>
    %eq3A_411 = vector.broadcast %broadcast_in_dim3A_406 : vector<128x1xi32> to vector<128x512xi32>
    %eq3A_412 = arith.cmpi eq, %select_n3A_403, %eq3A_411 : vector<128x512xi32>
    %jit3A_413 = arith.constant 512 : i32
    %broadcast_in_dim3A_414 = vector.broadcast %jit3A_413 : i32 to vector<128x512xi32>
    %select_n3A_415 = arith.select %eq3A_412, %broadcast_in_dim3A_414, %select_n3A_403 : vector<128x512xi1>, vector<128x512xi32>
    %reduce_min3A_416 = arith.constant dense<2147483647> : vector<128xi32>
    %reduce_min3A_417 = vector.multi_reduction <minsi>, %select_n3A_415, %reduce_min3A_416 [1] : vector<128x512xi32> to vector<128xi32>
    %broadcast_in_dim3A_418 = vector.shape_cast %reduce_min3A_417 : vector<128xi32> to vector<128x1xi32>
    %lt3A_419 = arith.constant 512 : i32
    %lt3A_420 = vector.broadcast %lt3A_419 : i32 to vector<128x1xi32>
    %lt3A_421 = arith.cmpi slt, %broadcast_in_dim3A_418, %lt3A_420 : vector<128x1xi32>
    %select_n3A_422 = arith.select %lt3A_421, %broadcast_in_dim3A_418, %min3A_28 : vector<128x1xi1>, vector<128x1xi32>
    %eq3A_423 = vector.broadcast %broadcast_in_dim3A_418 : vector<128x1xi32> to vector<128x512xi32>
    %eq3A_424 = arith.cmpi eq, %select_n3A_415, %eq3A_423 : vector<128x512xi32>
    %jit3A_425 = arith.constant 512 : i32
    %broadcast_in_dim3A_426 = vector.broadcast %jit3A_425 : i32 to vector<128x512xi32>
    %select_n3A_427 = arith.select %eq3A_424, %broadcast_in_dim3A_426, %select_n3A_415 : vector<128x512xi1>, vector<128x512xi32>
    %reduce_min3A_428 = arith.constant dense<2147483647> : vector<128xi32>
    %reduce_min3A_429 = vector.multi_reduction <minsi>, %select_n3A_427, %reduce_min3A_428 [1] : vector<128x512xi32> to vector<128xi32>
    %broadcast_in_dim3A_430 = vector.shape_cast %reduce_min3A_429 : vector<128xi32> to vector<128x1xi32>
    %lt3A_431 = arith.constant 512 : i32
    %lt3A_432 = vector.broadcast %lt3A_431 : i32 to vector<128x1xi32>
    %lt3A_433 = arith.cmpi slt, %broadcast_in_dim3A_430, %lt3A_432 : vector<128x1xi32>
    %select_n3A_434 = arith.select %lt3A_433, %broadcast_in_dim3A_430, %min3A_28 : vector<128x1xi1>, vector<128x1xi32>
    %eq3A_435 = vector.broadcast %broadcast_in_dim3A_430 : vector<128x1xi32> to vector<128x512xi32>
    %eq3A_436 = arith.cmpi eq, %select_n3A_427, %eq3A_435 : vector<128x512xi32>
    %jit3A_437 = arith.constant 512 : i32
    %broadcast_in_dim3A_438 = vector.broadcast %jit3A_437 : i32 to vector<128x512xi32>
    %select_n3A_439 = arith.select %eq3A_436, %broadcast_in_dim3A_438, %select_n3A_427 : vector<128x512xi1>, vector<128x512xi32>
    %reduce_min3A_440 = arith.constant dense<2147483647> : vector<128xi32>
    %reduce_min3A_441 = vector.multi_reduction <minsi>, %select_n3A_439, %reduce_min3A_440 [1] : vector<128x512xi32> to vector<128xi32>
    %broadcast_in_dim3A_442 = vector.shape_cast %reduce_min3A_441 : vector<128xi32> to vector<128x1xi32>
    %lt3A_443 = arith.constant 512 : i32
    %lt3A_444 = vector.broadcast %lt3A_443 : i32 to vector<128x1xi32>
    %lt3A_445 = arith.cmpi slt, %broadcast_in_dim3A_442, %lt3A_444 : vector<128x1xi32>
    %select_n3A_446 = arith.select %lt3A_445, %broadcast_in_dim3A_442, %min3A_28 : vector<128x1xi1>, vector<128x1xi32>
    %eq3A_447 = vector.broadcast %broadcast_in_dim3A_442 : vector<128x1xi32> to vector<128x512xi32>
    %eq3A_448 = arith.cmpi eq, %select_n3A_439, %eq3A_447 : vector<128x512xi32>
    %jit3A_449 = arith.constant 512 : i32
    %broadcast_in_dim3A_450 = vector.broadcast %jit3A_449 : i32 to vector<128x512xi32>
    %select_n3A_451 = arith.select %eq3A_448, %broadcast_in_dim3A_450, %select_n3A_439 : vector<128x512xi1>, vector<128x512xi32>
    %reduce_min3A_452 = arith.constant dense<2147483647> : vector<128xi32>
    %reduce_min3A_453 = vector.multi_reduction <minsi>, %select_n3A_451, %reduce_min3A_452 [1] : vector<128x512xi32> to vector<128xi32>
    %broadcast_in_dim3A_454 = vector.shape_cast %reduce_min3A_453 : vector<128xi32> to vector<128x1xi32>
    %lt3A_455 = arith.constant 512 : i32
    %lt3A_456 = vector.broadcast %lt3A_455 : i32 to vector<128x1xi32>
    %lt3A_457 = arith.cmpi slt, %broadcast_in_dim3A_454, %lt3A_456 : vector<128x1xi32>
    %select_n3A_458 = arith.select %lt3A_457, %broadcast_in_dim3A_454, %min3A_28 : vector<128x1xi1>, vector<128x1xi32>
    %eq3A_459 = vector.broadcast %broadcast_in_dim3A_454 : vector<128x1xi32> to vector<128x512xi32>
    %eq3A_460 = arith.cmpi eq, %select_n3A_451, %eq3A_459 : vector<128x512xi32>
    %jit3A_461 = arith.constant 512 : i32
    %broadcast_in_dim3A_462 = vector.broadcast %jit3A_461 : i32 to vector<128x512xi32>
    %select_n3A_463 = arith.select %eq3A_460, %broadcast_in_dim3A_462, %select_n3A_451 : vector<128x512xi1>, vector<128x512xi32>
    %reduce_min3A_464 = arith.constant dense<2147483647> : vector<128xi32>
    %reduce_min3A_465 = vector.multi_reduction <minsi>, %select_n3A_463, %reduce_min3A_464 [1] : vector<128x512xi32> to vector<128xi32>
    %broadcast_in_dim3A_466 = vector.shape_cast %reduce_min3A_465 : vector<128xi32> to vector<128x1xi32>
    %lt3A_467 = arith.constant 512 : i32
    %lt3A_468 = vector.broadcast %lt3A_467 : i32 to vector<128x1xi32>
    %lt3A_469 = arith.cmpi slt, %broadcast_in_dim3A_466, %lt3A_468 : vector<128x1xi32>
    %select_n3A_470 = arith.select %lt3A_469, %broadcast_in_dim3A_466, %min3A_28 : vector<128x1xi1>, vector<128x1xi32>
    %eq3A_471 = vector.broadcast %broadcast_in_dim3A_466 : vector<128x1xi32> to vector<128x512xi32>
    %eq3A_472 = arith.cmpi eq, %select_n3A_463, %eq3A_471 : vector<128x512xi32>
    %jit3A_473 = arith.constant 512 : i32
    %broadcast_in_dim3A_474 = vector.broadcast %jit3A_473 : i32 to vector<128x512xi32>
    %select_n3A_475 = arith.select %eq3A_472, %broadcast_in_dim3A_474, %select_n3A_463 : vector<128x512xi1>, vector<128x512xi32>
    %reduce_min3A_476 = arith.constant dense<2147483647> : vector<128xi32>
    %reduce_min3A_477 = vector.multi_reduction <minsi>, %select_n3A_475, %reduce_min3A_476 [1] : vector<128x512xi32> to vector<128xi32>
    %broadcast_in_dim3A_478 = vector.shape_cast %reduce_min3A_477 : vector<128xi32> to vector<128x1xi32>
    %lt3A_479 = arith.constant 512 : i32
    %lt3A_480 = vector.broadcast %lt3A_479 : i32 to vector<128x1xi32>
    %lt3A_481 = arith.cmpi slt, %broadcast_in_dim3A_478, %lt3A_480 : vector<128x1xi32>
    %select_n3A_482 = arith.select %lt3A_481, %broadcast_in_dim3A_478, %min3A_28 : vector<128x1xi1>, vector<128x1xi32>
    %eq3A_483 = vector.broadcast %broadcast_in_dim3A_478 : vector<128x1xi32> to vector<128x512xi32>
    %eq3A_484 = arith.cmpi eq, %select_n3A_475, %eq3A_483 : vector<128x512xi32>
    %jit3A_485 = arith.constant 512 : i32
    %broadcast_in_dim3A_486 = vector.broadcast %jit3A_485 : i32 to vector<128x512xi32>
    %select_n3A_487 = arith.select %eq3A_484, %broadcast_in_dim3A_486, %select_n3A_475 : vector<128x512xi1>, vector<128x512xi32>
    %reduce_min3A_488 = arith.constant dense<2147483647> : vector<128xi32>
    %reduce_min3A_489 = vector.multi_reduction <minsi>, %select_n3A_487, %reduce_min3A_488 [1] : vector<128x512xi32> to vector<128xi32>
    %broadcast_in_dim3A_490 = vector.shape_cast %reduce_min3A_489 : vector<128xi32> to vector<128x1xi32>
    %lt3A_491 = arith.constant 512 : i32
    %lt3A_492 = vector.broadcast %lt3A_491 : i32 to vector<128x1xi32>
    %lt3A_493 = arith.cmpi slt, %broadcast_in_dim3A_490, %lt3A_492 : vector<128x1xi32>
    %select_n3A_494 = arith.select %lt3A_493, %broadcast_in_dim3A_490, %min3A_28 : vector<128x1xi1>, vector<128x1xi32>
    %eq3A_495 = vector.broadcast %broadcast_in_dim3A_490 : vector<128x1xi32> to vector<128x512xi32>
    %eq3A_496 = arith.cmpi eq, %select_n3A_487, %eq3A_495 : vector<128x512xi32>
    %jit3A_497 = arith.constant 512 : i32
    %broadcast_in_dim3A_498 = vector.broadcast %jit3A_497 : i32 to vector<128x512xi32>
    %select_n3A_499 = arith.select %eq3A_496, %broadcast_in_dim3A_498, %select_n3A_487 : vector<128x512xi1>, vector<128x512xi32>
    %reduce_min3A_500 = arith.constant dense<2147483647> : vector<128xi32>
    %reduce_min3A_501 = vector.multi_reduction <minsi>, %select_n3A_499, %reduce_min3A_500 [1] : vector<128x512xi32> to vector<128xi32>
    %broadcast_in_dim3A_502 = vector.shape_cast %reduce_min3A_501 : vector<128xi32> to vector<128x1xi32>
    %lt3A_503 = arith.constant 512 : i32
    %lt3A_504 = vector.broadcast %lt3A_503 : i32 to vector<128x1xi32>
    %lt3A_505 = arith.cmpi slt, %broadcast_in_dim3A_502, %lt3A_504 : vector<128x1xi32>
    %select_n3A_506 = arith.select %lt3A_505, %broadcast_in_dim3A_502, %min3A_28 : vector<128x1xi1>, vector<128x1xi32>
    %eq3A_507 = vector.broadcast %broadcast_in_dim3A_502 : vector<128x1xi32> to vector<128x512xi32>
    %eq3A_508 = arith.cmpi eq, %select_n3A_499, %eq3A_507 : vector<128x512xi32>
    %jit3A_509 = arith.constant 512 : i32
    %broadcast_in_dim3A_510 = vector.broadcast %jit3A_509 : i32 to vector<128x512xi32>
    %select_n3A_511 = arith.select %eq3A_508, %broadcast_in_dim3A_510, %select_n3A_499 : vector<128x512xi1>, vector<128x512xi32>
    %reduce_min3A_512 = arith.constant dense<2147483647> : vector<128xi32>
    %reduce_min3A_513 = vector.multi_reduction <minsi>, %select_n3A_511, %reduce_min3A_512 [1] : vector<128x512xi32> to vector<128xi32>
    %broadcast_in_dim3A_514 = vector.shape_cast %reduce_min3A_513 : vector<128xi32> to vector<128x1xi32>
    %lt3A_515 = arith.constant 512 : i32
    %lt3A_516 = vector.broadcast %lt3A_515 : i32 to vector<128x1xi32>
    %lt3A_517 = arith.cmpi slt, %broadcast_in_dim3A_514, %lt3A_516 : vector<128x1xi32>
    %select_n3A_518 = arith.select %lt3A_517, %broadcast_in_dim3A_514, %min3A_28 : vector<128x1xi1>, vector<128x1xi32>
    %eq3A_519 = vector.broadcast %broadcast_in_dim3A_514 : vector<128x1xi32> to vector<128x512xi32>
    %eq3A_520 = arith.cmpi eq, %select_n3A_511, %eq3A_519 : vector<128x512xi32>
    %jit3A_521 = arith.constant 512 : i32
    %broadcast_in_dim3A_522 = vector.broadcast %jit3A_521 : i32 to vector<128x512xi32>
    %select_n3A_523 = arith.select %eq3A_520, %broadcast_in_dim3A_522, %select_n3A_511 : vector<128x512xi1>, vector<128x512xi32>
    %reduce_min3A_524 = arith.constant dense<2147483647> : vector<128xi32>
    %reduce_min3A_525 = vector.multi_reduction <minsi>, %select_n3A_523, %reduce_min3A_524 [1] : vector<128x512xi32> to vector<128xi32>
    %broadcast_in_dim3A_526 = vector.shape_cast %reduce_min3A_525 : vector<128xi32> to vector<128x1xi32>
    %lt3A_527 = arith.constant 512 : i32
    %lt3A_528 = vector.broadcast %lt3A_527 : i32 to vector<128x1xi32>
    %lt3A_529 = arith.cmpi slt, %broadcast_in_dim3A_526, %lt3A_528 : vector<128x1xi32>
    %select_n3A_530 = arith.select %lt3A_529, %broadcast_in_dim3A_526, %min3A_28 : vector<128x1xi1>, vector<128x1xi32>
    %eq3A_531 = vector.broadcast %broadcast_in_dim3A_526 : vector<128x1xi32> to vector<128x512xi32>
    %eq3A_532 = arith.cmpi eq, %select_n3A_523, %eq3A_531 : vector<128x512xi32>
    %jit3A_533 = arith.constant 512 : i32
    %broadcast_in_dim3A_534 = vector.broadcast %jit3A_533 : i32 to vector<128x512xi32>
    %select_n3A_535 = arith.select %eq3A_532, %broadcast_in_dim3A_534, %select_n3A_523 : vector<128x512xi1>, vector<128x512xi32>
    %reduce_min3A_536 = arith.constant dense<2147483647> : vector<128xi32>
    %reduce_min3A_537 = vector.multi_reduction <minsi>, %select_n3A_535, %reduce_min3A_536 [1] : vector<128x512xi32> to vector<128xi32>
    %broadcast_in_dim3A_538 = vector.shape_cast %reduce_min3A_537 : vector<128xi32> to vector<128x1xi32>
    %lt3A_539 = arith.constant 512 : i32
    %lt3A_540 = vector.broadcast %lt3A_539 : i32 to vector<128x1xi32>
    %lt3A_541 = arith.cmpi slt, %broadcast_in_dim3A_538, %lt3A_540 : vector<128x1xi32>
    %select_n3A_542 = arith.select %lt3A_541, %broadcast_in_dim3A_538, %min3A_28 : vector<128x1xi1>, vector<128x1xi32>
    %eq3A_543 = vector.broadcast %broadcast_in_dim3A_538 : vector<128x1xi32> to vector<128x512xi32>
    %eq3A_544 = arith.cmpi eq, %select_n3A_535, %eq3A_543 : vector<128x512xi32>
    %jit3A_545 = arith.constant 512 : i32
    %broadcast_in_dim3A_546 = vector.broadcast %jit3A_545 : i32 to vector<128x512xi32>
    %select_n3A_547 = arith.select %eq3A_544, %broadcast_in_dim3A_546, %select_n3A_535 : vector<128x512xi1>, vector<128x512xi32>
    %reduce_min3A_548 = arith.constant dense<2147483647> : vector<128xi32>
    %reduce_min3A_549 = vector.multi_reduction <minsi>, %select_n3A_547, %reduce_min3A_548 [1] : vector<128x512xi32> to vector<128xi32>
    %broadcast_in_dim3A_550 = vector.shape_cast %reduce_min3A_549 : vector<128xi32> to vector<128x1xi32>
    %lt3A_551 = arith.constant 512 : i32
    %lt3A_552 = vector.broadcast %lt3A_551 : i32 to vector<128x1xi32>
    %lt3A_553 = arith.cmpi slt, %broadcast_in_dim3A_550, %lt3A_552 : vector<128x1xi32>
    %select_n3A_554 = arith.select %lt3A_553, %broadcast_in_dim3A_550, %min3A_28 : vector<128x1xi1>, vector<128x1xi32>
    %eq3A_555 = vector.broadcast %broadcast_in_dim3A_550 : vector<128x1xi32> to vector<128x512xi32>
    %eq3A_556 = arith.cmpi eq, %select_n3A_547, %eq3A_555 : vector<128x512xi32>
    %jit3A_557 = arith.constant 512 : i32
    %broadcast_in_dim3A_558 = vector.broadcast %jit3A_557 : i32 to vector<128x512xi32>
    %select_n3A_559 = arith.select %eq3A_556, %broadcast_in_dim3A_558, %select_n3A_547 : vector<128x512xi1>, vector<128x512xi32>
    %reduce_min3A_560 = arith.constant dense<2147483647> : vector<128xi32>
    %reduce_min3A_561 = vector.multi_reduction <minsi>, %select_n3A_559, %reduce_min3A_560 [1] : vector<128x512xi32> to vector<128xi32>
    %broadcast_in_dim3A_562 = vector.shape_cast %reduce_min3A_561 : vector<128xi32> to vector<128x1xi32>
    %lt3A_563 = arith.constant 512 : i32
    %lt3A_564 = vector.broadcast %lt3A_563 : i32 to vector<128x1xi32>
    %lt3A_565 = arith.cmpi slt, %broadcast_in_dim3A_562, %lt3A_564 : vector<128x1xi32>
    %select_n3A_566 = arith.select %lt3A_565, %broadcast_in_dim3A_562, %min3A_28 : vector<128x1xi1>, vector<128x1xi32>
    %eq3A_567 = vector.broadcast %broadcast_in_dim3A_562 : vector<128x1xi32> to vector<128x512xi32>
    %eq3A_568 = arith.cmpi eq, %select_n3A_559, %eq3A_567 : vector<128x512xi32>
    %jit3A_569 = arith.constant 512 : i32
    %broadcast_in_dim3A_570 = vector.broadcast %jit3A_569 : i32 to vector<128x512xi32>
    %select_n3A_571 = arith.select %eq3A_568, %broadcast_in_dim3A_570, %select_n3A_559 : vector<128x512xi1>, vector<128x512xi32>
    %reduce_min3A_572 = arith.constant dense<2147483647> : vector<128xi32>
    %reduce_min3A_573 = vector.multi_reduction <minsi>, %select_n3A_571, %reduce_min3A_572 [1] : vector<128x512xi32> to vector<128xi32>
    %broadcast_in_dim3A_574 = vector.shape_cast %reduce_min3A_573 : vector<128xi32> to vector<128x1xi32>
    %lt3A_575 = arith.constant 512 : i32
    %lt3A_576 = vector.broadcast %lt3A_575 : i32 to vector<128x1xi32>
    %lt3A_577 = arith.cmpi slt, %broadcast_in_dim3A_574, %lt3A_576 : vector<128x1xi32>
    %select_n3A_578 = arith.select %lt3A_577, %broadcast_in_dim3A_574, %min3A_28 : vector<128x1xi1>, vector<128x1xi32>
    %eq3A_579 = vector.broadcast %broadcast_in_dim3A_574 : vector<128x1xi32> to vector<128x512xi32>
    %eq3A_580 = arith.cmpi eq, %select_n3A_571, %eq3A_579 : vector<128x512xi32>
    %jit3A_581 = arith.constant 512 : i32
    %broadcast_in_dim3A_582 = vector.broadcast %jit3A_581 : i32 to vector<128x512xi32>
    %select_n3A_583 = arith.select %eq3A_580, %broadcast_in_dim3A_582, %select_n3A_571 : vector<128x512xi1>, vector<128x512xi32>
    %reduce_min3A_584 = arith.constant dense<2147483647> : vector<128xi32>
    %reduce_min3A_585 = vector.multi_reduction <minsi>, %select_n3A_583, %reduce_min3A_584 [1] : vector<128x512xi32> to vector<128xi32>
    %broadcast_in_dim3A_586 = vector.shape_cast %reduce_min3A_585 : vector<128xi32> to vector<128x1xi32>
    %lt3A_587 = arith.constant 512 : i32
    %lt3A_588 = vector.broadcast %lt3A_587 : i32 to vector<128x1xi32>
    %lt3A_589 = arith.cmpi slt, %broadcast_in_dim3A_586, %lt3A_588 : vector<128x1xi32>
    %select_n3A_590 = arith.select %lt3A_589, %broadcast_in_dim3A_586, %min3A_28 : vector<128x1xi1>, vector<128x1xi32>
    %eq3A_591 = vector.broadcast %broadcast_in_dim3A_586 : vector<128x1xi32> to vector<128x512xi32>
    %eq3A_592 = arith.cmpi eq, %select_n3A_583, %eq3A_591 : vector<128x512xi32>
    %jit3A_593 = arith.constant 512 : i32
    %broadcast_in_dim3A_594 = vector.broadcast %jit3A_593 : i32 to vector<128x512xi32>
    %select_n3A_595 = arith.select %eq3A_592, %broadcast_in_dim3A_594, %select_n3A_583 : vector<128x512xi1>, vector<128x512xi32>
    %reduce_min3A_596 = arith.constant dense<2147483647> : vector<128xi32>
    %reduce_min3A_597 = vector.multi_reduction <minsi>, %select_n3A_595, %reduce_min3A_596 [1] : vector<128x512xi32> to vector<128xi32>
    %broadcast_in_dim3A_598 = vector.shape_cast %reduce_min3A_597 : vector<128xi32> to vector<128x1xi32>
    %lt3A_599 = arith.constant 512 : i32
    %lt3A_600 = vector.broadcast %lt3A_599 : i32 to vector<128x1xi32>
    %lt3A_601 = arith.cmpi slt, %broadcast_in_dim3A_598, %lt3A_600 : vector<128x1xi32>
    %select_n3A_602 = arith.select %lt3A_601, %broadcast_in_dim3A_598, %min3A_28 : vector<128x1xi1>, vector<128x1xi32>
    %eq3A_603 = vector.broadcast %broadcast_in_dim3A_598 : vector<128x1xi32> to vector<128x512xi32>
    %eq3A_604 = arith.cmpi eq, %select_n3A_595, %eq3A_603 : vector<128x512xi32>
    %jit3A_605 = arith.constant 512 : i32
    %broadcast_in_dim3A_606 = vector.broadcast %jit3A_605 : i32 to vector<128x512xi32>
    %select_n3A_607 = arith.select %eq3A_604, %broadcast_in_dim3A_606, %select_n3A_595 : vector<128x512xi1>, vector<128x512xi32>
    %reduce_min3A_608 = arith.constant dense<2147483647> : vector<128xi32>
    %reduce_min3A_609 = vector.multi_reduction <minsi>, %select_n3A_607, %reduce_min3A_608 [1] : vector<128x512xi32> to vector<128xi32>
    %broadcast_in_dim3A_610 = vector.shape_cast %reduce_min3A_609 : vector<128xi32> to vector<128x1xi32>
    %lt3A_611 = arith.constant 512 : i32
    %lt3A_612 = vector.broadcast %lt3A_611 : i32 to vector<128x1xi32>
    %lt3A_613 = arith.cmpi slt, %broadcast_in_dim3A_610, %lt3A_612 : vector<128x1xi32>
    %select_n3A_614 = arith.select %lt3A_613, %broadcast_in_dim3A_610, %min3A_28 : vector<128x1xi1>, vector<128x1xi32>
    %eq3A_615 = vector.broadcast %broadcast_in_dim3A_610 : vector<128x1xi32> to vector<128x512xi32>
    %eq3A_616 = arith.cmpi eq, %select_n3A_607, %eq3A_615 : vector<128x512xi32>
    %jit3A_617 = arith.constant 512 : i32
    %broadcast_in_dim3A_618 = vector.broadcast %jit3A_617 : i32 to vector<128x512xi32>
    %select_n3A_619 = arith.select %eq3A_616, %broadcast_in_dim3A_618, %select_n3A_607 : vector<128x512xi1>, vector<128x512xi32>
    %reduce_min3A_620 = arith.constant dense<2147483647> : vector<128xi32>
    %reduce_min3A_621 = vector.multi_reduction <minsi>, %select_n3A_619, %reduce_min3A_620 [1] : vector<128x512xi32> to vector<128xi32>
    %broadcast_in_dim3A_622 = vector.shape_cast %reduce_min3A_621 : vector<128xi32> to vector<128x1xi32>
    %lt3A_623 = arith.constant 512 : i32
    %lt3A_624 = vector.broadcast %lt3A_623 : i32 to vector<128x1xi32>
    %lt3A_625 = arith.cmpi slt, %broadcast_in_dim3A_622, %lt3A_624 : vector<128x1xi32>
    %select_n3A_626 = arith.select %lt3A_625, %broadcast_in_dim3A_622, %min3A_28 : vector<128x1xi1>, vector<128x1xi32>
    %eq3A_627 = vector.broadcast %broadcast_in_dim3A_622 : vector<128x1xi32> to vector<128x512xi32>
    %eq3A_628 = arith.cmpi eq, %select_n3A_619, %eq3A_627 : vector<128x512xi32>
    %jit3A_629 = arith.constant 512 : i32
    %broadcast_in_dim3A_630 = vector.broadcast %jit3A_629 : i32 to vector<128x512xi32>
    %select_n3A_631 = arith.select %eq3A_628, %broadcast_in_dim3A_630, %select_n3A_619 : vector<128x512xi1>, vector<128x512xi32>
    %reduce_min3A_632 = arith.constant dense<2147483647> : vector<128xi32>
    %reduce_min3A_633 = vector.multi_reduction <minsi>, %select_n3A_631, %reduce_min3A_632 [1] : vector<128x512xi32> to vector<128xi32>
    %broadcast_in_dim3A_634 = vector.shape_cast %reduce_min3A_633 : vector<128xi32> to vector<128x1xi32>
    %lt3A_635 = arith.constant 512 : i32
    %lt3A_636 = vector.broadcast %lt3A_635 : i32 to vector<128x1xi32>
    %lt3A_637 = arith.cmpi slt, %broadcast_in_dim3A_634, %lt3A_636 : vector<128x1xi32>
    %select_n3A_638 = arith.select %lt3A_637, %broadcast_in_dim3A_634, %min3A_28 : vector<128x1xi1>, vector<128x1xi32>
    %eq3A_639 = vector.broadcast %broadcast_in_dim3A_634 : vector<128x1xi32> to vector<128x512xi32>
    %eq3A_640 = arith.cmpi eq, %select_n3A_631, %eq3A_639 : vector<128x512xi32>
    %jit3A_641 = arith.constant 512 : i32
    %broadcast_in_dim3A_642 = vector.broadcast %jit3A_641 : i32 to vector<128x512xi32>
    %select_n3A_643 = arith.select %eq3A_640, %broadcast_in_dim3A_642, %select_n3A_631 : vector<128x512xi1>, vector<128x512xi32>
    %reduce_min3A_644 = arith.constant dense<2147483647> : vector<128xi32>
    %reduce_min3A_645 = vector.multi_reduction <minsi>, %select_n3A_643, %reduce_min3A_644 [1] : vector<128x512xi32> to vector<128xi32>
    %broadcast_in_dim3A_646 = vector.shape_cast %reduce_min3A_645 : vector<128xi32> to vector<128x1xi32>
    %lt3A_647 = arith.constant 512 : i32
    %lt3A_648 = vector.broadcast %lt3A_647 : i32 to vector<128x1xi32>
    %lt3A_649 = arith.cmpi slt, %broadcast_in_dim3A_646, %lt3A_648 : vector<128x1xi32>
    %select_n3A_650 = arith.select %lt3A_649, %broadcast_in_dim3A_646, %min3A_28 : vector<128x1xi1>, vector<128x1xi32>
    %eq3A_651 = vector.broadcast %broadcast_in_dim3A_646 : vector<128x1xi32> to vector<128x512xi32>
    %eq3A_652 = arith.cmpi eq, %select_n3A_643, %eq3A_651 : vector<128x512xi32>
    %jit3A_653 = arith.constant 512 : i32
    %broadcast_in_dim3A_654 = vector.broadcast %jit3A_653 : i32 to vector<128x512xi32>
    %select_n3A_655 = arith.select %eq3A_652, %broadcast_in_dim3A_654, %select_n3A_643 : vector<128x512xi1>, vector<128x512xi32>
    %reduce_min3A_656 = arith.constant dense<2147483647> : vector<128xi32>
    %reduce_min3A_657 = vector.multi_reduction <minsi>, %select_n3A_655, %reduce_min3A_656 [1] : vector<128x512xi32> to vector<128xi32>
    %broadcast_in_dim3A_658 = vector.shape_cast %reduce_min3A_657 : vector<128xi32> to vector<128x1xi32>
    %lt3A_659 = arith.constant 512 : i32
    %lt3A_660 = vector.broadcast %lt3A_659 : i32 to vector<128x1xi32>
    %lt3A_661 = arith.cmpi slt, %broadcast_in_dim3A_658, %lt3A_660 : vector<128x1xi32>
    %select_n3A_662 = arith.select %lt3A_661, %broadcast_in_dim3A_658, %min3A_28 : vector<128x1xi1>, vector<128x1xi32>
    %eq3A_663 = vector.broadcast %broadcast_in_dim3A_658 : vector<128x1xi32> to vector<128x512xi32>
    %eq3A_664 = arith.cmpi eq, %select_n3A_655, %eq3A_663 : vector<128x512xi32>
    %jit3A_665 = arith.constant 512 : i32
    %broadcast_in_dim3A_666 = vector.broadcast %jit3A_665 : i32 to vector<128x512xi32>
    %select_n3A_667 = arith.select %eq3A_664, %broadcast_in_dim3A_666, %select_n3A_655 : vector<128x512xi1>, vector<128x512xi32>
    %reduce_min3A_668 = arith.constant dense<2147483647> : vector<128xi32>
    %reduce_min3A_669 = vector.multi_reduction <minsi>, %select_n3A_667, %reduce_min3A_668 [1] : vector<128x512xi32> to vector<128xi32>
    %broadcast_in_dim3A_670 = vector.shape_cast %reduce_min3A_669 : vector<128xi32> to vector<128x1xi32>
    %lt3A_671 = arith.constant 512 : i32
    %lt3A_672 = vector.broadcast %lt3A_671 : i32 to vector<128x1xi32>
    %lt3A_673 = arith.cmpi slt, %broadcast_in_dim3A_670, %lt3A_672 : vector<128x1xi32>
    %select_n3A_674 = arith.select %lt3A_673, %broadcast_in_dim3A_670, %min3A_28 : vector<128x1xi1>, vector<128x1xi32>
    %eq3A_675 = vector.broadcast %broadcast_in_dim3A_670 : vector<128x1xi32> to vector<128x512xi32>
    %eq3A_676 = arith.cmpi eq, %select_n3A_667, %eq3A_675 : vector<128x512xi32>
    %jit3A_677 = arith.constant 512 : i32
    %broadcast_in_dim3A_678 = vector.broadcast %jit3A_677 : i32 to vector<128x512xi32>
    %select_n3A_679 = arith.select %eq3A_676, %broadcast_in_dim3A_678, %select_n3A_667 : vector<128x512xi1>, vector<128x512xi32>
    %reduce_min3A_680 = arith.constant dense<2147483647> : vector<128xi32>
    %reduce_min3A_681 = vector.multi_reduction <minsi>, %select_n3A_679, %reduce_min3A_680 [1] : vector<128x512xi32> to vector<128xi32>
    %broadcast_in_dim3A_682 = vector.shape_cast %reduce_min3A_681 : vector<128xi32> to vector<128x1xi32>
    %lt3A_683 = arith.constant 512 : i32
    %lt3A_684 = vector.broadcast %lt3A_683 : i32 to vector<128x1xi32>
    %lt3A_685 = arith.cmpi slt, %broadcast_in_dim3A_682, %lt3A_684 : vector<128x1xi32>
    %select_n3A_686 = arith.select %lt3A_685, %broadcast_in_dim3A_682, %min3A_28 : vector<128x1xi1>, vector<128x1xi32>
    %eq3A_687 = vector.broadcast %broadcast_in_dim3A_682 : vector<128x1xi32> to vector<128x512xi32>
    %eq3A_688 = arith.cmpi eq, %select_n3A_679, %eq3A_687 : vector<128x512xi32>
    %jit3A_689 = arith.constant 512 : i32
    %broadcast_in_dim3A_690 = vector.broadcast %jit3A_689 : i32 to vector<128x512xi32>
    %select_n3A_691 = arith.select %eq3A_688, %broadcast_in_dim3A_690, %select_n3A_679 : vector<128x512xi1>, vector<128x512xi32>
    %reduce_min3A_692 = arith.constant dense<2147483647> : vector<128xi32>
    %reduce_min3A_693 = vector.multi_reduction <minsi>, %select_n3A_691, %reduce_min3A_692 [1] : vector<128x512xi32> to vector<128xi32>
    %broadcast_in_dim3A_694 = vector.shape_cast %reduce_min3A_693 : vector<128xi32> to vector<128x1xi32>
    %lt3A_695 = arith.constant 512 : i32
    %lt3A_696 = vector.broadcast %lt3A_695 : i32 to vector<128x1xi32>
    %lt3A_697 = arith.cmpi slt, %broadcast_in_dim3A_694, %lt3A_696 : vector<128x1xi32>
    %select_n3A_698 = arith.select %lt3A_697, %broadcast_in_dim3A_694, %min3A_28 : vector<128x1xi1>, vector<128x1xi32>
    %eq3A_699 = vector.broadcast %broadcast_in_dim3A_694 : vector<128x1xi32> to vector<128x512xi32>
    %eq3A_700 = arith.cmpi eq, %select_n3A_691, %eq3A_699 : vector<128x512xi32>
    %jit3A_701 = arith.constant 512 : i32
    %broadcast_in_dim3A_702 = vector.broadcast %jit3A_701 : i32 to vector<128x512xi32>
    %select_n3A_703 = arith.select %eq3A_700, %broadcast_in_dim3A_702, %select_n3A_691 : vector<128x512xi1>, vector<128x512xi32>
    %reduce_min3A_704 = arith.constant dense<2147483647> : vector<128xi32>
    %reduce_min3A_705 = vector.multi_reduction <minsi>, %select_n3A_703, %reduce_min3A_704 [1] : vector<128x512xi32> to vector<128xi32>
    %broadcast_in_dim3A_706 = vector.shape_cast %reduce_min3A_705 : vector<128xi32> to vector<128x1xi32>
    %lt3A_707 = arith.constant 512 : i32
    %lt3A_708 = vector.broadcast %lt3A_707 : i32 to vector<128x1xi32>
    %lt3A_709 = arith.cmpi slt, %broadcast_in_dim3A_706, %lt3A_708 : vector<128x1xi32>
    %select_n3A_710 = arith.select %lt3A_709, %broadcast_in_dim3A_706, %min3A_28 : vector<128x1xi1>, vector<128x1xi32>
    %eq3A_711 = vector.broadcast %broadcast_in_dim3A_706 : vector<128x1xi32> to vector<128x512xi32>
    %eq3A_712 = arith.cmpi eq, %select_n3A_703, %eq3A_711 : vector<128x512xi32>
    %jit3A_713 = arith.constant 512 : i32
    %broadcast_in_dim3A_714 = vector.broadcast %jit3A_713 : i32 to vector<128x512xi32>
    %select_n3A_715 = arith.select %eq3A_712, %broadcast_in_dim3A_714, %select_n3A_703 : vector<128x512xi1>, vector<128x512xi32>
    %reduce_min3A_716 = arith.constant dense<2147483647> : vector<128xi32>
    %reduce_min3A_717 = vector.multi_reduction <minsi>, %select_n3A_715, %reduce_min3A_716 [1] : vector<128x512xi32> to vector<128xi32>
    %broadcast_in_dim3A_718 = vector.shape_cast %reduce_min3A_717 : vector<128xi32> to vector<128x1xi32>
    %lt3A_719 = arith.constant 512 : i32
    %lt3A_720 = vector.broadcast %lt3A_719 : i32 to vector<128x1xi32>
    %lt3A_721 = arith.cmpi slt, %broadcast_in_dim3A_718, %lt3A_720 : vector<128x1xi32>
    %select_n3A_722 = arith.select %lt3A_721, %broadcast_in_dim3A_718, %min3A_28 : vector<128x1xi1>, vector<128x1xi32>
    %eq3A_723 = vector.broadcast %broadcast_in_dim3A_718 : vector<128x1xi32> to vector<128x512xi32>
    %eq3A_724 = arith.cmpi eq, %select_n3A_715, %eq3A_723 : vector<128x512xi32>
    %jit3A_725 = arith.constant 512 : i32
    %broadcast_in_dim3A_726 = vector.broadcast %jit3A_725 : i32 to vector<128x512xi32>
    %select_n3A_727 = arith.select %eq3A_724, %broadcast_in_dim3A_726, %select_n3A_715 : vector<128x512xi1>, vector<128x512xi32>
    %reduce_min3A_728 = arith.constant dense<2147483647> : vector<128xi32>
    %reduce_min3A_729 = vector.multi_reduction <minsi>, %select_n3A_727, %reduce_min3A_728 [1] : vector<128x512xi32> to vector<128xi32>
    %broadcast_in_dim3A_730 = vector.shape_cast %reduce_min3A_729 : vector<128xi32> to vector<128x1xi32>
    %lt3A_731 = arith.constant 512 : i32
    %lt3A_732 = vector.broadcast %lt3A_731 : i32 to vector<128x1xi32>
    %lt3A_733 = arith.cmpi slt, %broadcast_in_dim3A_730, %lt3A_732 : vector<128x1xi32>
    %select_n3A_734 = arith.select %lt3A_733, %broadcast_in_dim3A_730, %min3A_28 : vector<128x1xi1>, vector<128x1xi32>
    %eq3A_735 = vector.broadcast %broadcast_in_dim3A_730 : vector<128x1xi32> to vector<128x512xi32>
    %eq3A_736 = arith.cmpi eq, %select_n3A_727, %eq3A_735 : vector<128x512xi32>
    %jit3A_737 = arith.constant 512 : i32
    %broadcast_in_dim3A_738 = vector.broadcast %jit3A_737 : i32 to vector<128x512xi32>
    %select_n3A_739 = arith.select %eq3A_736, %broadcast_in_dim3A_738, %select_n3A_727 : vector<128x512xi1>, vector<128x512xi32>
    %reduce_min3A_740 = arith.constant dense<2147483647> : vector<128xi32>
    %reduce_min3A_741 = vector.multi_reduction <minsi>, %select_n3A_739, %reduce_min3A_740 [1] : vector<128x512xi32> to vector<128xi32>
    %broadcast_in_dim3A_742 = vector.shape_cast %reduce_min3A_741 : vector<128xi32> to vector<128x1xi32>
    %lt3A_743 = arith.constant 512 : i32
    %lt3A_744 = vector.broadcast %lt3A_743 : i32 to vector<128x1xi32>
    %lt3A_745 = arith.cmpi slt, %broadcast_in_dim3A_742, %lt3A_744 : vector<128x1xi32>
    %select_n3A_746 = arith.select %lt3A_745, %broadcast_in_dim3A_742, %min3A_28 : vector<128x1xi1>, vector<128x1xi32>
    %eq3A_747 = vector.broadcast %broadcast_in_dim3A_742 : vector<128x1xi32> to vector<128x512xi32>
    %eq3A_748 = arith.cmpi eq, %select_n3A_739, %eq3A_747 : vector<128x512xi32>
    %jit3A_749 = arith.constant 512 : i32
    %broadcast_in_dim3A_750 = vector.broadcast %jit3A_749 : i32 to vector<128x512xi32>
    %select_n3A_751 = arith.select %eq3A_748, %broadcast_in_dim3A_750, %select_n3A_739 : vector<128x512xi1>, vector<128x512xi32>
    %reduce_min3A_752 = arith.constant dense<2147483647> : vector<128xi32>
    %reduce_min3A_753 = vector.multi_reduction <minsi>, %select_n3A_751, %reduce_min3A_752 [1] : vector<128x512xi32> to vector<128xi32>
    %broadcast_in_dim3A_754 = vector.shape_cast %reduce_min3A_753 : vector<128xi32> to vector<128x1xi32>
    %lt3A_755 = arith.constant 512 : i32
    %lt3A_756 = vector.broadcast %lt3A_755 : i32 to vector<128x1xi32>
    %lt3A_757 = arith.cmpi slt, %broadcast_in_dim3A_754, %lt3A_756 : vector<128x1xi32>
    %select_n3A_758 = arith.select %lt3A_757, %broadcast_in_dim3A_754, %min3A_28 : vector<128x1xi1>, vector<128x1xi32>
    %eq3A_759 = vector.broadcast %broadcast_in_dim3A_754 : vector<128x1xi32> to vector<128x512xi32>
    %eq3A_760 = arith.cmpi eq, %select_n3A_751, %eq3A_759 : vector<128x512xi32>
    %jit3A_761 = arith.constant 512 : i32
    %broadcast_in_dim3A_762 = vector.broadcast %jit3A_761 : i32 to vector<128x512xi32>
    %select_n3A_763 = arith.select %eq3A_760, %broadcast_in_dim3A_762, %select_n3A_751 : vector<128x512xi1>, vector<128x512xi32>
    %reduce_min3A_764 = arith.constant dense<2147483647> : vector<128xi32>
    %reduce_min3A_765 = vector.multi_reduction <minsi>, %select_n3A_763, %reduce_min3A_764 [1] : vector<128x512xi32> to vector<128xi32>
    %broadcast_in_dim3A_766 = vector.shape_cast %reduce_min3A_765 : vector<128xi32> to vector<128x1xi32>
    %lt3A_767 = arith.constant 512 : i32
    %lt3A_768 = vector.broadcast %lt3A_767 : i32 to vector<128x1xi32>
    %lt3A_769 = arith.cmpi slt, %broadcast_in_dim3A_766, %lt3A_768 : vector<128x1xi32>
    %select_n3A_770 = arith.select %lt3A_769, %broadcast_in_dim3A_766, %min3A_28 : vector<128x1xi1>, vector<128x1xi32>
    %eq3A_771 = vector.broadcast %broadcast_in_dim3A_766 : vector<128x1xi32> to vector<128x512xi32>
    %eq3A_772 = arith.cmpi eq, %select_n3A_763, %eq3A_771 : vector<128x512xi32>
    %jit3A_773 = arith.constant 512 : i32
    %broadcast_in_dim3A_774 = vector.broadcast %jit3A_773 : i32 to vector<128x512xi32>
    %select_n3A_775 = arith.select %eq3A_772, %broadcast_in_dim3A_774, %select_n3A_763 : vector<128x512xi1>, vector<128x512xi32>
    %reduce_min3A_776 = arith.constant dense<2147483647> : vector<128xi32>
    %reduce_min3A_777 = vector.multi_reduction <minsi>, %select_n3A_775, %reduce_min3A_776 [1] : vector<128x512xi32> to vector<128xi32>
    %broadcast_in_dim3A_778 = vector.shape_cast %reduce_min3A_777 : vector<128xi32> to vector<128x1xi32>
    %lt3A_779 = arith.constant 512 : i32
    %lt3A_780 = vector.broadcast %lt3A_779 : i32 to vector<128x1xi32>
    %lt3A_781 = arith.cmpi slt, %broadcast_in_dim3A_778, %lt3A_780 : vector<128x1xi32>
    %select_n3A_782 = arith.select %lt3A_781, %broadcast_in_dim3A_778, %min3A_28 : vector<128x1xi1>, vector<128x1xi32>
    %concatenate3A = tpu.concatenate %min3A_28, %select_n3A_38, %select_n3A_50, %select_n3A_62, %select_n3A_74, %select_n3A_86, %select_n3A_98, %select_n3A_110, %select_n3A_122, %select_n3A_134, %select_n3A_146, %select_n3A_158, %select_n3A_170, %select_n3A_182, %select_n3A_194, %select_n3A_206, %select_n3A_218, %select_n3A_230, %select_n3A_242, %select_n3A_254, %select_n3A_266, %select_n3A_278, %select_n3A_290, %select_n3A_302, %select_n3A_314, %select_n3A_326, %select_n3A_338, %select_n3A_350, %select_n3A_362, %select_n3A_374, %select_n3A_386, %select_n3A_398, %select_n3A_410, %select_n3A_422, %select_n3A_434, %select_n3A_446, %select_n3A_458, %select_n3A_470, %select_n3A_482, %select_n3A_494, %select_n3A_506, %select_n3A_518, %select_n3A_530, %select_n3A_542, %select_n3A_554, %select_n3A_566, %select_n3A_578, %select_n3A_590, %select_n3A_602, %select_n3A_614, %select_n3A_626, %select_n3A_638, %select_n3A_650, %select_n3A_662, %select_n3A_674, %select_n3A_686, %select_n3A_698, %select_n3A_710, %select_n3A_722, %select_n3A_734, %select_n3A_746, %select_n3A_758, %select_n3A_770, %select_n3A_782 in 1 : vector<128x1xi32>, vector<128x1xi32>, vector<128x1xi32>, vector<128x1xi32>, vector<128x1xi32>, vector<128x1xi32>, vector<128x1xi32>, vector<128x1xi32>, vector<128x1xi32>, vector<128x1xi32>, vector<128x1xi32>, vector<128x1xi32>, vector<128x1xi32>, vector<128x1xi32>, vector<128x1xi32>, vector<128x1xi32>, vector<128x1xi32>, vector<128x1xi32>, vector<128x1xi32>, vector<128x1xi32>, vector<128x1xi32>, vector<128x1xi32>, vector<128x1xi32>, vector<128x1xi32>, vector<128x1xi32>, vector<128x1xi32>, vector<128x1xi32>, vector<128x1xi32>, vector<128x1xi32>, vector<128x1xi32>, vector<128x1xi32>, vector<128x1xi32>, vector<128x1xi32>, vector<128x1xi32>, vector<128x1xi32>, vector<128x1xi32>, vector<128x1xi32>, vector<128x1xi32>, vector<128x1xi32>, vector<128x1xi32>, vector<128x1xi32>, vector<128x1xi32>, vector<128x1xi32>, vector<128x1xi32>, vector<128x1xi32>, vector<128x1xi32>, vector<128x1xi32>, vector<128x1xi32>, vector<128x1xi32>, vector<128x1xi32>, vector<128x1xi32>, vector<128x1xi32>, vector<128x1xi32>, vector<128x1xi32>, vector<128x1xi32>, vector<128x1xi32>, vector<128x1xi32>, vector<128x1xi32>, vector<128x1xi32>, vector<128x1xi32>, vector<128x1xi32>, vector<128x1xi32>, vector<128x1xi32>, vector<128x1xi32> -> vector<128x64xi32>
    %broadcast_in_dim3A_783 = vector.shape_cast %concatenate3A : vector<128x64xi32> to vector<1x128x64xi32>
    %swap3A = arith.constant 0 : index
    %swap3A_784 = arith.constant 0 : index
    %swap3A_785 = arith.constant 0 : index
    %swap3A_786 = vector.load %arg4[%swap3A, %swap3A_784, %swap3A_785] : memref<1x128x64xi32, #tpu.memory_space<vmem>>, vector<1x128x64xi32>
    tpu.vector_store %arg4[%swap3A, %swap3A_784, %swap3A_785], %broadcast_in_dim3A_783 {strides = array<i32>} : memref<1x128x64xi32, #tpu.memory_space<vmem>>, vector<1x128x64xi32>,
    return
  }
  func.func @transform_0(%arg0: i32, %arg1: i32) -> (i32, i32, i32) {
    %c0_i32 = arith.constant 0 : i32
    %c0_i32_0 = arith.constant 0 : i32
    return %arg0, %arg1, %c0_i32 : i32, i32, i32
  }
  func.func @transform_1(%arg0: i32, %arg1: i32) -> (i32, i32, i32) {
    %c0_i32 = arith.constant 0 : i32
    %c0_i32_0 = arith.constant 0 : i32
    %c0_i32_1 = arith.constant 0 : i32
    return %arg0, %c0_i32, %c0_i32_0 : i32, i32, i32
  }
  func.func @transform_2(%arg0: i32, %arg1: i32) -> (i32, i32, i32) {
    %c0_i32 = arith.constant 0 : i32
    %c0_i32_0 = arith.constant 0 : i32
    return %arg0, %arg1, %c0_i32 : i32, i32, i32
  }
}

module attributes {stable_mosaic.version = 14 : i64} {
  func.func @_stage1g_kernel(%arg0: i32, %arg1: memref<64x32x128xf32, #tpu.memory_space<vmem>>, %arg2: memref<64x128xf32, #tpu.memory_space<vmem>>, %arg3: memref<128x64xf32, #tpu.memory_space<vmem>>, %arg4: memref<2048x64xf32, #tpu.memory_space<vmem>>, %arg5: memref<1x64xf32, #tpu.memory_space<vmem>>, %arg6: memref<1x64xf32, #tpu.memory_space<vmem>>) attributes {dimension_semantics = [#tpu.dimension_semantics<arbitrary>], iteration_bounds = array<i64: 64>, scalar_prefetch = 0 : i64, scratch_operands = 0 : i64, tpu.core_type = #tpu.core_type<tc>, window_params = [{transform_indices = @transform_0, window_bounds = array<i64: 64, 32, 128>}, {transform_indices = @transform_1, window_bounds = array<i64: 64, 128>}, {pipeline_mode = #tpu.pipeline_mode<synchronous>, transform_indices = @transform_2, window_bounds = array<i64: 128, 64>}, {transform_indices = @transform_3, window_bounds = array<i64: 2048, 64>}, {pipeline_mode = #tpu.pipeline_mode<synchronous>, transform_indices = @transform_4, window_bounds = array<i64: 1, 64>}, {pipeline_mode = #tpu.pipeline_mode<synchronous>, transform_indices = @transform_5, window_bounds = array<i64: 1, 64>}]} {
    %get3A = arith.constant 0 : index
    %get3A_0 = arith.constant 0 : index
    %get3A_1 = arith.constant 0 : index
    %get3A_2 = vector.load %arg1[%get3A, %get3A_0, %get3A_1] : memref<64x32x128xf32, #tpu.memory_space<vmem>>, vector<64x32x128xf32>
    %get3A_3 = arith.constant 0 : index
    %get3A_4 = arith.constant 0 : index
    %get3A_5 = vector.load %arg2[%get3A_3, %get3A_4] : memref<64x128xf32, #tpu.memory_space<vmem>>, vector<64x128xf32>
    %broadcast_in_dim3A = vector.shape_cast %get3A_5 : vector<64x128xf32> to vector<64x1x128xf32>
    %sub3A = vector.broadcast %broadcast_in_dim3A : vector<64x1x128xf32> to vector<64x32x128xf32>
    %sub3A_6 = arith.subf %get3A_2, %sub3A : vector<64x32x128xf32>
    %reshape3A = vector.shape_cast %sub3A_6 : vector<64x32x128xf32> to vector<2048x128xf32>
    %convert_element_type3A = arith.truncf %reshape3A : vector<2048x128xf32> to vector<2048x128xbf16>
    %get3A_7 = arith.constant 0 : index
    %get3A_8 = arith.constant 0 : index
    %get3A_9 = vector.load %arg3[%get3A_7, %get3A_8] : memref<128x64xf32, #tpu.memory_space<vmem>>, vector<128x64xf32>
    %convert_element_type3A_10 = arith.truncf %get3A_9 : vector<128x64xf32> to vector<128x64xbf16>
    %dot_general3A = arith.constant dense<0.000000e+00> : vector<2048x64xf32>
    %dot_general3A_11 = tpu.matmul %convert_element_type3A, %convert_element_type3A_10, %dot_general3A {dimension_numbers = #tpu.dot_dimension_numbers<[1], [0], [0], [1], [0, 0, 1, 1], [], []>, transpose_lhs_hint = false} : vector<2048x128xbf16>, vector<128x64xbf16>, vector<2048x64xf32> -> vector<2048x64xf32>
    %swap3A = arith.constant 0 : index
    %swap3A_12 = arith.constant 0 : index
    %swap3A_13 = vector.load %arg4[%swap3A, %swap3A_12] : memref<2048x64xf32, #tpu.memory_space<vmem>>, vector<2048x64xf32>
    tpu.vector_store %arg4[%swap3A, %swap3A_12], %dot_general3A_11 {strides = array<i32>} : memref<2048x64xf32, #tpu.memory_space<vmem>>, vector<2048x64xf32>,
    %reduce_sum3A = arith.constant dense<0.000000e+00> : vector<64xf32>
    %reduce_sum3A_14 = vector.multi_reduction <add>, %dot_general3A_11, %reduce_sum3A [0] : vector<2048x64xf32> to vector<64xf32>
    %broadcast_in_dim3A_15 = vector.shape_cast %reduce_sum3A_14 : vector<64xf32> to vector<1x64xf32>
    %mul3A = arith.mulf %dot_general3A_11, %dot_general3A_11 : vector<2048x64xf32>
    %reduce_sum3A_16 = arith.constant dense<0.000000e+00> : vector<64xf32>
    %reduce_sum3A_17 = vector.multi_reduction <add>, %mul3A, %reduce_sum3A_16 [0] : vector<2048x64xf32> to vector<64xf32>
    %broadcast_in_dim3A_18 = vector.shape_cast %reduce_sum3A_17 : vector<64xf32> to vector<1x64xf32>
    %eq3A = arith.constant 0 : i32
    %eq3A_19 = arith.cmpi eq, %arg0, %eq3A : i32
    %convert_element_type3A_20 = arith.extui %eq3A_19 : i1 to i32
    %cond3A = arith.constant 0 : i32
    %cond3A_21 = arith.cmpi ne, %convert_element_type3A_20, %cond3A : i32
    scf.if %cond3A_21 {
      %swap3A_26 = arith.constant 0 : index
      %swap3A_27 = arith.constant 0 : index
      %swap3A_28 = vector.load %arg5[%swap3A_26, %swap3A_27] : memref<1x64xf32, #tpu.memory_space<vmem>>, vector<1x64xf32>
      tpu.vector_store %arg5[%swap3A_26, %swap3A_27], %broadcast_in_dim3A_15 {strides = array<i32>} : memref<1x64xf32, #tpu.memory_space<vmem>>, vector<1x64xf32>,
      %swap3A_29 = arith.constant 0 : index
      %swap3A_30 = arith.constant 0 : index
      %swap3A_31 = vector.load %arg6[%swap3A_29, %swap3A_30] : memref<1x64xf32, #tpu.memory_space<vmem>>, vector<1x64xf32>
      tpu.vector_store %arg6[%swap3A_29, %swap3A_30], %broadcast_in_dim3A_18 {strides = array<i32>} : memref<1x64xf32, #tpu.memory_space<vmem>>, vector<1x64xf32>,
    } else {
    }
    %ne3A = arith.constant 0 : i32
    %ne3A_22 = arith.cmpi ne, %arg0, %ne3A : i32
    %convert_element_type3A_23 = arith.extui %ne3A_22 : i1 to i32
    %cond3A_24 = arith.constant 0 : i32
    %cond3A_25 = arith.cmpi ne, %convert_element_type3A_23, %cond3A_24 : i32
    scf.if %cond3A_25 {
      %get3A_26 = arith.constant 0 : index
      %get3A_27 = arith.constant 0 : index
      %get3A_28 = vector.load %arg5[%get3A_26, %get3A_27] : memref<1x64xf32, #tpu.memory_space<vmem>>, vector<1x64xf32>
      %add3A = arith.addf %get3A_28, %broadcast_in_dim3A_15 : vector<1x64xf32>
      %swap3A_29 = arith.constant 0 : index
      %swap3A_30 = arith.constant 0 : index
      %swap3A_31 = vector.load %arg5[%swap3A_29, %swap3A_30] : memref<1x64xf32, #tpu.memory_space<vmem>>, vector<1x64xf32>
      tpu.vector_store %arg5[%swap3A_29, %swap3A_30], %add3A {strides = array<i32>} : memref<1x64xf32, #tpu.memory_space<vmem>>, vector<1x64xf32>,
      %get3A_32 = arith.constant 0 : index
      %get3A_33 = arith.constant 0 : index
      %get3A_34 = vector.load %arg6[%get3A_32, %get3A_33] : memref<1x64xf32, #tpu.memory_space<vmem>>, vector<1x64xf32>
      %add3A_35 = arith.addf %get3A_34, %broadcast_in_dim3A_18 : vector<1x64xf32>
      %swap3A_36 = arith.constant 0 : index
      %swap3A_37 = arith.constant 0 : index
      %swap3A_38 = vector.load %arg6[%swap3A_36, %swap3A_37] : memref<1x64xf32, #tpu.memory_space<vmem>>, vector<1x64xf32>
      tpu.vector_store %arg6[%swap3A_36, %swap3A_37], %add3A_35 {strides = array<i32>} : memref<1x64xf32, #tpu.memory_space<vmem>>, vector<1x64xf32>,
    } else {
    }
    return
  }
  func.func @transform_0(%arg0: i32) -> (i32, i32, i32) {
    %c0_i32 = arith.constant 0 : i32
    %c0_i32_0 = arith.constant 0 : i32
    %c0_i32_1 = arith.constant 0 : i32
    return %arg0, %c0_i32, %c0_i32_0 : i32, i32, i32
  }
  func.func @transform_1(%arg0: i32) -> (i32, i32) {
    %c0_i32 = arith.constant 0 : i32
    %c0_i32_0 = arith.constant 0 : i32
    return %arg0, %c0_i32 : i32, i32
  }
  func.func @transform_2(%arg0: i32) -> (i32, i32) {
    %c0_i32 = arith.constant 0 : i32
    %c0_i32_0 = arith.constant 0 : i32
    %c0_i32_1 = arith.constant 0 : i32
    return %c0_i32, %c0_i32_0 : i32, i32
  }
  func.func @transform_3(%arg0: i32) -> (i32, i32) {
    %c0_i32 = arith.constant 0 : i32
    %c0_i32_0 = arith.constant 0 : i32
    return %arg0, %c0_i32 : i32, i32
  }
  func.func @transform_4(%arg0: i32) -> (i32, i32) {
    %c0_i32 = arith.constant 0 : i32
    %c0_i32_0 = arith.constant 0 : i32
    %c0_i32_1 = arith.constant 0 : i32
    return %c0_i32, %c0_i32_0 : i32, i32
  }
  func.func @transform_5(%arg0: i32) -> (i32, i32) {
    %c0_i32 = arith.constant 0 : i32
    %c0_i32_0 = arith.constant 0 : i32
    %c0_i32_1 = arith.constant 0 : i32
    return %c0_i32, %c0_i32_0 : i32, i32
  }
}

module attributes {stable_mosaic.version = 14 : i64} {
  func.func @_stage_kernel(%arg0: i32, %arg1: memref<2048x64xf32, #tpu.memory_space<vmem>>, %arg2: memref<64x64xf32, #tpu.memory_space<vmem>>, %arg3: memref<1x64xf32, #tpu.memory_space<vmem>>, %arg4: memref<1x64xf32, #tpu.memory_space<vmem>>, %arg5: memref<2048x64xf32, #tpu.memory_space<vmem>>, %arg6: memref<1x64xf32, #tpu.memory_space<vmem>>, %arg7: memref<1x64xf32, #tpu.memory_space<vmem>>) attributes {dimension_semantics = [#tpu.dimension_semantics<arbitrary>], iteration_bounds = array<i64: 64>, scalar_prefetch = 0 : i64, scratch_operands = 0 : i64, tpu.core_type = #tpu.core_type<tc>, window_params = [{transform_indices = @transform_0, window_bounds = array<i64: 2048, 64>}, {pipeline_mode = #tpu.pipeline_mode<synchronous>, transform_indices = @transform_1, window_bounds = array<i64: 64, 64>}, {pipeline_mode = #tpu.pipeline_mode<synchronous>, transform_indices = @transform_2, window_bounds = array<i64: 1, 64>}, {pipeline_mode = #tpu.pipeline_mode<synchronous>, transform_indices = @transform_3, window_bounds = array<i64: 1, 64>}, {transform_indices = @transform_4, window_bounds = array<i64: 2048, 64>}, {pipeline_mode = #tpu.pipeline_mode<synchronous>, transform_indices = @transform_5, window_bounds = array<i64: 1, 64>}, {pipeline_mode = #tpu.pipeline_mode<synchronous>, transform_indices = @transform_6, window_bounds = array<i64: 1, 64>}]} {
    %get3A = arith.constant 0 : index
    %get3A_0 = arith.constant 0 : index
    %get3A_1 = vector.load %arg1[%get3A, %get3A_0] : memref<2048x64xf32, #tpu.memory_space<vmem>>, vector<2048x64xf32>
    %get3A_2 = arith.constant 0 : index
    %get3A_3 = arith.constant 0 : index
    %get3A_4 = vector.load %arg3[%get3A_2, %get3A_3] : memref<1x64xf32, #tpu.memory_space<vmem>>, vector<1x64xf32>
    %mul3A = vector.broadcast %get3A_4 : vector<1x64xf32> to vector<2048x64xf32>
    %mul3A_5 = arith.mulf %get3A_1, %mul3A : vector<2048x64xf32>
    %get3A_6 = arith.constant 0 : index
    %get3A_7 = arith.constant 0 : index
    %get3A_8 = vector.load %arg4[%get3A_6, %get3A_7] : memref<1x64xf32, #tpu.memory_space<vmem>>, vector<1x64xf32>
    %add3A = vector.broadcast %get3A_8 : vector<1x64xf32> to vector<2048x64xf32>
    %add3A_9 = arith.addf %mul3A_5, %add3A : vector<2048x64xf32>
    %max3A = arith.constant 0.000000e+00 : f32
    %max3A_10 = vector.broadcast %max3A : f32 to vector<2048x64xf32>
    %max3A_11 = arith.maximumf %add3A_9, %max3A_10 : vector<2048x64xf32>
    %convert_element_type3A = arith.truncf %max3A_11 : vector<2048x64xf32> to vector<2048x64xbf16>
    %get3A_12 = arith.constant 0 : index
    %get3A_13 = arith.constant 0 : index
    %get3A_14 = vector.load %arg2[%get3A_12, %get3A_13] : memref<64x64xf32, #tpu.memory_space<vmem>>, vector<64x64xf32>
    %convert_element_type3A_15 = arith.truncf %get3A_14 : vector<64x64xf32> to vector<64x64xbf16>
    %dot_general3A = arith.constant dense<0.000000e+00> : vector<2048x64xf32>
    %dot_general3A_16 = tpu.matmul %convert_element_type3A, %convert_element_type3A_15, %dot_general3A {dimension_numbers = #tpu.dot_dimension_numbers<[1], [0], [0], [1], [0, 0, 1, 1], [], []>, transpose_lhs_hint = false} : vector<2048x64xbf16>, vector<64x64xbf16>, vector<2048x64xf32> -> vector<2048x64xf32>
    %swap3A = arith.constant 0 : index
    %swap3A_17 = arith.constant 0 : index
    %swap3A_18 = vector.load %arg5[%swap3A, %swap3A_17] : memref<2048x64xf32, #tpu.memory_space<vmem>>, vector<2048x64xf32>
    tpu.vector_store %arg5[%swap3A, %swap3A_17], %dot_general3A_16 {strides = array<i32>} : memref<2048x64xf32, #tpu.memory_space<vmem>>, vector<2048x64xf32>,
    %reduce_sum3A = arith.constant dense<0.000000e+00> : vector<64xf32>
    %reduce_sum3A_19 = vector.multi_reduction <add>, %dot_general3A_16, %reduce_sum3A [0] : vector<2048x64xf32> to vector<64xf32>
    %broadcast_in_dim3A = vector.shape_cast %reduce_sum3A_19 : vector<64xf32> to vector<1x64xf32>
    %mul3A_20 = arith.mulf %dot_general3A_16, %dot_general3A_16 : vector<2048x64xf32>
    %reduce_sum3A_21 = arith.constant dense<0.000000e+00> : vector<64xf32>
    %reduce_sum3A_22 = vector.multi_reduction <add>, %mul3A_20, %reduce_sum3A_21 [0] : vector<2048x64xf32> to vector<64xf32>
    %broadcast_in_dim3A_23 = vector.shape_cast %reduce_sum3A_22 : vector<64xf32> to vector<1x64xf32>
    %eq3A = arith.constant 0 : i32
    %eq3A_24 = arith.cmpi eq, %arg0, %eq3A : i32
    %convert_element_type3A_25 = arith.extui %eq3A_24 : i1 to i32
    %cond3A = arith.constant 0 : i32
    %cond3A_26 = arith.cmpi ne, %convert_element_type3A_25, %cond3A : i32
    scf.if %cond3A_26 {
      %swap3A_31 = arith.constant 0 : index
      %swap3A_32 = arith.constant 0 : index
      %swap3A_33 = vector.load %arg6[%swap3A_31, %swap3A_32] : memref<1x64xf32, #tpu.memory_space<vmem>>, vector<1x64xf32>
      tpu.vector_store %arg6[%swap3A_31, %swap3A_32], %broadcast_in_dim3A {strides = array<i32>} : memref<1x64xf32, #tpu.memory_space<vmem>>, vector<1x64xf32>,
      %swap3A_34 = arith.constant 0 : index
      %swap3A_35 = arith.constant 0 : index
      %swap3A_36 = vector.load %arg7[%swap3A_34, %swap3A_35] : memref<1x64xf32, #tpu.memory_space<vmem>>, vector<1x64xf32>
      tpu.vector_store %arg7[%swap3A_34, %swap3A_35], %broadcast_in_dim3A_23 {strides = array<i32>} : memref<1x64xf32, #tpu.memory_space<vmem>>, vector<1x64xf32>,
    } else {
    }
    %ne3A = arith.constant 0 : i32
    %ne3A_27 = arith.cmpi ne, %arg0, %ne3A : i32
    %convert_element_type3A_28 = arith.extui %ne3A_27 : i1 to i32
    %cond3A_29 = arith.constant 0 : i32
    %cond3A_30 = arith.cmpi ne, %convert_element_type3A_28, %cond3A_29 : i32
    scf.if %cond3A_30 {
      %get3A_31 = arith.constant 0 : index
      %get3A_32 = arith.constant 0 : index
      %get3A_33 = vector.load %arg6[%get3A_31, %get3A_32] : memref<1x64xf32, #tpu.memory_space<vmem>>, vector<1x64xf32>
      %add3A_34 = arith.addf %get3A_33, %broadcast_in_dim3A : vector<1x64xf32>
      %swap3A_35 = arith.constant 0 : index
      %swap3A_36 = arith.constant 0 : index
      %swap3A_37 = vector.load %arg6[%swap3A_35, %swap3A_36] : memref<1x64xf32, #tpu.memory_space<vmem>>, vector<1x64xf32>
      tpu.vector_store %arg6[%swap3A_35, %swap3A_36], %add3A_34 {strides = array<i32>} : memref<1x64xf32, #tpu.memory_space<vmem>>, vector<1x64xf32>,
      %get3A_38 = arith.constant 0 : index
      %get3A_39 = arith.constant 0 : index
      %get3A_40 = vector.load %arg7[%get3A_38, %get3A_39] : memref<1x64xf32, #tpu.memory_space<vmem>>, vector<1x64xf32>
      %add3A_41 = arith.addf %get3A_40, %broadcast_in_dim3A_23 : vector<1x64xf32>
      %swap3A_42 = arith.constant 0 : index
      %swap3A_43 = arith.constant 0 : index
      %swap3A_44 = vector.load %arg7[%swap3A_42, %swap3A_43] : memref<1x64xf32, #tpu.memory_space<vmem>>, vector<1x64xf32>
      tpu.vector_store %arg7[%swap3A_42, %swap3A_43], %add3A_41 {strides = array<i32>} : memref<1x64xf32, #tpu.memory_space<vmem>>, vector<1x64xf32>,
    } else {
    }
    return
  }
  func.func @transform_0(%arg0: i32) -> (i32, i32) {
    %c0_i32 = arith.constant 0 : i32
    %c0_i32_0 = arith.constant 0 : i32
    return %arg0, %c0_i32 : i32, i32
  }
  func.func @transform_1(%arg0: i32) -> (i32, i32) {
    %c0_i32 = arith.constant 0 : i32
    %c0_i32_0 = arith.constant 0 : i32
    %c0_i32_1 = arith.constant 0 : i32
    return %c0_i32, %c0_i32_0 : i32, i32
  }
  func.func @transform_2(%arg0: i32) -> (i32, i32) {
    %c0_i32 = arith.constant 0 : i32
    %c0_i32_0 = arith.constant 0 : i32
    %c0_i32_1 = arith.constant 0 : i32
    return %c0_i32, %c0_i32_0 : i32, i32
  }
  func.func @transform_3(%arg0: i32) -> (i32, i32) {
    %c0_i32 = arith.constant 0 : i32
    %c0_i32_0 = arith.constant 0 : i32
    %c0_i32_1 = arith.constant 0 : i32
    return %c0_i32, %c0_i32_0 : i32, i32
  }
  func.func @transform_4(%arg0: i32) -> (i32, i32) {
    %c0_i32 = arith.constant 0 : i32
    %c0_i32_0 = arith.constant 0 : i32
    return %arg0, %c0_i32 : i32, i32
  }
  func.func @transform_5(%arg0: i32) -> (i32, i32) {
    %c0_i32 = arith.constant 0 : i32
    %c0_i32_0 = arith.constant 0 : i32
    %c0_i32_1 = arith.constant 0 : i32
    return %c0_i32, %c0_i32_0 : i32, i32
  }
  func.func @transform_6(%arg0: i32) -> (i32, i32) {
    %c0_i32 = arith.constant 0 : i32
    %c0_i32_0 = arith.constant 0 : i32
    %c0_i32_1 = arith.constant 0 : i32
    return %c0_i32, %c0_i32_0 : i32, i32
  }
}

module attributes {stable_mosaic.version = 14 : i64} {
  func.func @_stage_kernel(%arg0: i32, %arg1: memref<2048x64xf32, #tpu.memory_space<vmem>>, %arg2: memref<64x128xf32, #tpu.memory_space<vmem>>, %arg3: memref<1x64xf32, #tpu.memory_space<vmem>>, %arg4: memref<1x64xf32, #tpu.memory_space<vmem>>, %arg5: memref<2048x128xf32, #tpu.memory_space<vmem>>, %arg6: memref<1x128xf32, #tpu.memory_space<vmem>>, %arg7: memref<1x128xf32, #tpu.memory_space<vmem>>) attributes {dimension_semantics = [#tpu.dimension_semantics<arbitrary>], iteration_bounds = array<i64: 64>, scalar_prefetch = 0 : i64, scratch_operands = 0 : i64, tpu.core_type = #tpu.core_type<tc>, window_params = [{transform_indices = @transform_0, window_bounds = array<i64: 2048, 64>}, {pipeline_mode = #tpu.pipeline_mode<synchronous>, transform_indices = @transform_1, window_bounds = array<i64: 64, 128>}, {pipeline_mode = #tpu.pipeline_mode<synchronous>, transform_indices = @transform_2, window_bounds = array<i64: 1, 64>}, {pipeline_mode = #tpu.pipeline_mode<synchronous>, transform_indices = @transform_3, window_bounds = array<i64: 1, 64>}, {transform_indices = @transform_4, window_bounds = array<i64: 2048, 128>}, {pipeline_mode = #tpu.pipeline_mode<synchronous>, transform_indices = @transform_5, window_bounds = array<i64: 1, 128>}, {pipeline_mode = #tpu.pipeline_mode<synchronous>, transform_indices = @transform_6, window_bounds = array<i64: 1, 128>}]} {
    %get3A = arith.constant 0 : index
    %get3A_0 = arith.constant 0 : index
    %get3A_1 = vector.load %arg1[%get3A, %get3A_0] : memref<2048x64xf32, #tpu.memory_space<vmem>>, vector<2048x64xf32>
    %get3A_2 = arith.constant 0 : index
    %get3A_3 = arith.constant 0 : index
    %get3A_4 = vector.load %arg3[%get3A_2, %get3A_3] : memref<1x64xf32, #tpu.memory_space<vmem>>, vector<1x64xf32>
    %mul3A = vector.broadcast %get3A_4 : vector<1x64xf32> to vector<2048x64xf32>
    %mul3A_5 = arith.mulf %get3A_1, %mul3A : vector<2048x64xf32>
    %get3A_6 = arith.constant 0 : index
    %get3A_7 = arith.constant 0 : index
    %get3A_8 = vector.load %arg4[%get3A_6, %get3A_7] : memref<1x64xf32, #tpu.memory_space<vmem>>, vector<1x64xf32>
    %add3A = vector.broadcast %get3A_8 : vector<1x64xf32> to vector<2048x64xf32>
    %add3A_9 = arith.addf %mul3A_5, %add3A : vector<2048x64xf32>
    %max3A = arith.constant 0.000000e+00 : f32
    %max3A_10 = vector.broadcast %max3A : f32 to vector<2048x64xf32>
    %max3A_11 = arith.maximumf %add3A_9, %max3A_10 : vector<2048x64xf32>
    %convert_element_type3A = arith.truncf %max3A_11 : vector<2048x64xf32> to vector<2048x64xbf16>
    %get3A_12 = arith.constant 0 : index
    %get3A_13 = arith.constant 0 : index
    %get3A_14 = vector.load %arg2[%get3A_12, %get3A_13] : memref<64x128xf32, #tpu.memory_space<vmem>>, vector<64x128xf32>
    %convert_element_type3A_15 = arith.truncf %get3A_14 : vector<64x128xf32> to vector<64x128xbf16>
    %dot_general3A = arith.constant dense<0.000000e+00> : vector<2048x128xf32>
    %dot_general3A_16 = tpu.matmul %convert_element_type3A, %convert_element_type3A_15, %dot_general3A {dimension_numbers = #tpu.dot_dimension_numbers<[1], [0], [0], [1], [0, 0, 1, 1], [], []>, transpose_lhs_hint = false} : vector<2048x64xbf16>, vector<64x128xbf16>, vector<2048x128xf32> -> vector<2048x128xf32>
    %swap3A = arith.constant 0 : index
    %swap3A_17 = arith.constant 0 : index
    %swap3A_18 = vector.load %arg5[%swap3A, %swap3A_17] : memref<2048x128xf32, #tpu.memory_space<vmem>>, vector<2048x128xf32>
    tpu.vector_store %arg5[%swap3A, %swap3A_17], %dot_general3A_16 {strides = array<i32>} : memref<2048x128xf32, #tpu.memory_space<vmem>>, vector<2048x128xf32>,
    %reduce_sum3A = arith.constant dense<0.000000e+00> : vector<128xf32>
    %reduce_sum3A_19 = vector.multi_reduction <add>, %dot_general3A_16, %reduce_sum3A [0] : vector<2048x128xf32> to vector<128xf32>
    %broadcast_in_dim3A = vector.shape_cast %reduce_sum3A_19 : vector<128xf32> to vector<1x128xf32>
    %mul3A_20 = arith.mulf %dot_general3A_16, %dot_general3A_16 : vector<2048x128xf32>
    %reduce_sum3A_21 = arith.constant dense<0.000000e+00> : vector<128xf32>
    %reduce_sum3A_22 = vector.multi_reduction <add>, %mul3A_20, %reduce_sum3A_21 [0] : vector<2048x128xf32> to vector<128xf32>
    %broadcast_in_dim3A_23 = vector.shape_cast %reduce_sum3A_22 : vector<128xf32> to vector<1x128xf32>
    %eq3A = arith.constant 0 : i32
    %eq3A_24 = arith.cmpi eq, %arg0, %eq3A : i32
    %convert_element_type3A_25 = arith.extui %eq3A_24 : i1 to i32
    %cond3A = arith.constant 0 : i32
    %cond3A_26 = arith.cmpi ne, %convert_element_type3A_25, %cond3A : i32
    scf.if %cond3A_26 {
      %swap3A_31 = arith.constant 0 : index
      %swap3A_32 = arith.constant 0 : index
      %swap3A_33 = vector.load %arg6[%swap3A_31, %swap3A_32] : memref<1x128xf32, #tpu.memory_space<vmem>>, vector<1x128xf32>
      tpu.vector_store %arg6[%swap3A_31, %swap3A_32], %broadcast_in_dim3A {strides = array<i32>} : memref<1x128xf32, #tpu.memory_space<vmem>>, vector<1x128xf32>,
      %swap3A_34 = arith.constant 0 : index
      %swap3A_35 = arith.constant 0 : index
      %swap3A_36 = vector.load %arg7[%swap3A_34, %swap3A_35] : memref<1x128xf32, #tpu.memory_space<vmem>>, vector<1x128xf32>
      tpu.vector_store %arg7[%swap3A_34, %swap3A_35], %broadcast_in_dim3A_23 {strides = array<i32>} : memref<1x128xf32, #tpu.memory_space<vmem>>, vector<1x128xf32>,
    } else {
    }
    %ne3A = arith.constant 0 : i32
    %ne3A_27 = arith.cmpi ne, %arg0, %ne3A : i32
    %convert_element_type3A_28 = arith.extui %ne3A_27 : i1 to i32
    %cond3A_29 = arith.constant 0 : i32
    %cond3A_30 = arith.cmpi ne, %convert_element_type3A_28, %cond3A_29 : i32
    scf.if %cond3A_30 {
      %get3A_31 = arith.constant 0 : index
      %get3A_32 = arith.constant 0 : index
      %get3A_33 = vector.load %arg6[%get3A_31, %get3A_32] : memref<1x128xf32, #tpu.memory_space<vmem>>, vector<1x128xf32>
      %add3A_34 = arith.addf %get3A_33, %broadcast_in_dim3A : vector<1x128xf32>
      %swap3A_35 = arith.constant 0 : index
      %swap3A_36 = arith.constant 0 : index
      %swap3A_37 = vector.load %arg6[%swap3A_35, %swap3A_36] : memref<1x128xf32, #tpu.memory_space<vmem>>, vector<1x128xf32>
      tpu.vector_store %arg6[%swap3A_35, %swap3A_36], %add3A_34 {strides = array<i32>} : memref<1x128xf32, #tpu.memory_space<vmem>>, vector<1x128xf32>,
      %get3A_38 = arith.constant 0 : index
      %get3A_39 = arith.constant 0 : index
      %get3A_40 = vector.load %arg7[%get3A_38, %get3A_39] : memref<1x128xf32, #tpu.memory_space<vmem>>, vector<1x128xf32>
      %add3A_41 = arith.addf %get3A_40, %broadcast_in_dim3A_23 : vector<1x128xf32>
      %swap3A_42 = arith.constant 0 : index
      %swap3A_43 = arith.constant 0 : index
      %swap3A_44 = vector.load %arg7[%swap3A_42, %swap3A_43] : memref<1x128xf32, #tpu.memory_space<vmem>>, vector<1x128xf32>
      tpu.vector_store %arg7[%swap3A_42, %swap3A_43], %add3A_41 {strides = array<i32>} : memref<1x128xf32, #tpu.memory_space<vmem>>, vector<1x128xf32>,
    } else {
    }
    return
  }
  func.func @transform_0(%arg0: i32) -> (i32, i32) {
    %c0_i32 = arith.constant 0 : i32
    %c0_i32_0 = arith.constant 0 : i32
    return %arg0, %c0_i32 : i32, i32
  }
  func.func @transform_1(%arg0: i32) -> (i32, i32) {
    %c0_i32 = arith.constant 0 : i32
    %c0_i32_0 = arith.constant 0 : i32
    %c0_i32_1 = arith.constant 0 : i32
    return %c0_i32, %c0_i32_0 : i32, i32
  }
  func.func @transform_2(%arg0: i32) -> (i32, i32) {
    %c0_i32 = arith.constant 0 : i32
    %c0_i32_0 = arith.constant 0 : i32
    %c0_i32_1 = arith.constant 0 : i32
    return %c0_i32, %c0_i32_0 : i32, i32
  }
  func.func @transform_3(%arg0: i32) -> (i32, i32) {
    %c0_i32 = arith.constant 0 : i32
    %c0_i32_0 = arith.constant 0 : i32
    %c0_i32_1 = arith.constant 0 : i32
    return %c0_i32, %c0_i32_0 : i32, i32
  }
  func.func @transform_4(%arg0: i32) -> (i32, i32) {
    %c0_i32 = arith.constant 0 : i32
    %c0_i32_0 = arith.constant 0 : i32
    return %arg0, %c0_i32 : i32, i32
  }
  func.func @transform_5(%arg0: i32) -> (i32, i32) {
    %c0_i32 = arith.constant 0 : i32
    %c0_i32_0 = arith.constant 0 : i32
    %c0_i32_1 = arith.constant 0 : i32
    return %c0_i32, %c0_i32_0 : i32, i32
  }
  func.func @transform_6(%arg0: i32) -> (i32, i32) {
    %c0_i32 = arith.constant 0 : i32
    %c0_i32_0 = arith.constant 0 : i32
    %c0_i32_1 = arith.constant 0 : i32
    return %c0_i32, %c0_i32_0 : i32, i32
  }
}

module attributes {stable_mosaic.version = 14 : i64} {
  func.func @_maxk_kernel(%arg0: i32, %arg1: memref<256x32x128xf32, #tpu.memory_space<vmem>>, %arg2: memref<1x1x128xf32, #tpu.memory_space<vmem>>, %arg3: memref<1x1x128xf32, #tpu.memory_space<vmem>>, %arg4: memref<256x128xf32, #tpu.memory_space<vmem>>) attributes {dimension_semantics = [#tpu.dimension_semantics<arbitrary>], iteration_bounds = array<i64: 16>, scalar_prefetch = 0 : i64, scratch_operands = 0 : i64, tpu.core_type = #tpu.core_type<tc>, window_params = [{transform_indices = @transform_0, window_bounds = array<i64: 256, 32, 128>}, {pipeline_mode = #tpu.pipeline_mode<synchronous>, transform_indices = @transform_1, window_bounds = array<i64: 1, 1, 128>}, {pipeline_mode = #tpu.pipeline_mode<synchronous>, transform_indices = @transform_2, window_bounds = array<i64: 1, 1, 128>}, {transform_indices = @transform_3, window_bounds = array<i64: 256, 128>}]} {
    %get3A = arith.constant 0 : index
    %get3A_0 = arith.constant 0 : index
    %get3A_1 = arith.constant 0 : index
    %get3A_2 = vector.load %arg1[%get3A, %get3A_0, %get3A_1] : memref<256x32x128xf32, #tpu.memory_space<vmem>>, vector<256x32x128xf32>
    %get3A_3 = arith.constant 0 : index
    %get3A_4 = arith.constant 0 : index
    %get3A_5 = arith.constant 0 : index
    %get3A_6 = vector.load %arg2[%get3A_3, %get3A_4, %get3A_5] : memref<1x1x128xf32, #tpu.memory_space<vmem>>, vector<1x1x128xf32>
    %mul3A = vector.broadcast %get3A_6 : vector<1x1x128xf32> to vector<256x32x128xf32>
    %mul3A_7 = arith.mulf %get3A_2, %mul3A : vector<256x32x128xf32>
    %get3A_8 = arith.constant 0 : index
    %get3A_9 = arith.constant 0 : index
    %get3A_10 = arith.constant 0 : index
    %get3A_11 = vector.load %arg3[%get3A_8, %get3A_9, %get3A_10] : memref<1x1x128xf32, #tpu.memory_space<vmem>>, vector<1x1x128xf32>
    %add3A = vector.broadcast %get3A_11 : vector<1x1x128xf32> to vector<256x32x128xf32>
    %add3A_12 = arith.addf %mul3A_7, %add3A : vector<256x32x128xf32>
    %max3A = arith.constant 0.000000e+00 : f32
    %max3A_13 = vector.broadcast %max3A : f32 to vector<256x32x128xf32>
    %max3A_14 = arith.maximumf %add3A_12, %max3A_13 : vector<256x32x128xf32>
    %reduce_max3A = arith.constant dense<0xFF800000> : vector<256x128xf32>
    %reduce_max3A_15 = vector.multi_reduction <maximumf>, %max3A_14, %reduce_max3A [1] : vector<256x32x128xf32> to vector<256x128xf32>
    %swap3A = arith.constant 0 : index
    %swap3A_16 = arith.constant 0 : index
    %swap3A_17 = vector.load %arg4[%swap3A, %swap3A_16] : memref<256x128xf32, #tpu.memory_space<vmem>>, vector<256x128xf32>
    tpu.vector_store %arg4[%swap3A, %swap3A_16], %reduce_max3A_15 {strides = array<i32>} : memref<256x128xf32, #tpu.memory_space<vmem>>, vector<256x128xf32>,
    return
  }
  func.func @transform_0(%arg0: i32) -> (i32, i32, i32) {
    %c0_i32 = arith.constant 0 : i32
    %c0_i32_0 = arith.constant 0 : i32
    %c0_i32_1 = arith.constant 0 : i32
    return %arg0, %c0_i32, %c0_i32_0 : i32, i32, i32
  }
  func.func @transform_1(%arg0: i32) -> (i32, i32, i32) {
    %c0_i32 = arith.constant 0 : i32
    %c0_i32_0 = arith.constant 0 : i32
    %c0_i32_1 = arith.constant 0 : i32
    %c0_i32_2 = arith.constant 0 : i32
    return %c0_i32, %c0_i32_0, %c0_i32_1 : i32, i32, i32
  }
  func.func @transform_2(%arg0: i32) -> (i32, i32, i32) {
    %c0_i32 = arith.constant 0 : i32
    %c0_i32_0 = arith.constant 0 : i32
    %c0_i32_1 = arith.constant 0 : i32
    %c0_i32_2 = arith.constant 0 : i32
    return %c0_i32, %c0_i32_0, %c0_i32_1 : i32, i32, i32
  }
  func.func @transform_3(%arg0: i32) -> (i32, i32) {
    %c0_i32 = arith.constant 0 : i32
    %c0_i32_0 = arith.constant 0 : i32
    return %arg0, %c0_i32 : i32, i32
  }
}

module attributes {stable_mosaic.version = 14 : i64} {
  func.func @_stage1g_kernel(%arg0: i32, %arg1: memref<32x64x256xf32, #tpu.memory_space<vmem>>, %arg2: memref<32x256xf32, #tpu.memory_space<vmem>>, %arg3: memref<256x128xf32, #tpu.memory_space<vmem>>, %arg4: memref<2048x128xf32, #tpu.memory_space<vmem>>, %arg5: memref<1x128xf32, #tpu.memory_space<vmem>>, %arg6: memref<1x128xf32, #tpu.memory_space<vmem>>) attributes {dimension_semantics = [#tpu.dimension_semantics<arbitrary>], iteration_bounds = array<i64: 32>, scalar_prefetch = 0 : i64, scratch_operands = 0 : i64, tpu.core_type = #tpu.core_type<tc>, window_params = [{transform_indices = @transform_0, window_bounds = array<i64: 32, 64, 256>}, {transform_indices = @transform_1, window_bounds = array<i64: 32, 256>}, {pipeline_mode = #tpu.pipeline_mode<synchronous>, transform_indices = @transform_2, window_bounds = array<i64: 256, 128>}, {transform_indices = @transform_3, window_bounds = array<i64: 2048, 128>}, {pipeline_mode = #tpu.pipeline_mode<synchronous>, transform_indices = @transform_4, window_bounds = array<i64: 1, 128>}, {pipeline_mode = #tpu.pipeline_mode<synchronous>, transform_indices = @transform_5, window_bounds = array<i64: 1, 128>}]} {
    %get3A = arith.constant 0 : index
    %get3A_0 = arith.constant 0 : index
    %get3A_1 = arith.constant 0 : index
    %get3A_2 = vector.load %arg1[%get3A, %get3A_0, %get3A_1] : memref<32x64x256xf32, #tpu.memory_space<vmem>>, vector<32x64x256xf32>
    %get3A_3 = arith.constant 0 : index
    %get3A_4 = arith.constant 0 : index
    %get3A_5 = vector.load %arg2[%get3A_3, %get3A_4] : memref<32x256xf32, #tpu.memory_space<vmem>>, vector<32x256xf32>
    %broadcast_in_dim3A = vector.shape_cast %get3A_5 : vector<32x256xf32> to vector<32x1x256xf32>
    %sub3A = vector.broadcast %broadcast_in_dim3A : vector<32x1x256xf32> to vector<32x64x256xf32>
    %sub3A_6 = arith.subf %get3A_2, %sub3A : vector<32x64x256xf32>
    %reshape3A = vector.shape_cast %sub3A_6 : vector<32x64x256xf32> to vector<2048x256xf32>
    %convert_element_type3A = arith.truncf %reshape3A : vector<2048x256xf32> to vector<2048x256xbf16>
    %get3A_7 = arith.constant 0 : index
    %get3A_8 = arith.constant 0 : index
    %get3A_9 = vector.load %arg3[%get3A_7, %get3A_8] : memref<256x128xf32, #tpu.memory_space<vmem>>, vector<256x128xf32>
    %convert_element_type3A_10 = arith.truncf %get3A_9 : vector<256x128xf32> to vector<256x128xbf16>
    %dot_general3A = arith.constant dense<0.000000e+00> : vector<2048x128xf32>
    %dot_general3A_11 = tpu.matmul %convert_element_type3A, %convert_element_type3A_10, %dot_general3A {dimension_numbers = #tpu.dot_dimension_numbers<[1], [0], [0], [1], [0, 0, 1, 1], [], []>, transpose_lhs_hint = false} : vector<2048x256xbf16>, vector<256x128xbf16>, vector<2048x128xf32> -> vector<2048x128xf32>
    %swap3A = arith.constant 0 : index
    %swap3A_12 = arith.constant 0 : index
    %swap3A_13 = vector.load %arg4[%swap3A, %swap3A_12] : memref<2048x128xf32, #tpu.memory_space<vmem>>, vector<2048x128xf32>
    tpu.vector_store %arg4[%swap3A, %swap3A_12], %dot_general3A_11 {strides = array<i32>} : memref<2048x128xf32, #tpu.memory_space<vmem>>, vector<2048x128xf32>,
    %reduce_sum3A = arith.constant dense<0.000000e+00> : vector<128xf32>
    %reduce_sum3A_14 = vector.multi_reduction <add>, %dot_general3A_11, %reduce_sum3A [0] : vector<2048x128xf32> to vector<128xf32>
    %broadcast_in_dim3A_15 = vector.shape_cast %reduce_sum3A_14 : vector<128xf32> to vector<1x128xf32>
    %mul3A = arith.mulf %dot_general3A_11, %dot_general3A_11 : vector<2048x128xf32>
    %reduce_sum3A_16 = arith.constant dense<0.000000e+00> : vector<128xf32>
    %reduce_sum3A_17 = vector.multi_reduction <add>, %mul3A, %reduce_sum3A_16 [0] : vector<2048x128xf32> to vector<128xf32>
    %broadcast_in_dim3A_18 = vector.shape_cast %reduce_sum3A_17 : vector<128xf32> to vector<1x128xf32>
    %eq3A = arith.constant 0 : i32
    %eq3A_19 = arith.cmpi eq, %arg0, %eq3A : i32
    %convert_element_type3A_20 = arith.extui %eq3A_19 : i1 to i32
    %cond3A = arith.constant 0 : i32
    %cond3A_21 = arith.cmpi ne, %convert_element_type3A_20, %cond3A : i32
    scf.if %cond3A_21 {
      %swap3A_26 = arith.constant 0 : index
      %swap3A_27 = arith.constant 0 : index
      %swap3A_28 = vector.load %arg5[%swap3A_26, %swap3A_27] : memref<1x128xf32, #tpu.memory_space<vmem>>, vector<1x128xf32>
      tpu.vector_store %arg5[%swap3A_26, %swap3A_27], %broadcast_in_dim3A_15 {strides = array<i32>} : memref<1x128xf32, #tpu.memory_space<vmem>>, vector<1x128xf32>,
      %swap3A_29 = arith.constant 0 : index
      %swap3A_30 = arith.constant 0 : index
      %swap3A_31 = vector.load %arg6[%swap3A_29, %swap3A_30] : memref<1x128xf32, #tpu.memory_space<vmem>>, vector<1x128xf32>
      tpu.vector_store %arg6[%swap3A_29, %swap3A_30], %broadcast_in_dim3A_18 {strides = array<i32>} : memref<1x128xf32, #tpu.memory_space<vmem>>, vector<1x128xf32>,
    } else {
    }
    %ne3A = arith.constant 0 : i32
    %ne3A_22 = arith.cmpi ne, %arg0, %ne3A : i32
    %convert_element_type3A_23 = arith.extui %ne3A_22 : i1 to i32
    %cond3A_24 = arith.constant 0 : i32
    %cond3A_25 = arith.cmpi ne, %convert_element_type3A_23, %cond3A_24 : i32
    scf.if %cond3A_25 {
      %get3A_26 = arith.constant 0 : index
      %get3A_27 = arith.constant 0 : index
      %get3A_28 = vector.load %arg5[%get3A_26, %get3A_27] : memref<1x128xf32, #tpu.memory_space<vmem>>, vector<1x128xf32>
      %add3A = arith.addf %get3A_28, %broadcast_in_dim3A_15 : vector<1x128xf32>
      %swap3A_29 = arith.constant 0 : index
      %swap3A_30 = arith.constant 0 : index
      %swap3A_31 = vector.load %arg5[%swap3A_29, %swap3A_30] : memref<1x128xf32, #tpu.memory_space<vmem>>, vector<1x128xf32>
      tpu.vector_store %arg5[%swap3A_29, %swap3A_30], %add3A {strides = array<i32>} : memref<1x128xf32, #tpu.memory_space<vmem>>, vector<1x128xf32>,
      %get3A_32 = arith.constant 0 : index
      %get3A_33 = arith.constant 0 : index
      %get3A_34 = vector.load %arg6[%get3A_32, %get3A_33] : memref<1x128xf32, #tpu.memory_space<vmem>>, vector<1x128xf32>
      %add3A_35 = arith.addf %get3A_34, %broadcast_in_dim3A_18 : vector<1x128xf32>
      %swap3A_36 = arith.constant 0 : index
      %swap3A_37 = arith.constant 0 : index
      %swap3A_38 = vector.load %arg6[%swap3A_36, %swap3A_37] : memref<1x128xf32, #tpu.memory_space<vmem>>, vector<1x128xf32>
      tpu.vector_store %arg6[%swap3A_36, %swap3A_37], %add3A_35 {strides = array<i32>} : memref<1x128xf32, #tpu.memory_space<vmem>>, vector<1x128xf32>,
    } else {
    }
    return
  }
  func.func @transform_0(%arg0: i32) -> (i32, i32, i32) {
    %c0_i32 = arith.constant 0 : i32
    %c0_i32_0 = arith.constant 0 : i32
    %c0_i32_1 = arith.constant 0 : i32
    return %arg0, %c0_i32, %c0_i32_0 : i32, i32, i32
  }
  func.func @transform_1(%arg0: i32) -> (i32, i32) {
    %c0_i32 = arith.constant 0 : i32
    %c0_i32_0 = arith.constant 0 : i32
    return %arg0, %c0_i32 : i32, i32
  }
  func.func @transform_2(%arg0: i32) -> (i32, i32) {
    %c0_i32 = arith.constant 0 : i32
    %c0_i32_0 = arith.constant 0 : i32
    %c0_i32_1 = arith.constant 0 : i32
    return %c0_i32, %c0_i32_0 : i32, i32
  }
  func.func @transform_3(%arg0: i32) -> (i32, i32) {
    %c0_i32 = arith.constant 0 : i32
    %c0_i32_0 = arith.constant 0 : i32
    return %arg0, %c0_i32 : i32, i32
  }
  func.func @transform_4(%arg0: i32) -> (i32, i32) {
    %c0_i32 = arith.constant 0 : i32
    %c0_i32_0 = arith.constant 0 : i32
    %c0_i32_1 = arith.constant 0 : i32
    return %c0_i32, %c0_i32_0 : i32, i32
  }
  func.func @transform_5(%arg0: i32) -> (i32, i32) {
    %c0_i32 = arith.constant 0 : i32
    %c0_i32_0 = arith.constant 0 : i32
    %c0_i32_1 = arith.constant 0 : i32
    return %c0_i32, %c0_i32_0 : i32, i32
  }
}

module attributes {stable_mosaic.version = 14 : i64} {
  func.func @_stage_kernel(%arg0: i32, %arg1: memref<2048x128xf32, #tpu.memory_space<vmem>>, %arg2: memref<128x128xf32, #tpu.memory_space<vmem>>, %arg3: memref<1x128xf32, #tpu.memory_space<vmem>>, %arg4: memref<1x128xf32, #tpu.memory_space<vmem>>, %arg5: memref<2048x128xf32, #tpu.memory_space<vmem>>, %arg6: memref<1x128xf32, #tpu.memory_space<vmem>>, %arg7: memref<1x128xf32, #tpu.memory_space<vmem>>) attributes {dimension_semantics = [#tpu.dimension_semantics<arbitrary>], iteration_bounds = array<i64: 32>, scalar_prefetch = 0 : i64, scratch_operands = 0 : i64, tpu.core_type = #tpu.core_type<tc>, window_params = [{transform_indices = @transform_0, window_bounds = array<i64: 2048, 128>}, {pipeline_mode = #tpu.pipeline_mode<synchronous>, transform_indices = @transform_1, window_bounds = array<i64: 128, 128>}, {pipeline_mode = #tpu.pipeline_mode<synchronous>, transform_indices = @transform_2, window_bounds = array<i64: 1, 128>}, {pipeline_mode = #tpu.pipeline_mode<synchronous>, transform_indices = @transform_3, window_bounds = array<i64: 1, 128>}, {transform_indices = @transform_4, window_bounds = array<i64: 2048, 128>}, {pipeline_mode = #tpu.pipeline_mode<synchronous>, transform_indices = @transform_5, window_bounds = array<i64: 1, 128>}, {pipeline_mode = #tpu.pipeline_mode<synchronous>, transform_indices = @transform_6, window_bounds = array<i64: 1, 128>}]} {
    %get3A = arith.constant 0 : index
    %get3A_0 = arith.constant 0 : index
    %get3A_1 = vector.load %arg1[%get3A, %get3A_0] : memref<2048x128xf32, #tpu.memory_space<vmem>>, vector<2048x128xf32>
    %get3A_2 = arith.constant 0 : index
    %get3A_3 = arith.constant 0 : index
    %get3A_4 = vector.load %arg3[%get3A_2, %get3A_3] : memref<1x128xf32, #tpu.memory_space<vmem>>, vector<1x128xf32>
    %mul3A = vector.broadcast %get3A_4 : vector<1x128xf32> to vector<2048x128xf32>
    %mul3A_5 = arith.mulf %get3A_1, %mul3A : vector<2048x128xf32>
    %get3A_6 = arith.constant 0 : index
    %get3A_7 = arith.constant 0 : index
    %get3A_8 = vector.load %arg4[%get3A_6, %get3A_7] : memref<1x128xf32, #tpu.memory_space<vmem>>, vector<1x128xf32>
    %add3A = vector.broadcast %get3A_8 : vector<1x128xf32> to vector<2048x128xf32>
    %add3A_9 = arith.addf %mul3A_5, %add3A : vector<2048x128xf32>
    %max3A = arith.constant 0.000000e+00 : f32
    %max3A_10 = vector.broadcast %max3A : f32 to vector<2048x128xf32>
    %max3A_11 = arith.maximumf %add3A_9, %max3A_10 : vector<2048x128xf32>
    %convert_element_type3A = arith.truncf %max3A_11 : vector<2048x128xf32> to vector<2048x128xbf16>
    %get3A_12 = arith.constant 0 : index
    %get3A_13 = arith.constant 0 : index
    %get3A_14 = vector.load %arg2[%get3A_12, %get3A_13] : memref<128x128xf32, #tpu.memory_space<vmem>>, vector<128x128xf32>
    %convert_element_type3A_15 = arith.truncf %get3A_14 : vector<128x128xf32> to vector<128x128xbf16>
    %dot_general3A = arith.constant dense<0.000000e+00> : vector<2048x128xf32>
    %dot_general3A_16 = tpu.matmul %convert_element_type3A, %convert_element_type3A_15, %dot_general3A {dimension_numbers = #tpu.dot_dimension_numbers<[1], [0], [0], [1], [0, 0, 1, 1], [], []>, transpose_lhs_hint = false} : vector<2048x128xbf16>, vector<128x128xbf16>, vector<2048x128xf32> -> vector<2048x128xf32>
    %swap3A = arith.constant 0 : index
    %swap3A_17 = arith.constant 0 : index
    %swap3A_18 = vector.load %arg5[%swap3A, %swap3A_17] : memref<2048x128xf32, #tpu.memory_space<vmem>>, vector<2048x128xf32>
    tpu.vector_store %arg5[%swap3A, %swap3A_17], %dot_general3A_16 {strides = array<i32>} : memref<2048x128xf32, #tpu.memory_space<vmem>>, vector<2048x128xf32>,
    %reduce_sum3A = arith.constant dense<0.000000e+00> : vector<128xf32>
    %reduce_sum3A_19 = vector.multi_reduction <add>, %dot_general3A_16, %reduce_sum3A [0] : vector<2048x128xf32> to vector<128xf32>
    %broadcast_in_dim3A = vector.shape_cast %reduce_sum3A_19 : vector<128xf32> to vector<1x128xf32>
    %mul3A_20 = arith.mulf %dot_general3A_16, %dot_general3A_16 : vector<2048x128xf32>
    %reduce_sum3A_21 = arith.constant dense<0.000000e+00> : vector<128xf32>
    %reduce_sum3A_22 = vector.multi_reduction <add>, %mul3A_20, %reduce_sum3A_21 [0] : vector<2048x128xf32> to vector<128xf32>
    %broadcast_in_dim3A_23 = vector.shape_cast %reduce_sum3A_22 : vector<128xf32> to vector<1x128xf32>
    %eq3A = arith.constant 0 : i32
    %eq3A_24 = arith.cmpi eq, %arg0, %eq3A : i32
    %convert_element_type3A_25 = arith.extui %eq3A_24 : i1 to i32
    %cond3A = arith.constant 0 : i32
    %cond3A_26 = arith.cmpi ne, %convert_element_type3A_25, %cond3A : i32
    scf.if %cond3A_26 {
      %swap3A_31 = arith.constant 0 : index
      %swap3A_32 = arith.constant 0 : index
      %swap3A_33 = vector.load %arg6[%swap3A_31, %swap3A_32] : memref<1x128xf32, #tpu.memory_space<vmem>>, vector<1x128xf32>
      tpu.vector_store %arg6[%swap3A_31, %swap3A_32], %broadcast_in_dim3A {strides = array<i32>} : memref<1x128xf32, #tpu.memory_space<vmem>>, vector<1x128xf32>,
      %swap3A_34 = arith.constant 0 : index
      %swap3A_35 = arith.constant 0 : index
      %swap3A_36 = vector.load %arg7[%swap3A_34, %swap3A_35] : memref<1x128xf32, #tpu.memory_space<vmem>>, vector<1x128xf32>
      tpu.vector_store %arg7[%swap3A_34, %swap3A_35], %broadcast_in_dim3A_23 {strides = array<i32>} : memref<1x128xf32, #tpu.memory_space<vmem>>, vector<1x128xf32>,
    } else {
    }
    %ne3A = arith.constant 0 : i32
    %ne3A_27 = arith.cmpi ne, %arg0, %ne3A : i32
    %convert_element_type3A_28 = arith.extui %ne3A_27 : i1 to i32
    %cond3A_29 = arith.constant 0 : i32
    %cond3A_30 = arith.cmpi ne, %convert_element_type3A_28, %cond3A_29 : i32
    scf.if %cond3A_30 {
      %get3A_31 = arith.constant 0 : index
      %get3A_32 = arith.constant 0 : index
      %get3A_33 = vector.load %arg6[%get3A_31, %get3A_32] : memref<1x128xf32, #tpu.memory_space<vmem>>, vector<1x128xf32>
      %add3A_34 = arith.addf %get3A_33, %broadcast_in_dim3A : vector<1x128xf32>
      %swap3A_35 = arith.constant 0 : index
      %swap3A_36 = arith.constant 0 : index
      %swap3A_37 = vector.load %arg6[%swap3A_35, %swap3A_36] : memref<1x128xf32, #tpu.memory_space<vmem>>, vector<1x128xf32>
      tpu.vector_store %arg6[%swap3A_35, %swap3A_36], %add3A_34 {strides = array<i32>} : memref<1x128xf32, #tpu.memory_space<vmem>>, vector<1x128xf32>,
      %get3A_38 = arith.constant 0 : index
      %get3A_39 = arith.constant 0 : index
      %get3A_40 = vector.load %arg7[%get3A_38, %get3A_39] : memref<1x128xf32, #tpu.memory_space<vmem>>, vector<1x128xf32>
      %add3A_41 = arith.addf %get3A_40, %broadcast_in_dim3A_23 : vector<1x128xf32>
      %swap3A_42 = arith.constant 0 : index
      %swap3A_43 = arith.constant 0 : index
      %swap3A_44 = vector.load %arg7[%swap3A_42, %swap3A_43] : memref<1x128xf32, #tpu.memory_space<vmem>>, vector<1x128xf32>
      tpu.vector_store %arg7[%swap3A_42, %swap3A_43], %add3A_41 {strides = array<i32>} : memref<1x128xf32, #tpu.memory_space<vmem>>, vector<1x128xf32>,
    } else {
    }
    return
  }
  func.func @transform_0(%arg0: i32) -> (i32, i32) {
    %c0_i32 = arith.constant 0 : i32
    %c0_i32_0 = arith.constant 0 : i32
    return %arg0, %c0_i32 : i32, i32
  }
  func.func @transform_1(%arg0: i32) -> (i32, i32) {
    %c0_i32 = arith.constant 0 : i32
    %c0_i32_0 = arith.constant 0 : i32
    %c0_i32_1 = arith.constant 0 : i32
    return %c0_i32, %c0_i32_0 : i32, i32
  }
  func.func @transform_2(%arg0: i32) -> (i32, i32) {
    %c0_i32 = arith.constant 0 : i32
    %c0_i32_0 = arith.constant 0 : i32
    %c0_i32_1 = arith.constant 0 : i32
    return %c0_i32, %c0_i32_0 : i32, i32
  }
  func.func @transform_3(%arg0: i32) -> (i32, i32) {
    %c0_i32 = arith.constant 0 : i32
    %c0_i32_0 = arith.constant 0 : i32
    %c0_i32_1 = arith.constant 0 : i32
    return %c0_i32, %c0_i32_0 : i32, i32
  }
  func.func @transform_4(%arg0: i32) -> (i32, i32) {
    %c0_i32 = arith.constant 0 : i32
    %c0_i32_0 = arith.constant 0 : i32
    return %arg0, %c0_i32 : i32, i32
  }
  func.func @transform_5(%arg0: i32) -> (i32, i32) {
    %c0_i32 = arith.constant 0 : i32
    %c0_i32_0 = arith.constant 0 : i32
    %c0_i32_1 = arith.constant 0 : i32
    return %c0_i32, %c0_i32_0 : i32, i32
  }
  func.func @transform_6(%arg0: i32) -> (i32, i32) {
    %c0_i32 = arith.constant 0 : i32
    %c0_i32_0 = arith.constant 0 : i32
    %c0_i32_1 = arith.constant 0 : i32
    return %c0_i32, %c0_i32_0 : i32, i32
  }
}

module attributes {stable_mosaic.version = 14 : i64} {
  func.func @_stage_kernel(%arg0: i32, %arg1: memref<2048x128xf32, #tpu.memory_space<vmem>>, %arg2: memref<128x256xf32, #tpu.memory_space<vmem>>, %arg3: memref<1x128xf32, #tpu.memory_space<vmem>>, %arg4: memref<1x128xf32, #tpu.memory_space<vmem>>, %arg5: memref<2048x256xf32, #tpu.memory_space<vmem>>, %arg6: memref<1x256xf32, #tpu.memory_space<vmem>>, %arg7: memref<1x256xf32, #tpu.memory_space<vmem>>) attributes {dimension_semantics = [#tpu.dimension_semantics<arbitrary>], iteration_bounds = array<i64: 32>, scalar_prefetch = 0 : i64, scratch_operands = 0 : i64, tpu.core_type = #tpu.core_type<tc>, window_params = [{transform_indices = @transform_0, window_bounds = array<i64: 2048, 128>}, {pipeline_mode = #tpu.pipeline_mode<synchronous>, transform_indices = @transform_1, window_bounds = array<i64: 128, 256>}, {pipeline_mode = #tpu.pipeline_mode<synchronous>, transform_indices = @transform_2, window_bounds = array<i64: 1, 128>}, {pipeline_mode = #tpu.pipeline_mode<synchronous>, transform_indices = @transform_3, window_bounds = array<i64: 1, 128>}, {transform_indices = @transform_4, window_bounds = array<i64: 2048, 256>}, {pipeline_mode = #tpu.pipeline_mode<synchronous>, transform_indices = @transform_5, window_bounds = array<i64: 1, 256>}, {pipeline_mode = #tpu.pipeline_mode<synchronous>, transform_indices = @transform_6, window_bounds = array<i64: 1, 256>}]} {
    %get3A = arith.constant 0 : index
    %get3A_0 = arith.constant 0 : index
    %get3A_1 = vector.load %arg1[%get3A, %get3A_0] : memref<2048x128xf32, #tpu.memory_space<vmem>>, vector<2048x128xf32>
    %get3A_2 = arith.constant 0 : index
    %get3A_3 = arith.constant 0 : index
    %get3A_4 = vector.load %arg3[%get3A_2, %get3A_3] : memref<1x128xf32, #tpu.memory_space<vmem>>, vector<1x128xf32>
    %mul3A = vector.broadcast %get3A_4 : vector<1x128xf32> to vector<2048x128xf32>
    %mul3A_5 = arith.mulf %get3A_1, %mul3A : vector<2048x128xf32>
    %get3A_6 = arith.constant 0 : index
    %get3A_7 = arith.constant 0 : index
    %get3A_8 = vector.load %arg4[%get3A_6, %get3A_7] : memref<1x128xf32, #tpu.memory_space<vmem>>, vector<1x128xf32>
    %add3A = vector.broadcast %get3A_8 : vector<1x128xf32> to vector<2048x128xf32>
    %add3A_9 = arith.addf %mul3A_5, %add3A : vector<2048x128xf32>
    %max3A = arith.constant 0.000000e+00 : f32
    %max3A_10 = vector.broadcast %max3A : f32 to vector<2048x128xf32>
    %max3A_11 = arith.maximumf %add3A_9, %max3A_10 : vector<2048x128xf32>
    %convert_element_type3A = arith.truncf %max3A_11 : vector<2048x128xf32> to vector<2048x128xbf16>
    %get3A_12 = arith.constant 0 : index
    %get3A_13 = arith.constant 0 : index
    %get3A_14 = vector.load %arg2[%get3A_12, %get3A_13] : memref<128x256xf32, #tpu.memory_space<vmem>>, vector<128x256xf32>
    %convert_element_type3A_15 = arith.truncf %get3A_14 : vector<128x256xf32> to vector<128x256xbf16>
    %dot_general3A = arith.constant dense<0.000000e+00> : vector<2048x256xf32>
    %dot_general3A_16 = tpu.matmul %convert_element_type3A, %convert_element_type3A_15, %dot_general3A {dimension_numbers = #tpu.dot_dimension_numbers<[1], [0], [0], [1], [0, 0, 1, 1], [], []>, transpose_lhs_hint = false} : vector<2048x128xbf16>, vector<128x256xbf16>, vector<2048x256xf32> -> vector<2048x256xf32>
    %swap3A = arith.constant 0 : index
    %swap3A_17 = arith.constant 0 : index
    %swap3A_18 = vector.load %arg5[%swap3A, %swap3A_17] : memref<2048x256xf32, #tpu.memory_space<vmem>>, vector<2048x256xf32>
    tpu.vector_store %arg5[%swap3A, %swap3A_17], %dot_general3A_16 {strides = array<i32>} : memref<2048x256xf32, #tpu.memory_space<vmem>>, vector<2048x256xf32>,
    %reduce_sum3A = arith.constant dense<0.000000e+00> : vector<256xf32>
    %reduce_sum3A_19 = vector.multi_reduction <add>, %dot_general3A_16, %reduce_sum3A [0] : vector<2048x256xf32> to vector<256xf32>
    %broadcast_in_dim3A = vector.shape_cast %reduce_sum3A_19 : vector<256xf32> to vector<1x256xf32>
    %mul3A_20 = arith.mulf %dot_general3A_16, %dot_general3A_16 : vector<2048x256xf32>
    %reduce_sum3A_21 = arith.constant dense<0.000000e+00> : vector<256xf32>
    %reduce_sum3A_22 = vector.multi_reduction <add>, %mul3A_20, %reduce_sum3A_21 [0] : vector<2048x256xf32> to vector<256xf32>
    %broadcast_in_dim3A_23 = vector.shape_cast %reduce_sum3A_22 : vector<256xf32> to vector<1x256xf32>
    %eq3A = arith.constant 0 : i32
    %eq3A_24 = arith.cmpi eq, %arg0, %eq3A : i32
    %convert_element_type3A_25 = arith.extui %eq3A_24 : i1 to i32
    %cond3A = arith.constant 0 : i32
    %cond3A_26 = arith.cmpi ne, %convert_element_type3A_25, %cond3A : i32
    scf.if %cond3A_26 {
      %swap3A_31 = arith.constant 0 : index
      %swap3A_32 = arith.constant 0 : index
      %swap3A_33 = vector.load %arg6[%swap3A_31, %swap3A_32] : memref<1x256xf32, #tpu.memory_space<vmem>>, vector<1x256xf32>
      tpu.vector_store %arg6[%swap3A_31, %swap3A_32], %broadcast_in_dim3A {strides = array<i32>} : memref<1x256xf32, #tpu.memory_space<vmem>>, vector<1x256xf32>,
      %swap3A_34 = arith.constant 0 : index
      %swap3A_35 = arith.constant 0 : index
      %swap3A_36 = vector.load %arg7[%swap3A_34, %swap3A_35] : memref<1x256xf32, #tpu.memory_space<vmem>>, vector<1x256xf32>
      tpu.vector_store %arg7[%swap3A_34, %swap3A_35], %broadcast_in_dim3A_23 {strides = array<i32>} : memref<1x256xf32, #tpu.memory_space<vmem>>, vector<1x256xf32>,
    } else {
    }
    %ne3A = arith.constant 0 : i32
    %ne3A_27 = arith.cmpi ne, %arg0, %ne3A : i32
    %convert_element_type3A_28 = arith.extui %ne3A_27 : i1 to i32
    %cond3A_29 = arith.constant 0 : i32
    %cond3A_30 = arith.cmpi ne, %convert_element_type3A_28, %cond3A_29 : i32
    scf.if %cond3A_30 {
      %get3A_31 = arith.constant 0 : index
      %get3A_32 = arith.constant 0 : index
      %get3A_33 = vector.load %arg6[%get3A_31, %get3A_32] : memref<1x256xf32, #tpu.memory_space<vmem>>, vector<1x256xf32>
      %add3A_34 = arith.addf %get3A_33, %broadcast_in_dim3A : vector<1x256xf32>
      %swap3A_35 = arith.constant 0 : index
      %swap3A_36 = arith.constant 0 : index
      %swap3A_37 = vector.load %arg6[%swap3A_35, %swap3A_36] : memref<1x256xf32, #tpu.memory_space<vmem>>, vector<1x256xf32>
      tpu.vector_store %arg6[%swap3A_35, %swap3A_36], %add3A_34 {strides = array<i32>} : memref<1x256xf32, #tpu.memory_space<vmem>>, vector<1x256xf32>,
      %get3A_38 = arith.constant 0 : index
      %get3A_39 = arith.constant 0 : index
      %get3A_40 = vector.load %arg7[%get3A_38, %get3A_39] : memref<1x256xf32, #tpu.memory_space<vmem>>, vector<1x256xf32>
      %add3A_41 = arith.addf %get3A_40, %broadcast_in_dim3A_23 : vector<1x256xf32>
      %swap3A_42 = arith.constant 0 : index
      %swap3A_43 = arith.constant 0 : index
      %swap3A_44 = vector.load %arg7[%swap3A_42, %swap3A_43] : memref<1x256xf32, #tpu.memory_space<vmem>>, vector<1x256xf32>
      tpu.vector_store %arg7[%swap3A_42, %swap3A_43], %add3A_41 {strides = array<i32>} : memref<1x256xf32, #tpu.memory_space<vmem>>, vector<1x256xf32>,
    } else {
    }
    return
  }
  func.func @transform_0(%arg0: i32) -> (i32, i32) {
    %c0_i32 = arith.constant 0 : i32
    %c0_i32_0 = arith.constant 0 : i32
    return %arg0, %c0_i32 : i32, i32
  }
  func.func @transform_1(%arg0: i32) -> (i32, i32) {
    %c0_i32 = arith.constant 0 : i32
    %c0_i32_0 = arith.constant 0 : i32
    %c0_i32_1 = arith.constant 0 : i32
    return %c0_i32, %c0_i32_0 : i32, i32
  }
  func.func @transform_2(%arg0: i32) -> (i32, i32) {
    %c0_i32 = arith.constant 0 : i32
    %c0_i32_0 = arith.constant 0 : i32
    %c0_i32_1 = arith.constant 0 : i32
    return %c0_i32, %c0_i32_0 : i32, i32
  }
  func.func @transform_3(%arg0: i32) -> (i32, i32) {
    %c0_i32 = arith.constant 0 : i32
    %c0_i32_0 = arith.constant 0 : i32
    %c0_i32_1 = arith.constant 0 : i32
    return %c0_i32, %c0_i32_0 : i32, i32
  }
  func.func @transform_4(%arg0: i32) -> (i32, i32) {
    %c0_i32 = arith.constant 0 : i32
    %c0_i32_0 = arith.constant 0 : i32
    return %arg0, %c0_i32 : i32, i32
  }
  func.func @transform_5(%arg0: i32) -> (i32, i32) {
    %c0_i32 = arith.constant 0 : i32
    %c0_i32_0 = arith.constant 0 : i32
    %c0_i32_1 = arith.constant 0 : i32
    return %c0_i32, %c0_i32_0 : i32, i32
  }
  func.func @transform_6(%arg0: i32) -> (i32, i32) {
    %c0_i32 = arith.constant 0 : i32
    %c0_i32_0 = arith.constant 0 : i32
    %c0_i32_1 = arith.constant 0 : i32
    return %c0_i32, %c0_i32_0 : i32, i32
  }
}

module attributes {stable_mosaic.version = 14 : i64} {
  func.func @_maxk_kernel(%arg0: i32, %arg1: memref<64x64x256xf32, #tpu.memory_space<vmem>>, %arg2: memref<1x1x256xf32, #tpu.memory_space<vmem>>, %arg3: memref<1x1x256xf32, #tpu.memory_space<vmem>>, %arg4: memref<64x256xf32, #tpu.memory_space<vmem>>) attributes {dimension_semantics = [#tpu.dimension_semantics<arbitrary>], iteration_bounds = array<i64: 16>, scalar_prefetch = 0 : i64, scratch_operands = 0 : i64, tpu.core_type = #tpu.core_type<tc>, window_params = [{transform_indices = @transform_0, window_bounds = array<i64: 64, 64, 256>}, {pipeline_mode = #tpu.pipeline_mode<synchronous>, transform_indices = @transform_1, window_bounds = array<i64: 1, 1, 256>}, {pipeline_mode = #tpu.pipeline_mode<synchronous>, transform_indices = @transform_2, window_bounds = array<i64: 1, 1, 256>}, {transform_indices = @transform_3, window_bounds = array<i64: 64, 256>}]} {
    %get3A = arith.constant 0 : index
    %get3A_0 = arith.constant 0 : index
    %get3A_1 = arith.constant 0 : index
    %get3A_2 = vector.load %arg1[%get3A, %get3A_0, %get3A_1] : memref<64x64x256xf32, #tpu.memory_space<vmem>>, vector<64x64x256xf32>
    %get3A_3 = arith.constant 0 : index
    %get3A_4 = arith.constant 0 : index
    %get3A_5 = arith.constant 0 : index
    %get3A_6 = vector.load %arg2[%get3A_3, %get3A_4, %get3A_5] : memref<1x1x256xf32, #tpu.memory_space<vmem>>, vector<1x1x256xf32>
    %mul3A = vector.broadcast %get3A_6 : vector<1x1x256xf32> to vector<64x64x256xf32>
    %mul3A_7 = arith.mulf %get3A_2, %mul3A : vector<64x64x256xf32>
    %get3A_8 = arith.constant 0 : index
    %get3A_9 = arith.constant 0 : index
    %get3A_10 = arith.constant 0 : index
    %get3A_11 = vector.load %arg3[%get3A_8, %get3A_9, %get3A_10] : memref<1x1x256xf32, #tpu.memory_space<vmem>>, vector<1x1x256xf32>
    %add3A = vector.broadcast %get3A_11 : vector<1x1x256xf32> to vector<64x64x256xf32>
    %add3A_12 = arith.addf %mul3A_7, %add3A : vector<64x64x256xf32>
    %max3A = arith.constant 0.000000e+00 : f32
    %max3A_13 = vector.broadcast %max3A : f32 to vector<64x64x256xf32>
    %max3A_14 = arith.maximumf %add3A_12, %max3A_13 : vector<64x64x256xf32>
    %reduce_max3A = arith.constant dense<0xFF800000> : vector<64x256xf32>
    %reduce_max3A_15 = vector.multi_reduction <maximumf>, %max3A_14, %reduce_max3A [1] : vector<64x64x256xf32> to vector<64x256xf32>
    %swap3A = arith.constant 0 : index
    %swap3A_16 = arith.constant 0 : index
    %swap3A_17 = vector.load %arg4[%swap3A, %swap3A_16] : memref<64x256xf32, #tpu.memory_space<vmem>>, vector<64x256xf32>
    tpu.vector_store %arg4[%swap3A, %swap3A_16], %reduce_max3A_15 {strides = array<i32>} : memref<64x256xf32, #tpu.memory_space<vmem>>, vector<64x256xf32>,
    return
  }
  func.func @transform_0(%arg0: i32) -> (i32, i32, i32) {
    %c0_i32 = arith.constant 0 : i32
    %c0_i32_0 = arith.constant 0 : i32
    %c0_i32_1 = arith.constant 0 : i32
    return %arg0, %c0_i32, %c0_i32_0 : i32, i32, i32
  }
  func.func @transform_1(%arg0: i32) -> (i32, i32, i32) {
    %c0_i32 = arith.constant 0 : i32
    %c0_i32_0 = arith.constant 0 : i32
    %c0_i32_1 = arith.constant 0 : i32
    %c0_i32_2 = arith.constant 0 : i32
    return %c0_i32, %c0_i32_0, %c0_i32_1 : i32, i32, i32
  }
  func.func @transform_2(%arg0: i32) -> (i32, i32, i32) {
    %c0_i32 = arith.constant 0 : i32
    %c0_i32_0 = arith.constant 0 : i32
    %c0_i32_1 = arith.constant 0 : i32
    %c0_i32_2 = arith.constant 0 : i32
    return %c0_i32, %c0_i32_0, %c0_i32_1 : i32, i32, i32
  }
  func.func @transform_3(%arg0: i32) -> (i32, i32) {
    %c0_i32 = arith.constant 0 : i32
    %c0_i32_0 = arith.constant 0 : i32
    return %arg0, %c0_i32 : i32, i32
  }
}

module attributes {stable_mosaic.version = 14 : i64} {
  func.func @_stage_kernel(%arg0: i32, %arg1: memref<1024x259xf32, #tpu.memory_space<vmem>>, %arg2: memref<259x256xf32, #tpu.memory_space<vmem>>, %arg3: memref<1x259xf32, #tpu.memory_space<vmem>>, %arg4: memref<1x259xf32, #tpu.memory_space<vmem>>, %arg5: memref<1024x256xf32, #tpu.memory_space<vmem>>, %arg6: memref<1x256xf32, #tpu.memory_space<vmem>>, %arg7: memref<1x256xf32, #tpu.memory_space<vmem>>) attributes {dimension_semantics = [#tpu.dimension_semantics<arbitrary>], iteration_bounds = array<i64: 1>, scalar_prefetch = 0 : i64, scratch_operands = 0 : i64, tpu.core_type = #tpu.core_type<tc>, window_params = [{transform_indices = @transform_0, window_bounds = array<i64: 1024, 259>}, {pipeline_mode = #tpu.pipeline_mode<synchronous>, transform_indices = @transform_1, window_bounds = array<i64: 259, 256>}, {pipeline_mode = #tpu.pipeline_mode<synchronous>, transform_indices = @transform_2, window_bounds = array<i64: 1, 259>}, {pipeline_mode = #tpu.pipeline_mode<synchronous>, transform_indices = @transform_3, window_bounds = array<i64: 1, 259>}, {transform_indices = @transform_4, window_bounds = array<i64: 1024, 256>}, {pipeline_mode = #tpu.pipeline_mode<synchronous>, transform_indices = @transform_5, window_bounds = array<i64: 1, 256>}, {pipeline_mode = #tpu.pipeline_mode<synchronous>, transform_indices = @transform_6, window_bounds = array<i64: 1, 256>}]} {
    %get3A = arith.constant 0 : index
    %get3A_0 = arith.constant 0 : index
    %get3A_1 = vector.load %arg1[%get3A, %get3A_0] : memref<1024x259xf32, #tpu.memory_space<vmem>>, vector<1024x259xf32>
    %convert_element_type3A = arith.truncf %get3A_1 : vector<1024x259xf32> to vector<1024x259xbf16>
    %get3A_2 = arith.constant 0 : index
    %get3A_3 = arith.constant 0 : index
    %get3A_4 = vector.load %arg2[%get3A_2, %get3A_3] : memref<259x256xf32, #tpu.memory_space<vmem>>, vector<259x256xf32>
    %convert_element_type3A_5 = arith.truncf %get3A_4 : vector<259x256xf32> to vector<259x256xbf16>
    %dot_general3A = arith.constant dense<0.000000e+00> : vector<1024x256xf32>
    %dot_general3A_6 = tpu.matmul %convert_element_type3A, %convert_element_type3A_5, %dot_general3A {dimension_numbers = #tpu.dot_dimension_numbers<[1], [0], [0], [1], [0, 0, 1, 1], [], []>, transpose_lhs_hint = false} : vector<1024x259xbf16>, vector<259x256xbf16>, vector<1024x256xf32> -> vector<1024x256xf32>
    %swap3A = arith.constant 0 : index
    %swap3A_7 = arith.constant 0 : index
    %swap3A_8 = vector.load %arg5[%swap3A, %swap3A_7] : memref<1024x256xf32, #tpu.memory_space<vmem>>, vector<1024x256xf32>
    tpu.vector_store %arg5[%swap3A, %swap3A_7], %dot_general3A_6 {strides = array<i32>} : memref<1024x256xf32, #tpu.memory_space<vmem>>, vector<1024x256xf32>,
    %reduce_sum3A = arith.constant dense<0.000000e+00> : vector<256xf32>
    %reduce_sum3A_9 = vector.multi_reduction <add>, %dot_general3A_6, %reduce_sum3A [0] : vector<1024x256xf32> to vector<256xf32>
    %broadcast_in_dim3A = vector.shape_cast %reduce_sum3A_9 : vector<256xf32> to vector<1x256xf32>
    %mul3A = arith.mulf %dot_general3A_6, %dot_general3A_6 : vector<1024x256xf32>
    %reduce_sum3A_10 = arith.constant dense<0.000000e+00> : vector<256xf32>
    %reduce_sum3A_11 = vector.multi_reduction <add>, %mul3A, %reduce_sum3A_10 [0] : vector<1024x256xf32> to vector<256xf32>
    %broadcast_in_dim3A_12 = vector.shape_cast %reduce_sum3A_11 : vector<256xf32> to vector<1x256xf32>
    %eq3A = arith.constant 0 : i32
    %eq3A_13 = arith.cmpi eq, %arg0, %eq3A : i32
    %convert_element_type3A_14 = arith.extui %eq3A_13 : i1 to i32
    %cond3A = arith.constant 0 : i32
    %cond3A_15 = arith.cmpi ne, %convert_element_type3A_14, %cond3A : i32
    scf.if %cond3A_15 {
      %swap3A_20 = arith.constant 0 : index
      %swap3A_21 = arith.constant 0 : index
      %swap3A_22 = vector.load %arg6[%swap3A_20, %swap3A_21] : memref<1x256xf32, #tpu.memory_space<vmem>>, vector<1x256xf32>
      tpu.vector_store %arg6[%swap3A_20, %swap3A_21], %broadcast_in_dim3A {strides = array<i32>} : memref<1x256xf32, #tpu.memory_space<vmem>>, vector<1x256xf32>,
      %swap3A_23 = arith.constant 0 : index
      %swap3A_24 = arith.constant 0 : index
      %swap3A_25 = vector.load %arg7[%swap3A_23, %swap3A_24] : memref<1x256xf32, #tpu.memory_space<vmem>>, vector<1x256xf32>
      tpu.vector_store %arg7[%swap3A_23, %swap3A_24], %broadcast_in_dim3A_12 {strides = array<i32>} : memref<1x256xf32, #tpu.memory_space<vmem>>, vector<1x256xf32>,
    } else {
    }
    %ne3A = arith.constant 0 : i32
    %ne3A_16 = arith.cmpi ne, %arg0, %ne3A : i32
    %convert_element_type3A_17 = arith.extui %ne3A_16 : i1 to i32
    %cond3A_18 = arith.constant 0 : i32
    %cond3A_19 = arith.cmpi ne, %convert_element_type3A_17, %cond3A_18 : i32
    scf.if %cond3A_19 {
      %get3A_20 = arith.constant 0 : index
      %get3A_21 = arith.constant 0 : index
      %get3A_22 = vector.load %arg6[%get3A_20, %get3A_21] : memref<1x256xf32, #tpu.memory_space<vmem>>, vector<1x256xf32>
      %add3A = arith.addf %get3A_22, %broadcast_in_dim3A : vector<1x256xf32>
      %swap3A_23 = arith.constant 0 : index
      %swap3A_24 = arith.constant 0 : index
      %swap3A_25 = vector.load %arg6[%swap3A_23, %swap3A_24] : memref<1x256xf32, #tpu.memory_space<vmem>>, vector<1x256xf32>
      tpu.vector_store %arg6[%swap3A_23, %swap3A_24], %add3A {strides = array<i32>} : memref<1x256xf32, #tpu.memory_space<vmem>>, vector<1x256xf32>,
      %get3A_26 = arith.constant 0 : index
      %get3A_27 = arith.constant 0 : index
      %get3A_28 = vector.load %arg7[%get3A_26, %get3A_27] : memref<1x256xf32, #tpu.memory_space<vmem>>, vector<1x256xf32>
      %add3A_29 = arith.addf %get3A_28, %broadcast_in_dim3A_12 : vector<1x256xf32>
      %swap3A_30 = arith.constant 0 : index
      %swap3A_31 = arith.constant 0 : index
      %swap3A_32 = vector.load %arg7[%swap3A_30, %swap3A_31] : memref<1x256xf32, #tpu.memory_space<vmem>>, vector<1x256xf32>
      tpu.vector_store %arg7[%swap3A_30, %swap3A_31], %add3A_29 {strides = array<i32>} : memref<1x256xf32, #tpu.memory_space<vmem>>, vector<1x256xf32>,
    } else {
    }
    return
  }
  func.func @transform_0(%arg0: i32) -> (i32, i32) {
    %c0_i32 = arith.constant 0 : i32
    %c0_i32_0 = arith.constant 0 : i32
    return %arg0, %c0_i32 : i32, i32
  }
  func.func @transform_1(%arg0: i32) -> (i32, i32) {
    %c0_i32 = arith.constant 0 : i32
    %c0_i32_0 = arith.constant 0 : i32
    %c0_i32_1 = arith.constant 0 : i32
    return %c0_i32, %c0_i32_0 : i32, i32
  }
  func.func @transform_2(%arg0: i32) -> (i32, i32) {
    %c0_i32 = arith.constant 0 : i32
    %c0_i32_0 = arith.constant 0 : i32
    %c0_i32_1 = arith.constant 0 : i32
    return %c0_i32, %c0_i32_0 : i32, i32
  }
  func.func @transform_3(%arg0: i32) -> (i32, i32) {
    %c0_i32 = arith.constant 0 : i32
    %c0_i32_0 = arith.constant 0 : i32
    %c0_i32_1 = arith.constant 0 : i32
    return %c0_i32, %c0_i32_0 : i32, i32
  }
  func.func @transform_4(%arg0: i32) -> (i32, i32) {
    %c0_i32 = arith.constant 0 : i32
    %c0_i32_0 = arith.constant 0 : i32
    return %arg0, %c0_i32 : i32, i32
  }
  func.func @transform_5(%arg0: i32) -> (i32, i32) {
    %c0_i32 = arith.constant 0 : i32
    %c0_i32_0 = arith.constant 0 : i32
    %c0_i32_1 = arith.constant 0 : i32
    return %c0_i32, %c0_i32_0 : i32, i32
  }
  func.func @transform_6(%arg0: i32) -> (i32, i32) {
    %c0_i32 = arith.constant 0 : i32
    %c0_i32_0 = arith.constant 0 : i32
    %c0_i32_1 = arith.constant 0 : i32
    return %c0_i32, %c0_i32_0 : i32, i32
  }
}

module attributes {stable_mosaic.version = 14 : i64} {
  func.func @_stage_kernel(%arg0: i32, %arg1: memref<1024x256xf32, #tpu.memory_space<vmem>>, %arg2: memref<256x512xf32, #tpu.memory_space<vmem>>, %arg3: memref<1x256xf32, #tpu.memory_space<vmem>>, %arg4: memref<1x256xf32, #tpu.memory_space<vmem>>, %arg5: memref<1024x512xf32, #tpu.memory_space<vmem>>, %arg6: memref<1x512xf32, #tpu.memory_space<vmem>>, %arg7: memref<1x512xf32, #tpu.memory_space<vmem>>) attributes {dimension_semantics = [#tpu.dimension_semantics<arbitrary>], iteration_bounds = array<i64: 1>, scalar_prefetch = 0 : i64, scratch_operands = 0 : i64, tpu.core_type = #tpu.core_type<tc>, window_params = [{transform_indices = @transform_0, window_bounds = array<i64: 1024, 256>}, {pipeline_mode = #tpu.pipeline_mode<synchronous>, transform_indices = @transform_1, window_bounds = array<i64: 256, 512>}, {pipeline_mode = #tpu.pipeline_mode<synchronous>, transform_indices = @transform_2, window_bounds = array<i64: 1, 256>}, {pipeline_mode = #tpu.pipeline_mode<synchronous>, transform_indices = @transform_3, window_bounds = array<i64: 1, 256>}, {transform_indices = @transform_4, window_bounds = array<i64: 1024, 512>}, {pipeline_mode = #tpu.pipeline_mode<synchronous>, transform_indices = @transform_5, window_bounds = array<i64: 1, 512>}, {pipeline_mode = #tpu.pipeline_mode<synchronous>, transform_indices = @transform_6, window_bounds = array<i64: 1, 512>}]} {
    %get3A = arith.constant 0 : index
    %get3A_0 = arith.constant 0 : index
    %get3A_1 = vector.load %arg1[%get3A, %get3A_0] : memref<1024x256xf32, #tpu.memory_space<vmem>>, vector<1024x256xf32>
    %get3A_2 = arith.constant 0 : index
    %get3A_3 = arith.constant 0 : index
    %get3A_4 = vector.load %arg3[%get3A_2, %get3A_3] : memref<1x256xf32, #tpu.memory_space<vmem>>, vector<1x256xf32>
    %mul3A = vector.broadcast %get3A_4 : vector<1x256xf32> to vector<1024x256xf32>
    %mul3A_5 = arith.mulf %get3A_1, %mul3A : vector<1024x256xf32>
    %get3A_6 = arith.constant 0 : index
    %get3A_7 = arith.constant 0 : index
    %get3A_8 = vector.load %arg4[%get3A_6, %get3A_7] : memref<1x256xf32, #tpu.memory_space<vmem>>, vector<1x256xf32>
    %add3A = vector.broadcast %get3A_8 : vector<1x256xf32> to vector<1024x256xf32>
    %add3A_9 = arith.addf %mul3A_5, %add3A : vector<1024x256xf32>
    %max3A = arith.constant 0.000000e+00 : f32
    %max3A_10 = vector.broadcast %max3A : f32 to vector<1024x256xf32>
    %max3A_11 = arith.maximumf %add3A_9, %max3A_10 : vector<1024x256xf32>
    %convert_element_type3A = arith.truncf %max3A_11 : vector<1024x256xf32> to vector<1024x256xbf16>
    %get3A_12 = arith.constant 0 : index
    %get3A_13 = arith.constant 0 : index
    %get3A_14 = vector.load %arg2[%get3A_12, %get3A_13] : memref<256x512xf32, #tpu.memory_space<vmem>>, vector<256x512xf32>
    %convert_element_type3A_15 = arith.truncf %get3A_14 : vector<256x512xf32> to vector<256x512xbf16>
    %dot_general3A = arith.constant dense<0.000000e+00> : vector<1024x512xf32>
    %dot_general3A_16 = tpu.matmul %convert_element_type3A, %convert_element_type3A_15, %dot_general3A {dimension_numbers = #tpu.dot_dimension_numbers<[1], [0], [0], [1], [0, 0, 1, 1], [], []>, transpose_lhs_hint = false} : vector<1024x256xbf16>, vector<256x512xbf16>, vector<1024x512xf32> -> vector<1024x512xf32>
    %swap3A = arith.constant 0 : index
    %swap3A_17 = arith.constant 0 : index
    %swap3A_18 = vector.load %arg5[%swap3A, %swap3A_17] : memref<1024x512xf32, #tpu.memory_space<vmem>>, vector<1024x512xf32>
    tpu.vector_store %arg5[%swap3A, %swap3A_17], %dot_general3A_16 {strides = array<i32>} : memref<1024x512xf32, #tpu.memory_space<vmem>>, vector<1024x512xf32>,
    %reduce_sum3A = arith.constant dense<0.000000e+00> : vector<512xf32>
    %reduce_sum3A_19 = vector.multi_reduction <add>, %dot_general3A_16, %reduce_sum3A [0] : vector<1024x512xf32> to vector<512xf32>
    %broadcast_in_dim3A = vector.shape_cast %reduce_sum3A_19 : vector<512xf32> to vector<1x512xf32>
    %mul3A_20 = arith.mulf %dot_general3A_16, %dot_general3A_16 : vector<1024x512xf32>
    %reduce_sum3A_21 = arith.constant dense<0.000000e+00> : vector<512xf32>
    %reduce_sum3A_22 = vector.multi_reduction <add>, %mul3A_20, %reduce_sum3A_21 [0] : vector<1024x512xf32> to vector<512xf32>
    %broadcast_in_dim3A_23 = vector.shape_cast %reduce_sum3A_22 : vector<512xf32> to vector<1x512xf32>
    %eq3A = arith.constant 0 : i32
    %eq3A_24 = arith.cmpi eq, %arg0, %eq3A : i32
    %convert_element_type3A_25 = arith.extui %eq3A_24 : i1 to i32
    %cond3A = arith.constant 0 : i32
    %cond3A_26 = arith.cmpi ne, %convert_element_type3A_25, %cond3A : i32
    scf.if %cond3A_26 {
      %swap3A_31 = arith.constant 0 : index
      %swap3A_32 = arith.constant 0 : index
      %swap3A_33 = vector.load %arg6[%swap3A_31, %swap3A_32] : memref<1x512xf32, #tpu.memory_space<vmem>>, vector<1x512xf32>
      tpu.vector_store %arg6[%swap3A_31, %swap3A_32], %broadcast_in_dim3A {strides = array<i32>} : memref<1x512xf32, #tpu.memory_space<vmem>>, vector<1x512xf32>,
      %swap3A_34 = arith.constant 0 : index
      %swap3A_35 = arith.constant 0 : index
      %swap3A_36 = vector.load %arg7[%swap3A_34, %swap3A_35] : memref<1x512xf32, #tpu.memory_space<vmem>>, vector<1x512xf32>
      tpu.vector_store %arg7[%swap3A_34, %swap3A_35], %broadcast_in_dim3A_23 {strides = array<i32>} : memref<1x512xf32, #tpu.memory_space<vmem>>, vector<1x512xf32>,
    } else {
    }
    %ne3A = arith.constant 0 : i32
    %ne3A_27 = arith.cmpi ne, %arg0, %ne3A : i32
    %convert_element_type3A_28 = arith.extui %ne3A_27 : i1 to i32
    %cond3A_29 = arith.constant 0 : i32
    %cond3A_30 = arith.cmpi ne, %convert_element_type3A_28, %cond3A_29 : i32
    scf.if %cond3A_30 {
      %get3A_31 = arith.constant 0 : index
      %get3A_32 = arith.constant 0 : index
      %get3A_33 = vector.load %arg6[%get3A_31, %get3A_32] : memref<1x512xf32, #tpu.memory_space<vmem>>, vector<1x512xf32>
      %add3A_34 = arith.addf %get3A_33, %broadcast_in_dim3A : vector<1x512xf32>
      %swap3A_35 = arith.constant 0 : index
      %swap3A_36 = arith.constant 0 : index
      %swap3A_37 = vector.load %arg6[%swap3A_35, %swap3A_36] : memref<1x512xf32, #tpu.memory_space<vmem>>, vector<1x512xf32>
      tpu.vector_store %arg6[%swap3A_35, %swap3A_36], %add3A_34 {strides = array<i32>} : memref<1x512xf32, #tpu.memory_space<vmem>>, vector<1x512xf32>,
      %get3A_38 = arith.constant 0 : index
      %get3A_39 = arith.constant 0 : index
      %get3A_40 = vector.load %arg7[%get3A_38, %get3A_39] : memref<1x512xf32, #tpu.memory_space<vmem>>, vector<1x512xf32>
      %add3A_41 = arith.addf %get3A_40, %broadcast_in_dim3A_23 : vector<1x512xf32>
      %swap3A_42 = arith.constant 0 : index
      %swap3A_43 = arith.constant 0 : index
      %swap3A_44 = vector.load %arg7[%swap3A_42, %swap3A_43] : memref<1x512xf32, #tpu.memory_space<vmem>>, vector<1x512xf32>
      tpu.vector_store %arg7[%swap3A_42, %swap3A_43], %add3A_41 {strides = array<i32>} : memref<1x512xf32, #tpu.memory_space<vmem>>, vector<1x512xf32>,
    } else {
    }
    return
  }
  func.func @transform_0(%arg0: i32) -> (i32, i32) {
    %c0_i32 = arith.constant 0 : i32
    %c0_i32_0 = arith.constant 0 : i32
    return %arg0, %c0_i32 : i32, i32
  }
  func.func @transform_1(%arg0: i32) -> (i32, i32) {
    %c0_i32 = arith.constant 0 : i32
    %c0_i32_0 = arith.constant 0 : i32
    %c0_i32_1 = arith.constant 0 : i32
    return %c0_i32, %c0_i32_0 : i32, i32
  }
  func.func @transform_2(%arg0: i32) -> (i32, i32) {
    %c0_i32 = arith.constant 0 : i32
    %c0_i32_0 = arith.constant 0 : i32
    %c0_i32_1 = arith.constant 0 : i32
    return %c0_i32, %c0_i32_0 : i32, i32
  }
  func.func @transform_3(%arg0: i32) -> (i32, i32) {
    %c0_i32 = arith.constant 0 : i32
    %c0_i32_0 = arith.constant 0 : i32
    %c0_i32_1 = arith.constant 0 : i32
    return %c0_i32, %c0_i32_0 : i32, i32
  }
  func.func @transform_4(%arg0: i32) -> (i32, i32) {
    %c0_i32 = arith.constant 0 : i32
    %c0_i32_0 = arith.constant 0 : i32
    return %arg0, %c0_i32 : i32, i32
  }
  func.func @transform_5(%arg0: i32) -> (i32, i32) {
    %c0_i32 = arith.constant 0 : i32
    %c0_i32_0 = arith.constant 0 : i32
    %c0_i32_1 = arith.constant 0 : i32
    return %c0_i32, %c0_i32_0 : i32, i32
  }
  func.func @transform_6(%arg0: i32) -> (i32, i32) {
    %c0_i32 = arith.constant 0 : i32
    %c0_i32_0 = arith.constant 0 : i32
    %c0_i32_1 = arith.constant 0 : i32
    return %c0_i32, %c0_i32_0 : i32, i32
  }
}

module attributes {stable_mosaic.version = 14 : i64} {
  func.func @_stage_kernel(%arg0: i32, %arg1: memref<1024x512xf32, #tpu.memory_space<vmem>>, %arg2: memref<512x1024xf32, #tpu.memory_space<vmem>>, %arg3: memref<1x512xf32, #tpu.memory_space<vmem>>, %arg4: memref<1x512xf32, #tpu.memory_space<vmem>>, %arg5: memref<1024x1024xf32, #tpu.memory_space<vmem>>, %arg6: memref<1x1024xf32, #tpu.memory_space<vmem>>, %arg7: memref<1x1024xf32, #tpu.memory_space<vmem>>) attributes {dimension_semantics = [#tpu.dimension_semantics<arbitrary>], iteration_bounds = array<i64: 1>, scalar_prefetch = 0 : i64, scratch_operands = 0 : i64, tpu.core_type = #tpu.core_type<tc>, window_params = [{transform_indices = @transform_0, window_bounds = array<i64: 1024, 512>}, {pipeline_mode = #tpu.pipeline_mode<synchronous>, transform_indices = @transform_1, window_bounds = array<i64: 512, 1024>}, {pipeline_mode = #tpu.pipeline_mode<synchronous>, transform_indices = @transform_2, window_bounds = array<i64: 1, 512>}, {pipeline_mode = #tpu.pipeline_mode<synchronous>, transform_indices = @transform_3, window_bounds = array<i64: 1, 512>}, {transform_indices = @transform_4, window_bounds = array<i64: 1024, 1024>}, {pipeline_mode = #tpu.pipeline_mode<synchronous>, transform_indices = @transform_5, window_bounds = array<i64: 1, 1024>}, {pipeline_mode = #tpu.pipeline_mode<synchronous>, transform_indices = @transform_6, window_bounds = array<i64: 1, 1024>}]} {
    %get3A = arith.constant 0 : index
    %get3A_0 = arith.constant 0 : index
    %get3A_1 = vector.load %arg1[%get3A, %get3A_0] : memref<1024x512xf32, #tpu.memory_space<vmem>>, vector<1024x512xf32>
    %get3A_2 = arith.constant 0 : index
    %get3A_3 = arith.constant 0 : index
    %get3A_4 = vector.load %arg3[%get3A_2, %get3A_3] : memref<1x512xf32, #tpu.memory_space<vmem>>, vector<1x512xf32>
    %mul3A = vector.broadcast %get3A_4 : vector<1x512xf32> to vector<1024x512xf32>
    %mul3A_5 = arith.mulf %get3A_1, %mul3A : vector<1024x512xf32>
    %get3A_6 = arith.constant 0 : index
    %get3A_7 = arith.constant 0 : index
    %get3A_8 = vector.load %arg4[%get3A_6, %get3A_7] : memref<1x512xf32, #tpu.memory_space<vmem>>, vector<1x512xf32>
    %add3A = vector.broadcast %get3A_8 : vector<1x512xf32> to vector<1024x512xf32>
    %add3A_9 = arith.addf %mul3A_5, %add3A : vector<1024x512xf32>
    %max3A = arith.constant 0.000000e+00 : f32
    %max3A_10 = vector.broadcast %max3A : f32 to vector<1024x512xf32>
    %max3A_11 = arith.maximumf %add3A_9, %max3A_10 : vector<1024x512xf32>
    %convert_element_type3A = arith.truncf %max3A_11 : vector<1024x512xf32> to vector<1024x512xbf16>
    %get3A_12 = arith.constant 0 : index
    %get3A_13 = arith.constant 0 : index
    %get3A_14 = vector.load %arg2[%get3A_12, %get3A_13] : memref<512x1024xf32, #tpu.memory_space<vmem>>, vector<512x1024xf32>
    %convert_element_type3A_15 = arith.truncf %get3A_14 : vector<512x1024xf32> to vector<512x1024xbf16>
    %dot_general3A = arith.constant dense<0.000000e+00> : vector<1024x1024xf32>
    %dot_general3A_16 = tpu.matmul %convert_element_type3A, %convert_element_type3A_15, %dot_general3A {dimension_numbers = #tpu.dot_dimension_numbers<[1], [0], [0], [1], [0, 0, 1, 1], [], []>, transpose_lhs_hint = false} : vector<1024x512xbf16>, vector<512x1024xbf16>, vector<1024x1024xf32> -> vector<1024x1024xf32>
    %swap3A = arith.constant 0 : index
    %swap3A_17 = arith.constant 0 : index
    %swap3A_18 = vector.load %arg5[%swap3A, %swap3A_17] : memref<1024x1024xf32, #tpu.memory_space<vmem>>, vector<1024x1024xf32>
    tpu.vector_store %arg5[%swap3A, %swap3A_17], %dot_general3A_16 {strides = array<i32>} : memref<1024x1024xf32, #tpu.memory_space<vmem>>, vector<1024x1024xf32>,
    %reduce_sum3A = arith.constant dense<0.000000e+00> : vector<1024xf32>
    %reduce_sum3A_19 = vector.multi_reduction <add>, %dot_general3A_16, %reduce_sum3A [0] : vector<1024x1024xf32> to vector<1024xf32>
    %broadcast_in_dim3A = vector.shape_cast %reduce_sum3A_19 : vector<1024xf32> to vector<1x1024xf32>
    %mul3A_20 = arith.mulf %dot_general3A_16, %dot_general3A_16 : vector<1024x1024xf32>
    %reduce_sum3A_21 = arith.constant dense<0.000000e+00> : vector<1024xf32>
    %reduce_sum3A_22 = vector.multi_reduction <add>, %mul3A_20, %reduce_sum3A_21 [0] : vector<1024x1024xf32> to vector<1024xf32>
    %broadcast_in_dim3A_23 = vector.shape_cast %reduce_sum3A_22 : vector<1024xf32> to vector<1x1024xf32>
    %eq3A = arith.constant 0 : i32
    %eq3A_24 = arith.cmpi eq, %arg0, %eq3A : i32
    %convert_element_type3A_25 = arith.extui %eq3A_24 : i1 to i32
    %cond3A = arith.constant 0 : i32
    %cond3A_26 = arith.cmpi ne, %convert_element_type3A_25, %cond3A : i32
    scf.if %cond3A_26 {
      %swap3A_31 = arith.constant 0 : index
      %swap3A_32 = arith.constant 0 : index
      %swap3A_33 = vector.load %arg6[%swap3A_31, %swap3A_32] : memref<1x1024xf32, #tpu.memory_space<vmem>>, vector<1x1024xf32>
      tpu.vector_store %arg6[%swap3A_31, %swap3A_32], %broadcast_in_dim3A {strides = array<i32>} : memref<1x1024xf32, #tpu.memory_space<vmem>>, vector<1x1024xf32>,
      %swap3A_34 = arith.constant 0 : index
      %swap3A_35 = arith.constant 0 : index
      %swap3A_36 = vector.load %arg7[%swap3A_34, %swap3A_35] : memref<1x1024xf32, #tpu.memory_space<vmem>>, vector<1x1024xf32>
      tpu.vector_store %arg7[%swap3A_34, %swap3A_35], %broadcast_in_dim3A_23 {strides = array<i32>} : memref<1x1024xf32, #tpu.memory_space<vmem>>, vector<1x1024xf32>,
    } else {
    }
    %ne3A = arith.constant 0 : i32
    %ne3A_27 = arith.cmpi ne, %arg0, %ne3A : i32
    %convert_element_type3A_28 = arith.extui %ne3A_27 : i1 to i32
    %cond3A_29 = arith.constant 0 : i32
    %cond3A_30 = arith.cmpi ne, %convert_element_type3A_28, %cond3A_29 : i32
    scf.if %cond3A_30 {
      %get3A_31 = arith.constant 0 : index
      %get3A_32 = arith.constant 0 : index
      %get3A_33 = vector.load %arg6[%get3A_31, %get3A_32] : memref<1x1024xf32, #tpu.memory_space<vmem>>, vector<1x1024xf32>
      %add3A_34 = arith.addf %get3A_33, %broadcast_in_dim3A : vector<1x1024xf32>
      %swap3A_35 = arith.constant 0 : index
      %swap3A_36 = arith.constant 0 : index
      %swap3A_37 = vector.load %arg6[%swap3A_35, %swap3A_36] : memref<1x1024xf32, #tpu.memory_space<vmem>>, vector<1x1024xf32>
      tpu.vector_store %arg6[%swap3A_35, %swap3A_36], %add3A_34 {strides = array<i32>} : memref<1x1024xf32, #tpu.memory_space<vmem>>, vector<1x1024xf32>,
      %get3A_38 = arith.constant 0 : index
      %get3A_39 = arith.constant 0 : index
      %get3A_40 = vector.load %arg7[%get3A_38, %get3A_39] : memref<1x1024xf32, #tpu.memory_space<vmem>>, vector<1x1024xf32>
      %add3A_41 = arith.addf %get3A_40, %broadcast_in_dim3A_23 : vector<1x1024xf32>
      %swap3A_42 = arith.constant 0 : index
      %swap3A_43 = arith.constant 0 : index
      %swap3A_44 = vector.load %arg7[%swap3A_42, %swap3A_43] : memref<1x1024xf32, #tpu.memory_space<vmem>>, vector<1x1024xf32>
      tpu.vector_store %arg7[%swap3A_42, %swap3A_43], %add3A_41 {strides = array<i32>} : memref<1x1024xf32, #tpu.memory_space<vmem>>, vector<1x1024xf32>,
    } else {
    }
    return
  }
  func.func @transform_0(%arg0: i32) -> (i32, i32) {
    %c0_i32 = arith.constant 0 : i32
    %c0_i32_0 = arith.constant 0 : i32
    return %arg0, %c0_i32 : i32, i32
  }
  func.func @transform_1(%arg0: i32) -> (i32, i32) {
    %c0_i32 = arith.constant 0 : i32
    %c0_i32_0 = arith.constant 0 : i32
    %c0_i32_1 = arith.constant 0 : i32
    return %c0_i32, %c0_i32_0 : i32, i32
  }
  func.func @transform_2(%arg0: i32) -> (i32, i32) {
    %c0_i32 = arith.constant 0 : i32
    %c0_i32_0 = arith.constant 0 : i32
    %c0_i32_1 = arith.constant 0 : i32
    return %c0_i32, %c0_i32_0 : i32, i32
  }
  func.func @transform_3(%arg0: i32) -> (i32, i32) {
    %c0_i32 = arith.constant 0 : i32
    %c0_i32_0 = arith.constant 0 : i32
    %c0_i32_1 = arith.constant 0 : i32
    return %c0_i32, %c0_i32_0 : i32, i32
  }
  func.func @transform_4(%arg0: i32) -> (i32, i32) {
    %c0_i32 = arith.constant 0 : i32
    %c0_i32_0 = arith.constant 0 : i32
    return %arg0, %c0_i32 : i32, i32
  }
  func.func @transform_5(%arg0: i32) -> (i32, i32) {
    %c0_i32 = arith.constant 0 : i32
    %c0_i32_0 = arith.constant 0 : i32
    %c0_i32_1 = arith.constant 0 : i32
    return %c0_i32, %c0_i32_0 : i32, i32
  }
  func.func @transform_6(%arg0: i32) -> (i32, i32) {
    %c0_i32 = arith.constant 0 : i32
    %c0_i32_0 = arith.constant 0 : i32
    %c0_i32_1 = arith.constant 0 : i32
    return %c0_i32, %c0_i32_0 : i32, i32
  }
}

module attributes {stable_mosaic.version = 14 : i64} {
  func.func @_maxk_kernel(%arg0: i32, %arg1: memref<8x128x1024xf32, #tpu.memory_space<vmem>>, %arg2: memref<1x1x1024xf32, #tpu.memory_space<vmem>>, %arg3: memref<1x1x1024xf32, #tpu.memory_space<vmem>>, %arg4: memref<8x1024xf32, #tpu.memory_space<vmem>>) attributes {dimension_semantics = [#tpu.dimension_semantics<arbitrary>], iteration_bounds = array<i64: 1>, scalar_prefetch = 0 : i64, scratch_operands = 0 : i64, tpu.core_type = #tpu.core_type<tc>, window_params = [{transform_indices = @transform_0, window_bounds = array<i64: 8, 128, 1024>}, {pipeline_mode = #tpu.pipeline_mode<synchronous>, transform_indices = @transform_1, window_bounds = array<i64: 1, 1, 1024>}, {pipeline_mode = #tpu.pipeline_mode<synchronous>, transform_indices = @transform_2, window_bounds = array<i64: 1, 1, 1024>}, {transform_indices = @transform_3, window_bounds = array<i64: 8, 1024>}]} {
    %get3A = arith.constant 0 : index
    %get3A_0 = arith.constant 0 : index
    %get3A_1 = arith.constant 0 : index
    %get3A_2 = vector.load %arg1[%get3A, %get3A_0, %get3A_1] : memref<8x128x1024xf32, #tpu.memory_space<vmem>>, vector<8x128x1024xf32>
    %get3A_3 = arith.constant 0 : index
    %get3A_4 = arith.constant 0 : index
    %get3A_5 = arith.constant 0 : index
    %get3A_6 = vector.load %arg2[%get3A_3, %get3A_4, %get3A_5] : memref<1x1x1024xf32, #tpu.memory_space<vmem>>, vector<1x1x1024xf32>
    %mul3A = vector.broadcast %get3A_6 : vector<1x1x1024xf32> to vector<8x128x1024xf32>
    %mul3A_7 = arith.mulf %get3A_2, %mul3A : vector<8x128x1024xf32>
    %get3A_8 = arith.constant 0 : index
    %get3A_9 = arith.constant 0 : index
    %get3A_10 = arith.constant 0 : index
    %get3A_11 = vector.load %arg3[%get3A_8, %get3A_9, %get3A_10] : memref<1x1x1024xf32, #tpu.memory_space<vmem>>, vector<1x1x1024xf32>
    %add3A = vector.broadcast %get3A_11 : vector<1x1x1024xf32> to vector<8x128x1024xf32>
    %add3A_12 = arith.addf %mul3A_7, %add3A : vector<8x128x1024xf32>
    %max3A = arith.constant 0.000000e+00 : f32
    %max3A_13 = vector.broadcast %max3A : f32 to vector<8x128x1024xf32>
    %max3A_14 = arith.maximumf %add3A_12, %max3A_13 : vector<8x128x1024xf32>
    %reduce_max3A = arith.constant dense<0xFF800000> : vector<8x1024xf32>
    %reduce_max3A_15 = vector.multi_reduction <maximumf>, %max3A_14, %reduce_max3A [1] : vector<8x128x1024xf32> to vector<8x1024xf32>
    %swap3A = arith.constant 0 : index
    %swap3A_16 = arith.constant 0 : index
    %swap3A_17 = vector.load %arg4[%swap3A, %swap3A_16] : memref<8x1024xf32, #tpu.memory_space<vmem>>, vector<8x1024xf32>
    tpu.vector_store %arg4[%swap3A, %swap3A_16], %reduce_max3A_15 {strides = array<i32>} : memref<8x1024xf32, #tpu.memory_space<vmem>>, vector<8x1024xf32>,
    return
  }
  func.func @transform_0(%arg0: i32) -> (i32, i32, i32) {
    %c0_i32 = arith.constant 0 : i32
    %c0_i32_0 = arith.constant 0 : i32
    %c0_i32_1 = arith.constant 0 : i32
    return %arg0, %c0_i32, %c0_i32_0 : i32, i32, i32
  }
  func.func @transform_1(%arg0: i32) -> (i32, i32, i32) {
    %c0_i32 = arith.constant 0 : i32
    %c0_i32_0 = arith.constant 0 : i32
    %c0_i32_1 = arith.constant 0 : i32
    %c0_i32_2 = arith.constant 0 : i32
    return %c0_i32, %c0_i32_0, %c0_i32_1 : i32, i32, i32
  }
  func.func @transform_2(%arg0: i32) -> (i32, i32, i32) {
    %c0_i32 = arith.constant 0 : i32
    %c0_i32_0 = arith.constant 0 : i32
    %c0_i32_1 = arith.constant 0 : i32
    %c0_i32_2 = arith.constant 0 : i32
    return %c0_i32, %c0_i32_0, %c0_i32_1 : i32, i32, i32
  }
  func.func @transform_3(%arg0: i32) -> (i32, i32) {
    %c0_i32 = arith.constant 0 : i32
    %c0_i32_0 = arith.constant 0 : i32
    return %arg0, %c0_i32 : i32, i32
  }
}

</mosaic_0001>

<sc_bundles>
// kernel: kernel.27.cloned.1.call-start
scs
__scs_entry_jumppad:
0x0: {  	(pc) =	sbr.rel $0x88, $3  }
0x1: {  	(tag) =	ssettag $0x0;
	lr =	simm.s32 $0x1  }
0x2: {  	[smem:$0x3F7C] =	sst lr;
	_ =	strace $0xD0000000  }
0x3: {  	_ = 	snop  }
0x4: {  	_ = 	snop  }
0x5: {  	_ = 	snop  }
0x6: {  	_ = 	snop  }
0x7: {  	_ = 	snop  }
__scs_overlays_trampoline_lowered:
0x8: {  	[smem:$0x3F8B] =	sst s0  }
0x9: {  	[smem:$0x3F8C] =	sst s1  }
0xa: {  	[smem:$0x3F8D] =	sst s2  }
0xb: {  	[smem:$0x3F8E] =	sst s3  }
0xc: {  	[smem:$0x3F8F] =	sst s4  }
0xd: {  	[smem:$0x3F90] =	sst s5  }
0xe: {  	[smem:$0x3F91] =	sst s6  }
0xf: {  	[smem:$0x3F92] =	sst s7  }
0x10: {  	[smem:$0x3F93] =	sst s8  }
0x11: {  	[smem:$0x3F94] =	sst s9;
	s0 =	simm.s32 @!p0 $0x0  }
0x12: {  	s1 =	sld [smem:$0x3F7A];
	s0 =	simm.s32 @p0 $0x1  }
0x13: {  	[smem:$0x3F95] =	sst s0;
	s0 =	simm.s32 @!p1 $0x0  }
0x14: {  	s2 =	sld [smem:$0x3F79];
	s0 =	simm.s32 @p1 $0x1  }
0x15: {  	[smem:$0x3F96] =	sst s0;
	s0 =	simm.s32 @!p2 $0x0  }
0x16: {  	s3 =	sld [smem:$0x3FDB];
	s0 =	simm.s32 @p2 $0x1  }
0x17: {  	s4 =	simm.s32 $0x1BF5;
	[smem:$0x3F98] =	sst s0  }
0x18: {  	s0 =	sld [smem:$0x3F7B];
	_ =	swait.ge [sflag:s4], $0x0  }
0x19: {  	s7 =	sld [smem:$0x3F7C]  }
0x1a: {  	s8 =	sadd.s32 $0xFFFFE003, lr  }
0x1b: {  	s9 =	sadd.s32 $0xFFFFFEF7, lr;
	s5 =	simm.s32 $0xFFFFFFFF;
	p2 =	slt.u32 s8, $0xFFFFF086  }
0x1c: {  	p1 =	slt.u32 s9, $0xF7A;
	s5 =	simm.s32 @!p2 $0x0  }
0x1d: {  	s5 =	simm.s32 @p1 $0x1;
	p0 =	seq.s32 s7, s2  }
0x1e: {  	s7 =	smul.u32 @!p0 $0xF7A, s2;
	p2 =	seq.s32 @!p0 s5, $0x0  }
0x1f: {  	s9 =	smul.u32 $0xF7A, s1;
	s8 =	simm.s32 @!p0 $0x1BF5;
	p2 =	por !p2, p0  }
0x20: {  	[sflag:s8] =	ssyncset.s32 @!p0 $0xFFFFF086;
	s6 =	sadd.s32 @!p0 s3, s7;
	s7 =	simm.s32 @!p0 $0x108  }
0x21: {  	s3 =	sadd.s32 s3, s9;
	s6 =	sadd.s32 @!p0 $0x88, s6;
	s7 =	simm.s32 @p2 $0x1082  }
0x22: {  	[simem:s7], [sflag:s8] =	dma.local @!p0 [hbm:s6], $0xF7A  }
0x23: {  	s9 =	sor.u32 $0xD0000000, s2;
	s6 =	simm.s32 $0x108;
	_ =	swait.ge @!p0 [sflag:s8], $0x0  }
0x24: {  	s3 =	sadd.s32 $0x88, s3;
	s6 =	simm.s32 @!p1 $0x1082;
	[sflag:s4] =	ssyncset.s32 $0xFFFFF086  }
0x25: {  	[simem:s6], [sflag:s4] =	dma.local [hbm:s3], $0xF7A  }
0x26: {  	[smem:$0x3F7C] =	sst s1;
	(tag) =	ssettag s2;
	_ =	strace s9  }
0x27: {  	s1 =	sld [smem:$0x3F8C]  }
0x28: {  	s2 =	sld [smem:$0x3F8D]  }
0x29: {  	s4 =	sld [smem:$0x3F8F]  }
0x2a: {  	p0 =	seq.s32 s5, $0x0;
	s5 =	sld [smem:$0x3F90]  }
0x2b: {  	s6 =	sld [smem:$0x3F91]  }
0x2c: {  	s7 =	sld [smem:$0x3F92]  }
0x2d: {  	s3 =	simm.s32 $0x108;
	s8 =	sld [smem:$0x3F93]  }
0x2e: {  	s3 =	simm.s32 @!p0 $0x1082;
	s9 =	sld [smem:$0x3F94]  }
0x2f: {  	lr =	sadd.s32 s0, s3;
	s0 =	sld [smem:$0x3F8B]  }
0x30: {  	s3 =	sld [smem:$0x3F8E]  }
0x31: {  	[smem:$0x3F97] =	sst s10  }
0x32: {  	s10 =	sld [smem:$0x3F95];
	_ =	sdelay $0x3  }
0x33: {  	p0 =	seq.s32 s10, $0x1;
	s10 =	sld [smem:$0x3F97];
	_ =	sdelay $0x3  }
0x34: {  	[smem:$0x3F97] =	sst s10  }
0x35: {  	s10 =	sld [smem:$0x3F96];
	_ =	sdelay $0x3  }
0x36: {  	p1 =	seq.s32 s10, $0x1;
	s10 =	sld [smem:$0x3F97];
	_ =	sdelay $0x3  }
0x37: {  	[smem:$0x3F97] =	sst s10  }
0x38: {  	s10 =	sld [smem:$0x3F98]  }
0x39: {  	_ = 	snop;
	(pc) =	sbr.ind lr, $3  }
0x3a: {  	_ = 	snop  }
0x3b: {  	_ = 	snop  }
0x3c: {  	p2 =	seq.s32 s10, $0x1;
	s10 =	sld [smem:$0x3F97]  }
0x3d: {  	_ =	shalt  }
0x3e: {  	_ =	shalt  }
0x3f: {  	_ =	shalt  }
0x40: {  	_ =	shalt  }
0x41: {  	_ =	shalt  }
0x42: {  	_ =	shalt  }
0x43: {  	_ =	shalt  }
0x44: {  	_ =	shalt  }
0x45: {  	_ =	shalt  }
0x46: {  	_ =	shalt  }
0x47: {  	_ =	shalt  }
0x48: {  	_ =	shalt  }
0x49: {  	_ =	shalt  }
0x4a: {  	_ =	shalt  }
0x4b: {  	_ =	shalt  }
0x4c: {  	_ =	shalt  }
0x4d: {  	_ =	shalt  }
0x4e: {  	_ =	shalt  }
0x4f: {  	_ =	shalt  }
0x50: {  	_ =	shalt  }
0x51: {  	_ =	shalt  }
0x52: {  	_ =	shalt  }
0x53: {  	_ =	shalt  }
0x54: {  	_ =	shalt  }
0x55: {  	_ =	shalt  }
0x56: {  	_ =	shalt  }
0x57: {  	_ =	shalt  }
0x58: {  	_ =	shalt  }
0x59: {  	_ =	shalt  }
0x5a: {  	_ =	shalt  }
0x5b: {  	_ =	shalt  }
0x5c: {  	_ =	shalt  }
0x5d: {  	_ =	shalt  }
0x5e: {  	_ =	shalt  }
0x5f: {  	_ =	shalt  }
0x60: {  	_ =	shalt  }
0x61: {  	_ =	shalt  }
0x62: {  	_ =	shalt  }
0x63: {  	_ =	shalt  }
0x64: {  	_ =	shalt  }
0x65: {  	_ =	shalt  }
0x66: {  	_ =	shalt  }
0x67: {  	_ =	shalt  }
0x68: {  	_ =	shalt  }
0x69: {  	_ =	shalt  }
0x6a: {  	_ =	shalt  }
0x6b: {  	_ =	shalt  }
0x6c: {  	_ =	shalt  }
0x6d: {  	_ =	shalt  }
0x6e: {  	_ =	shalt  }
0x6f: {  	_ =	shalt  }
0x70: {  	_ =	shalt  }
0x71: {  	_ =	shalt  }
0x72: {  	_ =	shalt  }
0x73: {  	_ =	shalt  }
0x74: {  	_ =	shalt  }
0x75: {  	_ =	shalt  }
0x76: {  	_ =	shalt  }
0x77: {  	_ =	shalt  }
0x78: {  	_ =	shalt  }
0x79: {  	_ =	shalt  }
0x7a: {  	_ =	shalt  }
0x7b: {  	_ =	shalt  }
0x7c: {  	_ =	shalt  }
0x7d: {  	_ =	shalt  }
0x7e: {  	_ =	shalt  }
0x7f: {  	_ =	shalt  }
0x80: {  	_ =	shalt  }
0x81: {  	_ =	shalt  }
0x82: {  	_ =	shalt  }
0x83: {  	_ =	shalt  }
0x84: {  	_ =	shalt  }
0x85: {  	_ =	shalt  }
0x86: {  	_ =	shalt  }
0x87: {  	_ =	shalt  }
.Lfunc_end0:
.L_simem_size_0:
called_computation_lowered:
.L_overlay_start_0:
0x88: {  	s2 =	sld [smem:$0x3FD9]  }
0x89: {  	s3 =	sld [smem:$0x3FFE];
	_ =	sdelay $0x1  }
0x8a: {  	s1 =	srdreg.scid  }
0x8b: {  	s0 =	sand.u32 $0x1, s1  }
0x8c: {  	s16 =	sshll.u32 s0, $0xA;
	s2 =	sadd.s32 s3, s2  }
0x8d: {  	s2 =	sadd.s32 s2, s16  }
0x8e: {  	[smem:$0x3FA3] =	sst s2  }
0x8f: {  	_ = 	snop  }
0x90: {  	(tm) =	ssettm $0x1  }
0x91: {  	s17 =	sld [smem:$0x3FFB];
	_ =	sdelay $0x3  }
0x92: {  	_ =	strace s17  }
0x93: {  	s2 =	sld [smem:$0x3FFC];
	_ =	sdelay $0x3  }
0x94: {  	_ =	strace s2  }
0x95: {  	s2 =	sld [smem:$0x3FFD];
	_ =	sdelay $0x3  }
0x96: {  	_ =	strace s2  }
0x97: {  	_ =	strace $0x8FFFFFFF  }
0x98: {  	s18 =	sld [smem:$0x3FDB];
	_ =	sdelay $0x1  }
0x99: {  	s19 =	simm.s32 $_scs_section_size  }
0x9a: {  	s4 =	simm.s32 $_size__tile_overlayer_lowered;
	s5 =	simm.s32 $_tile_overlayer_lowered  }
0x9b: {  	s22 =	simm.s32 $0x1BFF;
	s21 =	sshll.u32 s5, $0x1;
	s2 =	sadd.s32 s19, s18  }
0x9c: {  	s6 =	simm.s32 $0x0;
	s20 =	sshll.u32 s4, $0x1;
	s4 =	sadd.s32 s21, s2  }
0x9d: {  	[timem:s6], [sflag:s22] =	dma.local [hbm:s4], s20  }
0x9e: {  	_ =	swait.ge [sflag:s22], s20  }
0x9f: {  	s3 =	ssub.s32 $0x0, s20;
	[sflag:s22] =	ssyncset.done $0x0  }
0xa0: {  	[sflag:s22] =	ssyncadd.s32 s3;
	_ =	sdelay $0x1  }
0xa1: {  	s23 =	simm.s32 $0x1B8B  }
0xa2: {  	_ =	swait.ge [sflag:s23], $0x1  }
0xa3: {  	[sflag:s23] =	ssyncset.done $0x0  }
0xa4: {  	s25 =	simm.s32 $0x1B8E;
	s24 =	sld [smem:$0x3FFE];
	[sflag:s23] =	ssyncadd.s32 $0xFFFFFFFF  }
0xa5: {  	s26 =	simm.s32 $execute0_lowered;
	[smem:$0x3FD2] =	sst s25  }
0xa6: {  	s4 =	sshll.u32 s26, $0x1;
	_ =	strace $0x80000046;
	[dreg:$0x1] =	wrdreg $0xFFFFFFFF  }
0xa7: {  	s28 =	simm.s32 $_size_execute0_lowered;
	s2 =	sadd.s32 s2, s4;
	[dreg:$0x0] =	wrdreg $0x0  }
0xa8: {  	s4 =	sshll.u32 s28, $0x1;
	[dreg:$0x2] =	wrdreg s2  }
0xa9: {  	[dreg:$0x3] =	wrdreg s4  }
0xaa: {  	[dreg:$0x4] =	wrdreg $0xC0  }
0xab: {  	_ =	task [dreg:s6], $0x5FFFF  }
0xac: {  	[dreg:$0x1] =	wrdreg $0xFFFFFFFF  }
0xad: {  	[dreg:$0x0] =	wrdreg $0x60  }
0xae: {  	[dreg:$0x2] =	wrdreg s24  }
0xaf: {  	[dreg:$0x3] =	wrdreg $0x9  }
0xb0: {  	_ =	task.clear_ibuf [dreg:s6], $0x4FFFF;
	_ =	strace $0x90000046  }
0xb1: {  	s29 =	simm.s32 $0x9;
	_ =	strace $0x80000048  }
0xb2: {  	_ =	swait.ge [sflag:s29], $0x1  }
0xb3: {  	[sflag:s29] =	ssyncadd.s32 $0xFFFFFFFF  }
0xb4: {  	_ =	strace $0x90000048  }
0xb5: {  	_ =	sfence  }
0xb6: {  	s30 =	sld [smem:$0x0];
	_ =	sdelay $0x2  }
0xb7: {  	s31 =	sshll.u32 s1, $0xD;
	s1 =	sshrl.u32 s1, $0x2  }
0xb8: {  	s3 =	sand.u32 $0x4000, s31;
	s1 =	sadd.s32 s1, s30  }
0xb9: {  	s0 =	sor.u32 s3, s0;
	s1 =	sshll.u32 s1, $0x11  }
0xba: {  	s0 =	sor.u32 s1, s0  }
0xbb: {  	s0 =	sadd.s32 $0x8F2B, s0  }
0xbc: {  	[sflag:s0] =	ssyncadd.remote.s32 $0x1  }
0xbd: {  	_ =	sfence.sel $0xFFFF  }
0xbe: {  	[dreg:$0x0] =	wrdreg $0xFFFFFFFF;
	(pc) =	sbr.abs _section_cstart, $3  }
0xbf: {  	[dreg:$0x1] =	wrdreg $0xFFFFFFFF  }
0xc0: {  	_ =	task.clear_ibuf [dreg:s6], $0x2FFFF;
	_ =	strace $0x9FFFFFFF  }
0xc1: {  	(tm) =	ssettm $0x7FFFFFFF  }
tec
execute0_lowered:
.L_overlay_start_1:
0x0: {  	(tag) =	ssettag $0x1  }
0x1: {  	s4 =	rddreg [dreg:$0x0]  }
0x2: {  	s0 =	rddreg [dreg:$0x1];
	s2 =	simm.s32 $0x0;
	s3 =	srdreg.scid  }
0x3: {  	s1 =	stileid.u32;
	s10 =	simm.s32 $0x1;
	s11 =	simm.s32 $0x0  }
0x4: {  	[smem:$0x7FF] =	sst s2;
	s5 =	sand.u32 $0x1, s3;
	s6 =	sshll.u32 s1, $0xA  }
0x5: {  	s3 =	sadd.s32 $0x8D200, s4;
	s8 =	sshll.u32 s1, $0x11;
	_ =	strace $0x80000047  }
0x6: {  	s7 =	sshll.u32 s5, $0x9;
	s29 =	ssub.s32 $0x2, s5;
	s8 =	sadd.s32 s8, s4  }
0x7: {  	s30 =	sshll.u32 s5, $0x10;
	s6 =	sor.u32 s7, s6;
	s9 =	sshrl.u32 s29, $0x1  }
0x8: {  	s31 =	sadd.s32 s30, s8;
	s8 =	simm.s32 $0x80;
	s6 =	sadd.s32 s6, s4  }
0x9: {  	s7 =	ssub.s32 s29, s9;
	s9 =	simm.s32 $0x1000;
	s4 =	sadd.s32 $0x9200, s6  }
0xa: {  	s5 =	smax.u32 s7, $0x1;
	s6 =	sadd.s32 $0x10D200, s31;
	s7 =	simm.s32 $0x2  }
.LBB2_1:
0xb: {  	[tilespmem:s2], [sflag:$0x2] =	stream.linear.gather [hbm4b:s4+s2], $0x1000, $0x38;
	[tilespmem:$0x5000] =	vst v63  }
0xc: {  	_ =	swait.ge [sflag:s7], $0x1000  }
0xd: {  	[sflag:s7] =	ssyncset.done $0x0  }
0xe: {  	s12 =	simm.s32 $0x0;
	[sflag:s7] =	ssyncadd.s32 $0xFFFFF000  }
0xf: {  	[tilespmem:s9], [sflag:$0x1] =	stream.indirect.gather [hbm4b:s3+s8], $0x80, s12, s8, $0xb8;
	[tilespmem:$0x5000] =	vst v63  }
0x10: {  	_ =	swait.ge [sflag:s10], $0x4000  }
0x11: {  	[sflag:s10] =	ssyncset.done $0x0  }
0x12: {  	[sflag:s10] =	ssyncadd.s32 $0xFFFFC000  }
0x13: {  	[hbm4b:s6+s2] =	stream.linear.scatter [tilespmem:s9], [sflag:$0x2], $0x4000, $0x38;
	[tilespmem:$0x5000] =	vst v63  }
0x14: {  	s13 =	simm.s32 $0x200;
	_ =	swait.ge [sflag:s7], $0x4000  }
0x15: {  	s14 =	simm.s32 $0x400;
	s12 =	sadd.s32 $0x800, s6;
	[sflag:s7] =	ssyncset.done $0x0  }
.LBB2_2:
0x16: {  	s15 =	sshra.s32 s13, $0x2  }
0x17: {  	[sflag:s7] =	ssyncadd.s32 $0xFFFFC000;
	s13 =	smov.u32 s14;
	s16 =	sadd.s32 $0x200, s14  }
0x18: {  	[tilespmem:s9], [sflag:$0x1] =	stream.indirect.gather [hbm4b:s3+s8], $0x80, s15, s8, $0xb8;
	[tilespmem:$0x5000] =	vst v63  }
0x19: {  	p0 =	sne.s32 s14, $0x3E00;
	_ =	swait.ge [sflag:s10], $0x4000  }
.Ltmp0:
0x1a: {  	[sflag:s10] =	ssyncset.done $0x0;
	(pc) =	sbr.rel @p0 .LBB2_2-.Ltmp0, $4  }
0x1b: {  	[sflag:s10] =	ssyncadd.s32 $0xFFFFC000  }
0x1c: {  	[hbm4b:s12+s2] =	stream.linear.scatter [tilespmem:s9], [sflag:$0x2], $0x4000, $0x38;
	[tilespmem:$0x5000] =	vst v63  }
0x1d: {  	_ =	swait.ge [sflag:s7], $0x4000  }
0x1e: {  	s14 =	smov.u32 s16;
	s12 =	sadd.s32 $0x800, s12;
	[sflag:s7] =	ssyncset.done $0x0  }
0x1f: {  	s13 =	sshra.s32 s13, $0x2;
	[sflag:s7] =	ssyncadd.s32 $0xFFFFC000  }
0x20: {  	[tilespmem:s9], [sflag:$0x1] =	stream.indirect.gather [hbm4b:s3+s8], $0x80, s13, s8, $0xb8;
	[tilespmem:$0x5000] =	vst v63  }
0x21: {  	s11 =	sadd.s32 $0x1, s11;
	_ =	swait.ge [sflag:s10], $0x4000  }
0x22: {  	p0 =	sne.s32 s11, s5;
	[sflag:s10] =	ssyncset.done $0x0  }
.Ltmp1:
0x23: {  	[sflag:s10] =	ssyncadd.s32 $0xFFFFC000;
	(pc) =	sbr.rel @p0 .LBB2_1-.Ltmp1, $4  }
0x24: {  	[hbm4b:s12+s2] =	stream.linear.scatter [tilespmem:s9], [sflag:$0x2], $0x4000, $0x38;
	[tilespmem:$0x5000] =	vst v63  }
0x25: {  	_ =	swait.ge [sflag:s7], $0x4000  }
0x26: {  	[sflag:s7] =	ssyncset.done $0x0  }
0x27: {  	[sflag:s7] =	ssyncadd.s32 $0xFFFFC000  }
0x28: {  	_ =	sfence.sel $0x180000  }
0x29: {  	[bflag:$0x0] =	sbarrier.arrive $0xFFFF  }
0x2a: {  	p0 =	sne.s32 s1, $0x0;
	_ =	strace $0x90000047  }
0x2b: {  	s0 =	sadd.s32 @!p0 $0x100000, s0;
	[bflag:$0x2] =	sbarrier.arrive $0xFFFF  }
0x2c: {  	[sflag:s0] =	ssyncadd.tile.s32 @!p0 $0x1;
	_ =	shalt  }
.Lfunc_end2:
_tile_overlayer_lowered:
.L_overlay_start_2:
0x2d: {  	(tag) =	ssettag $0x2  }
0x2e: {  	s0 =	rddreg [dreg:$0x0];
	s2 =	stileid.u32  }
0x2f: {  	s1 =	rddreg [dreg:$0x1];
	p0 =	sne.s32 s2, $0x0  }
0x30: {  	s3 =	rddreg [dreg:$0x2];
	[bflag:$0x3] =	sbarrier.arrive $0xFFFF;
	s2 =	simm.s32 @!p0 $0x1C02  }
0x31: {  	[timem:s3], [sflag:s2] =	dma.local @!p0 [hbm:s0], s1  }
0x32: {  	s0 =	simm.s32 @!p0 $0x2  }
0x33: {  	_ =	swait.ge @!p0 [sflag:s0], s1  }
0x34: {  	s1 =	ssub.s32 @!p0 $0x0, s1;
	[sflag:s0] =	ssyncset.done @!p0 $0x0  }
0x35: {  	[sflag:s0] =	ssyncadd.s32 @!p0 s1  }
0x36: {  	[bflag:$0x3] =	sbarrier.arrive $0xFFFF  }
0x37: {  	_ =	shalt  }

// kernel: kernel.30.cloned.1.call-start
scs
__scs_entry_jumppad:
0x0: {  	(pc) =	sbr.rel $0x88, $3  }
0x1: {  	(tag) =	ssettag $0x0;
	lr =	simm.s32 $0x1  }
0x2: {  	[smem:$0x3F7C] =	sst lr;
	_ =	strace $0xD0000000  }
0x3: {  	_ = 	snop  }
0x4: {  	_ = 	snop  }
0x5: {  	_ = 	snop  }
0x6: {  	_ = 	snop  }
0x7: {  	_ = 	snop  }
__scs_overlays_trampoline_lowered:
0x8: {  	[smem:$0x3F8B] =	sst s0  }
0x9: {  	[smem:$0x3F8C] =	sst s1  }
0xa: {  	[smem:$0x3F8D] =	sst s2  }
0xb: {  	[smem:$0x3F8E] =	sst s3  }
0xc: {  	[smem:$0x3F8F] =	sst s4  }
0xd: {  	[smem:$0x3F90] =	sst s5  }
0xe: {  	[smem:$0x3F91] =	sst s6  }
0xf: {  	[smem:$0x3F92] =	sst s7  }
0x10: {  	[smem:$0x3F93] =	sst s8  }
0x11: {  	[smem:$0x3F94] =	sst s9;
	s0 =	simm.s32 @!p0 $0x0  }
0x12: {  	s1 =	sld [smem:$0x3F7A];
	s0 =	simm.s32 @p0 $0x1  }
0x13: {  	[smem:$0x3F95] =	sst s0;
	s0 =	simm.s32 @!p1 $0x0  }
0x14: {  	s2 =	sld [smem:$0x3F79];
	s0 =	simm.s32 @p1 $0x1  }
0x15: {  	[smem:$0x3F96] =	sst s0;
	s0 =	simm.s32 @!p2 $0x0  }
0x16: {  	s3 =	sld [smem:$0x3FDB];
	s0 =	simm.s32 @p2 $0x1  }
0x17: {  	s4 =	simm.s32 $0x1BF5;
	[smem:$0x3F98] =	sst s0  }
0x18: {  	s0 =	sld [smem:$0x3F7B];
	_ =	swait.ge [sflag:s4], $0x0  }
0x19: {  	s7 =	sld [smem:$0x3F7C]  }
0x1a: {  	s8 =	sadd.s32 $0xFFFFE003, lr  }
0x1b: {  	s9 =	sadd.s32 $0xFFFFFEF7, lr;
	s5 =	simm.s32 $0xFFFFFFFF;
	p2 =	slt.u32 s8, $0xFFFFF086  }
0x1c: {  	p1 =	slt.u32 s9, $0xF7A;
	s5 =	simm.s32 @!p2 $0x0  }
0x1d: {  	s5 =	simm.s32 @p1 $0x1;
	p0 =	seq.s32 s7, s2  }
0x1e: {  	s7 =	smul.u32 @!p0 $0xF7A, s2;
	p2 =	seq.s32 @!p0 s5, $0x0  }
0x1f: {  	s9 =	smul.u32 $0xF7A, s1;
	s8 =	simm.s32 @!p0 $0x1BF5;
	p2 =	por !p2, p0  }
0x20: {  	[sflag:s8] =	ssyncset.s32 @!p0 $0xFFFFF086;
	s6 =	sadd.s32 @!p0 s3, s7;
	s7 =	simm.s32 @!p0 $0x108  }
0x21: {  	s3 =	sadd.s32 s3, s9;
	s6 =	sadd.s32 @!p0 $0x88, s6;
	s7 =	simm.s32 @p2 $0x1082  }
0x22: {  	[simem:s7], [sflag:s8] =	dma.local @!p0 [hbm:s6], $0xF7A  }
0x23: {  	s9 =	sor.u32 $0xD0000000, s2;
	s6 =	simm.s32 $0x108;
	_ =	swait.ge @!p0 [sflag:s8], $0x0  }
0x24: {  	s3 =	sadd.s32 $0x88, s3;
	s6 =	simm.s32 @!p1 $0x1082;
	[sflag:s4] =	ssyncset.s32 $0xFFFFF086  }
0x25: {  	[simem:s6], [sflag:s4] =	dma.local [hbm:s3], $0xF7A  }
0x26: {  	[smem:$0x3F7C] =	sst s1;
	(tag) =	ssettag s2;
	_ =	strace s9  }
0x27: {  	s1 =	sld [smem:$0x3F8C]  }
0x28: {  	s2 =	sld [smem:$0x3F8D]  }
0x29: {  	s4 =	sld [smem:$0x3F8F]  }
0x2a: {  	p0 =	seq.s32 s5, $0x0;
	s5 =	sld [smem:$0x3F90]  }
0x2b: {  	s6 =	sld [smem:$0x3F91]  }
0x2c: {  	s7 =	sld [smem:$0x3F92]  }
0x2d: {  	s3 =	simm.s32 $0x108;
	s8 =	sld [smem:$0x3F93]  }
0x2e: {  	s3 =	simm.s32 @!p0 $0x1082;
	s9 =	sld [smem:$0x3F94]  }
0x2f: {  	lr =	sadd.s32 s0, s3;
	s0 =	sld [smem:$0x3F8B]  }
0x30: {  	s3 =	sld [smem:$0x3F8E]  }
0x31: {  	[smem:$0x3F97] =	sst s10  }
0x32: {  	s10 =	sld [smem:$0x3F95];
	_ =	sdelay $0x3  }
0x33: {  	p0 =	seq.s32 s10, $0x1;
	s10 =	sld [smem:$0x3F97];
	_ =	sdelay $0x3  }
0x34: {  	[smem:$0x3F97] =	sst s10  }
0x35: {  	s10 =	sld [smem:$0x3F96];
	_ =	sdelay $0x3  }
0x36: {  	p1 =	seq.s32 s10, $0x1;
	s10 =	sld [smem:$0x3F97];
	_ =	sdelay $0x3  }
0x37: {  	[smem:$0x3F97] =	sst s10  }
0x38: {  	s10 =	sld [smem:$0x3F98]  }
0x39: {  	_ = 	snop;
	(pc) =	sbr.ind lr, $3  }
0x3a: {  	_ = 	snop  }
0x3b: {  	_ = 	snop  }
0x3c: {  	p2 =	seq.s32 s10, $0x1;
	s10 =	sld [smem:$0x3F97]  }
0x3d: {  	_ =	shalt  }
0x3e: {  	_ =	shalt  }
0x3f: {  	_ =	shalt  }
0x40: {  	_ =	shalt  }
0x41: {  	_ =	shalt  }
0x42: {  	_ =	shalt  }
0x43: {  	_ =	shalt  }
0x44: {  	_ =	shalt  }
0x45: {  	_ =	shalt  }
0x46: {  	_ =	shalt  }
0x47: {  	_ =	shalt  }
0x48: {  	_ =	shalt  }
0x49: {  	_ =	shalt  }
0x4a: {  	_ =	shalt  }
0x4b: {  	_ =	shalt  }
0x4c: {  	_ =	shalt  }
0x4d: {  	_ =	shalt  }
0x4e: {  	_ =	shalt  }
0x4f: {  	_ =	shalt  }
0x50: {  	_ =	shalt  }
0x51: {  	_ =	shalt  }
0x52: {  	_ =	shalt  }
0x53: {  	_ =	shalt  }
0x54: {  	_ =	shalt  }
0x55: {  	_ =	shalt  }
0x56: {  	_ =	shalt  }
0x57: {  	_ =	shalt  }
0x58: {  	_ =	shalt  }
0x59: {  	_ =	shalt  }
0x5a: {  	_ =	shalt  }
0x5b: {  	_ =	shalt  }
0x5c: {  	_ =	shalt  }
0x5d: {  	_ =	shalt  }
0x5e: {  	_ =	shalt  }
0x5f: {  	_ =	shalt  }
0x60: {  	_ =	shalt  }
0x61: {  	_ =	shalt  }
0x62: {  	_ =	shalt  }
0x63: {  	_ =	shalt  }
0x64: {  	_ =	shalt  }
0x65: {  	_ =	shalt  }
0x66: {  	_ =	shalt  }
0x67: {  	_ =	shalt  }
0x68: {  	_ =	shalt  }
0x69: {  	_ =	shalt  }
0x6a: {  	_ =	shalt  }
0x6b: {  	_ =	shalt  }
0x6c: {  	_ =	shalt  }
0x6d: {  	_ =	shalt  }
0x6e: {  	_ =	shalt  }
0x6f: {  	_ =	shalt  }
0x70: {  	_ =	shalt  }
0x71: {  	_ =	shalt  }
0x72: {  	_ =	shalt  }
0x73: {  	_ =	shalt  }
0x74: {  	_ =	shalt  }
0x75: {  	_ =	shalt  }
0x76: {  	_ =	shalt  }
0x77: {  	_ =	shalt  }
0x78: {  	_ =	shalt  }
0x79: {  	_ =	shalt  }
0x7a: {  	_ =	shalt  }
0x7b: {  	_ =	shalt  }
0x7c: {  	_ =	shalt  }
0x7d: {  	_ =	shalt  }
0x7e: {  	_ =	shalt  }
0x7f: {  	_ =	shalt  }
0x80: {  	_ =	shalt  }
0x81: {  	_ =	shalt  }
0x82: {  	_ =	shalt  }
0x83: {  	_ =	shalt  }
0x84: {  	_ =	shalt  }
0x85: {  	_ =	shalt  }
0x86: {  	_ =	shalt  }
0x87: {  	_ =	shalt  }
.Lfunc_end0:
.L_simem_size_0:
called_computation.1_lowered:
.L_overlay_start_0:
0x88: {  	s2 =	sld [smem:$0x3FD9]  }
0x89: {  	s3 =	sld [smem:$0x3FFE];
	_ =	sdelay $0x1  }
0x8a: {  	s1 =	srdreg.scid  }
0x8b: {  	s0 =	sand.u32 $0x1, s1  }
0x8c: {  	s16 =	sshll.u32 s0, $0xA;
	s2 =	sadd.s32 s3, s2  }
0x8d: {  	s2 =	sadd.s32 s2, s16  }
0x8e: {  	[smem:$0x3FA3] =	sst s2  }
0x8f: {  	_ = 	snop  }
0x90: {  	(tm) =	ssettm $0x1  }
0x91: {  	s17 =	sld [smem:$0x3FFB];
	_ =	sdelay $0x3  }
0x92: {  	_ =	strace s17  }
0x93: {  	s2 =	sld [smem:$0x3FFC];
	_ =	sdelay $0x3  }
0x94: {  	_ =	strace s2  }
0x95: {  	s2 =	sld [smem:$0x3FFD];
	_ =	sdelay $0x3  }
0x96: {  	_ =	strace s2  }
0x97: {  	_ =	strace $0x8FFFFFFF  }
0x98: {  	s18 =	sld [smem:$0x3FDB];
	_ =	sdelay $0x1  }
0x99: {  	s19 =	simm.s32 $_scs_section_size  }
0x9a: {  	s4 =	simm.s32 $_size__tile_overlayer_lowered;
	s5 =	simm.s32 $_tile_overlayer_lowered  }
0x9b: {  	s22 =	simm.s32 $0x1BFF;
	s21 =	sshll.u32 s5, $0x1;
	s2 =	sadd.s32 s19, s18  }
0x9c: {  	s6 =	simm.s32 $0x0;
	s20 =	sshll.u32 s4, $0x1;
	s4 =	sadd.s32 s21, s2  }
0x9d: {  	[timem:s6], [sflag:s22] =	dma.local [hbm:s4], s20  }
0x9e: {  	_ =	swait.ge [sflag:s22], s20  }
0x9f: {  	s3 =	ssub.s32 $0x0, s20;
	[sflag:s22] =	ssyncset.done $0x0  }
0xa0: {  	[sflag:s22] =	ssyncadd.s32 s3;
	_ =	sdelay $0x1  }
0xa1: {  	s23 =	simm.s32 $0x1B8B  }
0xa2: {  	_ =	swait.ge [sflag:s23], $0x1  }
0xa3: {  	[sflag:s23] =	ssyncset.done $0x0  }
0xa4: {  	s25 =	simm.s32 $0x1B8E;
	s24 =	sld [smem:$0x3FFE];
	[sflag:s23] =	ssyncadd.s32 $0xFFFFFFFF  }
0xa5: {  	s26 =	simm.s32 $execute0_lowered;
	[smem:$0x3FD2] =	sst s25  }
0xa6: {  	s4 =	sshll.u32 s26, $0x1;
	_ =	strace $0x80000049;
	[dreg:$0x1] =	wrdreg $0xFFFFFFFF  }
0xa7: {  	s28 =	simm.s32 $_size_execute0_lowered;
	s2 =	sadd.s32 s2, s4;
	[dreg:$0x0] =	wrdreg $0x0  }
0xa8: {  	s4 =	sshll.u32 s28, $0x1;
	[dreg:$0x2] =	wrdreg s2  }
0xa9: {  	[dreg:$0x3] =	wrdreg s4  }
0xaa: {  	[dreg:$0x4] =	wrdreg $0xC0  }
0xab: {  	_ =	task [dreg:s6], $0x5FFFF  }
0xac: {  	[dreg:$0x1] =	wrdreg $0xFFFFFFFF  }
0xad: {  	[dreg:$0x0] =	wrdreg $0x60  }
0xae: {  	[dreg:$0x2] =	wrdreg s24  }
0xaf: {  	[dreg:$0x3] =	wrdreg $0x9  }
0xb0: {  	_ =	task.clear_ibuf [dreg:s6], $0x4FFFF;
	_ =	strace $0x90000049  }
0xb1: {  	s29 =	simm.s32 $0x9;
	_ =	strace $0x8000004B  }
0xb2: {  	_ =	swait.ge [sflag:s29], $0x1  }
0xb3: {  	[sflag:s29] =	ssyncadd.s32 $0xFFFFFFFF  }
0xb4: {  	_ =	strace $0x9000004B  }
0xb5: {  	_ =	sfence  }
0xb6: {  	s30 =	sld [smem:$0x0];
	_ =	sdelay $0x2  }
0xb7: {  	s31 =	sshll.u32 s1, $0xD;
	s1 =	sshrl.u32 s1, $0x2  }
0xb8: {  	s3 =	sand.u32 $0x4000, s31;
	s1 =	sadd.s32 s1, s30  }
0xb9: {  	s0 =	sor.u32 s3, s0;
	s1 =	sshll.u32 s1, $0x11  }
0xba: {  	s0 =	sor.u32 s1, s0  }
0xbb: {  	s0 =	sadd.s32 $0x8F2B, s0  }
0xbc: {  	[sflag:s0] =	ssyncadd.remote.s32 $0x1  }
0xbd: {  	_ =	sfence.sel $0xFFFF  }
0xbe: {  	[dreg:$0x0] =	wrdreg $0xFFFFFFFF;
	(pc) =	sbr.abs _section_cstart, $3  }
0xbf: {  	[dreg:$0x1] =	wrdreg $0xFFFFFFFF  }
0xc0: {  	_ =	task.clear_ibuf [dreg:s6], $0x2FFFF;
	_ =	strace $0x9FFFFFFF  }
0xc1: {  	(tm) =	ssettm $0x7FFFFFFF  }
tec
execute0_lowered:
.L_overlay_start_1:
0x0: {  	(tag) =	ssettag $0x1  }
0x1: {  	s4 =	rddreg [dreg:$0x0]  }
0x2: {  	s0 =	rddreg [dreg:$0x1];
	s2 =	simm.s32 $0x0;
	s3 =	srdreg.scid  }
0x3: {  	s1 =	stileid.u32;
	s10 =	simm.s32 $0x1;
	s11 =	simm.s32 $0x0  }
0x4: {  	[smem:$0x7FF] =	sst s2;
	s5 =	sand.u32 $0x1, s3;
	s6 =	sshll.u32 s1, $0xA  }
0x5: {  	s3 =	sadd.s32 $0x31200, s4;
	s8 =	sshll.u32 s1, $0x11;
	_ =	strace $0x8000004A  }
0x6: {  	s7 =	sshll.u32 s5, $0x9;
	s29 =	ssub.s32 $0x2, s5;
	s8 =	sadd.s32 s8, s4  }
0x7: {  	s30 =	sshll.u32 s5, $0x10;
	s6 =	sor.u32 s7, s6;
	s9 =	sshrl.u32 s29, $0x1  }
0x8: {  	s31 =	sadd.s32 s30, s8;
	s8 =	simm.s32 $0x80;
	s6 =	sadd.s32 s6, s4  }
0x9: {  	s7 =	ssub.s32 s29, s9;
	s9 =	simm.s32 $0x1000;
	s4 =	sadd.s32 $0x2D200, s6  }
0xa: {  	s5 =	smax.u32 s7, $0x1;
	s6 =	sadd.s32 $0x51200, s31;
	s7 =	simm.s32 $0x2  }
.LBB2_1:
0xb: {  	[tilespmem:s2], [sflag:$0x2] =	stream.linear.gather [hbm4b:s4+s2], $0x1000, $0x38;
	[tilespmem:$0x5000] =	vst v63  }
0xc: {  	_ =	swait.ge [sflag:s7], $0x1000  }
0xd: {  	[sflag:s7] =	ssyncset.done $0x0  }
0xe: {  	s12 =	simm.s32 $0x0;
	[sflag:s7] =	ssyncadd.s32 $0xFFFFF000  }
0xf: {  	[tilespmem:s9], [sflag:$0x1] =	stream.indirect.gather [hbm4b:s3+s8], $0x80, s12, s8, $0xb8;
	[tilespmem:$0x5000] =	vst v63  }
0x10: {  	_ =	swait.ge [sflag:s10], $0x4000  }
0x11: {  	[sflag:s10] =	ssyncset.done $0x0  }
0x12: {  	[sflag:s10] =	ssyncadd.s32 $0xFFFFC000  }
0x13: {  	[hbm4b:s6+s2] =	stream.linear.scatter [tilespmem:s9], [sflag:$0x2], $0x4000, $0x38;
	[tilespmem:$0x5000] =	vst v63  }
0x14: {  	s13 =	simm.s32 $0x200;
	_ =	swait.ge [sflag:s7], $0x4000  }
0x15: {  	s14 =	simm.s32 $0x400;
	s12 =	sadd.s32 $0x800, s6;
	[sflag:s7] =	ssyncset.done $0x0  }
.LBB2_2:
0x16: {  	s15 =	sshra.s32 s13, $0x2  }
0x17: {  	[sflag:s7] =	ssyncadd.s32 $0xFFFFC000;
	s13 =	smov.u32 s14;
	s16 =	sadd.s32 $0x200, s14  }
0x18: {  	[tilespmem:s9], [sflag:$0x1] =	stream.indirect.gather [hbm4b:s3+s8], $0x80, s15, s8, $0xb8;
	[tilespmem:$0x5000] =	vst v63  }
0x19: {  	p0 =	sne.s32 s14, $0x3E00;
	_ =	swait.ge [sflag:s10], $0x4000  }
.Ltmp0:
0x1a: {  	[sflag:s10] =	ssyncset.done $0x0;
	(pc) =	sbr.rel @p0 .LBB2_2-.Ltmp0, $4  }
0x1b: {  	[sflag:s10] =	ssyncadd.s32 $0xFFFFC000  }
0x1c: {  	[hbm4b:s12+s2] =	stream.linear.scatter [tilespmem:s9], [sflag:$0x2], $0x4000, $0x38;
	[tilespmem:$0x5000] =	vst v63  }
0x1d: {  	_ =	swait.ge [sflag:s7], $0x4000  }
0x1e: {  	s14 =	smov.u32 s16;
	s12 =	sadd.s32 $0x800, s12;
	[sflag:s7] =	ssyncset.done $0x0  }
0x1f: {  	s13 =	sshra.s32 s13, $0x2;
	[sflag:s7] =	ssyncadd.s32 $0xFFFFC000  }
0x20: {  	[tilespmem:s9], [sflag:$0x1] =	stream.indirect.gather [hbm4b:s3+s8], $0x80, s13, s8, $0xb8;
	[tilespmem:$0x5000] =	vst v63  }
0x21: {  	s11 =	sadd.s32 $0x1, s11;
	_ =	swait.ge [sflag:s10], $0x4000  }
0x22: {  	p0 =	sne.s32 s11, s5;
	[sflag:s10] =	ssyncset.done $0x0  }
.Ltmp1:
0x23: {  	[sflag:s10] =	ssyncadd.s32 $0xFFFFC000;
	(pc) =	sbr.rel @p0 .LBB2_1-.Ltmp1, $4  }
0x24: {  	[hbm4b:s12+s2] =	stream.linear.scatter [tilespmem:s9], [sflag:$0x2], $0x4000, $0x38;
	[tilespmem:$0x5000] =	vst v63  }
0x25: {  	_ =	swait.ge [sflag:s7], $0x4000  }
0x26: {  	[sflag:s7] =	ssyncset.done $0x0  }
0x27: {  	[sflag:s7] =	ssyncadd.s32 $0xFFFFC000  }
0x28: {  	_ =	sfence.sel $0x180000  }
0x29: {  	[bflag:$0x0] =	sbarrier.arrive $0xFFFF  }
0x2a: {  	p0 =	sne.s32 s1, $0x0;
	_ =	strace $0x9000004A  }
0x2b: {  	s0 =	sadd.s32 @!p0 $0x100000, s0;
	[bflag:$0x2] =	sbarrier.arrive $0xFFFF  }
0x2c: {  	[sflag:s0] =	ssyncadd.tile.s32 @!p0 $0x1;
	_ =	shalt  }
.Lfunc_end2:
_tile_overlayer_lowered:
.L_overlay_start_2:
0x2d: {  	(tag) =	ssettag $0x2  }
0x2e: {  	s0 =	rddreg [dreg:$0x0];
	s2 =	stileid.u32  }
0x2f: {  	s1 =	rddreg [dreg:$0x1];
	p0 =	sne.s32 s2, $0x0  }
0x30: {  	s3 =	rddreg [dreg:$0x2];
	[bflag:$0x3] =	sbarrier.arrive $0xFFFF;
	s2 =	simm.s32 @!p0 $0x1C02  }
0x31: {  	[timem:s3], [sflag:s2] =	dma.local @!p0 [hbm:s0], s1  }
0x32: {  	s0 =	simm.s32 @!p0 $0x2  }
0x33: {  	_ =	swait.ge @!p0 [sflag:s0], s1  }
0x34: {  	s1 =	ssub.s32 @!p0 $0x0, s1;
	[sflag:s0] =	ssyncset.done @!p0 $0x0  }
0x35: {  	[sflag:s0] =	ssyncadd.s32 @!p0 s1  }
0x36: {  	[bflag:$0x3] =	sbarrier.arrive $0xFFFF  }
0x37: {  	_ =	shalt  }

// kernel: kernel.33.cloned.1.call-start
scs
__scs_entry_jumppad:
0x0: {  	(pc) =	sbr.rel $0x88, $3  }
0x1: {  	(tag) =	ssettag $0x0;
	lr =	simm.s32 $0x1  }
0x2: {  	[smem:$0x3F7C] =	sst lr;
	_ =	strace $0xD0000000  }
0x3: {  	_ = 	snop  }
0x4: {  	_ = 	snop  }
0x5: {  	_ = 	snop  }
0x6: {  	_ = 	snop  }
0x7: {  	_ = 	snop  }
__scs_overlays_trampoline_lowered:
0x8: {  	[smem:$0x3F8B] =	sst s0  }
0x9: {  	[smem:$0x3F8C] =	sst s1  }
0xa: {  	[smem:$0x3F8D] =	sst s2  }
0xb: {  	[smem:$0x3F8E] =	sst s3  }
0xc: {  	[smem:$0x3F8F] =	sst s4  }
0xd: {  	[smem:$0x3F90] =	sst s5  }
0xe: {  	[smem:$0x3F91] =	sst s6  }
0xf: {  	[smem:$0x3F92] =	sst s7  }
0x10: {  	[smem:$0x3F93] =	sst s8  }
0x11: {  	[smem:$0x3F94] =	sst s9;
	s0 =	simm.s32 @!p0 $0x0  }
0x12: {  	s1 =	sld [smem:$0x3F7A];
	s0 =	simm.s32 @p0 $0x1  }
0x13: {  	[smem:$0x3F95] =	sst s0;
	s0 =	simm.s32 @!p1 $0x0  }
0x14: {  	s2 =	sld [smem:$0x3F79];
	s0 =	simm.s32 @p1 $0x1  }
0x15: {  	[smem:$0x3F96] =	sst s0;
	s0 =	simm.s32 @!p2 $0x0  }
0x16: {  	s3 =	sld [smem:$0x3FDB];
	s0 =	simm.s32 @p2 $0x1  }
0x17: {  	s4 =	simm.s32 $0x1BF5;
	[smem:$0x3F98] =	sst s0  }
0x18: {  	s0 =	sld [smem:$0x3F7B];
	_ =	swait.ge [sflag:s4], $0x0  }
0x19: {  	s7 =	sld [smem:$0x3F7C]  }
0x1a: {  	s8 =	sadd.s32 $0xFFFFE003, lr  }
0x1b: {  	s9 =	sadd.s32 $0xFFFFFEF7, lr;
	s5 =	simm.s32 $0xFFFFFFFF;
	p2 =	slt.u32 s8, $0xFFFFF086  }
0x1c: {  	p1 =	slt.u32 s9, $0xF7A;
	s5 =	simm.s32 @!p2 $0x0  }
0x1d: {  	s5 =	simm.s32 @p1 $0x1;
	p0 =	seq.s32 s7, s2  }
0x1e: {  	s7 =	smul.u32 @!p0 $0xF7A, s2;
	p2 =	seq.s32 @!p0 s5, $0x0  }
0x1f: {  	s9 =	smul.u32 $0xF7A, s1;
	s8 =	simm.s32 @!p0 $0x1BF5;
	p2 =	por !p2, p0  }
0x20: {  	[sflag:s8] =	ssyncset.s32 @!p0 $0xFFFFF086;
	s6 =	sadd.s32 @!p0 s3, s7;
	s7 =	simm.s32 @!p0 $0x108  }
0x21: {  	s3 =	sadd.s32 s3, s9;
	s6 =	sadd.s32 @!p0 $0x88, s6;
	s7 =	simm.s32 @p2 $0x1082  }
0x22: {  	[simem:s7], [sflag:s8] =	dma.local @!p0 [hbm:s6], $0xF7A  }
0x23: {  	s9 =	sor.u32 $0xD0000000, s2;
	s6 =	simm.s32 $0x108;
	_ =	swait.ge @!p0 [sflag:s8], $0x0  }
0x24: {  	s3 =	sadd.s32 $0x88, s3;
	s6 =	simm.s32 @!p1 $0x1082;
	[sflag:s4] =	ssyncset.s32 $0xFFFFF086  }
0x25: {  	[simem:s6], [sflag:s4] =	dma.local [hbm:s3], $0xF7A  }
0x26: {  	[smem:$0x3F7C] =	sst s1;
	(tag) =	ssettag s2;
	_ =	strace s9  }
0x27: {  	s1 =	sld [smem:$0x3F8C]  }
0x28: {  	s2 =	sld [smem:$0x3F8D]  }
0x29: {  	s4 =	sld [smem:$0x3F8F]  }
0x2a: {  	p0 =	seq.s32 s5, $0x0;
	s5 =	sld [smem:$0x3F90]  }
0x2b: {  	s6 =	sld [smem:$0x3F91]  }
0x2c: {  	s7 =	sld [smem:$0x3F92]  }
0x2d: {  	s3 =	simm.s32 $0x108;
	s8 =	sld [smem:$0x3F93]  }
0x2e: {  	s3 =	simm.s32 @!p0 $0x1082;
	s9 =	sld [smem:$0x3F94]  }
0x2f: {  	lr =	sadd.s32 s0, s3;
	s0 =	sld [smem:$0x3F8B]  }
0x30: {  	s3 =	sld [smem:$0x3F8E]  }
0x31: {  	[smem:$0x3F97] =	sst s10  }
0x32: {  	s10 =	sld [smem:$0x3F95];
	_ =	sdelay $0x3  }
0x33: {  	p0 =	seq.s32 s10, $0x1;
	s10 =	sld [smem:$0x3F97];
	_ =	sdelay $0x3  }
0x34: {  	[smem:$0x3F97] =	sst s10  }
0x35: {  	s10 =	sld [smem:$0x3F96];
	_ =	sdelay $0x3  }
0x36: {  	p1 =	seq.s32 s10, $0x1;
	s10 =	sld [smem:$0x3F97];
	_ =	sdelay $0x3  }
0x37: {  	[smem:$0x3F97] =	sst s10  }
0x38: {  	s10 =	sld [smem:$0x3F98]  }
0x39: {  	_ = 	snop;
	(pc) =	sbr.ind lr, $3  }
0x3a: {  	_ = 	snop  }
0x3b: {  	_ = 	snop  }
0x3c: {  	p2 =	seq.s32 s10, $0x1;
	s10 =	sld [smem:$0x3F97]  }
0x3d: {  	_ =	shalt  }
0x3e: {  	_ =	shalt  }
0x3f: {  	_ =	shalt  }
0x40: {  	_ =	shalt  }
0x41: {  	_ =	shalt  }
0x42: {  	_ =	shalt  }
0x43: {  	_ =	shalt  }
0x44: {  	_ =	shalt  }
0x45: {  	_ =	shalt  }
0x46: {  	_ =	shalt  }
0x47: {  	_ =	shalt  }
0x48: {  	_ =	shalt  }
0x49: {  	_ =	shalt  }
0x4a: {  	_ =	shalt  }
0x4b: {  	_ =	shalt  }
0x4c: {  	_ =	shalt  }
0x4d: {  	_ =	shalt  }
0x4e: {  	_ =	shalt  }
0x4f: {  	_ =	shalt  }
0x50: {  	_ =	shalt  }
0x51: {  	_ =	shalt  }
0x52: {  	_ =	shalt  }
0x53: {  	_ =	shalt  }
0x54: {  	_ =	shalt  }
0x55: {  	_ =	shalt  }
0x56: {  	_ =	shalt  }
0x57: {  	_ =	shalt  }
0x58: {  	_ =	shalt  }
0x59: {  	_ =	shalt  }
0x5a: {  	_ =	shalt  }
0x5b: {  	_ =	shalt  }
0x5c: {  	_ =	shalt  }
0x5d: {  	_ =	shalt  }
0x5e: {  	_ =	shalt  }
0x5f: {  	_ =	shalt  }
0x60: {  	_ =	shalt  }
0x61: {  	_ =	shalt  }
0x62: {  	_ =	shalt  }
0x63: {  	_ =	shalt  }
0x64: {  	_ =	shalt  }
0x65: {  	_ =	shalt  }
0x66: {  	_ =	shalt  }
0x67: {  	_ =	shalt  }
0x68: {  	_ =	shalt  }
0x69: {  	_ =	shalt  }
0x6a: {  	_ =	shalt  }
0x6b: {  	_ =	shalt  }
0x6c: {  	_ =	shalt  }
0x6d: {  	_ =	shalt  }
0x6e: {  	_ =	shalt  }
0x6f: {  	_ =	shalt  }
0x70: {  	_ =	shalt  }
0x71: {  	_ =	shalt  }
0x72: {  	_ =	shalt  }
0x73: {  	_ =	shalt  }
0x74: {  	_ =	shalt  }
0x75: {  	_ =	shalt  }
0x76: {  	_ =	shalt  }
0x77: {  	_ =	shalt  }
0x78: {  	_ =	shalt  }
0x79: {  	_ =	shalt  }
0x7a: {  	_ =	shalt  }
0x7b: {  	_ =	shalt  }
0x7c: {  	_ =	shalt  }
0x7d: {  	_ =	shalt  }
0x7e: {  	_ =	shalt  }
0x7f: {  	_ =	shalt  }
0x80: {  	_ =	shalt  }
0x81: {  	_ =	shalt  }
0x82: {  	_ =	shalt  }
0x83: {  	_ =	shalt  }
0x84: {  	_ =	shalt  }
0x85: {  	_ =	shalt  }
0x86: {  	_ =	shalt  }
0x87: {  	_ =	shalt  }
.Lfunc_end0:
.L_simem_size_0:
called_computation.2_lowered:
.L_overlay_start_0:
0x88: {  	s2 =	sld [smem:$0x3FD9]  }
0x89: {  	s3 =	sld [smem:$0x3FFE];
	_ =	sdelay $0x1  }
0x8a: {  	s1 =	srdreg.scid  }
0x8b: {  	s0 =	sand.u32 $0x1, s1  }
0x8c: {  	s16 =	sshll.u32 s0, $0xA;
	s2 =	sadd.s32 s3, s2  }
0x8d: {  	s2 =	sadd.s32 s2, s16  }
0x8e: {  	[smem:$0x3FA3] =	sst s2  }
0x8f: {  	_ = 	snop  }
0x90: {  	(tm) =	ssettm $0x1  }
0x91: {  	s17 =	sld [smem:$0x3FFB];
	_ =	sdelay $0x3  }
0x92: {  	_ =	strace s17  }
0x93: {  	s2 =	sld [smem:$0x3FFC];
	_ =	sdelay $0x3  }
0x94: {  	_ =	strace s2  }
0x95: {  	s2 =	sld [smem:$0x3FFD];
	_ =	sdelay $0x3  }
0x96: {  	_ =	strace s2  }
0x97: {  	_ =	strace $0x8FFFFFFF  }
0x98: {  	s18 =	sld [smem:$0x3FDB];
	_ =	sdelay $0x1  }
0x99: {  	s19 =	simm.s32 $_scs_section_size  }
0x9a: {  	s4 =	simm.s32 $_size__tile_overlayer_lowered;
	s5 =	simm.s32 $_tile_overlayer_lowered  }
0x9b: {  	s22 =	simm.s32 $0x1BFF;
	s21 =	sshll.u32 s5, $0x1;
	s2 =	sadd.s32 s19, s18  }
0x9c: {  	s6 =	simm.s32 $0x0;
	s20 =	sshll.u32 s4, $0x1;
	s4 =	sadd.s32 s21, s2  }
0x9d: {  	[timem:s6], [sflag:s22] =	dma.local [hbm:s4], s20  }
0x9e: {  	_ =	swait.ge [sflag:s22], s20  }
0x9f: {  	s3 =	ssub.s32 $0x0, s20;
	[sflag:s22] =	ssyncset.done $0x0  }
0xa0: {  	[sflag:s22] =	ssyncadd.s32 s3;
	_ =	sdelay $0x1  }
0xa1: {  	s23 =	simm.s32 $0x1B8B  }
0xa2: {  	_ =	swait.ge [sflag:s23], $0x1  }
0xa3: {  	[sflag:s23] =	ssyncset.done $0x0  }
0xa4: {  	s25 =	simm.s32 $0x1B8E;
	s24 =	sld [smem:$0x3FFE];
	[sflag:s23] =	ssyncadd.s32 $0xFFFFFFFF  }
0xa5: {  	s26 =	simm.s32 $execute0_lowered;
	[smem:$0x3FD2] =	sst s25  }
0xa6: {  	s4 =	sshll.u32 s26, $0x1;
	_ =	strace $0x8000004C;
	[dreg:$0x1] =	wrdreg $0xFFFFFFFF  }
0xa7: {  	s28 =	simm.s32 $_size_execute0_lowered;
	s2 =	sadd.s32 s2, s4;
	[dreg:$0x0] =	wrdreg $0x0  }
0xa8: {  	s4 =	sshll.u32 s28, $0x1;
	[dreg:$0x2] =	wrdreg s2  }
0xa9: {  	[dreg:$0x3] =	wrdreg s4  }
0xaa: {  	[dreg:$0x4] =	wrdreg $0xC0  }
0xab: {  	_ =	task [dreg:s6], $0x5FFFF  }
0xac: {  	[dreg:$0x1] =	wrdreg $0xFFFFFFFF  }
0xad: {  	[dreg:$0x0] =	wrdreg $0x60  }
0xae: {  	[dreg:$0x2] =	wrdreg s24  }
0xaf: {  	[dreg:$0x3] =	wrdreg $0x9  }
0xb0: {  	_ =	task.clear_ibuf [dreg:s6], $0x4FFFF;
	_ =	strace $0x9000004C  }
0xb1: {  	s29 =	simm.s32 $0x9;
	_ =	strace $0x8000004E  }
0xb2: {  	_ =	swait.ge [sflag:s29], $0x1  }
0xb3: {  	[sflag:s29] =	ssyncadd.s32 $0xFFFFFFFF  }
0xb4: {  	_ =	strace $0x9000004E  }
0xb5: {  	_ =	sfence  }
0xb6: {  	s30 =	sld [smem:$0x0];
	_ =	sdelay $0x2  }
0xb7: {  	s31 =	sshll.u32 s1, $0xD;
	s1 =	sshrl.u32 s1, $0x2  }
0xb8: {  	s3 =	sand.u32 $0x4000, s31;
	s1 =	sadd.s32 s1, s30  }
0xb9: {  	s0 =	sor.u32 s3, s0;
	s1 =	sshll.u32 s1, $0x11  }
0xba: {  	s0 =	sor.u32 s1, s0  }
0xbb: {  	s0 =	sadd.s32 $0x8F2B, s0  }
0xbc: {  	[sflag:s0] =	ssyncadd.remote.s32 $0x1  }
0xbd: {  	_ =	sfence.sel $0xFFFF  }
0xbe: {  	[dreg:$0x0] =	wrdreg $0xFFFFFFFF;
	(pc) =	sbr.abs _section_cstart, $3  }
0xbf: {  	[dreg:$0x1] =	wrdreg $0xFFFFFFFF  }
0xc0: {  	_ =	task.clear_ibuf [dreg:s6], $0x2FFFF;
	_ =	strace $0x9FFFFFFF  }
0xc1: {  	(tm) =	ssettm $0x7FFFFFFF  }
tec
execute0_lowered:
.L_overlay_start_1:
0x0: {  	(tag) =	ssettag $0x1  }
0x1: {  	s4 =	rddreg [dreg:$0x0]  }
0x2: {  	s0 =	rddreg [dreg:$0x1];
	s3 =	srdreg.scid  }
0x3: {  	s2 =	simm.s32 $0x0;
	s1 =	stileid.u32;
	s9 =	simm.s32 $0x1000  }
0x4: {  	s10 =	simm.s32 $0x1800;
	s11 =	simm.s32 $0x2000;
	s12 =	simm.s32 $0x2800  }
0x5: {  	s13 =	simm.s32 $0x3000;
	s14 =	simm.s32 $0x3800;
	s15 =	simm.s32 $0x4000  }
0x6: {  	s16 =	simm.s32 $0x4800;
	s17 =	simm.s32 $0x5000;
	s18 =	simm.s32 $0x5800  }
0x7: {  	s19 =	simm.s32 $0x6000;
	s20 =	simm.s32 $0x6800;
	s21 =	simm.s32 $0x7000  }
0x8: {  	s22 =	simm.s32 $0x7800;
	s23 =	simm.s32 $0x8000;
	s24 =	simm.s32 $0x1  }
0x9: {  	s25 =	simm.s32 $0x0;
	s5 =	sand.u32 $0x1, s3;
	[smem:$0x7FF] =	sst s2  }
0xa: {  	s6 =	sshll.u32 s1, $0x9;
	s3 =	sadd.s32 $0xF200, s4;
	s29 =	sshll.u32 s1, $0x11  }
0xb: {  	s7 =	sshll.u32 s5, $0x8;
	_ =	strace $0x8000004D;
	s8 =	ssub.s32 $0x2, s5  }
0xc: {  	s5 =	sshll.u32 s5, $0x10;
	s6 =	sor.u32 s7, s6;
	s30 =	sshrl.u32 s8, $0x1  }
0xd: {  	v2 =	vlaneseq.u32;
	s7 =	sadd.s32 s29, s4;
	s6 =	sadd.s32 s6, s4;
	s8 =	ssub.s32 s8, s30  }
0xe: {  	vm0 =	vmmov $0xffff;
	v1 =	vshrl.u32 v2, $0x3;
	s31 =	sadd.s32 s5, s7;
	s7 =	simm.s32 $0x2;
	s4 =	sadd.s32 $0xD200, s6  }
0xf: {  	v0 =	vand.u32 $0x7, v2;
	v2 =	vor.u32 $0x8, v2;
	v1 =	vmul.u32 $0x8, v1;
	s5 =	smax.u32 s8, $0x1;
	s6 =	sadd.s32 $0x2F200, s31;
	s8 =	simm.s32 $0x800  }
.LBB2_1:
0x10: {  	[tilespmem:s2], [sflag:$0x2] =	stream.linear.gather [hbm4b:s4+s2], $0x800, $0x38;
	[tilespmem:$0x8800] =	vst v63  }
0x11: {  	_ =	swait.ge [sflag:s7], $0x800  }
0x12: {  	[sflag:s7] =	ssyncset.done $0x0  }
0x13: {  	s26 =	simm.s32 $0x40;
	s28 =	simm.s32 $0x0;
	[sflag:s7] =	ssyncadd.s32 $0xFFFFF800  }
.LBB2_2:
0x14: {  	v3 =	vld [tilespmem:s26+$0xFFFFFFC0];
	_ =	sdelay $0x4  }
0x15: {  	v4 =	vshll.u32 v3, $0x1  }
0x16: {  	v3 =	vand.u32 $0x7, v3;
	v4 =	vand.u32 $0xFFFFFFF0, v4  }
0x17: {  	v3 =	vor.u32 v3, v4  }
0x18: {  	v4 =	vperm.xlane v3, v0;
	_ =	sdelay $0x1  }
0x19: {  	v3 =	vperm.xlane v3, v2;
	v4 =	vadd.s32 v1, v4;
	_ =	sdelay $0x1  }
0x1a: {  	v3 =	vadd.s32 v1, v3;
	_ =	sdelay $0x2  }
0x1b: {  	[tilespmem:s8], [sflag:$0x1] =	stream.indirect_vreg.gather [hbm4b:s3+s2], $0x80, v4, vm0, $0xb8;
	[tilespmem:$0x8800] =	vst v63  }
0x1c: {  	_ = 	snop  }
0x1d: {  	[tilespmem:s9], [sflag:$0x1] =	stream.indirect_vreg.gather [hbm4b:s3+s2], $0x80, v3, vm0, $0xb8;
	[tilespmem:$0x8800] =	vst v63  }
0x1e: {  	v3 =	vld [tilespmem:s26+$0xFFFFFFD0];
	_ =	sdelay $0x4  }
0x1f: {  	v57 =	vshll.u32 v3, $0x1  }
0x20: {  	v3 =	vand.u32 $0x7, v3;
	v4 =	vand.u32 $0xFFFFFFF0, v57  }
0x21: {  	v3 =	vor.u32 v3, v4  }
0x22: {  	v4 =	vperm.xlane v3, v0;
	_ =	sdelay $0x1  }
0x23: {  	v3 =	vperm.xlane v3, v2;
	v4 =	vadd.s32 v1, v4;
	_ =	sdelay $0x1  }
0x24: {  	v3 =	vadd.s32 v1, v3;
	_ =	sdelay $0x2  }
0x25: {  	[tilespmem:s10], [sflag:$0x1] =	stream.indirect_vreg.gather [hbm4b:s3+s2], $0x80, v4, vm0, $0xb8;
	[tilespmem:$0x8800] =	vst v63  }
0x26: {  	_ = 	snop  }
0x27: {  	[tilespmem:s11], [sflag:$0x1] =	stream.indirect_vreg.gather [hbm4b:s3+s2], $0x80, v3, vm0, $0xb8;
	[tilespmem:$0x8800] =	vst v63  }
0x28: {  	v3 =	vld [tilespmem:s26+$0xFFFFFFE0];
	_ =	sdelay $0x4  }
0x29: {  	v58 =	vshll.u32 v3, $0x1  }
0x2a: {  	v3 =	vand.u32 $0x7, v3;
	v4 =	vand.u32 $0xFFFFFFF0, v58  }
0x2b: {  	v3 =	vor.u32 v3, v4  }
0x2c: {  	v4 =	vperm.xlane v3, v0;
	_ =	sdelay $0x1  }
0x2d: {  	v3 =	vperm.xlane v3, v2;
	v4 =	vadd.s32 v1, v4;
	_ =	sdelay $0x1  }
0x2e: {  	v3 =	vadd.s32 v1, v3;
	_ =	sdelay $0x2  }
0x2f: {  	[tilespmem:s12], [sflag:$0x1] =	stream.indirect_vreg.gather [hbm4b:s3+s2], $0x80, v4, vm0, $0xb8;
	[tilespmem:$0x8800] =	vst v63  }
0x30: {  	_ = 	snop  }
0x31: {  	[tilespmem:s13], [sflag:$0x1] =	stream.indirect_vreg.gather [hbm4b:s3+s2], $0x80, v3, vm0, $0xb8;
	[tilespmem:$0x8800] =	vst v63  }
0x32: {  	v3 =	vld [tilespmem:s26+$0xFFFFFFF0];
	_ =	sdelay $0x4  }
0x33: {  	v59 =	vshll.u32 v3, $0x1  }
0x34: {  	v3 =	vand.u32 $0x7, v3;
	v4 =	vand.u32 $0xFFFFFFF0, v59  }
0x35: {  	v3 =	vor.u32 v3, v4  }
0x36: {  	v4 =	vperm.xlane v3, v0;
	_ =	sdelay $0x1  }
0x37: {  	v3 =	vperm.xlane v3, v2;
	v4 =	vadd.s32 v1, v4;
	_ =	sdelay $0x1  }
0x38: {  	v3 =	vadd.s32 v1, v3;
	_ =	sdelay $0x2  }
0x39: {  	[tilespmem:s14], [sflag:$0x1] =	stream.indirect_vreg.gather [hbm4b:s3+s2], $0x80, v4, vm0, $0xb8;
	[tilespmem:$0x8800] =	vst v63  }
0x3a: {  	_ = 	snop  }
0x3b: {  	[tilespmem:s15], [sflag:$0x1] =	stream.indirect_vreg.gather [hbm4b:s3+s2], $0x80, v3, vm0, $0xb8;
	[tilespmem:$0x8800] =	vst v63  }
0x3c: {  	v3 =	vld [tilespmem:s26+$0x0];
	_ =	sdelay $0x4  }
0x3d: {  	v60 =	vshll.u32 v3, $0x1  }
0x3e: {  	v3 =	vand.u32 $0x7, v3;
	v4 =	vand.u32 $0xFFFFFFF0, v60  }
0x3f: {  	v3 =	vor.u32 v3, v4  }
0x40: {  	v4 =	vperm.xlane v3, v0;
	_ =	sdelay $0x1  }
0x41: {  	v3 =	vperm.xlane v3, v2;
	v4 =	vadd.s32 v1, v4;
	_ =	sdelay $0x1  }
0x42: {  	v3 =	vadd.s32 v1, v3;
	_ =	sdelay $0x2  }
0x43: {  	[tilespmem:s16], [sflag:$0x1] =	stream.indirect_vreg.gather [hbm4b:s3+s2], $0x80, v4, vm0, $0xb8;
	[tilespmem:$0x8800] =	vst v63  }
0x44: {  	_ = 	snop  }
0x45: {  	[tilespmem:s17], [sflag:$0x1] =	stream.indirect_vreg.gather [hbm4b:s3+s2], $0x80, v3, vm0, $0xb8;
	[tilespmem:$0x8800] =	vst v63  }
0x46: {  	v3 =	vld [tilespmem:s26+$0x10];
	_ =	sdelay $0x4  }
0x47: {  	v61 =	vshll.u32 v3, $0x1  }
0x48: {  	v3 =	vand.u32 $0x7, v3;
	v4 =	vand.u32 $0xFFFFFFF0, v61  }
0x49: {  	v3 =	vor.u32 v3, v4  }
0x4a: {  	v4 =	vperm.xlane v3, v0;
	_ =	sdelay $0x1  }
0x4b: {  	v3 =	vperm.xlane v3, v2;
	v4 =	vadd.s32 v1, v4;
	_ =	sdelay $0x1  }
0x4c: {  	v3 =	vadd.s32 v1, v3;
	_ =	sdelay $0x2  }
0x4d: {  	[tilespmem:s18], [sflag:$0x1] =	stream.indirect_vreg.gather [hbm4b:s3+s2], $0x80, v4, vm0, $0xb8;
	[tilespmem:$0x8800] =	vst v63  }
0x4e: {  	_ = 	snop  }
0x4f: {  	[tilespmem:s19], [sflag:$0x1] =	stream.indirect_vreg.gather [hbm4b:s3+s2], $0x80, v3, vm0, $0xb8;
	[tilespmem:$0x8800] =	vst v63  }
0x50: {  	v3 =	vld [tilespmem:s26+$0x20];
	_ =	sdelay $0x4  }
0x51: {  	v62 =	vshll.u32 v3, $0x1  }
0x52: {  	v3 =	vand.u32 $0x7, v3;
	v4 =	vand.u32 $0xFFFFFFF0, v62  }
0x53: {  	v3 =	vor.u32 v3, v4  }
0x54: {  	v4 =	vperm.xlane v3, v0;
	_ =	sdelay $0x1  }
0x55: {  	v3 =	vperm.xlane v3, v2;
	v4 =	vadd.s32 v1, v4;
	_ =	sdelay $0x1  }
0x56: {  	v3 =	vadd.s32 v1, v3;
	_ =	sdelay $0x2  }
0x57: {  	[tilespmem:s20], [sflag:$0x1] =	stream.indirect_vreg.gather [hbm4b:s3+s2], $0x80, v4, vm0, $0xb8;
	[tilespmem:$0x8800] =	vst v63  }
0x58: {  	_ = 	snop  }
0x59: {  	[tilespmem:s21], [sflag:$0x1] =	stream.indirect_vreg.gather [hbm4b:s3+s2], $0x80, v3, vm0, $0xb8;
	[tilespmem:$0x8800] =	vst v63  }
0x5a: {  	v3 =	vld [tilespmem:s26+$0x30];
	_ =	sdelay $0x4  }
0x5b: {  	v63 =	vshll.u32 v3, $0x1  }
0x5c: {  	v3 =	vand.u32 $0x7, v3;
	v4 =	vand.u32 $0xFFFFFFF0, v63  }
0x5d: {  	v3 =	vor.u32 v3, v4  }
0x5e: {  	v4 =	vperm.xlane v3, v0;
	_ =	sdelay $0x1  }
0x5f: {  	v3 =	vperm.xlane v3, v2;
	v4 =	vadd.s32 v1, v4;
	_ =	sdelay $0x1  }
0x60: {  	v3 =	vadd.s32 v1, v3;
	_ =	sdelay $0x2  }
0x61: {  	[tilespmem:s22], [sflag:$0x1] =	stream.indirect_vreg.gather [hbm4b:s3+s2], $0x80, v4, vm0, $0xb8;
	[tilespmem:$0x8800] =	vst v63  }
0x62: {  	_ = 	snop  }
0x63: {  	[tilespmem:s23], [sflag:$0x1] =	stream.indirect_vreg.gather [hbm4b:s3+s2], $0x80, v3, vm0, $0xb8;
	[tilespmem:$0x8800] =	vst v63  }
0x64: {  	_ =	swait.ge [sflag:s24], $0x8000  }
0x65: {  	p0 =	sne.s32 s28, $0xF000;
	[sflag:s24] =	ssyncset.done $0x0  }
.Ltmp0:
0x66: {  	s29 =	sadd.s32 s28, s6;
	[sflag:s24] =	ssyncadd.s32 $0xFFFF8000;
	(pc) =	sbr.rel @p0 .LBB2_2-.Ltmp0, $4  }
0x67: {  	[hbm4b:s29+s2] =	stream.linear.scatter [tilespmem:s8], [sflag:$0x2], $0x8000, $0x38;
	[tilespmem:$0x8800] =	vst v63  }
0x68: {  	_ =	swait.ge [sflag:s7], $0x8000  }
0x69: {  	[sflag:s7] =	ssyncset.done $0x0  }
0x6a: {  	s28 =	sadd.s32 $0x1000, s28;
	s26 =	sadd.s32 $0x80, s26;
	[sflag:s7] =	ssyncadd.s32 $0xFFFF8000  }
0x6b: {  	s25 =	sadd.s32 $0x1, s25  }
0x6c: {  	p0 =	sne.s32 s25, s5  }
.Ltmp1:
0x6d: {  	_ = 	snop;
	(pc) =	sbr.rel @p0 .LBB2_1-.Ltmp1, $1  }
0x6e: {  	_ =	sdelay $0x3  }
0x6f: {  	_ =	sfence.sel $0x180000  }
0x70: {  	[bflag:$0x0] =	sbarrier.arrive $0xFFFF  }
0x71: {  	p0 =	sne.s32 s1, $0x0;
	_ =	strace $0x9000004D  }
0x72: {  	s0 =	sadd.s32 @!p0 $0x100000, s0;
	[bflag:$0x2] =	sbarrier.arrive $0xFFFF  }
0x73: {  	[sflag:s0] =	ssyncadd.tile.s32 @!p0 $0x1;
	_ =	shalt  }
.Lfunc_end2:
_tile_overlayer_lowered:
.L_overlay_start_2:
0x74: {  	(tag) =	ssettag $0x2  }
0x75: {  	s0 =	rddreg [dreg:$0x0];
	s2 =	stileid.u32  }
0x76: {  	s1 =	rddreg [dreg:$0x1];
	p0 =	sne.s32 s2, $0x0  }
0x77: {  	s3 =	rddreg [dreg:$0x2];
	[bflag:$0x3] =	sbarrier.arrive $0xFFFF;
	s2 =	simm.s32 @!p0 $0x1C02  }
0x78: {  	[timem:s3], [sflag:s2] =	dma.local @!p0 [hbm:s0], s1  }
0x79: {  	s0 =	simm.s32 @!p0 $0x2  }
0x7a: {  	_ =	swait.ge @!p0 [sflag:s0], s1  }
0x7b: {  	s1 =	ssub.s32 @!p0 $0x0, s1;
	[sflag:s0] =	ssyncset.done @!p0 $0x0  }
0x7c: {  	[sflag:s0] =	ssyncadd.s32 @!p0 s1  }
0x7d: {  	[bflag:$0x3] =	sbarrier.arrive $0xFFFF  }
0x7e: {  	_ =	shalt  }

</sc_bundles>
